<compile_context>
chip_gen: v7x
topology: tpu7x:2x2x1
jax: 0.10.2.dev20260603
libtpu: 0.0.44.dev20260713+nightly
codegen_flags: <defaults>
</compile_context>

<pallas_src>
import functools

import jax
import jax.numpy as jnp
from jax import lax
from jax.experimental import pallas as pl
from jax.experimental.pallas import tpu as pltpu
from jax.experimental.pallas import tpu_sc as plsc

N = 10000
D = 128
E = 320000
G = 16
OUT = 64
NUM_LAYERS = 5
BN_EPS = 1e-5

NC = 2
NS = 16
NW = NC * NS
K = 128
IB = 8
NIB = 10
CH = IB * NIB
EP = NW * K * CH
NP = 10112
RPS = NP // NS

_mesh = plsc.VectorSubcoreMesh(core_axis_name="c", subcore_axis_name="s")


@functools.partial(
    pl.kernel,
    mesh=_mesh,
    out_type=jax.ShapeDtypeStruct((NC, NP, D), jnp.float32),
    scratch_types=[
        pltpu.VMEM((IB, K), jnp.int32),
        pltpu.VMEM((IB, K), jnp.int32),
        pltpu.VMEM((IB, K), jnp.int32),
        pltpu.VMEM((IB, K), jnp.int32),
        pltpu.VMEM((K, D), jnp.float32),
        pltpu.VMEM((K, D), jnp.float32),
        pltpu.VMEM_SHARED((NP, D), jnp.float32),
        pltpu.SemaphoreType.DMA,
        pltpu.SemaphoreType.DMA,
        pltpu.SemaphoreType.DMA,
        pltpu.SemaphoreType.DMA,
    ],
)
def _agg(h_hbm, src_hbm, dst_hbm, out_hbm, idxd0, idxd1, idxs0, idxs1,
         rows0, rows1, pooled, semi0, semi1, semg0, semg1):
    cid = lax.axis_index("c")
    sid = lax.axis_index("s")
    wid = cid * NS + sid
    row0 = wid * NIB * IB
    zero = jnp.zeros((16,), jnp.float32)
    rows = (rows0, rows1)
    semg = (semg0, semg1)

    @pl.loop(0, K)
    def _(r):
        @pl.loop(0, D, step=16)
        def _(cc):
            rows0[r, pl.ds(cc, 16)] = zero

    @pl.loop(0, RPS - K, step=K)
    def _(r0):
        pltpu.sync_copy(rows0, pooled.at[pl.ds(sid * RPS + r0, K), :])

    pltpu.sync_copy(rows0.at[pl.ds(0, RPS % K), :],
                    pooled.at[pl.ds(sid * RPS + (RPS - RPS % K), RPS % K), :])
    plsc.subcore_barrier()

    pltpu.async_copy(dst_hbm.at[pl.ds(row0, IB), :], idxd0, semi0)
    pltpu.async_copy(src_hbm.at[pl.ds(row0, IB), :], idxs0, semi0)
    pltpu.async_copy(dst_hbm.at[pl.ds(row0 + IB, IB), :], idxd1, semi1)
    pltpu.async_copy(src_hbm.at[pl.ds(row0 + IB, IB), :], idxs1, semi1)

    def do_block(b, idxd_b, idxs_b, semi_b):
        rbase = row0 + b * IB
        pltpu.make_async_copy(dst_hbm.at[pl.ds(rbase, IB), :], idxd_b,
                              semi_b).wait()
        pltpu.make_async_copy(src_hbm.at[pl.ds(rbase, IB), :], idxs_b,
                              semi_b).wait()
        cps = [None, None]
        cps[0] = pltpu.async_copy(h_hbm.at[idxd_b.at[0]], rows[0], semg[0])
        for j in range(IB):
            if j + 1 < IB:
                p = (j + 1) & 1
                cps[p] = pltpu.async_copy(h_hbm.at[idxd_b.at[j + 1]],
                                          rows[p], semg[p])
            cps[j & 1].wait()
            pltpu.sync_copy(rows[j & 1], pooled.at[idxs_b.at[j]], add=True)
        @pl.when(b + 2 < NIB)
        def _():
            r2 = row0 + (b + 2) * IB
            pltpu.async_copy(dst_hbm.at[pl.ds(r2, IB), :], idxd_b, semi_b)
            pltpu.async_copy(src_hbm.at[pl.ds(r2, IB), :], idxs_b, semi_b)

    @pl.loop(0, NIB, step=2)
    def _(b):
        do_block(b, idxd0, idxs0, semi0)
        do_block(b + 1, idxd1, idxs1, semi1)

    plsc.subcore_barrier()
    pltpu.sync_copy(pooled.at[pl.ds(sid * RPS, RPS), :],
                    out_hbm.at[cid, pl.ds(sid * RPS, RPS), :])


def _bn_relu(h, g, b):
    m = jnp.mean(h, axis=0, keepdims=True)
    d = h - m
    v = jnp.mean(d * d, axis=0, keepdims=True)
    return jnp.maximum(d * lax.rsqrt(v + BN_EPS) * g + b, 0.0)


def _mlp_body(eps_ref, p0_ref, p1_ref, h_ref, w1_ref, b1_ref, g1_ref, bb1_ref,
              w2_ref, b2_ref, g2_ref, bb2_ref, out_ref):
    pooled = p0_ref[...] + p1_ref[...] + (1.0 + eps_ref[0, 0]) * h_ref[...]
    h1 = jnp.dot(pooled, w1_ref[...], preferred_element_type=jnp.float32)
    h1 = _bn_relu(h1 + b1_ref[...], g1_ref[...], bb1_ref[...])
    h2 = jnp.dot(h1, w2_ref[...], preferred_element_type=jnp.float32)
    out_ref[...] = _bn_relu(h2 + b2_ref[...], g2_ref[...], bb2_ref[...])


_mlp = pl.pallas_call(
    _mlp_body,
    out_shape=jax.ShapeDtypeStruct((N, D), jnp.float32),
)


def _pool_body(gid_ref, h0_ref, h1_ref, h2_ref, h3_ref, h4_ref,
               w0_ref, w1_ref, w2_ref, w3_ref, w4_ref,
               b0_ref, b1_ref, b2_ref, b3_ref, b4_ref, out_ref):
    onehot = (lax.broadcasted_iota(jnp.int32, (G, N), 0)
              == gid_ref[...]).astype(jnp.float32)
    score = jnp.zeros((G, OUT), jnp.float32)
    for h_ref, w_ref, b_ref in ((h0_ref, w0_ref, b0_ref),
                                (h1_ref, w1_ref, b1_ref),
                                (h2_ref, w2_ref, b2_ref),
                                (h3_ref, w3_ref, b3_ref),
                                (h4_ref, w4_ref, b4_ref)):
        ph = jnp.dot(onehot, h_ref[...], preferred_element_type=jnp.float32)
        score = score + jnp.dot(ph, w_ref[...],
                                preferred_element_type=jnp.float32) + b_ref[...]
    out_ref[...] = score


_pool = pl.pallas_call(
    _pool_body,
    out_shape=jax.ShapeDtypeStruct((G, OUT), jnp.float32),
)


def kernel(x, params, edge_index, graph_ids):
    src = edge_index[0]
    dst = edge_index[1]
    src_p = jnp.concatenate(
        [src, jnp.full((EP - E,), NP - 1, jnp.int32)]).reshape(EP // K, K)
    dst_p = jnp.concatenate(
        [dst, jnp.zeros((EP - E,), jnp.int32)]).reshape(EP // K, K)
    h = x
    hidden = [x]
    for l in range(NUM_LAYERS - 1):
        parts = _agg(h, src_p, dst_p)
        eps = params['eps'][l].reshape(1, 1)
        h = _mlp(eps, parts[0, :N, :], parts[1, :N, :], h,
                 params[f'mlp{l}_W1'], params[f'mlp{l}_b1'].reshape(1, -1),
                 params[f'mlp{l}_bn_g'].reshape(1, -1),
                 params[f'mlp{l}_bn_b'].reshape(1, -1),
                 params[f'mlp{l}_W2'], params[f'mlp{l}_b2'].reshape(1, -1),
                 params[f'bn{l}_g'].reshape(1, -1),
                 params[f'bn{l}_b'].reshape(1, -1))
        hidden.append(h)
    gid = graph_ids.reshape(1, N)
    args = ([gid] + hidden
            + [params[f'pred{l}_W'] for l in range(NUM_LAYERS)]
            + [params[f'pred{l}_b'].reshape(1, -1) for l in range(NUM_LAYERS)])
    return _pool(*args)

# --- scband reference (transcript-rebuilt; emitter-appended) ---
"""Pipeline reference for scband-gin-68539088110034 (READ-ONLY COPY).

The authoritative reference and input builder live on the scoring server;
editing this copy changes nothing except your own understanding.
"""

import jax, jax.numpy as jnp
import numpy as np

N = 10000
E = 320000
D = 128
H = 128
OUT = 64
G = 16
NUM_LAYERS = 5
BN_EPS = 1e-5


def _bn(h, g, b):
    m = jnp.mean(h, axis=0)
    v = jnp.var(h, axis=0)
    return (h - m) / jnp.sqrt(v + BN_EPS) * g + b


def setup_inputs(seed: int = 0):
    key = jax.random.key(seed)
    ks = jax.random.split(key, 80)
    x = jax.random.normal(ks[0], (N, D), dtype=jnp.float32)
    edge_index = jax.random.randint(ks[1], (2, E), 0, N, dtype=jnp.int32)
    graph_ids = jnp.sort(jax.random.randint(ks[2], (N,), 0, G, dtype=jnp.int32))
    params = {}
    params['eps'] = jnp.zeros((NUM_LAYERS - 1,), dtype=jnp.float32)
    ki = 3
    for l in range(NUM_LAYERS - 1):
        in_dim = D if l == 0 else H
        params[f'mlp{l}_W1'] = (jax.random.normal(ks[ki], (in_dim, H), dtype=jnp.float32) * (1.0 / np.sqrt(in_dim))); ki += 1
        params[f'mlp{l}_b1'] = jnp.zeros((H,), dtype=jnp.float32)
        params[f'mlp{l}_bn_g'] = jnp.ones((H,), dtype=jnp.float32)
        params[f'mlp{l}_bn_b'] = jnp.zeros((H,), dtype=jnp.float32)
        params[f'mlp{l}_W2'] = (jax.random.normal(ks[ki], (H, H), dtype=jnp.float32) * (1.0 / np.sqrt(H))); ki += 1
        params[f'mlp{l}_b2'] = jnp.zeros((H,), dtype=jnp.float32)
        params[f'bn{l}_g'] = jnp.ones((H,), dtype=jnp.float32)
        params[f'bn{l}_b'] = jnp.zeros((H,), dtype=jnp.float32)
    for l in range(NUM_LAYERS):
        in_dim = D if l == 0 else H
        params[f'pred{l}_W'] = (jax.random.normal(ks[ki], (in_dim, OUT), dtype=jnp.float32) * (1.0 / np.sqrt(in_dim))); ki += 1
        params[f'pred{l}_b'] = jnp.zeros((OUT,), dtype=jnp.float32)
    return {'x': x, 'params': params, 'edge_index': edge_index, 'graph_ids': graph_ids}


def reference(x, params, edge_index, graph_ids):
    src = edge_index[0]
    dst = edge_index[1]
    hidden = [x]
    h = x
    for l in range(NUM_LAYERS - 1):
        # sparse Adj @ h : pooled[src] += h[dst], matching torch.spmm on coalesced COO
        pooled = jax.ops.segment_sum(h[dst], src, num_segments=N)
        # learn_eps=True: pooled + (1 + eps[layer]) * h
        pooled = pooled + (1.0 + params['eps'][l]) * h
        # MLP(num_mlp_layers=2): linear -> BN -> relu -> linear
        h1 = pooled @ params[f'mlp{l}_W1'] + params[f'mlp{l}_b1']
        h1 = jax.nn.relu(_bn(h1, params[f'mlp{l}_bn_g'], params[f'mlp{l}_bn_b']))
        h2 = h1 @ params[f'mlp{l}_W2'] + params[f'mlp{l}_b2']
        # outer batch norm + relu
        h = jax.nn.relu(_bn(h2, params[f'bn{l}_g'], params[f'bn{l}_b']))
        hidden.append(h)
    # graph_pooling_type='sum': graph_pool spmm == segment_sum over graph ids
    score = jnp.zeros((G, OUT), dtype=jnp.float32)
    for l in range(NUM_LAYERS):
        pooled_h = jax.ops.segment_sum(hidden[l], graph_ids, num_segments=G)
        # final_dropout = 0.0 -> identity
        score = score + pooled_h @ params[f'pred{l}_W'] + params[f'pred{l}_b']
    return score

if __name__ == "__main__":
    import jax
    _d = setup_inputs()
    print(jax.jit(kernel)(*tuple(_d.values())))

</pallas_src>

<mosaic_0001>
#map = affine_map<(d0, d1) -> (0, 0)>
#map1 = affine_map<(d0, d1) -> (0, 0, 0)>
module attributes {stable_mosaic.version = 14 : i64} {
  func.func @_agg(%arg0: i32, %arg1: i32, %arg2: memref<10000x128xf32, #tpu.memory_space<hbm>>, %arg3: memref<2560x128xi32, #tpu.memory_space<hbm>>, %arg4: memref<2560x128xi32, #tpu.memory_space<hbm>>, %arg5: memref<2x10112x128xf32, #tpu.memory_space<hbm>>, %arg6: memref<8x128xi32, #tpu.memory_space<vmem>>, %arg7: memref<8x128xi32, #tpu.memory_space<vmem>>, %arg8: memref<8x128xi32, #tpu.memory_space<vmem>>, %arg9: memref<8x128xi32, #tpu.memory_space<vmem>>, %arg10: memref<128x128xf32, #tpu.memory_space<vmem>>, %arg11: memref<128x128xf32, #tpu.memory_space<vmem>>, %arg12: memref<10112x128xf32, #tpu.memory_space<vmem_shared>>, %arg13: memref<!tpu.dma_semaphore, #tpu.memory_space<semaphore_mem>>, %arg14: memref<!tpu.dma_semaphore, #tpu.memory_space<semaphore_mem>>, %arg15: memref<!tpu.dma_semaphore, #tpu.memory_space<semaphore_mem>>, %arg16: memref<!tpu.dma_semaphore, #tpu.memory_space<semaphore_mem>>) attributes {dimension_semantics = [#tpu.dimension_semantics<core_parallel>, #tpu.dimension_semantics<subcore_parallel>], iteration_bounds = array<i64: 2, 16>, scalar_prefetch = 0 : i64, scratch_operands = 11 : i64, tpu.core_type = #tpu.core_type<sc_vector_subcore>, window_params = [{transform_indices = #map}, {transform_indices = #map}, {transform_indices = #map}, {transform_indices = #map1}]} {
    %mul3A = arith.constant 16 : i32
    %mul3A_0 = arith.muli %arg0, %mul3A : i32
    %add3A = arith.addi %mul3A_0, %arg1 : i32
    %mul3A_1 = arith.constant 10 : i32
    %mul3A_2 = arith.muli %add3A, %mul3A_1 : i32
    %mul3A_3 = arith.constant 8 : i32
    %mul3A_4 = arith.muli %mul3A_2, %mul3A_3 : i32
    %broadcast_in_dim3A = arith.constant 0.000000e+00 : f32
    %broadcast_in_dim3A_5 = vector.broadcast %broadcast_in_dim3A : f32 to vector<16xf32>
    %scan3A = arith.constant 0 : i32
    %scan3A_6 = arith.constant 128 : i32
    %scan3A_7 = arith.addi %scan3A, %scan3A_6 : i32
    %scan3A_8 = arith.constant 1 : i32
    scf.for %scan3A_48 = %scan3A to %scan3A_7 step %scan3A_8  : i32 {
      %mul3A_49 = arith.constant 1 : i32
      %mul3A_50 = arith.muli %scan3A_48, %mul3A_49 : i32
      %add3A_51 = arith.constant 0 : i32
      %add3A_52 = arith.addi %add3A_51, %mul3A_50 : i32
      %scan3A_53 = arith.constant 0 : i32
      %scan3A_54 = arith.constant 8 : i32
      %scan3A_55 = arith.addi %scan3A_53, %scan3A_54 : i32
      %scan3A_56 = arith.constant 1 : i32
      scf.for %scan3A_58 = %scan3A_53 to %scan3A_55 step %scan3A_56  : i32 {
        %mul3A_59 = arith.constant 16 : i32
        %mul3A_60 = arith.muli %scan3A_58, %mul3A_59 : i32
        %add3A_61 = arith.constant 0 : i32
        %add3A_62 = arith.addi %add3A_61, %mul3A_60 : i32
        %swap3A = arith.index_cast %add3A_52 : i32 to index
        %swap3A_63 = arith.index_cast %add3A_62 : i32 to index
        %swap3A_64 = tpu.vector_load %arg10[%swap3A, %swap3A_63] {strides = array<i32>} : memref<128x128xf32, #tpu.memory_space<vmem>>, vector<1x16xf32>,
        %swap3A_65 = vector.shape_cast %swap3A_64 : vector<1x16xf32> to vector<16xf32>
        %swap3A_66 = vector.shape_cast %broadcast_in_dim3A_5 : vector<16xf32> to vector<1x16xf32>
        tpu.vector_store %arg10[%swap3A, %swap3A_63], %swap3A_66 {strides = array<i32>} : memref<128x128xf32, #tpu.memory_space<vmem>>, vector<1x16xf32>,
      }
      %scan3A_57 = arith.constant 8 : i32
    }
    %scan3A_9 = arith.constant 128 : i32
    %scan3A_10 = arith.constant 0 : i32
    %scan3A_11 = arith.constant 4 : i32
    %scan3A_12 = arith.addi %scan3A_10, %scan3A_11 : i32
    %scan3A_13 = arith.constant 1 : i32
    scf.for %scan3A_48 = %scan3A_10 to %scan3A_12 step %scan3A_13  : i32 {
      %mul3A_49 = arith.constant 128 : i32
      %mul3A_50 = arith.muli %scan3A_48, %mul3A_49 : i32
      %add3A_51 = arith.constant 0 : i32
      %add3A_52 = arith.addi %add3A_51, %mul3A_50 : i32
      %mul3A_53 = arith.constant 632 : i32
      %mul3A_54 = arith.muli %arg1, %mul3A_53 : i32
      %add3A_55 = arith.addi %mul3A_54, %add3A_52 : i32
      "tpu.region"() ({
        %run_scoped3A = tpu.sem_alloc : memref<!tpu.dma_semaphore, #tpu.memory_space<semaphore_mem>>
        %dma_start3A_56 = arith.constant 0 : i32
        %dma_start3A_57 = tpu.memref_slice %arg12[%add3A_55, %dma_start3A_56] : memref<10112x128xf32, #tpu.memory_space<vmem_shared>> -> memref<128x128xf32, #tpu.memory_space<vmem_shared>>
        %dma_start3A_58 = arith.constant 0 : i32
        %dma_start3A_59 = tpu.memref_slice %arg12[%add3A_55, %dma_start3A_58] : memref<10112x128xf32, #tpu.memory_space<vmem_shared>> -> memref<128x128xf32, #tpu.memory_space<vmem_shared>>
        tpu.enqueue_dma source(%arg10 : memref<128x128xf32, #tpu.memory_space<vmem>>) target(%dma_start3A_59 : memref<128x128xf32, #tpu.memory_space<vmem_shared>>) target_semaphore(%run_scoped3A : memref<!tpu.dma_semaphore, #tpu.memory_space<semaphore_mem>>)
        %dma_wait3A = arith.constant 0 : i32
        %dma_wait3A_60 = tpu.memref_slice %arg12[%add3A_55, %dma_wait3A] : memref<10112x128xf32, #tpu.memory_space<vmem_shared>> -> memref<128x128xf32, #tpu.memory_space<vmem_shared>>
        %dma_wait3A_61 = arith.constant 0 : i32
        %dma_wait3A_62 = tpu.memref_slice %arg12[%add3A_55, %dma_wait3A_61] : memref<10112x128xf32, #tpu.memory_space<vmem_shared>> -> memref<128x128xf32, #tpu.memory_space<vmem_shared>>
        tpu.wait_dma2 semaphore(%run_scoped3A : memref<!tpu.dma_semaphore, #tpu.memory_space<semaphore_mem>>) src(%arg10 : memref<128x128xf32, #tpu.memory_space<vmem>>) dst(%dma_wait3A_62 : memref<128x128xf32, #tpu.memory_space<vmem_shared>>)
        tpu.yield
      }) : () -> ()
    }
    %scan3A_14 = arith.constant 4 : i32
    %mul3A_15 = arith.constant 632 : i32
    %mul3A_16 = arith.muli %arg1, %mul3A_15 : i32
    %add3A_17 = arith.constant 512 : i32
    %add3A_18 = arith.addi %mul3A_16, %add3A_17 : i32
    "tpu.region"() ({
      %run_scoped3A = tpu.sem_alloc : memref<!tpu.dma_semaphore, #tpu.memory_space<semaphore_mem>>
      %dma_start3A_48 = arith.constant 0 : i32
      %dma_start3A_49 = arith.constant 0 : i32
      %dma_start3A_50 = tpu.memref_slice %arg10[%dma_start3A_48, %dma_start3A_49] : memref<128x128xf32, #tpu.memory_space<vmem>> -> memref<120x128xf32, #tpu.memory_space<vmem>>
      %dma_start3A_51 = arith.constant 0 : i32
      %dma_start3A_52 = tpu.memref_slice %arg12[%add3A_18, %dma_start3A_51] : memref<10112x128xf32, #tpu.memory_space<vmem_shared>> -> memref<120x128xf32, #tpu.memory_space<vmem_shared>>
      %dma_start3A_53 = arith.constant 0 : i32
      %dma_start3A_54 = tpu.memref_slice %arg12[%add3A_18, %dma_start3A_53] : memref<10112x128xf32, #tpu.memory_space<vmem_shared>> -> memref<120x128xf32, #tpu.memory_space<vmem_shared>>
      %dma_start3A_55 = arith.constant 0 : i32
      %dma_start3A_56 = arith.constant 0 : i32
      %dma_start3A_57 = tpu.memref_slice %arg10[%dma_start3A_55, %dma_start3A_56] : memref<128x128xf32, #tpu.memory_space<vmem>> -> memref<120x128xf32, #tpu.memory_space<vmem>>
      tpu.enqueue_dma source(%dma_start3A_57 : memref<120x128xf32, #tpu.memory_space<vmem>>) target(%dma_start3A_54 : memref<120x128xf32, #tpu.memory_space<vmem_shared>>) target_semaphore(%run_scoped3A : memref<!tpu.dma_semaphore, #tpu.memory_space<semaphore_mem>>)
      %dma_wait3A = arith.constant 0 : i32
      %dma_wait3A_58 = arith.constant 0 : i32
      %dma_wait3A_59 = tpu.memref_slice %arg10[%dma_wait3A, %dma_wait3A_58] : memref<128x128xf32, #tpu.memory_space<vmem>> -> memref<120x128xf32, #tpu.memory_space<vmem>>
      %dma_wait3A_60 = arith.constant 0 : i32
      %dma_wait3A_61 = tpu.memref_slice %arg12[%add3A_18, %dma_wait3A_60] : memref<10112x128xf32, #tpu.memory_space<vmem_shared>> -> memref<120x128xf32, #tpu.memory_space<vmem_shared>>
      %dma_wait3A_62 = arith.constant 0 : i32
      %dma_wait3A_63 = tpu.memref_slice %arg12[%add3A_18, %dma_wait3A_62] : memref<10112x128xf32, #tpu.memory_space<vmem_shared>> -> memref<120x128xf32, #tpu.memory_space<vmem_shared>>
      %dma_wait3A_64 = arith.constant 0 : i32
      %dma_wait3A_65 = arith.constant 0 : i32
      %dma_wait3A_66 = tpu.memref_slice %arg10[%dma_wait3A_64, %dma_wait3A_65] : memref<128x128xf32, #tpu.memory_space<vmem>> -> memref<120x128xf32, #tpu.memory_space<vmem>>
      tpu.wait_dma2 semaphore(%run_scoped3A : memref<!tpu.dma_semaphore, #tpu.memory_space<semaphore_mem>>) src(%dma_wait3A_66 : memref<120x128xf32, #tpu.memory_space<vmem>>) dst(%dma_wait3A_63 : memref<120x128xf32, #tpu.memory_space<vmem_shared>>)
      tpu.yield
    }) : () -> ()
    %barrier3A = arith.constant 0 : index
    tpu.barrier barrier_id(%barrier3A)
    %dma_start3A = arith.constant 0 : i32
    %dma_start3A_19 = tpu.memref_slice %arg4[%mul3A_4, %dma_start3A] : memref<2560x128xi32, #tpu.memory_space<hbm>> -> memref<8x128xi32, #tpu.memory_space<hbm>>
    %dma_start3A_20 = arith.constant 0 : i32
    %dma_start3A_21 = tpu.memref_slice %arg4[%mul3A_4, %dma_start3A_20] : memref<2560x128xi32, #tpu.memory_space<hbm>> -> memref<8x128xi32, #tpu.memory_space<hbm>>
    tpu.enqueue_dma source(%dma_start3A_21 : memref<8x128xi32, #tpu.memory_space<hbm>>) target(%arg6 : memref<8x128xi32, #tpu.memory_space<vmem>>) target_semaphore(%arg13 : memref<!tpu.dma_semaphore, #tpu.memory_space<semaphore_mem>>)
    %dma_start3A_22 = arith.constant 0 : i32
    %dma_start3A_23 = tpu.memref_slice %arg3[%mul3A_4, %dma_start3A_22] : memref<2560x128xi32, #tpu.memory_space<hbm>> -> memref<8x128xi32, #tpu.memory_space<hbm>>
    %dma_start3A_24 = arith.constant 0 : i32
    %dma_start3A_25 = tpu.memref_slice %arg3[%mul3A_4, %dma_start3A_24] : memref<2560x128xi32, #tpu.memory_space<hbm>> -> memref<8x128xi32, #tpu.memory_space<hbm>>
    tpu.enqueue_dma source(%dma_start3A_25 : memref<8x128xi32, #tpu.memory_space<hbm>>) target(%arg8 : memref<8x128xi32, #tpu.memory_space<vmem>>) target_semaphore(%arg13 : memref<!tpu.dma_semaphore, #tpu.memory_space<semaphore_mem>>)
    %add3A_26 = arith.constant 8 : i32
    %add3A_27 = arith.addi %mul3A_4, %add3A_26 : i32
    %dma_start3A_28 = arith.constant 0 : i32
    %dma_start3A_29 = tpu.memref_slice %arg4[%add3A_27, %dma_start3A_28] : memref<2560x128xi32, #tpu.memory_space<hbm>> -> memref<8x128xi32, #tpu.memory_space<hbm>>
    %dma_start3A_30 = arith.constant 0 : i32
    %dma_start3A_31 = tpu.memref_slice %arg4[%add3A_27, %dma_start3A_30] : memref<2560x128xi32, #tpu.memory_space<hbm>> -> memref<8x128xi32, #tpu.memory_space<hbm>>
    tpu.enqueue_dma source(%dma_start3A_31 : memref<8x128xi32, #tpu.memory_space<hbm>>) target(%arg7 : memref<8x128xi32, #tpu.memory_space<vmem>>) target_semaphore(%arg14 : memref<!tpu.dma_semaphore, #tpu.memory_space<semaphore_mem>>)
    %add3A_32 = arith.constant 8 : i32
    %add3A_33 = arith.addi %mul3A_4, %add3A_32 : i32
    %dma_start3A_34 = arith.constant 0 : i32
    %dma_start3A_35 = tpu.memref_slice %arg3[%add3A_33, %dma_start3A_34] : memref<2560x128xi32, #tpu.memory_space<hbm>> -> memref<8x128xi32, #tpu.memory_space<hbm>>
    %dma_start3A_36 = arith.constant 0 : i32
    %dma_start3A_37 = tpu.memref_slice %arg3[%add3A_33, %dma_start3A_36] : memref<2560x128xi32, #tpu.memory_space<hbm>> -> memref<8x128xi32, #tpu.memory_space<hbm>>
    tpu.enqueue_dma source(%dma_start3A_37 : memref<8x128xi32, #tpu.memory_space<hbm>>) target(%arg9 : memref<8x128xi32, #tpu.memory_space<vmem>>) target_semaphore(%arg14 : memref<!tpu.dma_semaphore, #tpu.memory_space<semaphore_mem>>)
    %scan3A_38 = arith.constant 0 : i32
    %scan3A_39 = arith.constant 5 : i32
    %scan3A_40 = arith.addi %scan3A_38, %scan3A_39 : i32
    %scan3A_41 = arith.constant 1 : i32
    scf.for %scan3A_48 = %scan3A_38 to %scan3A_40 step %scan3A_41  : i32 {
      %mul3A_49 = arith.constant 2 : i32
      %mul3A_50 = arith.muli %scan3A_48, %mul3A_49 : i32
      %add3A_51 = arith.constant 0 : i32
      %add3A_52 = arith.addi %add3A_51, %mul3A_50 : i32
      %mul3A_53 = arith.constant 8 : i32
      %mul3A_54 = arith.muli %add3A_52, %mul3A_53 : i32
      %add3A_55 = arith.addi %mul3A_4, %mul3A_54 : i32
      %dma_wait3A = arith.constant 0 : i32
      %dma_wait3A_56 = tpu.memref_slice %arg4[%add3A_55, %dma_wait3A] : memref<2560x128xi32, #tpu.memory_space<hbm>> -> memref<8x128xi32, #tpu.memory_space<hbm>>
      %dma_wait3A_57 = arith.constant 0 : i32
      %dma_wait3A_58 = tpu.memref_slice %arg4[%add3A_55, %dma_wait3A_57] : memref<2560x128xi32, #tpu.memory_space<hbm>> -> memref<8x128xi32, #tpu.memory_space<hbm>>
      tpu.wait_dma2 semaphore(%arg13 : memref<!tpu.dma_semaphore, #tpu.memory_space<semaphore_mem>>) src(%dma_wait3A_58 : memref<8x128xi32, #tpu.memory_space<hbm>>) dst(%arg6 : memref<8x128xi32, #tpu.memory_space<vmem>>)
      %dma_wait3A_59 = arith.constant 0 : i32
      %dma_wait3A_60 = tpu.memref_slice %arg3[%add3A_55, %dma_wait3A_59] : memref<2560x128xi32, #tpu.memory_space<hbm>> -> memref<8x128xi32, #tpu.memory_space<hbm>>
      %dma_wait3A_61 = arith.constant 0 : i32
      %dma_wait3A_62 = tpu.memref_slice %arg3[%add3A_55, %dma_wait3A_61] : memref<2560x128xi32, #tpu.memory_space<hbm>> -> memref<8x128xi32, #tpu.memory_space<hbm>>
      tpu.wait_dma2 semaphore(%arg13 : memref<!tpu.dma_semaphore, #tpu.memory_space<semaphore_mem>>) src(%dma_wait3A_62 : memref<8x128xi32, #tpu.memory_space<hbm>>) dst(%arg8 : memref<8x128xi32, #tpu.memory_space<vmem>>)
      %dma_start3A_63 = arith.constant 0 : i32
      %dma_start3A_64 = arith.constant 0 : i32
      %dma_start3A_65 = tpu.memref_slice %arg6[%dma_start3A_63, %dma_start3A_64] : memref<8x128xi32, #tpu.memory_space<vmem>> -> memref<1x128xi32, #tpu.memory_space<vmem>>
      %dma_start3A_66 = tpu.memref_squeeze %dma_start3A_65 : memref<1x128xi32, #tpu.memory_space<vmem>> -> memref<128xi32, #tpu.memory_space<vmem>>
      %dma_start3A_67 = arith.constant 0 : i32
      %dma_start3A_68 = arith.constant 0 : i32
      %dma_start3A_69 = tpu.memref_slice %arg2[%dma_start3A_67, %dma_start3A_68] : memref<10000x128xf32, #tpu.memory_space<hbm>> -> memref<10000x128xf32, #tpu.memory_space<hbm>>
      tpu.enqueue_indirect_dma source(%dma_start3A_69 : memref<10000x128xf32, #tpu.memory_space<hbm>>) target(%arg10 : memref<128x128xf32, #tpu.memory_space<vmem>>) offsets(%dma_start3A_66 : memref<128xi32, #tpu.memory_space<vmem>>) semaphore(%arg15 : memref<!tpu.dma_semaphore, #tpu.memory_space<semaphore_mem>>)
      %dma_start3A_70 = arith.constant 1 : i32
      %dma_start3A_71 = arith.constant 0 : i32
      %dma_start3A_72 = tpu.memref_slice %arg6[%dma_start3A_70, %dma_start3A_71] : memref<8x128xi32, #tpu.memory_space<vmem>> -> memref<1x128xi32, #tpu.memory_space<vmem>>
      %dma_start3A_73 = tpu.memref_squeeze %dma_start3A_72 : memref<1x128xi32, #tpu.memory_space<vmem>> -> memref<128xi32, #tpu.memory_space<vmem>>
      %dma_start3A_74 = arith.constant 0 : i32
      %dma_start3A_75 = arith.constant 0 : i32
      %dma_start3A_76 = tpu.memref_slice %arg2[%dma_start3A_74, %dma_start3A_75] : memref<10000x128xf32, #tpu.memory_space<hbm>> -> memref<10000x128xf32, #tpu.memory_space<hbm>>
      tpu.enqueue_indirect_dma source(%dma_start3A_76 : memref<10000x128xf32, #tpu.memory_space<hbm>>) target(%arg11 : memref<128x128xf32, #tpu.memory_space<vmem>>) offsets(%dma_start3A_73 : memref<128xi32, #tpu.memory_space<vmem>>) semaphore(%arg16 : memref<!tpu.dma_semaphore, #tpu.memory_space<semaphore_mem>>)
      %dma_wait3A_77 = arith.constant 0 : i32
      %dma_wait3A_78 = arith.constant 0 : i32
      %dma_wait3A_79 = tpu.memref_slice %arg6[%dma_wait3A_77, %dma_wait3A_78] : memref<8x128xi32, #tpu.memory_space<vmem>> -> memref<1x128xi32, #tpu.memory_space<vmem>>
      %dma_wait3A_80 = tpu.memref_squeeze %dma_wait3A_79 : memref<1x128xi32, #tpu.memory_space<vmem>> -> memref<128xi32, #tpu.memory_space<vmem>>
      %dma_wait3A_81 = arith.constant 0 : i32
      %dma_wait3A_82 = arith.constant 0 : i32
      %dma_wait3A_83 = tpu.memref_slice %arg2[%dma_wait3A_81, %dma_wait3A_82] : memref<10000x128xf32, #tpu.memory_space<hbm>> -> memref<10000x128xf32, #tpu.memory_space<hbm>>
      tpu.wait_indirect_dma semaphore(%arg15 : memref<!tpu.dma_semaphore, #tpu.memory_space<semaphore_mem>>) src(%dma_wait3A_83 : memref<10000x128xf32, #tpu.memory_space<hbm>>) dst(%arg10 : memref<128x128xf32, #tpu.memory_space<vmem>>)
      %run_scoped3A = arith.constant 0 : i32
      "tpu.region"() ({
        %run_scoped3A_326 = tpu.sem_alloc : memref<!tpu.dma_semaphore, #tpu.memory_space<semaphore_mem>>
        %dma_start3A_327 = arith.constant 0 : i32
        %dma_start3A_328 = tpu.memref_slice %arg8[%run_scoped3A, %dma_start3A_327] : memref<8x128xi32, #tpu.memory_space<vmem>> -> memref<1x128xi32, #tpu.memory_space<vmem>>
        %dma_start3A_329 = tpu.memref_squeeze %dma_start3A_328 : memref<1x128xi32, #tpu.memory_space<vmem>> -> memref<128xi32, #tpu.memory_space<vmem>>
        %dma_start3A_330 = arith.constant 0 : i32
        %dma_start3A_331 = arith.constant 0 : i32
        %dma_start3A_332 = tpu.memref_slice %arg12[%dma_start3A_330, %dma_start3A_331] : memref<10112x128xf32, #tpu.memory_space<vmem_shared>> -> memref<10112x128xf32, #tpu.memory_space<vmem_shared>>
        tpu.enqueue_indirect_dma source(%arg10 : memref<128x128xf32, #tpu.memory_space<vmem>>) target(%dma_start3A_332 : memref<10112x128xf32, #tpu.memory_space<vmem_shared>>) offsets(%dma_start3A_329 : memref<128xi32, #tpu.memory_space<vmem>>) semaphore(%run_scoped3A_326 : memref<!tpu.dma_semaphore, #tpu.memory_space<semaphore_mem>>) {add = true}
        %dma_wait3A_333 = arith.constant 0 : i32
        %dma_wait3A_334 = tpu.memref_slice %arg8[%run_scoped3A, %dma_wait3A_333] : memref<8x128xi32, #tpu.memory_space<vmem>> -> memref<1x128xi32, #tpu.memory_space<vmem>>
        %dma_wait3A_335 = tpu.memref_squeeze %dma_wait3A_334 : memref<1x128xi32, #tpu.memory_space<vmem>> -> memref<128xi32, #tpu.memory_space<vmem>>
        %dma_wait3A_336 = arith.constant 0 : i32
        %dma_wait3A_337 = arith.constant 0 : i32
        %dma_wait3A_338 = tpu.memref_slice %arg12[%dma_wait3A_336, %dma_wait3A_337] : memref<10112x128xf32, #tpu.memory_space<vmem_shared>> -> memref<10112x128xf32, #tpu.memory_space<vmem_shared>>
        tpu.wait_indirect_dma semaphore(%run_scoped3A_326 : memref<!tpu.dma_semaphore, #tpu.memory_space<semaphore_mem>>) src(%arg10 : memref<128x128xf32, #tpu.memory_space<vmem>>) dst(%dma_wait3A_338 : memref<10112x128xf32, #tpu.memory_space<vmem_shared>>)
        tpu.yield
      }) : () -> ()
      %dma_start3A_84 = arith.constant 2 : i32
      %dma_start3A_85 = arith.constant 0 : i32
      %dma_start3A_86 = tpu.memref_slice %arg6[%dma_start3A_84, %dma_start3A_85] : memref<8x128xi32, #tpu.memory_space<vmem>> -> memref<1x128xi32, #tpu.memory_space<vmem>>
      %dma_start3A_87 = tpu.memref_squeeze %dma_start3A_86 : memref<1x128xi32, #tpu.memory_space<vmem>> -> memref<128xi32, #tpu.memory_space<vmem>>
      %dma_start3A_88 = arith.constant 0 : i32
      %dma_start3A_89 = arith.constant 0 : i32
      %dma_start3A_90 = tpu.memref_slice %arg2[%dma_start3A_88, %dma_start3A_89] : memref<10000x128xf32, #tpu.memory_space<hbm>> -> memref<10000x128xf32, #tpu.memory_space<hbm>>
      tpu.enqueue_indirect_dma source(%dma_start3A_90 : memref<10000x128xf32, #tpu.memory_space<hbm>>) target(%arg10 : memref<128x128xf32, #tpu.memory_space<vmem>>) offsets(%dma_start3A_87 : memref<128xi32, #tpu.memory_space<vmem>>) semaphore(%arg15 : memref<!tpu.dma_semaphore, #tpu.memory_space<semaphore_mem>>)
      %dma_wait3A_91 = arith.constant 1 : i32
      %dma_wait3A_92 = arith.constant 0 : i32
      %dma_wait3A_93 = tpu.memref_slice %arg6[%dma_wait3A_91, %dma_wait3A_92] : memref<8x128xi32, #tpu.memory_space<vmem>> -> memref<1x128xi32, #tpu.memory_space<vmem>>
      %dma_wait3A_94 = tpu.memref_squeeze %dma_wait3A_93 : memref<1x128xi32, #tpu.memory_space<vmem>> -> memref<128xi32, #tpu.memory_space<vmem>>
      %dma_wait3A_95 = arith.constant 0 : i32
      %dma_wait3A_96 = arith.constant 0 : i32
      %dma_wait3A_97 = tpu.memref_slice %arg2[%dma_wait3A_95, %dma_wait3A_96] : memref<10000x128xf32, #tpu.memory_space<hbm>> -> memref<10000x128xf32, #tpu.memory_space<hbm>>
      tpu.wait_indirect_dma semaphore(%arg16 : memref<!tpu.dma_semaphore, #tpu.memory_space<semaphore_mem>>) src(%dma_wait3A_97 : memref<10000x128xf32, #tpu.memory_space<hbm>>) dst(%arg11 : memref<128x128xf32, #tpu.memory_space<vmem>>)
      %run_scoped3A_98 = arith.constant 1 : i32
      "tpu.region"() ({
        %run_scoped3A_326 = tpu.sem_alloc : memref<!tpu.dma_semaphore, #tpu.memory_space<semaphore_mem>>
        %dma_start3A_327 = arith.constant 0 : i32
        %dma_start3A_328 = tpu.memref_slice %arg8[%run_scoped3A_98, %dma_start3A_327] : memref<8x128xi32, #tpu.memory_space<vmem>> -> memref<1x128xi32, #tpu.memory_space<vmem>>
        %dma_start3A_329 = tpu.memref_squeeze %dma_start3A_328 : memref<1x128xi32, #tpu.memory_space<vmem>> -> memref<128xi32, #tpu.memory_space<vmem>>
        %dma_start3A_330 = arith.constant 0 : i32
        %dma_start3A_331 = arith.constant 0 : i32
        %dma_start3A_332 = tpu.memref_slice %arg12[%dma_start3A_330, %dma_start3A_331] : memref<10112x128xf32, #tpu.memory_space<vmem_shared>> -> memref<10112x128xf32, #tpu.memory_space<vmem_shared>>
        tpu.enqueue_indirect_dma source(%arg11 : memref<128x128xf32, #tpu.memory_space<vmem>>) target(%dma_start3A_332 : memref<10112x128xf32, #tpu.memory_space<vmem_shared>>) offsets(%dma_start3A_329 : memref<128xi32, #tpu.memory_space<vmem>>) semaphore(%run_scoped3A_326 : memref<!tpu.dma_semaphore, #tpu.memory_space<semaphore_mem>>) {add = true}
        %dma_wait3A_333 = arith.constant 0 : i32
        %dma_wait3A_334 = tpu.memref_slice %arg8[%run_scoped3A_98, %dma_wait3A_333] : memref<8x128xi32, #tpu.memory_space<vmem>> -> memref<1x128xi32, #tpu.memory_space<vmem>>
        %dma_wait3A_335 = tpu.memref_squeeze %dma_wait3A_334 : memref<1x128xi32, #tpu.memory_space<vmem>> -> memref<128xi32, #tpu.memory_space<vmem>>
        %dma_wait3A_336 = arith.constant 0 : i32
        %dma_wait3A_337 = arith.constant 0 : i32
        %dma_wait3A_338 = tpu.memref_slice %arg12[%dma_wait3A_336, %dma_wait3A_337] : memref<10112x128xf32, #tpu.memory_space<vmem_shared>> -> memref<10112x128xf32, #tpu.memory_space<vmem_shared>>
        tpu.wait_indirect_dma semaphore(%run_scoped3A_326 : memref<!tpu.dma_semaphore, #tpu.memory_space<semaphore_mem>>) src(%arg11 : memref<128x128xf32, #tpu.memory_space<vmem>>) dst(%dma_wait3A_338 : memref<10112x128xf32, #tpu.memory_space<vmem_shared>>)
        tpu.yield
      }) : () -> ()
      %dma_start3A_99 = arith.constant 3 : i32
      %dma_start3A_100 = arith.constant 0 : i32
      %dma_start3A_101 = tpu.memref_slice %arg6[%dma_start3A_99, %dma_start3A_100] : memref<8x128xi32, #tpu.memory_space<vmem>> -> memref<1x128xi32, #tpu.memory_space<vmem>>
      %dma_start3A_102 = tpu.memref_squeeze %dma_start3A_101 : memref<1x128xi32, #tpu.memory_space<vmem>> -> memref<128xi32, #tpu.memory_space<vmem>>
      %dma_start3A_103 = arith.constant 0 : i32
      %dma_start3A_104 = arith.constant 0 : i32
      %dma_start3A_105 = tpu.memref_slice %arg2[%dma_start3A_103, %dma_start3A_104] : memref<10000x128xf32, #tpu.memory_space<hbm>> -> memref<10000x128xf32, #tpu.memory_space<hbm>>
      tpu.enqueue_indirect_dma source(%dma_start3A_105 : memref<10000x128xf32, #tpu.memory_space<hbm>>) target(%arg11 : memref<128x128xf32, #tpu.memory_space<vmem>>) offsets(%dma_start3A_102 : memref<128xi32, #tpu.memory_space<vmem>>) semaphore(%arg16 : memref<!tpu.dma_semaphore, #tpu.memory_space<semaphore_mem>>)
      %dma_wait3A_106 = arith.constant 2 : i32
      %dma_wait3A_107 = arith.constant 0 : i32
      %dma_wait3A_108 = tpu.memref_slice %arg6[%dma_wait3A_106, %dma_wait3A_107] : memref<8x128xi32, #tpu.memory_space<vmem>> -> memref<1x128xi32, #tpu.memory_space<vmem>>
      %dma_wait3A_109 = tpu.memref_squeeze %dma_wait3A_108 : memref<1x128xi32, #tpu.memory_space<vmem>> -> memref<128xi32, #tpu.memory_space<vmem>>
      %dma_wait3A_110 = arith.constant 0 : i32
      %dma_wait3A_111 = arith.constant 0 : i32
      %dma_wait3A_112 = tpu.memref_slice %arg2[%dma_wait3A_110, %dma_wait3A_111] : memref<10000x128xf32, #tpu.memory_space<hbm>> -> memref<10000x128xf32, #tpu.memory_space<hbm>>
      tpu.wait_indirect_dma semaphore(%arg15 : memref<!tpu.dma_semaphore, #tpu.memory_space<semaphore_mem>>) src(%dma_wait3A_112 : memref<10000x128xf32, #tpu.memory_space<hbm>>) dst(%arg10 : memref<128x128xf32, #tpu.memory_space<vmem>>)
      %run_scoped3A_113 = arith.constant 2 : i32
      "tpu.region"() ({
        %run_scoped3A_326 = tpu.sem_alloc : memref<!tpu.dma_semaphore, #tpu.memory_space<semaphore_mem>>
        %dma_start3A_327 = arith.constant 0 : i32
        %dma_start3A_328 = tpu.memref_slice %arg8[%run_scoped3A_113, %dma_start3A_327] : memref<8x128xi32, #tpu.memory_space<vmem>> -> memref<1x128xi32, #tpu.memory_space<vmem>>
        %dma_start3A_329 = tpu.memref_squeeze %dma_start3A_328 : memref<1x128xi32, #tpu.memory_space<vmem>> -> memref<128xi32, #tpu.memory_space<vmem>>
        %dma_start3A_330 = arith.constant 0 : i32
        %dma_start3A_331 = arith.constant 0 : i32
        %dma_start3A_332 = tpu.memref_slice %arg12[%dma_start3A_330, %dma_start3A_331] : memref<10112x128xf32, #tpu.memory_space<vmem_shared>> -> memref<10112x128xf32, #tpu.memory_space<vmem_shared>>
        tpu.enqueue_indirect_dma source(%arg10 : memref<128x128xf32, #tpu.memory_space<vmem>>) target(%dma_start3A_332 : memref<10112x128xf32, #tpu.memory_space<vmem_shared>>) offsets(%dma_start3A_329 : memref<128xi32, #tpu.memory_space<vmem>>) semaphore(%run_scoped3A_326 : memref<!tpu.dma_semaphore, #tpu.memory_space<semaphore_mem>>) {add = true}
        %dma_wait3A_333 = arith.constant 0 : i32
        %dma_wait3A_334 = tpu.memref_slice %arg8[%run_scoped3A_113, %dma_wait3A_333] : memref<8x128xi32, #tpu.memory_space<vmem>> -> memref<1x128xi32, #tpu.memory_space<vmem>>
        %dma_wait3A_335 = tpu.memref_squeeze %dma_wait3A_334 : memref<1x128xi32, #tpu.memory_space<vmem>> -> memref<128xi32, #tpu.memory_space<vmem>>
        %dma_wait3A_336 = arith.constant 0 : i32
        %dma_wait3A_337 = arith.constant 0 : i32
        %dma_wait3A_338 = tpu.memref_slice %arg12[%dma_wait3A_336, %dma_wait3A_337] : memref<10112x128xf32, #tpu.memory_space<vmem_shared>> -> memref<10112x128xf32, #tpu.memory_space<vmem_shared>>
        tpu.wait_indirect_dma semaphore(%run_scoped3A_326 : memref<!tpu.dma_semaphore, #tpu.memory_space<semaphore_mem>>) src(%arg10 : memref<128x128xf32, #tpu.memory_space<vmem>>) dst(%dma_wait3A_338 : memref<10112x128xf32, #tpu.memory_space<vmem_shared>>)
        tpu.yield
      }) : () -> ()
      %dma_start3A_114 = arith.constant 4 : i32
      %dma_start3A_115 = arith.constant 0 : i32
      %dma_start3A_116 = tpu.memref_slice %arg6[%dma_start3A_114, %dma_start3A_115] : memref<8x128xi32, #tpu.memory_space<vmem>> -> memref<1x128xi32, #tpu.memory_space<vmem>>
      %dma_start3A_117 = tpu.memref_squeeze %dma_start3A_116 : memref<1x128xi32, #tpu.memory_space<vmem>> -> memref<128xi32, #tpu.memory_space<vmem>>
      %dma_start3A_118 = arith.constant 0 : i32
      %dma_start3A_119 = arith.constant 0 : i32
      %dma_start3A_120 = tpu.memref_slice %arg2[%dma_start3A_118, %dma_start3A_119] : memref<10000x128xf32, #tpu.memory_space<hbm>> -> memref<10000x128xf32, #tpu.memory_space<hbm>>
      tpu.enqueue_indirect_dma source(%dma_start3A_120 : memref<10000x128xf32, #tpu.memory_space<hbm>>) target(%arg10 : memref<128x128xf32, #tpu.memory_space<vmem>>) offsets(%dma_start3A_117 : memref<128xi32, #tpu.memory_space<vmem>>) semaphore(%arg15 : memref<!tpu.dma_semaphore, #tpu.memory_space<semaphore_mem>>)
      %dma_wait3A_121 = arith.constant 3 : i32
      %dma_wait3A_122 = arith.constant 0 : i32
      %dma_wait3A_123 = tpu.memref_slice %arg6[%dma_wait3A_121, %dma_wait3A_122] : memref<8x128xi32, #tpu.memory_space<vmem>> -> memref<1x128xi32, #tpu.memory_space<vmem>>
      %dma_wait3A_124 = tpu.memref_squeeze %dma_wait3A_123 : memref<1x128xi32, #tpu.memory_space<vmem>> -> memref<128xi32, #tpu.memory_space<vmem>>
      %dma_wait3A_125 = arith.constant 0 : i32
      %dma_wait3A_126 = arith.constant 0 : i32
      %dma_wait3A_127 = tpu.memref_slice %arg2[%dma_wait3A_125, %dma_wait3A_126] : memref<10000x128xf32, #tpu.memory_space<hbm>> -> memref<10000x128xf32, #tpu.memory_space<hbm>>
      tpu.wait_indirect_dma semaphore(%arg16 : memref<!tpu.dma_semaphore, #tpu.memory_space<semaphore_mem>>) src(%dma_wait3A_127 : memref<10000x128xf32, #tpu.memory_space<hbm>>) dst(%arg11 : memref<128x128xf32, #tpu.memory_space<vmem>>)
      %run_scoped3A_128 = arith.constant 3 : i32
      "tpu.region"() ({
        %run_scoped3A_326 = tpu.sem_alloc : memref<!tpu.dma_semaphore, #tpu.memory_space<semaphore_mem>>
        %dma_start3A_327 = arith.constant 0 : i32
        %dma_start3A_328 = tpu.memref_slice %arg8[%run_scoped3A_128, %dma_start3A_327] : memref<8x128xi32, #tpu.memory_space<vmem>> -> memref<1x128xi32, #tpu.memory_space<vmem>>
        %dma_start3A_329 = tpu.memref_squeeze %dma_start3A_328 : memref<1x128xi32, #tpu.memory_space<vmem>> -> memref<128xi32, #tpu.memory_space<vmem>>
        %dma_start3A_330 = arith.constant 0 : i32
        %dma_start3A_331 = arith.constant 0 : i32
        %dma_start3A_332 = tpu.memref_slice %arg12[%dma_start3A_330, %dma_start3A_331] : memref<10112x128xf32, #tpu.memory_space<vmem_shared>> -> memref<10112x128xf32, #tpu.memory_space<vmem_shared>>
        tpu.enqueue_indirect_dma source(%arg11 : memref<128x128xf32, #tpu.memory_space<vmem>>) target(%dma_start3A_332 : memref<10112x128xf32, #tpu.memory_space<vmem_shared>>) offsets(%dma_start3A_329 : memref<128xi32, #tpu.memory_space<vmem>>) semaphore(%run_scoped3A_326 : memref<!tpu.dma_semaphore, #tpu.memory_space<semaphore_mem>>) {add = true}
        %dma_wait3A_333 = arith.constant 0 : i32
        %dma_wait3A_334 = tpu.memref_slice %arg8[%run_scoped3A_128, %dma_wait3A_333] : memref<8x128xi32, #tpu.memory_space<vmem>> -> memref<1x128xi32, #tpu.memory_space<vmem>>
        %dma_wait3A_335 = tpu.memref_squeeze %dma_wait3A_334 : memref<1x128xi32, #tpu.memory_space<vmem>> -> memref<128xi32, #tpu.memory_space<vmem>>
        %dma_wait3A_336 = arith.constant 0 : i32
        %dma_wait3A_337 = arith.constant 0 : i32
        %dma_wait3A_338 = tpu.memref_slice %arg12[%dma_wait3A_336, %dma_wait3A_337] : memref<10112x128xf32, #tpu.memory_space<vmem_shared>> -> memref<10112x128xf32, #tpu.memory_space<vmem_shared>>
        tpu.wait_indirect_dma semaphore(%run_scoped3A_326 : memref<!tpu.dma_semaphore, #tpu.memory_space<semaphore_mem>>) src(%arg11 : memref<128x128xf32, #tpu.memory_space<vmem>>) dst(%dma_wait3A_338 : memref<10112x128xf32, #tpu.memory_space<vmem_shared>>)
        tpu.yield
      }) : () -> ()
      %dma_start3A_129 = arith.constant 5 : i32
      %dma_start3A_130 = arith.constant 0 : i32
      %dma_start3A_131 = tpu.memref_slice %arg6[%dma_start3A_129, %dma_start3A_130] : memref<8x128xi32, #tpu.memory_space<vmem>> -> memref<1x128xi32, #tpu.memory_space<vmem>>
      %dma_start3A_132 = tpu.memref_squeeze %dma_start3A_131 : memref<1x128xi32, #tpu.memory_space<vmem>> -> memref<128xi32, #tpu.memory_space<vmem>>
      %dma_start3A_133 = arith.constant 0 : i32
      %dma_start3A_134 = arith.constant 0 : i32
      %dma_start3A_135 = tpu.memref_slice %arg2[%dma_start3A_133, %dma_start3A_134] : memref<10000x128xf32, #tpu.memory_space<hbm>> -> memref<10000x128xf32, #tpu.memory_space<hbm>>
      tpu.enqueue_indirect_dma source(%dma_start3A_135 : memref<10000x128xf32, #tpu.memory_space<hbm>>) target(%arg11 : memref<128x128xf32, #tpu.memory_space<vmem>>) offsets(%dma_start3A_132 : memref<128xi32, #tpu.memory_space<vmem>>) semaphore(%arg16 : memref<!tpu.dma_semaphore, #tpu.memory_space<semaphore_mem>>)
      %dma_wait3A_136 = arith.constant 4 : i32
      %dma_wait3A_137 = arith.constant 0 : i32
      %dma_wait3A_138 = tpu.memref_slice %arg6[%dma_wait3A_136, %dma_wait3A_137] : memref<8x128xi32, #tpu.memory_space<vmem>> -> memref<1x128xi32, #tpu.memory_space<vmem>>
      %dma_wait3A_139 = tpu.memref_squeeze %dma_wait3A_138 : memref<1x128xi32, #tpu.memory_space<vmem>> -> memref<128xi32, #tpu.memory_space<vmem>>
      %dma_wait3A_140 = arith.constant 0 : i32
      %dma_wait3A_141 = arith.constant 0 : i32
      %dma_wait3A_142 = tpu.memref_slice %arg2[%dma_wait3A_140, %dma_wait3A_141] : memref<10000x128xf32, #tpu.memory_space<hbm>> -> memref<10000x128xf32, #tpu.memory_space<hbm>>
      tpu.wait_indirect_dma semaphore(%arg15 : memref<!tpu.dma_semaphore, #tpu.memory_space<semaphore_mem>>) src(%dma_wait3A_142 : memref<10000x128xf32, #tpu.memory_space<hbm>>) dst(%arg10 : memref<128x128xf32, #tpu.memory_space<vmem>>)
      %run_scoped3A_143 = arith.constant 4 : i32
      "tpu.region"() ({
        %run_scoped3A_326 = tpu.sem_alloc : memref<!tpu.dma_semaphore, #tpu.memory_space<semaphore_mem>>
        %dma_start3A_327 = arith.constant 0 : i32
        %dma_start3A_328 = tpu.memref_slice %arg8[%run_scoped3A_143, %dma_start3A_327] : memref<8x128xi32, #tpu.memory_space<vmem>> -> memref<1x128xi32, #tpu.memory_space<vmem>>
        %dma_start3A_329 = tpu.memref_squeeze %dma_start3A_328 : memref<1x128xi32, #tpu.memory_space<vmem>> -> memref<128xi32, #tpu.memory_space<vmem>>
        %dma_start3A_330 = arith.constant 0 : i32
        %dma_start3A_331 = arith.constant 0 : i32
        %dma_start3A_332 = tpu.memref_slice %arg12[%dma_start3A_330, %dma_start3A_331] : memref<10112x128xf32, #tpu.memory_space<vmem_shared>> -> memref<10112x128xf32, #tpu.memory_space<vmem_shared>>
        tpu.enqueue_indirect_dma source(%arg10 : memref<128x128xf32, #tpu.memory_space<vmem>>) target(%dma_start3A_332 : memref<10112x128xf32, #tpu.memory_space<vmem_shared>>) offsets(%dma_start3A_329 : memref<128xi32, #tpu.memory_space<vmem>>) semaphore(%run_scoped3A_326 : memref<!tpu.dma_semaphore, #tpu.memory_space<semaphore_mem>>) {add = true}
        %dma_wait3A_333 = arith.constant 0 : i32
        %dma_wait3A_334 = tpu.memref_slice %arg8[%run_scoped3A_143, %dma_wait3A_333] : memref<8x128xi32, #tpu.memory_space<vmem>> -> memref<1x128xi32, #tpu.memory_space<vmem>>
        %dma_wait3A_335 = tpu.memref_squeeze %dma_wait3A_334 : memref<1x128xi32, #tpu.memory_space<vmem>> -> memref<128xi32, #tpu.memory_space<vmem>>
        %dma_wait3A_336 = arith.constant 0 : i32
        %dma_wait3A_337 = arith.constant 0 : i32
        %dma_wait3A_338 = tpu.memref_slice %arg12[%dma_wait3A_336, %dma_wait3A_337] : memref<10112x128xf32, #tpu.memory_space<vmem_shared>> -> memref<10112x128xf32, #tpu.memory_space<vmem_shared>>
        tpu.wait_indirect_dma semaphore(%run_scoped3A_326 : memref<!tpu.dma_semaphore, #tpu.memory_space<semaphore_mem>>) src(%arg10 : memref<128x128xf32, #tpu.memory_space<vmem>>) dst(%dma_wait3A_338 : memref<10112x128xf32, #tpu.memory_space<vmem_shared>>)
        tpu.yield
      }) : () -> ()
      %dma_start3A_144 = arith.constant 6 : i32
      %dma_start3A_145 = arith.constant 0 : i32
      %dma_start3A_146 = tpu.memref_slice %arg6[%dma_start3A_144, %dma_start3A_145] : memref<8x128xi32, #tpu.memory_space<vmem>> -> memref<1x128xi32, #tpu.memory_space<vmem>>
      %dma_start3A_147 = tpu.memref_squeeze %dma_start3A_146 : memref<1x128xi32, #tpu.memory_space<vmem>> -> memref<128xi32, #tpu.memory_space<vmem>>
      %dma_start3A_148 = arith.constant 0 : i32
      %dma_start3A_149 = arith.constant 0 : i32
      %dma_start3A_150 = tpu.memref_slice %arg2[%dma_start3A_148, %dma_start3A_149] : memref<10000x128xf32, #tpu.memory_space<hbm>> -> memref<10000x128xf32, #tpu.memory_space<hbm>>
      tpu.enqueue_indirect_dma source(%dma_start3A_150 : memref<10000x128xf32, #tpu.memory_space<hbm>>) target(%arg10 : memref<128x128xf32, #tpu.memory_space<vmem>>) offsets(%dma_start3A_147 : memref<128xi32, #tpu.memory_space<vmem>>) semaphore(%arg15 : memref<!tpu.dma_semaphore, #tpu.memory_space<semaphore_mem>>)
      %dma_wait3A_151 = arith.constant 5 : i32
      %dma_wait3A_152 = arith.constant 0 : i32
      %dma_wait3A_153 = tpu.memref_slice %arg6[%dma_wait3A_151, %dma_wait3A_152] : memref<8x128xi32, #tpu.memory_space<vmem>> -> memref<1x128xi32, #tpu.memory_space<vmem>>
      %dma_wait3A_154 = tpu.memref_squeeze %dma_wait3A_153 : memref<1x128xi32, #tpu.memory_space<vmem>> -> memref<128xi32, #tpu.memory_space<vmem>>
      %dma_wait3A_155 = arith.constant 0 : i32
      %dma_wait3A_156 = arith.constant 0 : i32
      %dma_wait3A_157 = tpu.memref_slice %arg2[%dma_wait3A_155, %dma_wait3A_156] : memref<10000x128xf32, #tpu.memory_space<hbm>> -> memref<10000x128xf32, #tpu.memory_space<hbm>>
      tpu.wait_indirect_dma semaphore(%arg16 : memref<!tpu.dma_semaphore, #tpu.memory_space<semaphore_mem>>) src(%dma_wait3A_157 : memref<10000x128xf32, #tpu.memory_space<hbm>>) dst(%arg11 : memref<128x128xf32, #tpu.memory_space<vmem>>)
      %run_scoped3A_158 = arith.constant 5 : i32
      "tpu.region"() ({
        %run_scoped3A_326 = tpu.sem_alloc : memref<!tpu.dma_semaphore, #tpu.memory_space<semaphore_mem>>
        %dma_start3A_327 = arith.constant 0 : i32
        %dma_start3A_328 = tpu.memref_slice %arg8[%run_scoped3A_158, %dma_start3A_327] : memref<8x128xi32, #tpu.memory_space<vmem>> -> memref<1x128xi32, #tpu.memory_space<vmem>>
        %dma_start3A_329 = tpu.memref_squeeze %dma_start3A_328 : memref<1x128xi32, #tpu.memory_space<vmem>> -> memref<128xi32, #tpu.memory_space<vmem>>
        %dma_start3A_330 = arith.constant 0 : i32
        %dma_start3A_331 = arith.constant 0 : i32
        %dma_start3A_332 = tpu.memref_slice %arg12[%dma_start3A_330, %dma_start3A_331] : memref<10112x128xf32, #tpu.memory_space<vmem_shared>> -> memref<10112x128xf32, #tpu.memory_space<vmem_shared>>
        tpu.enqueue_indirect_dma source(%arg11 : memref<128x128xf32, #tpu.memory_space<vmem>>) target(%dma_start3A_332 : memref<10112x128xf32, #tpu.memory_space<vmem_shared>>) offsets(%dma_start3A_329 : memref<128xi32, #tpu.memory_space<vmem>>) semaphore(%run_scoped3A_326 : memref<!tpu.dma_semaphore, #tpu.memory_space<semaphore_mem>>) {add = true}
        %dma_wait3A_333 = arith.constant 0 : i32
        %dma_wait3A_334 = tpu.memref_slice %arg8[%run_scoped3A_158, %dma_wait3A_333] : memref<8x128xi32, #tpu.memory_space<vmem>> -> memref<1x128xi32, #tpu.memory_space<vmem>>
        %dma_wait3A_335 = tpu.memref_squeeze %dma_wait3A_334 : memref<1x128xi32, #tpu.memory_space<vmem>> -> memref<128xi32, #tpu.memory_space<vmem>>
        %dma_wait3A_336 = arith.constant 0 : i32
        %dma_wait3A_337 = arith.constant 0 : i32
        %dma_wait3A_338 = tpu.memref_slice %arg12[%dma_wait3A_336, %dma_wait3A_337] : memref<10112x128xf32, #tpu.memory_space<vmem_shared>> -> memref<10112x128xf32, #tpu.memory_space<vmem_shared>>
        tpu.wait_indirect_dma semaphore(%run_scoped3A_326 : memref<!tpu.dma_semaphore, #tpu.memory_space<semaphore_mem>>) src(%arg11 : memref<128x128xf32, #tpu.memory_space<vmem>>) dst(%dma_wait3A_338 : memref<10112x128xf32, #tpu.memory_space<vmem_shared>>)
        tpu.yield
      }) : () -> ()
      %dma_start3A_159 = arith.constant 7 : i32
      %dma_start3A_160 = arith.constant 0 : i32
      %dma_start3A_161 = tpu.memref_slice %arg6[%dma_start3A_159, %dma_start3A_160] : memref<8x128xi32, #tpu.memory_space<vmem>> -> memref<1x128xi32, #tpu.memory_space<vmem>>
      %dma_start3A_162 = tpu.memref_squeeze %dma_start3A_161 : memref<1x128xi32, #tpu.memory_space<vmem>> -> memref<128xi32, #tpu.memory_space<vmem>>
      %dma_start3A_163 = arith.constant 0 : i32
      %dma_start3A_164 = arith.constant 0 : i32
      %dma_start3A_165 = tpu.memref_slice %arg2[%dma_start3A_163, %dma_start3A_164] : memref<10000x128xf32, #tpu.memory_space<hbm>> -> memref<10000x128xf32, #tpu.memory_space<hbm>>
      tpu.enqueue_indirect_dma source(%dma_start3A_165 : memref<10000x128xf32, #tpu.memory_space<hbm>>) target(%arg11 : memref<128x128xf32, #tpu.memory_space<vmem>>) offsets(%dma_start3A_162 : memref<128xi32, #tpu.memory_space<vmem>>) semaphore(%arg16 : memref<!tpu.dma_semaphore, #tpu.memory_space<semaphore_mem>>)
      %dma_wait3A_166 = arith.constant 6 : i32
      %dma_wait3A_167 = arith.constant 0 : i32
      %dma_wait3A_168 = tpu.memref_slice %arg6[%dma_wait3A_166, %dma_wait3A_167] : memref<8x128xi32, #tpu.memory_space<vmem>> -> memref<1x128xi32, #tpu.memory_space<vmem>>
      %dma_wait3A_169 = tpu.memref_squeeze %dma_wait3A_168 : memref<1x128xi32, #tpu.memory_space<vmem>> -> memref<128xi32, #tpu.memory_space<vmem>>
      %dma_wait3A_170 = arith.constant 0 : i32
      %dma_wait3A_171 = arith.constant 0 : i32
      %dma_wait3A_172 = tpu.memref_slice %arg2[%dma_wait3A_170, %dma_wait3A_171] : memref<10000x128xf32, #tpu.memory_space<hbm>> -> memref<10000x128xf32, #tpu.memory_space<hbm>>
      tpu.wait_indirect_dma semaphore(%arg15 : memref<!tpu.dma_semaphore, #tpu.memory_space<semaphore_mem>>) src(%dma_wait3A_172 : memref<10000x128xf32, #tpu.memory_space<hbm>>) dst(%arg10 : memref<128x128xf32, #tpu.memory_space<vmem>>)
      %run_scoped3A_173 = arith.constant 6 : i32
      "tpu.region"() ({
        %run_scoped3A_326 = tpu.sem_alloc : memref<!tpu.dma_semaphore, #tpu.memory_space<semaphore_mem>>
        %dma_start3A_327 = arith.constant 0 : i32
        %dma_start3A_328 = tpu.memref_slice %arg8[%run_scoped3A_173, %dma_start3A_327] : memref<8x128xi32, #tpu.memory_space<vmem>> -> memref<1x128xi32, #tpu.memory_space<vmem>>
        %dma_start3A_329 = tpu.memref_squeeze %dma_start3A_328 : memref<1x128xi32, #tpu.memory_space<vmem>> -> memref<128xi32, #tpu.memory_space<vmem>>
        %dma_start3A_330 = arith.constant 0 : i32
        %dma_start3A_331 = arith.constant 0 : i32
        %dma_start3A_332 = tpu.memref_slice %arg12[%dma_start3A_330, %dma_start3A_331] : memref<10112x128xf32, #tpu.memory_space<vmem_shared>> -> memref<10112x128xf32, #tpu.memory_space<vmem_shared>>
        tpu.enqueue_indirect_dma source(%arg10 : memref<128x128xf32, #tpu.memory_space<vmem>>) target(%dma_start3A_332 : memref<10112x128xf32, #tpu.memory_space<vmem_shared>>) offsets(%dma_start3A_329 : memref<128xi32, #tpu.memory_space<vmem>>) semaphore(%run_scoped3A_326 : memref<!tpu.dma_semaphore, #tpu.memory_space<semaphore_mem>>) {add = true}
        %dma_wait3A_333 = arith.constant 0 : i32
        %dma_wait3A_334 = tpu.memref_slice %arg8[%run_scoped3A_173, %dma_wait3A_333] : memref<8x128xi32, #tpu.memory_space<vmem>> -> memref<1x128xi32, #tpu.memory_space<vmem>>
        %dma_wait3A_335 = tpu.memref_squeeze %dma_wait3A_334 : memref<1x128xi32, #tpu.memory_space<vmem>> -> memref<128xi32, #tpu.memory_space<vmem>>
        %dma_wait3A_336 = arith.constant 0 : i32
        %dma_wait3A_337 = arith.constant 0 : i32
        %dma_wait3A_338 = tpu.memref_slice %arg12[%dma_wait3A_336, %dma_wait3A_337] : memref<10112x128xf32, #tpu.memory_space<vmem_shared>> -> memref<10112x128xf32, #tpu.memory_space<vmem_shared>>
        tpu.wait_indirect_dma semaphore(%run_scoped3A_326 : memref<!tpu.dma_semaphore, #tpu.memory_space<semaphore_mem>>) src(%arg10 : memref<128x128xf32, #tpu.memory_space<vmem>>) dst(%dma_wait3A_338 : memref<10112x128xf32, #tpu.memory_space<vmem_shared>>)
        tpu.yield
      }) : () -> ()
      %dma_wait3A_174 = arith.constant 7 : i32
      %dma_wait3A_175 = arith.constant 0 : i32
      %dma_wait3A_176 = tpu.memref_slice %arg6[%dma_wait3A_174, %dma_wait3A_175] : memref<8x128xi32, #tpu.memory_space<vmem>> -> memref<1x128xi32, #tpu.memory_space<vmem>>
      %dma_wait3A_177 = tpu.memref_squeeze %dma_wait3A_176 : memref<1x128xi32, #tpu.memory_space<vmem>> -> memref<128xi32, #tpu.memory_space<vmem>>
      %dma_wait3A_178 = arith.constant 0 : i32
      %dma_wait3A_179 = arith.constant 0 : i32
      %dma_wait3A_180 = tpu.memref_slice %arg2[%dma_wait3A_178, %dma_wait3A_179] : memref<10000x128xf32, #tpu.memory_space<hbm>> -> memref<10000x128xf32, #tpu.memory_space<hbm>>
      tpu.wait_indirect_dma semaphore(%arg16 : memref<!tpu.dma_semaphore, #tpu.memory_space<semaphore_mem>>) src(%dma_wait3A_180 : memref<10000x128xf32, #tpu.memory_space<hbm>>) dst(%arg11 : memref<128x128xf32, #tpu.memory_space<vmem>>)
      %run_scoped3A_181 = arith.constant 7 : i32
      "tpu.region"() ({
        %run_scoped3A_326 = tpu.sem_alloc : memref<!tpu.dma_semaphore, #tpu.memory_space<semaphore_mem>>
        %dma_start3A_327 = arith.constant 0 : i32
        %dma_start3A_328 = tpu.memref_slice %arg8[%run_scoped3A_181, %dma_start3A_327] : memref<8x128xi32, #tpu.memory_space<vmem>> -> memref<1x128xi32, #tpu.memory_space<vmem>>
        %dma_start3A_329 = tpu.memref_squeeze %dma_start3A_328 : memref<1x128xi32, #tpu.memory_space<vmem>> -> memref<128xi32, #tpu.memory_space<vmem>>
        %dma_start3A_330 = arith.constant 0 : i32
        %dma_start3A_331 = arith.constant 0 : i32
        %dma_start3A_332 = tpu.memref_slice %arg12[%dma_start3A_330, %dma_start3A_331] : memref<10112x128xf32, #tpu.memory_space<vmem_shared>> -> memref<10112x128xf32, #tpu.memory_space<vmem_shared>>
        tpu.enqueue_indirect_dma source(%arg11 : memref<128x128xf32, #tpu.memory_space<vmem>>) target(%dma_start3A_332 : memref<10112x128xf32, #tpu.memory_space<vmem_shared>>) offsets(%dma_start3A_329 : memref<128xi32, #tpu.memory_space<vmem>>) semaphore(%run_scoped3A_326 : memref<!tpu.dma_semaphore, #tpu.memory_space<semaphore_mem>>) {add = true}
        %dma_wait3A_333 = arith.constant 0 : i32
        %dma_wait3A_334 = tpu.memref_slice %arg8[%run_scoped3A_181, %dma_wait3A_333] : memref<8x128xi32, #tpu.memory_space<vmem>> -> memref<1x128xi32, #tpu.memory_space<vmem>>
        %dma_wait3A_335 = tpu.memref_squeeze %dma_wait3A_334 : memref<1x128xi32, #tpu.memory_space<vmem>> -> memref<128xi32, #tpu.memory_space<vmem>>
        %dma_wait3A_336 = arith.constant 0 : i32
        %dma_wait3A_337 = arith.constant 0 : i32
        %dma_wait3A_338 = tpu.memref_slice %arg12[%dma_wait3A_336, %dma_wait3A_337] : memref<10112x128xf32, #tpu.memory_space<vmem_shared>> -> memref<10112x128xf32, #tpu.memory_space<vmem_shared>>
        tpu.wait_indirect_dma semaphore(%run_scoped3A_326 : memref<!tpu.dma_semaphore, #tpu.memory_space<semaphore_mem>>) src(%arg11 : memref<128x128xf32, #tpu.memory_space<vmem>>) dst(%dma_wait3A_338 : memref<10112x128xf32, #tpu.memory_space<vmem_shared>>)
        tpu.yield
      }) : () -> ()
      %add3A_182 = arith.constant 2 : i32
      %add3A_183 = arith.addi %add3A_52, %add3A_182 : i32
      %lt3A = arith.constant 10 : i32
      %lt3A_184 = arith.cmpi slt, %add3A_183, %lt3A : i32
      %convert_element_type3A = arith.extui %lt3A_184 : i1 to i32
      %cond3A = arith.constant 0 : i32
      %cond3A_185 = arith.cmpi ne, %convert_element_type3A, %cond3A : i32
      scf.if %cond3A_185 {
        %add3A_326 = arith.constant 2 : i32
        %add3A_327 = arith.addi %add3A_52, %add3A_326 : i32
        %mul3A_328 = arith.constant 8 : i32
        %mul3A_329 = arith.muli %add3A_327, %mul3A_328 : i32
        %add3A_330 = arith.addi %mul3A_4, %mul3A_329 : i32
        %dma_start3A_331 = arith.constant 0 : i32
        %dma_start3A_332 = tpu.memref_slice %arg4[%add3A_330, %dma_start3A_331] : memref<2560x128xi32, #tpu.memory_space<hbm>> -> memref<8x128xi32, #tpu.memory_space<hbm>>
        %dma_start3A_333 = arith.constant 0 : i32
        %dma_start3A_334 = tpu.memref_slice %arg4[%add3A_330, %dma_start3A_333] : memref<2560x128xi32, #tpu.memory_space<hbm>> -> memref<8x128xi32, #tpu.memory_space<hbm>>
        tpu.enqueue_dma source(%dma_start3A_334 : memref<8x128xi32, #tpu.memory_space<hbm>>) target(%arg6 : memref<8x128xi32, #tpu.memory_space<vmem>>) target_semaphore(%arg13 : memref<!tpu.dma_semaphore, #tpu.memory_space<semaphore_mem>>)
        %dma_start3A_335 = arith.constant 0 : i32
        %dma_start3A_336 = tpu.memref_slice %arg3[%add3A_330, %dma_start3A_335] : memref<2560x128xi32, #tpu.memory_space<hbm>> -> memref<8x128xi32, #tpu.memory_space<hbm>>
        %dma_start3A_337 = arith.constant 0 : i32
        %dma_start3A_338 = tpu.memref_slice %arg3[%add3A_330, %dma_start3A_337] : memref<2560x128xi32, #tpu.memory_space<hbm>> -> memref<8x128xi32, #tpu.memory_space<hbm>>
        tpu.enqueue_dma source(%dma_start3A_338 : memref<8x128xi32, #tpu.memory_space<hbm>>) target(%arg8 : memref<8x128xi32, #tpu.memory_space<vmem>>) target_semaphore(%arg13 : memref<!tpu.dma_semaphore, #tpu.memory_space<semaphore_mem>>)
      } else {
      }
      %add3A_186 = arith.constant 1 : i32
      %add3A_187 = arith.addi %add3A_52, %add3A_186 : i32
      %mul3A_188 = arith.constant 8 : i32
      %mul3A_189 = arith.muli %add3A_187, %mul3A_188 : i32
      %add3A_190 = arith.addi %mul3A_4, %mul3A_189 : i32
      %dma_wait3A_191 = arith.constant 0 : i32
      %dma_wait3A_192 = tpu.memref_slice %arg4[%add3A_190, %dma_wait3A_191] : memref<2560x128xi32, #tpu.memory_space<hbm>> -> memref<8x128xi32, #tpu.memory_space<hbm>>
      %dma_wait3A_193 = arith.constant 0 : i32
      %dma_wait3A_194 = tpu.memref_slice %arg4[%add3A_190, %dma_wait3A_193] : memref<2560x128xi32, #tpu.memory_space<hbm>> -> memref<8x128xi32, #tpu.memory_space<hbm>>
      tpu.wait_dma2 semaphore(%arg14 : memref<!tpu.dma_semaphore, #tpu.memory_space<semaphore_mem>>) src(%dma_wait3A_194 : memref<8x128xi32, #tpu.memory_space<hbm>>) dst(%arg7 : memref<8x128xi32, #tpu.memory_space<vmem>>)
      %dma_wait3A_195 = arith.constant 0 : i32
      %dma_wait3A_196 = tpu.memref_slice %arg3[%add3A_190, %dma_wait3A_195] : memref<2560x128xi32, #tpu.memory_space<hbm>> -> memref<8x128xi32, #tpu.memory_space<hbm>>
      %dma_wait3A_197 = arith.constant 0 : i32
      %dma_wait3A_198 = tpu.memref_slice %arg3[%add3A_190, %dma_wait3A_197] : memref<2560x128xi32, #tpu.memory_space<hbm>> -> memref<8x128xi32, #tpu.memory_space<hbm>>
      tpu.wait_dma2 semaphore(%arg14 : memref<!tpu.dma_semaphore, #tpu.memory_space<semaphore_mem>>) src(%dma_wait3A_198 : memref<8x128xi32, #tpu.memory_space<hbm>>) dst(%arg9 : memref<8x128xi32, #tpu.memory_space<vmem>>)
      %dma_start3A_199 = arith.constant 0 : i32
      %dma_start3A_200 = arith.constant 0 : i32
      %dma_start3A_201 = tpu.memref_slice %arg7[%dma_start3A_199, %dma_start3A_200] : memref<8x128xi32, #tpu.memory_space<vmem>> -> memref<1x128xi32, #tpu.memory_space<vmem>>
      %dma_start3A_202 = tpu.memref_squeeze %dma_start3A_201 : memref<1x128xi32, #tpu.memory_space<vmem>> -> memref<128xi32, #tpu.memory_space<vmem>>
      %dma_start3A_203 = arith.constant 0 : i32
      %dma_start3A_204 = arith.constant 0 : i32
      %dma_start3A_205 = tpu.memref_slice %arg2[%dma_start3A_203, %dma_start3A_204] : memref<10000x128xf32, #tpu.memory_space<hbm>> -> memref<10000x128xf32, #tpu.memory_space<hbm>>
      tpu.enqueue_indirect_dma source(%dma_start3A_205 : memref<10000x128xf32, #tpu.memory_space<hbm>>) target(%arg10 : memref<128x128xf32, #tpu.memory_space<vmem>>) offsets(%dma_start3A_202 : memref<128xi32, #tpu.memory_space<vmem>>) semaphore(%arg15 : memref<!tpu.dma_semaphore, #tpu.memory_space<semaphore_mem>>)
      %dma_start3A_206 = arith.constant 1 : i32
      %dma_start3A_207 = arith.constant 0 : i32
      %dma_start3A_208 = tpu.memref_slice %arg7[%dma_start3A_206, %dma_start3A_207] : memref<8x128xi32, #tpu.memory_space<vmem>> -> memref<1x128xi32, #tpu.memory_space<vmem>>
      %dma_start3A_209 = tpu.memref_squeeze %dma_start3A_208 : memref<1x128xi32, #tpu.memory_space<vmem>> -> memref<128xi32, #tpu.memory_space<vmem>>
      %dma_start3A_210 = arith.constant 0 : i32
      %dma_start3A_211 = arith.constant 0 : i32
      %dma_start3A_212 = tpu.memref_slice %arg2[%dma_start3A_210, %dma_start3A_211] : memref<10000x128xf32, #tpu.memory_space<hbm>> -> memref<10000x128xf32, #tpu.memory_space<hbm>>
      tpu.enqueue_indirect_dma source(%dma_start3A_212 : memref<10000x128xf32, #tpu.memory_space<hbm>>) target(%arg11 : memref<128x128xf32, #tpu.memory_space<vmem>>) offsets(%dma_start3A_209 : memref<128xi32, #tpu.memory_space<vmem>>) semaphore(%arg16 : memref<!tpu.dma_semaphore, #tpu.memory_space<semaphore_mem>>)
      %dma_wait3A_213 = arith.constant 0 : i32
      %dma_wait3A_214 = arith.constant 0 : i32
      %dma_wait3A_215 = tpu.memref_slice %arg7[%dma_wait3A_213, %dma_wait3A_214] : memref<8x128xi32, #tpu.memory_space<vmem>> -> memref<1x128xi32, #tpu.memory_space<vmem>>
      %dma_wait3A_216 = tpu.memref_squeeze %dma_wait3A_215 : memref<1x128xi32, #tpu.memory_space<vmem>> -> memref<128xi32, #tpu.memory_space<vmem>>
      %dma_wait3A_217 = arith.constant 0 : i32
      %dma_wait3A_218 = arith.constant 0 : i32
      %dma_wait3A_219 = tpu.memref_slice %arg2[%dma_wait3A_217, %dma_wait3A_218] : memref<10000x128xf32, #tpu.memory_space<hbm>> -> memref<10000x128xf32, #tpu.memory_space<hbm>>
      tpu.wait_indirect_dma semaphore(%arg15 : memref<!tpu.dma_semaphore, #tpu.memory_space<semaphore_mem>>) src(%dma_wait3A_219 : memref<10000x128xf32, #tpu.memory_space<hbm>>) dst(%arg10 : memref<128x128xf32, #tpu.memory_space<vmem>>)
      %run_scoped3A_220 = arith.constant 0 : i32
      "tpu.region"() ({
        %run_scoped3A_326 = tpu.sem_alloc : memref<!tpu.dma_semaphore, #tpu.memory_space<semaphore_mem>>
        %dma_start3A_327 = arith.constant 0 : i32
        %dma_start3A_328 = tpu.memref_slice %arg9[%run_scoped3A_220, %dma_start3A_327] : memref<8x128xi32, #tpu.memory_space<vmem>> -> memref<1x128xi32, #tpu.memory_space<vmem>>
        %dma_start3A_329 = tpu.memref_squeeze %dma_start3A_328 : memref<1x128xi32, #tpu.memory_space<vmem>> -> memref<128xi32, #tpu.memory_space<vmem>>
        %dma_start3A_330 = arith.constant 0 : i32
        %dma_start3A_331 = arith.constant 0 : i32
        %dma_start3A_332 = tpu.memref_slice %arg12[%dma_start3A_330, %dma_start3A_331] : memref<10112x128xf32, #tpu.memory_space<vmem_shared>> -> memref<10112x128xf32, #tpu.memory_space<vmem_shared>>
        tpu.enqueue_indirect_dma source(%arg10 : memref<128x128xf32, #tpu.memory_space<vmem>>) target(%dma_start3A_332 : memref<10112x128xf32, #tpu.memory_space<vmem_shared>>) offsets(%dma_start3A_329 : memref<128xi32, #tpu.memory_space<vmem>>) semaphore(%run_scoped3A_326 : memref<!tpu.dma_semaphore, #tpu.memory_space<semaphore_mem>>) {add = true}
        %dma_wait3A_333 = arith.constant 0 : i32
        %dma_wait3A_334 = tpu.memref_slice %arg9[%run_scoped3A_220, %dma_wait3A_333] : memref<8x128xi32, #tpu.memory_space<vmem>> -> memref<1x128xi32, #tpu.memory_space<vmem>>
        %dma_wait3A_335 = tpu.memref_squeeze %dma_wait3A_334 : memref<1x128xi32, #tpu.memory_space<vmem>> -> memref<128xi32, #tpu.memory_space<vmem>>
        %dma_wait3A_336 = arith.constant 0 : i32
        %dma_wait3A_337 = arith.constant 0 : i32
        %dma_wait3A_338 = tpu.memref_slice %arg12[%dma_wait3A_336, %dma_wait3A_337] : memref<10112x128xf32, #tpu.memory_space<vmem_shared>> -> memref<10112x128xf32, #tpu.memory_space<vmem_shared>>
        tpu.wait_indirect_dma semaphore(%run_scoped3A_326 : memref<!tpu.dma_semaphore, #tpu.memory_space<semaphore_mem>>) src(%arg10 : memref<128x128xf32, #tpu.memory_space<vmem>>) dst(%dma_wait3A_338 : memref<10112x128xf32, #tpu.memory_space<vmem_shared>>)
        tpu.yield
      }) : () -> ()
      %dma_start3A_221 = arith.constant 2 : i32
      %dma_start3A_222 = arith.constant 0 : i32
      %dma_start3A_223 = tpu.memref_slice %arg7[%dma_start3A_221, %dma_start3A_222] : memref<8x128xi32, #tpu.memory_space<vmem>> -> memref<1x128xi32, #tpu.memory_space<vmem>>
      %dma_start3A_224 = tpu.memref_squeeze %dma_start3A_223 : memref<1x128xi32, #tpu.memory_space<vmem>> -> memref<128xi32, #tpu.memory_space<vmem>>
      %dma_start3A_225 = arith.constant 0 : i32
      %dma_start3A_226 = arith.constant 0 : i32
      %dma_start3A_227 = tpu.memref_slice %arg2[%dma_start3A_225, %dma_start3A_226] : memref<10000x128xf32, #tpu.memory_space<hbm>> -> memref<10000x128xf32, #tpu.memory_space<hbm>>
      tpu.enqueue_indirect_dma source(%dma_start3A_227 : memref<10000x128xf32, #tpu.memory_space<hbm>>) target(%arg10 : memref<128x128xf32, #tpu.memory_space<vmem>>) offsets(%dma_start3A_224 : memref<128xi32, #tpu.memory_space<vmem>>) semaphore(%arg15 : memref<!tpu.dma_semaphore, #tpu.memory_space<semaphore_mem>>)
      %dma_wait3A_228 = arith.constant 1 : i32
      %dma_wait3A_229 = arith.constant 0 : i32
      %dma_wait3A_230 = tpu.memref_slice %arg7[%dma_wait3A_228, %dma_wait3A_229] : memref<8x128xi32, #tpu.memory_space<vmem>> -> memref<1x128xi32, #tpu.memory_space<vmem>>
      %dma_wait3A_231 = tpu.memref_squeeze %dma_wait3A_230 : memref<1x128xi32, #tpu.memory_space<vmem>> -> memref<128xi32, #tpu.memory_space<vmem>>
      %dma_wait3A_232 = arith.constant 0 : i32
      %dma_wait3A_233 = arith.constant 0 : i32
      %dma_wait3A_234 = tpu.memref_slice %arg2[%dma_wait3A_232, %dma_wait3A_233] : memref<10000x128xf32, #tpu.memory_space<hbm>> -> memref<10000x128xf32, #tpu.memory_space<hbm>>
      tpu.wait_indirect_dma semaphore(%arg16 : memref<!tpu.dma_semaphore, #tpu.memory_space<semaphore_mem>>) src(%dma_wait3A_234 : memref<10000x128xf32, #tpu.memory_space<hbm>>) dst(%arg11 : memref<128x128xf32, #tpu.memory_space<vmem>>)
      %run_scoped3A_235 = arith.constant 1 : i32
      "tpu.region"() ({
        %run_scoped3A_326 = tpu.sem_alloc : memref<!tpu.dma_semaphore, #tpu.memory_space<semaphore_mem>>
        %dma_start3A_327 = arith.constant 0 : i32
        %dma_start3A_328 = tpu.memref_slice %arg9[%run_scoped3A_235, %dma_start3A_327] : memref<8x128xi32, #tpu.memory_space<vmem>> -> memref<1x128xi32, #tpu.memory_space<vmem>>
        %dma_start3A_329 = tpu.memref_squeeze %dma_start3A_328 : memref<1x128xi32, #tpu.memory_space<vmem>> -> memref<128xi32, #tpu.memory_space<vmem>>
        %dma_start3A_330 = arith.constant 0 : i32
        %dma_start3A_331 = arith.constant 0 : i32
        %dma_start3A_332 = tpu.memref_slice %arg12[%dma_start3A_330, %dma_start3A_331] : memref<10112x128xf32, #tpu.memory_space<vmem_shared>> -> memref<10112x128xf32, #tpu.memory_space<vmem_shared>>
        tpu.enqueue_indirect_dma source(%arg11 : memref<128x128xf32, #tpu.memory_space<vmem>>) target(%dma_start3A_332 : memref<10112x128xf32, #tpu.memory_space<vmem_shared>>) offsets(%dma_start3A_329 : memref<128xi32, #tpu.memory_space<vmem>>) semaphore(%run_scoped3A_326 : memref<!tpu.dma_semaphore, #tpu.memory_space<semaphore_mem>>) {add = true}
        %dma_wait3A_333 = arith.constant 0 : i32
        %dma_wait3A_334 = tpu.memref_slice %arg9[%run_scoped3A_235, %dma_wait3A_333] : memref<8x128xi32, #tpu.memory_space<vmem>> -> memref<1x128xi32, #tpu.memory_space<vmem>>
        %dma_wait3A_335 = tpu.memref_squeeze %dma_wait3A_334 : memref<1x128xi32, #tpu.memory_space<vmem>> -> memref<128xi32, #tpu.memory_space<vmem>>
        %dma_wait3A_336 = arith.constant 0 : i32
        %dma_wait3A_337 = arith.constant 0 : i32
        %dma_wait3A_338 = tpu.memref_slice %arg12[%dma_wait3A_336, %dma_wait3A_337] : memref<10112x128xf32, #tpu.memory_space<vmem_shared>> -> memref<10112x128xf32, #tpu.memory_space<vmem_shared>>
        tpu.wait_indirect_dma semaphore(%run_scoped3A_326 : memref<!tpu.dma_semaphore, #tpu.memory_space<semaphore_mem>>) src(%arg11 : memref<128x128xf32, #tpu.memory_space<vmem>>) dst(%dma_wait3A_338 : memref<10112x128xf32, #tpu.memory_space<vmem_shared>>)
        tpu.yield
      }) : () -> ()
      %dma_start3A_236 = arith.constant 3 : i32
      %dma_start3A_237 = arith.constant 0 : i32
      %dma_start3A_238 = tpu.memref_slice %arg7[%dma_start3A_236, %dma_start3A_237] : memref<8x128xi32, #tpu.memory_space<vmem>> -> memref<1x128xi32, #tpu.memory_space<vmem>>
      %dma_start3A_239 = tpu.memref_squeeze %dma_start3A_238 : memref<1x128xi32, #tpu.memory_space<vmem>> -> memref<128xi32, #tpu.memory_space<vmem>>
      %dma_start3A_240 = arith.constant 0 : i32
      %dma_start3A_241 = arith.constant 0 : i32
      %dma_start3A_242 = tpu.memref_slice %arg2[%dma_start3A_240, %dma_start3A_241] : memref<10000x128xf32, #tpu.memory_space<hbm>> -> memref<10000x128xf32, #tpu.memory_space<hbm>>
      tpu.enqueue_indirect_dma source(%dma_start3A_242 : memref<10000x128xf32, #tpu.memory_space<hbm>>) target(%arg11 : memref<128x128xf32, #tpu.memory_space<vmem>>) offsets(%dma_start3A_239 : memref<128xi32, #tpu.memory_space<vmem>>) semaphore(%arg16 : memref<!tpu.dma_semaphore, #tpu.memory_space<semaphore_mem>>)
      %dma_wait3A_243 = arith.constant 2 : i32
      %dma_wait3A_244 = arith.constant 0 : i32
      %dma_wait3A_245 = tpu.memref_slice %arg7[%dma_wait3A_243, %dma_wait3A_244] : memref<8x128xi32, #tpu.memory_space<vmem>> -> memref<1x128xi32, #tpu.memory_space<vmem>>
      %dma_wait3A_246 = tpu.memref_squeeze %dma_wait3A_245 : memref<1x128xi32, #tpu.memory_space<vmem>> -> memref<128xi32, #tpu.memory_space<vmem>>
      %dma_wait3A_247 = arith.constant 0 : i32
      %dma_wait3A_248 = arith.constant 0 : i32
      %dma_wait3A_249 = tpu.memref_slice %arg2[%dma_wait3A_247, %dma_wait3A_248] : memref<10000x128xf32, #tpu.memory_space<hbm>> -> memref<10000x128xf32, #tpu.memory_space<hbm>>
      tpu.wait_indirect_dma semaphore(%arg15 : memref<!tpu.dma_semaphore, #tpu.memory_space<semaphore_mem>>) src(%dma_wait3A_249 : memref<10000x128xf32, #tpu.memory_space<hbm>>) dst(%arg10 : memref<128x128xf32, #tpu.memory_space<vmem>>)
      %run_scoped3A_250 = arith.constant 2 : i32
      "tpu.region"() ({
        %run_scoped3A_326 = tpu.sem_alloc : memref<!tpu.dma_semaphore, #tpu.memory_space<semaphore_mem>>
        %dma_start3A_327 = arith.constant 0 : i32
        %dma_start3A_328 = tpu.memref_slice %arg9[%run_scoped3A_250, %dma_start3A_327] : memref<8x128xi32, #tpu.memory_space<vmem>> -> memref<1x128xi32, #tpu.memory_space<vmem>>
        %dma_start3A_329 = tpu.memref_squeeze %dma_start3A_328 : memref<1x128xi32, #tpu.memory_space<vmem>> -> memref<128xi32, #tpu.memory_space<vmem>>
        %dma_start3A_330 = arith.constant 0 : i32
        %dma_start3A_331 = arith.constant 0 : i32
        %dma_start3A_332 = tpu.memref_slice %arg12[%dma_start3A_330, %dma_start3A_331] : memref<10112x128xf32, #tpu.memory_space<vmem_shared>> -> memref<10112x128xf32, #tpu.memory_space<vmem_shared>>
        tpu.enqueue_indirect_dma source(%arg10 : memref<128x128xf32, #tpu.memory_space<vmem>>) target(%dma_start3A_332 : memref<10112x128xf32, #tpu.memory_space<vmem_shared>>) offsets(%dma_start3A_329 : memref<128xi32, #tpu.memory_space<vmem>>) semaphore(%run_scoped3A_326 : memref<!tpu.dma_semaphore, #tpu.memory_space<semaphore_mem>>) {add = true}
        %dma_wait3A_333 = arith.constant 0 : i32
        %dma_wait3A_334 = tpu.memref_slice %arg9[%run_scoped3A_250, %dma_wait3A_333] : memref<8x128xi32, #tpu.memory_space<vmem>> -> memref<1x128xi32, #tpu.memory_space<vmem>>
        %dma_wait3A_335 = tpu.memref_squeeze %dma_wait3A_334 : memref<1x128xi32, #tpu.memory_space<vmem>> -> memref<128xi32, #tpu.memory_space<vmem>>
        %dma_wait3A_336 = arith.constant 0 : i32
        %dma_wait3A_337 = arith.constant 0 : i32
        %dma_wait3A_338 = tpu.memref_slice %arg12[%dma_wait3A_336, %dma_wait3A_337] : memref<10112x128xf32, #tpu.memory_space<vmem_shared>> -> memref<10112x128xf32, #tpu.memory_space<vmem_shared>>
        tpu.wait_indirect_dma semaphore(%run_scoped3A_326 : memref<!tpu.dma_semaphore, #tpu.memory_space<semaphore_mem>>) src(%arg10 : memref<128x128xf32, #tpu.memory_space<vmem>>) dst(%dma_wait3A_338 : memref<10112x128xf32, #tpu.memory_space<vmem_shared>>)
        tpu.yield
      }) : () -> ()
      %dma_start3A_251 = arith.constant 4 : i32
      %dma_start3A_252 = arith.constant 0 : i32
      %dma_start3A_253 = tpu.memref_slice %arg7[%dma_start3A_251, %dma_start3A_252] : memref<8x128xi32, #tpu.memory_space<vmem>> -> memref<1x128xi32, #tpu.memory_space<vmem>>
      %dma_start3A_254 = tpu.memref_squeeze %dma_start3A_253 : memref<1x128xi32, #tpu.memory_space<vmem>> -> memref<128xi32, #tpu.memory_space<vmem>>
      %dma_start3A_255 = arith.constant 0 : i32
      %dma_start3A_256 = arith.constant 0 : i32
      %dma_start3A_257 = tpu.memref_slice %arg2[%dma_start3A_255, %dma_start3A_256] : memref<10000x128xf32, #tpu.memory_space<hbm>> -> memref<10000x128xf32, #tpu.memory_space<hbm>>
      tpu.enqueue_indirect_dma source(%dma_start3A_257 : memref<10000x128xf32, #tpu.memory_space<hbm>>) target(%arg10 : memref<128x128xf32, #tpu.memory_space<vmem>>) offsets(%dma_start3A_254 : memref<128xi32, #tpu.memory_space<vmem>>) semaphore(%arg15 : memref<!tpu.dma_semaphore, #tpu.memory_space<semaphore_mem>>)
      %dma_wait3A_258 = arith.constant 3 : i32
      %dma_wait3A_259 = arith.constant 0 : i32
      %dma_wait3A_260 = tpu.memref_slice %arg7[%dma_wait3A_258, %dma_wait3A_259] : memref<8x128xi32, #tpu.memory_space<vmem>> -> memref<1x128xi32, #tpu.memory_space<vmem>>
      %dma_wait3A_261 = tpu.memref_squeeze %dma_wait3A_260 : memref<1x128xi32, #tpu.memory_space<vmem>> -> memref<128xi32, #tpu.memory_space<vmem>>
      %dma_wait3A_262 = arith.constant 0 : i32
      %dma_wait3A_263 = arith.constant 0 : i32
      %dma_wait3A_264 = tpu.memref_slice %arg2[%dma_wait3A_262, %dma_wait3A_263] : memref<10000x128xf32, #tpu.memory_space<hbm>> -> memref<10000x128xf32, #tpu.memory_space<hbm>>
      tpu.wait_indirect_dma semaphore(%arg16 : memref<!tpu.dma_semaphore, #tpu.memory_space<semaphore_mem>>) src(%dma_wait3A_264 : memref<10000x128xf32, #tpu.memory_space<hbm>>) dst(%arg11 : memref<128x128xf32, #tpu.memory_space<vmem>>)
      %run_scoped3A_265 = arith.constant 3 : i32
      "tpu.region"() ({
        %run_scoped3A_326 = tpu.sem_alloc : memref<!tpu.dma_semaphore, #tpu.memory_space<semaphore_mem>>
        %dma_start3A_327 = arith.constant 0 : i32
        %dma_start3A_328 = tpu.memref_slice %arg9[%run_scoped3A_265, %dma_start3A_327] : memref<8x128xi32, #tpu.memory_space<vmem>> -> memref<1x128xi32, #tpu.memory_space<vmem>>
        %dma_start3A_329 = tpu.memref_squeeze %dma_start3A_328 : memref<1x128xi32, #tpu.memory_space<vmem>> -> memref<128xi32, #tpu.memory_space<vmem>>
        %dma_start3A_330 = arith.constant 0 : i32
        %dma_start3A_331 = arith.constant 0 : i32
        %dma_start3A_332 = tpu.memref_slice %arg12[%dma_start3A_330, %dma_start3A_331] : memref<10112x128xf32, #tpu.memory_space<vmem_shared>> -> memref<10112x128xf32, #tpu.memory_space<vmem_shared>>
        tpu.enqueue_indirect_dma source(%arg11 : memref<128x128xf32, #tpu.memory_space<vmem>>) target(%dma_start3A_332 : memref<10112x128xf32, #tpu.memory_space<vmem_shared>>) offsets(%dma_start3A_329 : memref<128xi32, #tpu.memory_space<vmem>>) semaphore(%run_scoped3A_326 : memref<!tpu.dma_semaphore, #tpu.memory_space<semaphore_mem>>) {add = true}
        %dma_wait3A_333 = arith.constant 0 : i32
        %dma_wait3A_334 = tpu.memref_slice %arg9[%run_scoped3A_265, %dma_wait3A_333] : memref<8x128xi32, #tpu.memory_space<vmem>> -> memref<1x128xi32, #tpu.memory_space<vmem>>
        %dma_wait3A_335 = tpu.memref_squeeze %dma_wait3A_334 : memref<1x128xi32, #tpu.memory_space<vmem>> -> memref<128xi32, #tpu.memory_space<vmem>>
        %dma_wait3A_336 = arith.constant 0 : i32
        %dma_wait3A_337 = arith.constant 0 : i32
        %dma_wait3A_338 = tpu.memref_slice %arg12[%dma_wait3A_336, %dma_wait3A_337] : memref<10112x128xf32, #tpu.memory_space<vmem_shared>> -> memref<10112x128xf32, #tpu.memory_space<vmem_shared>>
        tpu.wait_indirect_dma semaphore(%run_scoped3A_326 : memref<!tpu.dma_semaphore, #tpu.memory_space<semaphore_mem>>) src(%arg11 : memref<128x128xf32, #tpu.memory_space<vmem>>) dst(%dma_wait3A_338 : memref<10112x128xf32, #tpu.memory_space<vmem_shared>>)
        tpu.yield
      }) : () -> ()
      %dma_start3A_266 = arith.constant 5 : i32
      %dma_start3A_267 = arith.constant 0 : i32
      %dma_start3A_268 = tpu.memref_slice %arg7[%dma_start3A_266, %dma_start3A_267] : memref<8x128xi32, #tpu.memory_space<vmem>> -> memref<1x128xi32, #tpu.memory_space<vmem>>
      %dma_start3A_269 = tpu.memref_squeeze %dma_start3A_268 : memref<1x128xi32, #tpu.memory_space<vmem>> -> memref<128xi32, #tpu.memory_space<vmem>>
      %dma_start3A_270 = arith.constant 0 : i32
      %dma_start3A_271 = arith.constant 0 : i32
      %dma_start3A_272 = tpu.memref_slice %arg2[%dma_start3A_270, %dma_start3A_271] : memref<10000x128xf32, #tpu.memory_space<hbm>> -> memref<10000x128xf32, #tpu.memory_space<hbm>>
      tpu.enqueue_indirect_dma source(%dma_start3A_272 : memref<10000x128xf32, #tpu.memory_space<hbm>>) target(%arg11 : memref<128x128xf32, #tpu.memory_space<vmem>>) offsets(%dma_start3A_269 : memref<128xi32, #tpu.memory_space<vmem>>) semaphore(%arg16 : memref<!tpu.dma_semaphore, #tpu.memory_space<semaphore_mem>>)
      %dma_wait3A_273 = arith.constant 4 : i32
      %dma_wait3A_274 = arith.constant 0 : i32
      %dma_wait3A_275 = tpu.memref_slice %arg7[%dma_wait3A_273, %dma_wait3A_274] : memref<8x128xi32, #tpu.memory_space<vmem>> -> memref<1x128xi32, #tpu.memory_space<vmem>>
      %dma_wait3A_276 = tpu.memref_squeeze %dma_wait3A_275 : memref<1x128xi32, #tpu.memory_space<vmem>> -> memref<128xi32, #tpu.memory_space<vmem>>
      %dma_wait3A_277 = arith.constant 0 : i32
      %dma_wait3A_278 = arith.constant 0 : i32
      %dma_wait3A_279 = tpu.memref_slice %arg2[%dma_wait3A_277, %dma_wait3A_278] : memref<10000x128xf32, #tpu.memory_space<hbm>> -> memref<10000x128xf32, #tpu.memory_space<hbm>>
      tpu.wait_indirect_dma semaphore(%arg15 : memref<!tpu.dma_semaphore, #tpu.memory_space<semaphore_mem>>) src(%dma_wait3A_279 : memref<10000x128xf32, #tpu.memory_space<hbm>>) dst(%arg10 : memref<128x128xf32, #tpu.memory_space<vmem>>)
      %run_scoped3A_280 = arith.constant 4 : i32
      "tpu.region"() ({
        %run_scoped3A_326 = tpu.sem_alloc : memref<!tpu.dma_semaphore, #tpu.memory_space<semaphore_mem>>
        %dma_start3A_327 = arith.constant 0 : i32
        %dma_start3A_328 = tpu.memref_slice %arg9[%run_scoped3A_280, %dma_start3A_327] : memref<8x128xi32, #tpu.memory_space<vmem>> -> memref<1x128xi32, #tpu.memory_space<vmem>>
        %dma_start3A_329 = tpu.memref_squeeze %dma_start3A_328 : memref<1x128xi32, #tpu.memory_space<vmem>> -> memref<128xi32, #tpu.memory_space<vmem>>
        %dma_start3A_330 = arith.constant 0 : i32
        %dma_start3A_331 = arith.constant 0 : i32
        %dma_start3A_332 = tpu.memref_slice %arg12[%dma_start3A_330, %dma_start3A_331] : memref<10112x128xf32, #tpu.memory_space<vmem_shared>> -> memref<10112x128xf32, #tpu.memory_space<vmem_shared>>
        tpu.enqueue_indirect_dma source(%arg10 : memref<128x128xf32, #tpu.memory_space<vmem>>) target(%dma_start3A_332 : memref<10112x128xf32, #tpu.memory_space<vmem_shared>>) offsets(%dma_start3A_329 : memref<128xi32, #tpu.memory_space<vmem>>) semaphore(%run_scoped3A_326 : memref<!tpu.dma_semaphore, #tpu.memory_space<semaphore_mem>>) {add = true}
        %dma_wait3A_333 = arith.constant 0 : i32
        %dma_wait3A_334 = tpu.memref_slice %arg9[%run_scoped3A_280, %dma_wait3A_333] : memref<8x128xi32, #tpu.memory_space<vmem>> -> memref<1x128xi32, #tpu.memory_space<vmem>>
        %dma_wait3A_335 = tpu.memref_squeeze %dma_wait3A_334 : memref<1x128xi32, #tpu.memory_space<vmem>> -> memref<128xi32, #tpu.memory_space<vmem>>
        %dma_wait3A_336 = arith.constant 0 : i32
        %dma_wait3A_337 = arith.constant 0 : i32
        %dma_wait3A_338 = tpu.memref_slice %arg12[%dma_wait3A_336, %dma_wait3A_337] : memref<10112x128xf32, #tpu.memory_space<vmem_shared>> -> memref<10112x128xf32, #tpu.memory_space<vmem_shared>>
        tpu.wait_indirect_dma semaphore(%run_scoped3A_326 : memref<!tpu.dma_semaphore, #tpu.memory_space<semaphore_mem>>) src(%arg10 : memref<128x128xf32, #tpu.memory_space<vmem>>) dst(%dma_wait3A_338 : memref<10112x128xf32, #tpu.memory_space<vmem_shared>>)
        tpu.yield
      }) : () -> ()
      %dma_start3A_281 = arith.constant 6 : i32
      %dma_start3A_282 = arith.constant 0 : i32
      %dma_start3A_283 = tpu.memref_slice %arg7[%dma_start3A_281, %dma_start3A_282] : memref<8x128xi32, #tpu.memory_space<vmem>> -> memref<1x128xi32, #tpu.memory_space<vmem>>
      %dma_start3A_284 = tpu.memref_squeeze %dma_start3A_283 : memref<1x128xi32, #tpu.memory_space<vmem>> -> memref<128xi32, #tpu.memory_space<vmem>>
      %dma_start3A_285 = arith.constant 0 : i32
      %dma_start3A_286 = arith.constant 0 : i32
      %dma_start3A_287 = tpu.memref_slice %arg2[%dma_start3A_285, %dma_start3A_286] : memref<10000x128xf32, #tpu.memory_space<hbm>> -> memref<10000x128xf32, #tpu.memory_space<hbm>>
      tpu.enqueue_indirect_dma source(%dma_start3A_287 : memref<10000x128xf32, #tpu.memory_space<hbm>>) target(%arg10 : memref<128x128xf32, #tpu.memory_space<vmem>>) offsets(%dma_start3A_284 : memref<128xi32, #tpu.memory_space<vmem>>) semaphore(%arg15 : memref<!tpu.dma_semaphore, #tpu.memory_space<semaphore_mem>>)
      %dma_wait3A_288 = arith.constant 5 : i32
      %dma_wait3A_289 = arith.constant 0 : i32
      %dma_wait3A_290 = tpu.memref_slice %arg7[%dma_wait3A_288, %dma_wait3A_289] : memref<8x128xi32, #tpu.memory_space<vmem>> -> memref<1x128xi32, #tpu.memory_space<vmem>>
      %dma_wait3A_291 = tpu.memref_squeeze %dma_wait3A_290 : memref<1x128xi32, #tpu.memory_space<vmem>> -> memref<128xi32, #tpu.memory_space<vmem>>
      %dma_wait3A_292 = arith.constant 0 : i32
      %dma_wait3A_293 = arith.constant 0 : i32
      %dma_wait3A_294 = tpu.memref_slice %arg2[%dma_wait3A_292, %dma_wait3A_293] : memref<10000x128xf32, #tpu.memory_space<hbm>> -> memref<10000x128xf32, #tpu.memory_space<hbm>>
      tpu.wait_indirect_dma semaphore(%arg16 : memref<!tpu.dma_semaphore, #tpu.memory_space<semaphore_mem>>) src(%dma_wait3A_294 : memref<10000x128xf32, #tpu.memory_space<hbm>>) dst(%arg11 : memref<128x128xf32, #tpu.memory_space<vmem>>)
      %run_scoped3A_295 = arith.constant 5 : i32
      "tpu.region"() ({
        %run_scoped3A_326 = tpu.sem_alloc : memref<!tpu.dma_semaphore, #tpu.memory_space<semaphore_mem>>
        %dma_start3A_327 = arith.constant 0 : i32
        %dma_start3A_328 = tpu.memref_slice %arg9[%run_scoped3A_295, %dma_start3A_327] : memref<8x128xi32, #tpu.memory_space<vmem>> -> memref<1x128xi32, #tpu.memory_space<vmem>>
        %dma_start3A_329 = tpu.memref_squeeze %dma_start3A_328 : memref<1x128xi32, #tpu.memory_space<vmem>> -> memref<128xi32, #tpu.memory_space<vmem>>
        %dma_start3A_330 = arith.constant 0 : i32
        %dma_start3A_331 = arith.constant 0 : i32
        %dma_start3A_332 = tpu.memref_slice %arg12[%dma_start3A_330, %dma_start3A_331] : memref<10112x128xf32, #tpu.memory_space<vmem_shared>> -> memref<10112x128xf32, #tpu.memory_space<vmem_shared>>
        tpu.enqueue_indirect_dma source(%arg11 : memref<128x128xf32, #tpu.memory_space<vmem>>) target(%dma_start3A_332 : memref<10112x128xf32, #tpu.memory_space<vmem_shared>>) offsets(%dma_start3A_329 : memref<128xi32, #tpu.memory_space<vmem>>) semaphore(%run_scoped3A_326 : memref<!tpu.dma_semaphore, #tpu.memory_space<semaphore_mem>>) {add = true}
        %dma_wait3A_333 = arith.constant 0 : i32
        %dma_wait3A_334 = tpu.memref_slice %arg9[%run_scoped3A_295, %dma_wait3A_333] : memref<8x128xi32, #tpu.memory_space<vmem>> -> memref<1x128xi32, #tpu.memory_space<vmem>>
        %dma_wait3A_335 = tpu.memref_squeeze %dma_wait3A_334 : memref<1x128xi32, #tpu.memory_space<vmem>> -> memref<128xi32, #tpu.memory_space<vmem>>
        %dma_wait3A_336 = arith.constant 0 : i32
        %dma_wait3A_337 = arith.constant 0 : i32
        %dma_wait3A_338 = tpu.memref_slice %arg12[%dma_wait3A_336, %dma_wait3A_337] : memref<10112x128xf32, #tpu.memory_space<vmem_shared>> -> memref<10112x128xf32, #tpu.memory_space<vmem_shared>>
        tpu.wait_indirect_dma semaphore(%run_scoped3A_326 : memref<!tpu.dma_semaphore, #tpu.memory_space<semaphore_mem>>) src(%arg11 : memref<128x128xf32, #tpu.memory_space<vmem>>) dst(%dma_wait3A_338 : memref<10112x128xf32, #tpu.memory_space<vmem_shared>>)
        tpu.yield
      }) : () -> ()
      %dma_start3A_296 = arith.constant 7 : i32
      %dma_start3A_297 = arith.constant 0 : i32
      %dma_start3A_298 = tpu.memref_slice %arg7[%dma_start3A_296, %dma_start3A_297] : memref<8x128xi32, #tpu.memory_space<vmem>> -> memref<1x128xi32, #tpu.memory_space<vmem>>
      %dma_start3A_299 = tpu.memref_squeeze %dma_start3A_298 : memref<1x128xi32, #tpu.memory_space<vmem>> -> memref<128xi32, #tpu.memory_space<vmem>>
      %dma_start3A_300 = arith.constant 0 : i32
      %dma_start3A_301 = arith.constant 0 : i32
      %dma_start3A_302 = tpu.memref_slice %arg2[%dma_start3A_300, %dma_start3A_301] : memref<10000x128xf32, #tpu.memory_space<hbm>> -> memref<10000x128xf32, #tpu.memory_space<hbm>>
      tpu.enqueue_indirect_dma source(%dma_start3A_302 : memref<10000x128xf32, #tpu.memory_space<hbm>>) target(%arg11 : memref<128x128xf32, #tpu.memory_space<vmem>>) offsets(%dma_start3A_299 : memref<128xi32, #tpu.memory_space<vmem>>) semaphore(%arg16 : memref<!tpu.dma_semaphore, #tpu.memory_space<semaphore_mem>>)
      %dma_wait3A_303 = arith.constant 6 : i32
      %dma_wait3A_304 = arith.constant 0 : i32
      %dma_wait3A_305 = tpu.memref_slice %arg7[%dma_wait3A_303, %dma_wait3A_304] : memref<8x128xi32, #tpu.memory_space<vmem>> -> memref<1x128xi32, #tpu.memory_space<vmem>>
      %dma_wait3A_306 = tpu.memref_squeeze %dma_wait3A_305 : memref<1x128xi32, #tpu.memory_space<vmem>> -> memref<128xi32, #tpu.memory_space<vmem>>
      %dma_wait3A_307 = arith.constant 0 : i32
      %dma_wait3A_308 = arith.constant 0 : i32
      %dma_wait3A_309 = tpu.memref_slice %arg2[%dma_wait3A_307, %dma_wait3A_308] : memref<10000x128xf32, #tpu.memory_space<hbm>> -> memref<10000x128xf32, #tpu.memory_space<hbm>>
      tpu.wait_indirect_dma semaphore(%arg15 : memref<!tpu.dma_semaphore, #tpu.memory_space<semaphore_mem>>) src(%dma_wait3A_309 : memref<10000x128xf32, #tpu.memory_space<hbm>>) dst(%arg10 : memref<128x128xf32, #tpu.memory_space<vmem>>)
      %run_scoped3A_310 = arith.constant 6 : i32
      "tpu.region"() ({
        %run_scoped3A_326 = tpu.sem_alloc : memref<!tpu.dma_semaphore, #tpu.memory_space<semaphore_mem>>
        %dma_start3A_327 = arith.constant 0 : i32
        %dma_start3A_328 = tpu.memref_slice %arg9[%run_scoped3A_310, %dma_start3A_327] : memref<8x128xi32, #tpu.memory_space<vmem>> -> memref<1x128xi32, #tpu.memory_space<vmem>>
        %dma_start3A_329 = tpu.memref_squeeze %dma_start3A_328 : memref<1x128xi32, #tpu.memory_space<vmem>> -> memref<128xi32, #tpu.memory_space<vmem>>
        %dma_start3A_330 = arith.constant 0 : i32
        %dma_start3A_331 = arith.constant 0 : i32
        %dma_start3A_332 = tpu.memref_slice %arg12[%dma_start3A_330, %dma_start3A_331] : memref<10112x128xf32, #tpu.memory_space<vmem_shared>> -> memref<10112x128xf32, #tpu.memory_space<vmem_shared>>
        tpu.enqueue_indirect_dma source(%arg10 : memref<128x128xf32, #tpu.memory_space<vmem>>) target(%dma_start3A_332 : memref<10112x128xf32, #tpu.memory_space<vmem_shared>>) offsets(%dma_start3A_329 : memref<128xi32, #tpu.memory_space<vmem>>) semaphore(%run_scoped3A_326 : memref<!tpu.dma_semaphore, #tpu.memory_space<semaphore_mem>>) {add = true}
        %dma_wait3A_333 = arith.constant 0 : i32
        %dma_wait3A_334 = tpu.memref_slice %arg9[%run_scoped3A_310, %dma_wait3A_333] : memref<8x128xi32, #tpu.memory_space<vmem>> -> memref<1x128xi32, #tpu.memory_space<vmem>>
        %dma_wait3A_335 = tpu.memref_squeeze %dma_wait3A_334 : memref<1x128xi32, #tpu.memory_space<vmem>> -> memref<128xi32, #tpu.memory_space<vmem>>
        %dma_wait3A_336 = arith.constant 0 : i32
        %dma_wait3A_337 = arith.constant 0 : i32
        %dma_wait3A_338 = tpu.memref_slice %arg12[%dma_wait3A_336, %dma_wait3A_337] : memref<10112x128xf32, #tpu.memory_space<vmem_shared>> -> memref<10112x128xf32, #tpu.memory_space<vmem_shared>>
        tpu.wait_indirect_dma semaphore(%run_scoped3A_326 : memref<!tpu.dma_semaphore, #tpu.memory_space<semaphore_mem>>) src(%arg10 : memref<128x128xf32, #tpu.memory_space<vmem>>) dst(%dma_wait3A_338 : memref<10112x128xf32, #tpu.memory_space<vmem_shared>>)
        tpu.yield
      }) : () -> ()
      %dma_wait3A_311 = arith.constant 7 : i32
      %dma_wait3A_312 = arith.constant 0 : i32
      %dma_wait3A_313 = tpu.memref_slice %arg7[%dma_wait3A_311, %dma_wait3A_312] : memref<8x128xi32, #tpu.memory_space<vmem>> -> memref<1x128xi32, #tpu.memory_space<vmem>>
      %dma_wait3A_314 = tpu.memref_squeeze %dma_wait3A_313 : memref<1x128xi32, #tpu.memory_space<vmem>> -> memref<128xi32, #tpu.memory_space<vmem>>
      %dma_wait3A_315 = arith.constant 0 : i32
      %dma_wait3A_316 = arith.constant 0 : i32
      %dma_wait3A_317 = tpu.memref_slice %arg2[%dma_wait3A_315, %dma_wait3A_316] : memref<10000x128xf32, #tpu.memory_space<hbm>> -> memref<10000x128xf32, #tpu.memory_space<hbm>>
      tpu.wait_indirect_dma semaphore(%arg16 : memref<!tpu.dma_semaphore, #tpu.memory_space<semaphore_mem>>) src(%dma_wait3A_317 : memref<10000x128xf32, #tpu.memory_space<hbm>>) dst(%arg11 : memref<128x128xf32, #tpu.memory_space<vmem>>)
      %run_scoped3A_318 = arith.constant 7 : i32
      "tpu.region"() ({
        %run_scoped3A_326 = tpu.sem_alloc : memref<!tpu.dma_semaphore, #tpu.memory_space<semaphore_mem>>
        %dma_start3A_327 = arith.constant 0 : i32
        %dma_start3A_328 = tpu.memref_slice %arg9[%run_scoped3A_318, %dma_start3A_327] : memref<8x128xi32, #tpu.memory_space<vmem>> -> memref<1x128xi32, #tpu.memory_space<vmem>>
        %dma_start3A_329 = tpu.memref_squeeze %dma_start3A_328 : memref<1x128xi32, #tpu.memory_space<vmem>> -> memref<128xi32, #tpu.memory_space<vmem>>
        %dma_start3A_330 = arith.constant 0 : i32
        %dma_start3A_331 = arith.constant 0 : i32
        %dma_start3A_332 = tpu.memref_slice %arg12[%dma_start3A_330, %dma_start3A_331] : memref<10112x128xf32, #tpu.memory_space<vmem_shared>> -> memref<10112x128xf32, #tpu.memory_space<vmem_shared>>
        tpu.enqueue_indirect_dma source(%arg11 : memref<128x128xf32, #tpu.memory_space<vmem>>) target(%dma_start3A_332 : memref<10112x128xf32, #tpu.memory_space<vmem_shared>>) offsets(%dma_start3A_329 : memref<128xi32, #tpu.memory_space<vmem>>) semaphore(%run_scoped3A_326 : memref<!tpu.dma_semaphore, #tpu.memory_space<semaphore_mem>>) {add = true}
        %dma_wait3A_333 = arith.constant 0 : i32
        %dma_wait3A_334 = tpu.memref_slice %arg9[%run_scoped3A_318, %dma_wait3A_333] : memref<8x128xi32, #tpu.memory_space<vmem>> -> memref<1x128xi32, #tpu.memory_space<vmem>>
        %dma_wait3A_335 = tpu.memref_squeeze %dma_wait3A_334 : memref<1x128xi32, #tpu.memory_space<vmem>> -> memref<128xi32, #tpu.memory_space<vmem>>
        %dma_wait3A_336 = arith.constant 0 : i32
        %dma_wait3A_337 = arith.constant 0 : i32
        %dma_wait3A_338 = tpu.memref_slice %arg12[%dma_wait3A_336, %dma_wait3A_337] : memref<10112x128xf32, #tpu.memory_space<vmem_shared>> -> memref<10112x128xf32, #tpu.memory_space<vmem_shared>>
        tpu.wait_indirect_dma semaphore(%run_scoped3A_326 : memref<!tpu.dma_semaphore, #tpu.memory_space<semaphore_mem>>) src(%arg11 : memref<128x128xf32, #tpu.memory_space<vmem>>) dst(%dma_wait3A_338 : memref<10112x128xf32, #tpu.memory_space<vmem_shared>>)
        tpu.yield
      }) : () -> ()
      %add3A_319 = arith.constant 2 : i32
      %add3A_320 = arith.addi %add3A_187, %add3A_319 : i32
      %lt3A_321 = arith.constant 10 : i32
      %lt3A_322 = arith.cmpi slt, %add3A_320, %lt3A_321 : i32
      %convert_element_type3A_323 = arith.extui %lt3A_322 : i1 to i32
      %cond3A_324 = arith.constant 0 : i32
      %cond3A_325 = arith.cmpi ne, %convert_element_type3A_323, %cond3A_324 : i32
      scf.if %cond3A_325 {
        %add3A_326 = arith.constant 2 : i32
        %add3A_327 = arith.addi %add3A_187, %add3A_326 : i32
        %mul3A_328 = arith.constant 8 : i32
        %mul3A_329 = arith.muli %add3A_327, %mul3A_328 : i32
        %add3A_330 = arith.addi %mul3A_4, %mul3A_329 : i32
        %dma_start3A_331 = arith.constant 0 : i32
        %dma_start3A_332 = tpu.memref_slice %arg4[%add3A_330, %dma_start3A_331] : memref<2560x128xi32, #tpu.memory_space<hbm>> -> memref<8x128xi32, #tpu.memory_space<hbm>>
        %dma_start3A_333 = arith.constant 0 : i32
        %dma_start3A_334 = tpu.memref_slice %arg4[%add3A_330, %dma_start3A_333] : memref<2560x128xi32, #tpu.memory_space<hbm>> -> memref<8x128xi32, #tpu.memory_space<hbm>>
        tpu.enqueue_dma source(%dma_start3A_334 : memref<8x128xi32, #tpu.memory_space<hbm>>) target(%arg7 : memref<8x128xi32, #tpu.memory_space<vmem>>) target_semaphore(%arg14 : memref<!tpu.dma_semaphore, #tpu.memory_space<semaphore_mem>>)
        %dma_start3A_335 = arith.constant 0 : i32
        %dma_start3A_336 = tpu.memref_slice %arg3[%add3A_330, %dma_start3A_335] : memref<2560x128xi32, #tpu.memory_space<hbm>> -> memref<8x128xi32, #tpu.memory_space<hbm>>
        %dma_start3A_337 = arith.constant 0 : i32
        %dma_start3A_338 = tpu.memref_slice %arg3[%add3A_330, %dma_start3A_337] : memref<2560x128xi32, #tpu.memory_space<hbm>> -> memref<8x128xi32, #tpu.memory_space<hbm>>
        tpu.enqueue_dma source(%dma_start3A_338 : memref<8x128xi32, #tpu.memory_space<hbm>>) target(%arg9 : memref<8x128xi32, #tpu.memory_space<vmem>>) target_semaphore(%arg14 : memref<!tpu.dma_semaphore, #tpu.memory_space<semaphore_mem>>)
      } else {
      }
    }
    %scan3A_42 = arith.constant 5 : i32
    %barrier3A_43 = arith.constant 0 : index
    tpu.barrier barrier_id(%barrier3A_43)
    %mul3A_44 = arith.constant 632 : i32
    %mul3A_45 = arith.muli %arg1, %mul3A_44 : i32
    %mul3A_46 = arith.constant 632 : i32
    %mul3A_47 = arith.muli %arg1, %mul3A_46 : i32
    "tpu.region"() ({
      %run_scoped3A = tpu.sem_alloc : memref<!tpu.dma_semaphore, #tpu.memory_space<semaphore_mem>>
      %dma_start3A_48 = arith.constant 0 : i32
      %dma_start3A_49 = tpu.memref_slice %arg5[%arg0, %mul3A_47, %dma_start3A_48] : memref<2x10112x128xf32, #tpu.memory_space<hbm>> -> memref<1x632x128xf32, #tpu.memory_space<hbm>>
      %dma_start3A_50 = tpu.memref_squeeze %dma_start3A_49 : memref<1x632x128xf32, #tpu.memory_space<hbm>> -> memref<632x128xf32, #tpu.memory_space<hbm>>
      %dma_start3A_51 = arith.constant 0 : i32
      %dma_start3A_52 = tpu.memref_slice %arg12[%mul3A_45, %dma_start3A_51] : memref<10112x128xf32, #tpu.memory_space<vmem_shared>> -> memref<632x128xf32, #tpu.memory_space<vmem_shared>>
      tpu.enqueue_dma source(%dma_start3A_52 : memref<632x128xf32, #tpu.memory_space<vmem_shared>>) target(%dma_start3A_50 : memref<632x128xf32, #tpu.memory_space<hbm>>) target_semaphore(%run_scoped3A : memref<!tpu.dma_semaphore, #tpu.memory_space<semaphore_mem>>)
      %dma_wait3A = arith.constant 0 : i32
      %dma_wait3A_53 = tpu.memref_slice %arg5[%arg0, %mul3A_47, %dma_wait3A] : memref<2x10112x128xf32, #tpu.memory_space<hbm>> -> memref<1x632x128xf32, #tpu.memory_space<hbm>>
      %dma_wait3A_54 = tpu.memref_squeeze %dma_wait3A_53 : memref<1x632x128xf32, #tpu.memory_space<hbm>> -> memref<632x128xf32, #tpu.memory_space<hbm>>
      %dma_wait3A_55 = arith.constant 0 : i32
      %dma_wait3A_56 = tpu.memref_slice %arg12[%mul3A_45, %dma_wait3A_55] : memref<10112x128xf32, #tpu.memory_space<vmem_shared>> -> memref<632x128xf32, #tpu.memory_space<vmem_shared>>
      tpu.wait_dma2 semaphore(%run_scoped3A : memref<!tpu.dma_semaphore, #tpu.memory_space<semaphore_mem>>) src(%dma_wait3A_56 : memref<632x128xf32, #tpu.memory_space<vmem_shared>>) dst(%dma_wait3A_54 : memref<632x128xf32, #tpu.memory_space<hbm>>)
      tpu.yield
    }) : () -> ()
    return
  }
}

#map = affine_map<(d0, d1) -> (0, 0)>
#map1 = affine_map<(d0, d1) -> (0, 0, 0)>
module attributes {stable_mosaic.version = 14 : i64} {
  func.func @_agg(%arg0: i32, %arg1: i32, %arg2: memref<10000x128xf32, #tpu.memory_space<hbm>>, %arg3: memref<2560x128xi32, #tpu.memory_space<hbm>>, %arg4: memref<2560x128xi32, #tpu.memory_space<hbm>>, %arg5: memref<2x10112x128xf32, #tpu.memory_space<hbm>>, %arg6: memref<8x128xi32, #tpu.memory_space<vmem>>, %arg7: memref<8x128xi32, #tpu.memory_space<vmem>>, %arg8: memref<8x128xi32, #tpu.memory_space<vmem>>, %arg9: memref<8x128xi32, #tpu.memory_space<vmem>>, %arg10: memref<128x128xf32, #tpu.memory_space<vmem>>, %arg11: memref<128x128xf32, #tpu.memory_space<vmem>>, %arg12: memref<10112x128xf32, #tpu.memory_space<vmem_shared>>, %arg13: memref<!tpu.dma_semaphore, #tpu.memory_space<semaphore_mem>>, %arg14: memref<!tpu.dma_semaphore, #tpu.memory_space<semaphore_mem>>, %arg15: memref<!tpu.dma_semaphore, #tpu.memory_space<semaphore_mem>>, %arg16: memref<!tpu.dma_semaphore, #tpu.memory_space<semaphore_mem>>) attributes {dimension_semantics = [#tpu.dimension_semantics<core_parallel>, #tpu.dimension_semantics<subcore_parallel>], iteration_bounds = array<i64: 2, 16>, scalar_prefetch = 0 : i64, scratch_operands = 11 : i64, tpu.core_type = #tpu.core_type<sc_vector_subcore>, window_params = [{transform_indices = #map}, {transform_indices = #map}, {transform_indices = #map}, {transform_indices = #map1}]} {
    %mul3A = arith.constant 16 : i32
    %mul3A_0 = arith.muli %arg0, %mul3A : i32
    %add3A = arith.addi %mul3A_0, %arg1 : i32
    %mul3A_1 = arith.constant 10 : i32
    %mul3A_2 = arith.muli %add3A, %mul3A_1 : i32
    %mul3A_3 = arith.constant 8 : i32
    %mul3A_4 = arith.muli %mul3A_2, %mul3A_3 : i32
    %broadcast_in_dim3A = arith.constant 0.000000e+00 : f32
    %broadcast_in_dim3A_5 = vector.broadcast %broadcast_in_dim3A : f32 to vector<16xf32>
    %scan3A = arith.constant 0 : i32
    %scan3A_6 = arith.constant 128 : i32
    %scan3A_7 = arith.addi %scan3A, %scan3A_6 : i32
    %scan3A_8 = arith.constant 1 : i32
    scf.for %scan3A_48 = %scan3A to %scan3A_7 step %scan3A_8  : i32 {
      %mul3A_49 = arith.constant 1 : i32
      %mul3A_50 = arith.muli %scan3A_48, %mul3A_49 : i32
      %add3A_51 = arith.constant 0 : i32
      %add3A_52 = arith.addi %add3A_51, %mul3A_50 : i32
      %scan3A_53 = arith.constant 0 : i32
      %scan3A_54 = arith.constant 8 : i32
      %scan3A_55 = arith.addi %scan3A_53, %scan3A_54 : i32
      %scan3A_56 = arith.constant 1 : i32
      scf.for %scan3A_58 = %scan3A_53 to %scan3A_55 step %scan3A_56  : i32 {
        %mul3A_59 = arith.constant 16 : i32
        %mul3A_60 = arith.muli %scan3A_58, %mul3A_59 : i32
        %add3A_61 = arith.constant 0 : i32
        %add3A_62 = arith.addi %add3A_61, %mul3A_60 : i32
        %swap3A = arith.index_cast %add3A_52 : i32 to index
        %swap3A_63 = arith.index_cast %add3A_62 : i32 to index
        %swap3A_64 = tpu.vector_load %arg10[%swap3A, %swap3A_63] {strides = array<i32>} : memref<128x128xf32, #tpu.memory_space<vmem>>, vector<1x16xf32>,
        %swap3A_65 = vector.shape_cast %swap3A_64 : vector<1x16xf32> to vector<16xf32>
        %swap3A_66 = vector.shape_cast %broadcast_in_dim3A_5 : vector<16xf32> to vector<1x16xf32>
        tpu.vector_store %arg10[%swap3A, %swap3A_63], %swap3A_66 {strides = array<i32>} : memref<128x128xf32, #tpu.memory_space<vmem>>, vector<1x16xf32>,
      }
      %scan3A_57 = arith.constant 8 : i32
    }
    %scan3A_9 = arith.constant 128 : i32
    %scan3A_10 = arith.constant 0 : i32
    %scan3A_11 = arith.constant 4 : i32
    %scan3A_12 = arith.addi %scan3A_10, %scan3A_11 : i32
    %scan3A_13 = arith.constant 1 : i32
    scf.for %scan3A_48 = %scan3A_10 to %scan3A_12 step %scan3A_13  : i32 {
      %mul3A_49 = arith.constant 128 : i32
      %mul3A_50 = arith.muli %scan3A_48, %mul3A_49 : i32
      %add3A_51 = arith.constant 0 : i32
      %add3A_52 = arith.addi %add3A_51, %mul3A_50 : i32
      %mul3A_53 = arith.constant 632 : i32
      %mul3A_54 = arith.muli %arg1, %mul3A_53 : i32
      %add3A_55 = arith.addi %mul3A_54, %add3A_52 : i32
      "tpu.region"() ({
        %run_scoped3A = tpu.sem_alloc : memref<!tpu.dma_semaphore, #tpu.memory_space<semaphore_mem>>
        %dma_start3A_56 = arith.constant 0 : i32
        %dma_start3A_57 = tpu.memref_slice %arg12[%add3A_55, %dma_start3A_56] : memref<10112x128xf32, #tpu.memory_space<vmem_shared>> -> memref<128x128xf32, #tpu.memory_space<vmem_shared>>
        %dma_start3A_58 = arith.constant 0 : i32
        %dma_start3A_59 = tpu.memref_slice %arg12[%add3A_55, %dma_start3A_58] : memref<10112x128xf32, #tpu.memory_space<vmem_shared>> -> memref<128x128xf32, #tpu.memory_space<vmem_shared>>
        tpu.enqueue_dma source(%arg10 : memref<128x128xf32, #tpu.memory_space<vmem>>) target(%dma_start3A_59 : memref<128x128xf32, #tpu.memory_space<vmem_shared>>) target_semaphore(%run_scoped3A : memref<!tpu.dma_semaphore, #tpu.memory_space<semaphore_mem>>)
        %dma_wait3A = arith.constant 0 : i32
        %dma_wait3A_60 = tpu.memref_slice %arg12[%add3A_55, %dma_wait3A] : memref<10112x128xf32, #tpu.memory_space<vmem_shared>> -> memref<128x128xf32, #tpu.memory_space<vmem_shared>>
        %dma_wait3A_61 = arith.constant 0 : i32
        %dma_wait3A_62 = tpu.memref_slice %arg12[%add3A_55, %dma_wait3A_61] : memref<10112x128xf32, #tpu.memory_space<vmem_shared>> -> memref<128x128xf32, #tpu.memory_space<vmem_shared>>
        tpu.wait_dma2 semaphore(%run_scoped3A : memref<!tpu.dma_semaphore, #tpu.memory_space<semaphore_mem>>) src(%arg10 : memref<128x128xf32, #tpu.memory_space<vmem>>) dst(%dma_wait3A_62 : memref<128x128xf32, #tpu.memory_space<vmem_shared>>)
        tpu.yield
      }) : () -> ()
    }
    %scan3A_14 = arith.constant 4 : i32
    %mul3A_15 = arith.constant 632 : i32
    %mul3A_16 = arith.muli %arg1, %mul3A_15 : i32
    %add3A_17 = arith.constant 512 : i32
    %add3A_18 = arith.addi %mul3A_16, %add3A_17 : i32
    "tpu.region"() ({
      %run_scoped3A = tpu.sem_alloc : memref<!tpu.dma_semaphore, #tpu.memory_space<semaphore_mem>>
      %dma_start3A_48 = arith.constant 0 : i32
      %dma_start3A_49 = arith.constant 0 : i32
      %dma_start3A_50 = tpu.memref_slice %arg10[%dma_start3A_48, %dma_start3A_49] : memref<128x128xf32, #tpu.memory_space<vmem>> -> memref<120x128xf32, #tpu.memory_space<vmem>>
      %dma_start3A_51 = arith.constant 0 : i32
      %dma_start3A_52 = tpu.memref_slice %arg12[%add3A_18, %dma_start3A_51] : memref<10112x128xf32, #tpu.memory_space<vmem_shared>> -> memref<120x128xf32, #tpu.memory_space<vmem_shared>>
      %dma_start3A_53 = arith.constant 0 : i32
      %dma_start3A_54 = tpu.memref_slice %arg12[%add3A_18, %dma_start3A_53] : memref<10112x128xf32, #tpu.memory_space<vmem_shared>> -> memref<120x128xf32, #tpu.memory_space<vmem_shared>>
      %dma_start3A_55 = arith.constant 0 : i32
      %dma_start3A_56 = arith.constant 0 : i32
      %dma_start3A_57 = tpu.memref_slice %arg10[%dma_start3A_55, %dma_start3A_56] : memref<128x128xf32, #tpu.memory_space<vmem>> -> memref<120x128xf32, #tpu.memory_space<vmem>>
      tpu.enqueue_dma source(%dma_start3A_57 : memref<120x128xf32, #tpu.memory_space<vmem>>) target(%dma_start3A_54 : memref<120x128xf32, #tpu.memory_space<vmem_shared>>) target_semaphore(%run_scoped3A : memref<!tpu.dma_semaphore, #tpu.memory_space<semaphore_mem>>)
      %dma_wait3A = arith.constant 0 : i32
      %dma_wait3A_58 = arith.constant 0 : i32
      %dma_wait3A_59 = tpu.memref_slice %arg10[%dma_wait3A, %dma_wait3A_58] : memref<128x128xf32, #tpu.memory_space<vmem>> -> memref<120x128xf32, #tpu.memory_space<vmem>>
      %dma_wait3A_60 = arith.constant 0 : i32
      %dma_wait3A_61 = tpu.memref_slice %arg12[%add3A_18, %dma_wait3A_60] : memref<10112x128xf32, #tpu.memory_space<vmem_shared>> -> memref<120x128xf32, #tpu.memory_space<vmem_shared>>
      %dma_wait3A_62 = arith.constant 0 : i32
      %dma_wait3A_63 = tpu.memref_slice %arg12[%add3A_18, %dma_wait3A_62] : memref<10112x128xf32, #tpu.memory_space<vmem_shared>> -> memref<120x128xf32, #tpu.memory_space<vmem_shared>>
      %dma_wait3A_64 = arith.constant 0 : i32
      %dma_wait3A_65 = arith.constant 0 : i32
      %dma_wait3A_66 = tpu.memref_slice %arg10[%dma_wait3A_64, %dma_wait3A_65] : memref<128x128xf32, #tpu.memory_space<vmem>> -> memref<120x128xf32, #tpu.memory_space<vmem>>
      tpu.wait_dma2 semaphore(%run_scoped3A : memref<!tpu.dma_semaphore, #tpu.memory_space<semaphore_mem>>) src(%dma_wait3A_66 : memref<120x128xf32, #tpu.memory_space<vmem>>) dst(%dma_wait3A_63 : memref<120x128xf32, #tpu.memory_space<vmem_shared>>)
      tpu.yield
    }) : () -> ()
    %barrier3A = arith.constant 0 : index
    tpu.barrier barrier_id(%barrier3A)
    %dma_start3A = arith.constant 0 : i32
    %dma_start3A_19 = tpu.memref_slice %arg4[%mul3A_4, %dma_start3A] : memref<2560x128xi32, #tpu.memory_space<hbm>> -> memref<8x128xi32, #tpu.memory_space<hbm>>
    %dma_start3A_20 = arith.constant 0 : i32
    %dma_start3A_21 = tpu.memref_slice %arg4[%mul3A_4, %dma_start3A_20] : memref<2560x128xi32, #tpu.memory_space<hbm>> -> memref<8x128xi32, #tpu.memory_space<hbm>>
    tpu.enqueue_dma source(%dma_start3A_21 : memref<8x128xi32, #tpu.memory_space<hbm>>) target(%arg6 : memref<8x128xi32, #tpu.memory_space<vmem>>) target_semaphore(%arg13 : memref<!tpu.dma_semaphore, #tpu.memory_space<semaphore_mem>>)
    %dma_start3A_22 = arith.constant 0 : i32
    %dma_start3A_23 = tpu.memref_slice %arg3[%mul3A_4, %dma_start3A_22] : memref<2560x128xi32, #tpu.memory_space<hbm>> -> memref<8x128xi32, #tpu.memory_space<hbm>>
    %dma_start3A_24 = arith.constant 0 : i32
    %dma_start3A_25 = tpu.memref_slice %arg3[%mul3A_4, %dma_start3A_24] : memref<2560x128xi32, #tpu.memory_space<hbm>> -> memref<8x128xi32, #tpu.memory_space<hbm>>
    tpu.enqueue_dma source(%dma_start3A_25 : memref<8x128xi32, #tpu.memory_space<hbm>>) target(%arg8 : memref<8x128xi32, #tpu.memory_space<vmem>>) target_semaphore(%arg13 : memref<!tpu.dma_semaphore, #tpu.memory_space<semaphore_mem>>)
    %add3A_26 = arith.constant 8 : i32
    %add3A_27 = arith.addi %mul3A_4, %add3A_26 : i32
    %dma_start3A_28 = arith.constant 0 : i32
    %dma_start3A_29 = tpu.memref_slice %arg4[%add3A_27, %dma_start3A_28] : memref<2560x128xi32, #tpu.memory_space<hbm>> -> memref<8x128xi32, #tpu.memory_space<hbm>>
    %dma_start3A_30 = arith.constant 0 : i32
    %dma_start3A_31 = tpu.memref_slice %arg4[%add3A_27, %dma_start3A_30] : memref<2560x128xi32, #tpu.memory_space<hbm>> -> memref<8x128xi32, #tpu.memory_space<hbm>>
    tpu.enqueue_dma source(%dma_start3A_31 : memref<8x128xi32, #tpu.memory_space<hbm>>) target(%arg7 : memref<8x128xi32, #tpu.memory_space<vmem>>) target_semaphore(%arg14 : memref<!tpu.dma_semaphore, #tpu.memory_space<semaphore_mem>>)
    %add3A_32 = arith.constant 8 : i32
    %add3A_33 = arith.addi %mul3A_4, %add3A_32 : i32
    %dma_start3A_34 = arith.constant 0 : i32
    %dma_start3A_35 = tpu.memref_slice %arg3[%add3A_33, %dma_start3A_34] : memref<2560x128xi32, #tpu.memory_space<hbm>> -> memref<8x128xi32, #tpu.memory_space<hbm>>
    %dma_start3A_36 = arith.constant 0 : i32
    %dma_start3A_37 = tpu.memref_slice %arg3[%add3A_33, %dma_start3A_36] : memref<2560x128xi32, #tpu.memory_space<hbm>> -> memref<8x128xi32, #tpu.memory_space<hbm>>
    tpu.enqueue_dma source(%dma_start3A_37 : memref<8x128xi32, #tpu.memory_space<hbm>>) target(%arg9 : memref<8x128xi32, #tpu.memory_space<vmem>>) target_semaphore(%arg14 : memref<!tpu.dma_semaphore, #tpu.memory_space<semaphore_mem>>)
    %scan3A_38 = arith.constant 0 : i32
    %scan3A_39 = arith.constant 5 : i32
    %scan3A_40 = arith.addi %scan3A_38, %scan3A_39 : i32
    %scan3A_41 = arith.constant 1 : i32
    scf.for %scan3A_48 = %scan3A_38 to %scan3A_40 step %scan3A_41  : i32 {
      %mul3A_49 = arith.constant 2 : i32
      %mul3A_50 = arith.muli %scan3A_48, %mul3A_49 : i32
      %add3A_51 = arith.constant 0 : i32
      %add3A_52 = arith.addi %add3A_51, %mul3A_50 : i32
      %mul3A_53 = arith.constant 8 : i32
      %mul3A_54 = arith.muli %add3A_52, %mul3A_53 : i32
      %add3A_55 = arith.addi %mul3A_4, %mul3A_54 : i32
      %dma_wait3A = arith.constant 0 : i32
      %dma_wait3A_56 = tpu.memref_slice %arg4[%add3A_55, %dma_wait3A] : memref<2560x128xi32, #tpu.memory_space<hbm>> -> memref<8x128xi32, #tpu.memory_space<hbm>>
      %dma_wait3A_57 = arith.constant 0 : i32
      %dma_wait3A_58 = tpu.memref_slice %arg4[%add3A_55, %dma_wait3A_57] : memref<2560x128xi32, #tpu.memory_space<hbm>> -> memref<8x128xi32, #tpu.memory_space<hbm>>
      tpu.wait_dma2 semaphore(%arg13 : memref<!tpu.dma_semaphore, #tpu.memory_space<semaphore_mem>>) src(%dma_wait3A_58 : memref<8x128xi32, #tpu.memory_space<hbm>>) dst(%arg6 : memref<8x128xi32, #tpu.memory_space<vmem>>)
      %dma_wait3A_59 = arith.constant 0 : i32
      %dma_wait3A_60 = tpu.memref_slice %arg3[%add3A_55, %dma_wait3A_59] : memref<2560x128xi32, #tpu.memory_space<hbm>> -> memref<8x128xi32, #tpu.memory_space<hbm>>
      %dma_wait3A_61 = arith.constant 0 : i32
      %dma_wait3A_62 = tpu.memref_slice %arg3[%add3A_55, %dma_wait3A_61] : memref<2560x128xi32, #tpu.memory_space<hbm>> -> memref<8x128xi32, #tpu.memory_space<hbm>>
      tpu.wait_dma2 semaphore(%arg13 : memref<!tpu.dma_semaphore, #tpu.memory_space<semaphore_mem>>) src(%dma_wait3A_62 : memref<8x128xi32, #tpu.memory_space<hbm>>) dst(%arg8 : memref<8x128xi32, #tpu.memory_space<vmem>>)
      %dma_start3A_63 = arith.constant 0 : i32
      %dma_start3A_64 = arith.constant 0 : i32
      %dma_start3A_65 = tpu.memref_slice %arg6[%dma_start3A_63, %dma_start3A_64] : memref<8x128xi32, #tpu.memory_space<vmem>> -> memref<1x128xi32, #tpu.memory_space<vmem>>
      %dma_start3A_66 = tpu.memref_squeeze %dma_start3A_65 : memref<1x128xi32, #tpu.memory_space<vmem>> -> memref<128xi32, #tpu.memory_space<vmem>>
      %dma_start3A_67 = arith.constant 0 : i32
      %dma_start3A_68 = arith.constant 0 : i32
      %dma_start3A_69 = tpu.memref_slice %arg2[%dma_start3A_67, %dma_start3A_68] : memref<10000x128xf32, #tpu.memory_space<hbm>> -> memref<10000x128xf32, #tpu.memory_space<hbm>>
      tpu.enqueue_indirect_dma source(%dma_start3A_69 : memref<10000x128xf32, #tpu.memory_space<hbm>>) target(%arg10 : memref<128x128xf32, #tpu.memory_space<vmem>>) offsets(%dma_start3A_66 : memref<128xi32, #tpu.memory_space<vmem>>) semaphore(%arg15 : memref<!tpu.dma_semaphore, #tpu.memory_space<semaphore_mem>>)
      %dma_start3A_70 = arith.constant 1 : i32
      %dma_start3A_71 = arith.constant 0 : i32
      %dma_start3A_72 = tpu.memref_slice %arg6[%dma_start3A_70, %dma_start3A_71] : memref<8x128xi32, #tpu.memory_space<vmem>> -> memref<1x128xi32, #tpu.memory_space<vmem>>
      %dma_start3A_73 = tpu.memref_squeeze %dma_start3A_72 : memref<1x128xi32, #tpu.memory_space<vmem>> -> memref<128xi32, #tpu.memory_space<vmem>>
      %dma_start3A_74 = arith.constant 0 : i32
      %dma_start3A_75 = arith.constant 0 : i32
      %dma_start3A_76 = tpu.memref_slice %arg2[%dma_start3A_74, %dma_start3A_75] : memref<10000x128xf32, #tpu.memory_space<hbm>> -> memref<10000x128xf32, #tpu.memory_space<hbm>>
      tpu.enqueue_indirect_dma source(%dma_start3A_76 : memref<10000x128xf32, #tpu.memory_space<hbm>>) target(%arg11 : memref<128x128xf32, #tpu.memory_space<vmem>>) offsets(%dma_start3A_73 : memref<128xi32, #tpu.memory_space<vmem>>) semaphore(%arg16 : memref<!tpu.dma_semaphore, #tpu.memory_space<semaphore_mem>>)
      %dma_wait3A_77 = arith.constant 0 : i32
      %dma_wait3A_78 = arith.constant 0 : i32
      %dma_wait3A_79 = tpu.memref_slice %arg6[%dma_wait3A_77, %dma_wait3A_78] : memref<8x128xi32, #tpu.memory_space<vmem>> -> memref<1x128xi32, #tpu.memory_space<vmem>>
      %dma_wait3A_80 = tpu.memref_squeeze %dma_wait3A_79 : memref<1x128xi32, #tpu.memory_space<vmem>> -> memref<128xi32, #tpu.memory_space<vmem>>
      %dma_wait3A_81 = arith.constant 0 : i32
      %dma_wait3A_82 = arith.constant 0 : i32
      %dma_wait3A_83 = tpu.memref_slice %arg2[%dma_wait3A_81, %dma_wait3A_82] : memref<10000x128xf32, #tpu.memory_space<hbm>> -> memref<10000x128xf32, #tpu.memory_space<hbm>>
      tpu.wait_indirect_dma semaphore(%arg15 : memref<!tpu.dma_semaphore, #tpu.memory_space<semaphore_mem>>) src(%dma_wait3A_83 : memref<10000x128xf32, #tpu.memory_space<hbm>>) dst(%arg10 : memref<128x128xf32, #tpu.memory_space<vmem>>)
      %run_scoped3A = arith.constant 0 : i32
      "tpu.region"() ({
        %run_scoped3A_326 = tpu.sem_alloc : memref<!tpu.dma_semaphore, #tpu.memory_space<semaphore_mem>>
        %dma_start3A_327 = arith.constant 0 : i32
        %dma_start3A_328 = tpu.memref_slice %arg8[%run_scoped3A, %dma_start3A_327] : memref<8x128xi32, #tpu.memory_space<vmem>> -> memref<1x128xi32, #tpu.memory_space<vmem>>
        %dma_start3A_329 = tpu.memref_squeeze %dma_start3A_328 : memref<1x128xi32, #tpu.memory_space<vmem>> -> memref<128xi32, #tpu.memory_space<vmem>>
        %dma_start3A_330 = arith.constant 0 : i32
        %dma_start3A_331 = arith.constant 0 : i32
        %dma_start3A_332 = tpu.memref_slice %arg12[%dma_start3A_330, %dma_start3A_331] : memref<10112x128xf32, #tpu.memory_space<vmem_shared>> -> memref<10112x128xf32, #tpu.memory_space<vmem_shared>>
        tpu.enqueue_indirect_dma source(%arg10 : memref<128x128xf32, #tpu.memory_space<vmem>>) target(%dma_start3A_332 : memref<10112x128xf32, #tpu.memory_space<vmem_shared>>) offsets(%dma_start3A_329 : memref<128xi32, #tpu.memory_space<vmem>>) semaphore(%run_scoped3A_326 : memref<!tpu.dma_semaphore, #tpu.memory_space<semaphore_mem>>) {add = true}
        %dma_wait3A_333 = arith.constant 0 : i32
        %dma_wait3A_334 = tpu.memref_slice %arg8[%run_scoped3A, %dma_wait3A_333] : memref<8x128xi32, #tpu.memory_space<vmem>> -> memref<1x128xi32, #tpu.memory_space<vmem>>
        %dma_wait3A_335 = tpu.memref_squeeze %dma_wait3A_334 : memref<1x128xi32, #tpu.memory_space<vmem>> -> memref<128xi32, #tpu.memory_space<vmem>>
        %dma_wait3A_336 = arith.constant 0 : i32
        %dma_wait3A_337 = arith.constant 0 : i32
        %dma_wait3A_338 = tpu.memref_slice %arg12[%dma_wait3A_336, %dma_wait3A_337] : memref<10112x128xf32, #tpu.memory_space<vmem_shared>> -> memref<10112x128xf32, #tpu.memory_space<vmem_shared>>
        tpu.wait_indirect_dma semaphore(%run_scoped3A_326 : memref<!tpu.dma_semaphore, #tpu.memory_space<semaphore_mem>>) src(%arg10 : memref<128x128xf32, #tpu.memory_space<vmem>>) dst(%dma_wait3A_338 : memref<10112x128xf32, #tpu.memory_space<vmem_shared>>)
        tpu.yield
      }) : () -> ()
      %dma_start3A_84 = arith.constant 2 : i32
      %dma_start3A_85 = arith.constant 0 : i32
      %dma_start3A_86 = tpu.memref_slice %arg6[%dma_start3A_84, %dma_start3A_85] : memref<8x128xi32, #tpu.memory_space<vmem>> -> memref<1x128xi32, #tpu.memory_space<vmem>>
      %dma_start3A_87 = tpu.memref_squeeze %dma_start3A_86 : memref<1x128xi32, #tpu.memory_space<vmem>> -> memref<128xi32, #tpu.memory_space<vmem>>
      %dma_start3A_88 = arith.constant 0 : i32
      %dma_start3A_89 = arith.constant 0 : i32
      %dma_start3A_90 = tpu.memref_slice %arg2[%dma_start3A_88, %dma_start3A_89] : memref<10000x128xf32, #tpu.memory_space<hbm>> -> memref<10000x128xf32, #tpu.memory_space<hbm>>
      tpu.enqueue_indirect_dma source(%dma_start3A_90 : memref<10000x128xf32, #tpu.memory_space<hbm>>) target(%arg10 : memref<128x128xf32, #tpu.memory_space<vmem>>) offsets(%dma_start3A_87 : memref<128xi32, #tpu.memory_space<vmem>>) semaphore(%arg15 : memref<!tpu.dma_semaphore, #tpu.memory_space<semaphore_mem>>)
      %dma_wait3A_91 = arith.constant 1 : i32
      %dma_wait3A_92 = arith.constant 0 : i32
      %dma_wait3A_93 = tpu.memref_slice %arg6[%dma_wait3A_91, %dma_wait3A_92] : memref<8x128xi32, #tpu.memory_space<vmem>> -> memref<1x128xi32, #tpu.memory_space<vmem>>
      %dma_wait3A_94 = tpu.memref_squeeze %dma_wait3A_93 : memref<1x128xi32, #tpu.memory_space<vmem>> -> memref<128xi32, #tpu.memory_space<vmem>>
      %dma_wait3A_95 = arith.constant 0 : i32
      %dma_wait3A_96 = arith.constant 0 : i32
      %dma_wait3A_97 = tpu.memref_slice %arg2[%dma_wait3A_95, %dma_wait3A_96] : memref<10000x128xf32, #tpu.memory_space<hbm>> -> memref<10000x128xf32, #tpu.memory_space<hbm>>
      tpu.wait_indirect_dma semaphore(%arg16 : memref<!tpu.dma_semaphore, #tpu.memory_space<semaphore_mem>>) src(%dma_wait3A_97 : memref<10000x128xf32, #tpu.memory_space<hbm>>) dst(%arg11 : memref<128x128xf32, #tpu.memory_space<vmem>>)
      %run_scoped3A_98 = arith.constant 1 : i32
      "tpu.region"() ({
        %run_scoped3A_326 = tpu.sem_alloc : memref<!tpu.dma_semaphore, #tpu.memory_space<semaphore_mem>>
        %dma_start3A_327 = arith.constant 0 : i32
        %dma_start3A_328 = tpu.memref_slice %arg8[%run_scoped3A_98, %dma_start3A_327] : memref<8x128xi32, #tpu.memory_space<vmem>> -> memref<1x128xi32, #tpu.memory_space<vmem>>
        %dma_start3A_329 = tpu.memref_squeeze %dma_start3A_328 : memref<1x128xi32, #tpu.memory_space<vmem>> -> memref<128xi32, #tpu.memory_space<vmem>>
        %dma_start3A_330 = arith.constant 0 : i32
        %dma_start3A_331 = arith.constant 0 : i32
        %dma_start3A_332 = tpu.memref_slice %arg12[%dma_start3A_330, %dma_start3A_331] : memref<10112x128xf32, #tpu.memory_space<vmem_shared>> -> memref<10112x128xf32, #tpu.memory_space<vmem_shared>>
        tpu.enqueue_indirect_dma source(%arg11 : memref<128x128xf32, #tpu.memory_space<vmem>>) target(%dma_start3A_332 : memref<10112x128xf32, #tpu.memory_space<vmem_shared>>) offsets(%dma_start3A_329 : memref<128xi32, #tpu.memory_space<vmem>>) semaphore(%run_scoped3A_326 : memref<!tpu.dma_semaphore, #tpu.memory_space<semaphore_mem>>) {add = true}
        %dma_wait3A_333 = arith.constant 0 : i32
        %dma_wait3A_334 = tpu.memref_slice %arg8[%run_scoped3A_98, %dma_wait3A_333] : memref<8x128xi32, #tpu.memory_space<vmem>> -> memref<1x128xi32, #tpu.memory_space<vmem>>
        %dma_wait3A_335 = tpu.memref_squeeze %dma_wait3A_334 : memref<1x128xi32, #tpu.memory_space<vmem>> -> memref<128xi32, #tpu.memory_space<vmem>>
        %dma_wait3A_336 = arith.constant 0 : i32
        %dma_wait3A_337 = arith.constant 0 : i32
        %dma_wait3A_338 = tpu.memref_slice %arg12[%dma_wait3A_336, %dma_wait3A_337] : memref<10112x128xf32, #tpu.memory_space<vmem_shared>> -> memref<10112x128xf32, #tpu.memory_space<vmem_shared>>
        tpu.wait_indirect_dma semaphore(%run_scoped3A_326 : memref<!tpu.dma_semaphore, #tpu.memory_space<semaphore_mem>>) src(%arg11 : memref<128x128xf32, #tpu.memory_space<vmem>>) dst(%dma_wait3A_338 : memref<10112x128xf32, #tpu.memory_space<vmem_shared>>)
        tpu.yield
      }) : () -> ()
      %dma_start3A_99 = arith.constant 3 : i32
      %dma_start3A_100 = arith.constant 0 : i32
      %dma_start3A_101 = tpu.memref_slice %arg6[%dma_start3A_99, %dma_start3A_100] : memref<8x128xi32, #tpu.memory_space<vmem>> -> memref<1x128xi32, #tpu.memory_space<vmem>>
      %dma_start3A_102 = tpu.memref_squeeze %dma_start3A_101 : memref<1x128xi32, #tpu.memory_space<vmem>> -> memref<128xi32, #tpu.memory_space<vmem>>
      %dma_start3A_103 = arith.constant 0 : i32
      %dma_start3A_104 = arith.constant 0 : i32
      %dma_start3A_105 = tpu.memref_slice %arg2[%dma_start3A_103, %dma_start3A_104] : memref<10000x128xf32, #tpu.memory_space<hbm>> -> memref<10000x128xf32, #tpu.memory_space<hbm>>
      tpu.enqueue_indirect_dma source(%dma_start3A_105 : memref<10000x128xf32, #tpu.memory_space<hbm>>) target(%arg11 : memref<128x128xf32, #tpu.memory_space<vmem>>) offsets(%dma_start3A_102 : memref<128xi32, #tpu.memory_space<vmem>>) semaphore(%arg16 : memref<!tpu.dma_semaphore, #tpu.memory_space<semaphore_mem>>)
      %dma_wait3A_106 = arith.constant 2 : i32
      %dma_wait3A_107 = arith.constant 0 : i32
      %dma_wait3A_108 = tpu.memref_slice %arg6[%dma_wait3A_106, %dma_wait3A_107] : memref<8x128xi32, #tpu.memory_space<vmem>> -> memref<1x128xi32, #tpu.memory_space<vmem>>
      %dma_wait3A_109 = tpu.memref_squeeze %dma_wait3A_108 : memref<1x128xi32, #tpu.memory_space<vmem>> -> memref<128xi32, #tpu.memory_space<vmem>>
      %dma_wait3A_110 = arith.constant 0 : i32
      %dma_wait3A_111 = arith.constant 0 : i32
      %dma_wait3A_112 = tpu.memref_slice %arg2[%dma_wait3A_110, %dma_wait3A_111] : memref<10000x128xf32, #tpu.memory_space<hbm>> -> memref<10000x128xf32, #tpu.memory_space<hbm>>
      tpu.wait_indirect_dma semaphore(%arg15 : memref<!tpu.dma_semaphore, #tpu.memory_space<semaphore_mem>>) src(%dma_wait3A_112 : memref<10000x128xf32, #tpu.memory_space<hbm>>) dst(%arg10 : memref<128x128xf32, #tpu.memory_space<vmem>>)
      %run_scoped3A_113 = arith.constant 2 : i32
      "tpu.region"() ({
        %run_scoped3A_326 = tpu.sem_alloc : memref<!tpu.dma_semaphore, #tpu.memory_space<semaphore_mem>>
        %dma_start3A_327 = arith.constant 0 : i32
        %dma_start3A_328 = tpu.memref_slice %arg8[%run_scoped3A_113, %dma_start3A_327] : memref<8x128xi32, #tpu.memory_space<vmem>> -> memref<1x128xi32, #tpu.memory_space<vmem>>
        %dma_start3A_329 = tpu.memref_squeeze %dma_start3A_328 : memref<1x128xi32, #tpu.memory_space<vmem>> -> memref<128xi32, #tpu.memory_space<vmem>>
        %dma_start3A_330 = arith.constant 0 : i32
        %dma_start3A_331 = arith.constant 0 : i32
        %dma_start3A_332 = tpu.memref_slice %arg12[%dma_start3A_330, %dma_start3A_331] : memref<10112x128xf32, #tpu.memory_space<vmem_shared>> -> memref<10112x128xf32, #tpu.memory_space<vmem_shared>>
        tpu.enqueue_indirect_dma source(%arg10 : memref<128x128xf32, #tpu.memory_space<vmem>>) target(%dma_start3A_332 : memref<10112x128xf32, #tpu.memory_space<vmem_shared>>) offsets(%dma_start3A_329 : memref<128xi32, #tpu.memory_space<vmem>>) semaphore(%run_scoped3A_326 : memref<!tpu.dma_semaphore, #tpu.memory_space<semaphore_mem>>) {add = true}
        %dma_wait3A_333 = arith.constant 0 : i32
        %dma_wait3A_334 = tpu.memref_slice %arg8[%run_scoped3A_113, %dma_wait3A_333] : memref<8x128xi32, #tpu.memory_space<vmem>> -> memref<1x128xi32, #tpu.memory_space<vmem>>
        %dma_wait3A_335 = tpu.memref_squeeze %dma_wait3A_334 : memref<1x128xi32, #tpu.memory_space<vmem>> -> memref<128xi32, #tpu.memory_space<vmem>>
        %dma_wait3A_336 = arith.constant 0 : i32
        %dma_wait3A_337 = arith.constant 0 : i32
        %dma_wait3A_338 = tpu.memref_slice %arg12[%dma_wait3A_336, %dma_wait3A_337] : memref<10112x128xf32, #tpu.memory_space<vmem_shared>> -> memref<10112x128xf32, #tpu.memory_space<vmem_shared>>
        tpu.wait_indirect_dma semaphore(%run_scoped3A_326 : memref<!tpu.dma_semaphore, #tpu.memory_space<semaphore_mem>>) src(%arg10 : memref<128x128xf32, #tpu.memory_space<vmem>>) dst(%dma_wait3A_338 : memref<10112x128xf32, #tpu.memory_space<vmem_shared>>)
        tpu.yield
      }) : () -> ()
      %dma_start3A_114 = arith.constant 4 : i32
      %dma_start3A_115 = arith.constant 0 : i32
      %dma_start3A_116 = tpu.memref_slice %arg6[%dma_start3A_114, %dma_start3A_115] : memref<8x128xi32, #tpu.memory_space<vmem>> -> memref<1x128xi32, #tpu.memory_space<vmem>>
      %dma_start3A_117 = tpu.memref_squeeze %dma_start3A_116 : memref<1x128xi32, #tpu.memory_space<vmem>> -> memref<128xi32, #tpu.memory_space<vmem>>
      %dma_start3A_118 = arith.constant 0 : i32
      %dma_start3A_119 = arith.constant 0 : i32
      %dma_start3A_120 = tpu.memref_slice %arg2[%dma_start3A_118, %dma_start3A_119] : memref<10000x128xf32, #tpu.memory_space<hbm>> -> memref<10000x128xf32, #tpu.memory_space<hbm>>
      tpu.enqueue_indirect_dma source(%dma_start3A_120 : memref<10000x128xf32, #tpu.memory_space<hbm>>) target(%arg10 : memref<128x128xf32, #tpu.memory_space<vmem>>) offsets(%dma_start3A_117 : memref<128xi32, #tpu.memory_space<vmem>>) semaphore(%arg15 : memref<!tpu.dma_semaphore, #tpu.memory_space<semaphore_mem>>)
      %dma_wait3A_121 = arith.constant 3 : i32
      %dma_wait3A_122 = arith.constant 0 : i32
      %dma_wait3A_123 = tpu.memref_slice %arg6[%dma_wait3A_121, %dma_wait3A_122] : memref<8x128xi32, #tpu.memory_space<vmem>> -> memref<1x128xi32, #tpu.memory_space<vmem>>
      %dma_wait3A_124 = tpu.memref_squeeze %dma_wait3A_123 : memref<1x128xi32, #tpu.memory_space<vmem>> -> memref<128xi32, #tpu.memory_space<vmem>>
      %dma_wait3A_125 = arith.constant 0 : i32
      %dma_wait3A_126 = arith.constant 0 : i32
      %dma_wait3A_127 = tpu.memref_slice %arg2[%dma_wait3A_125, %dma_wait3A_126] : memref<10000x128xf32, #tpu.memory_space<hbm>> -> memref<10000x128xf32, #tpu.memory_space<hbm>>
      tpu.wait_indirect_dma semaphore(%arg16 : memref<!tpu.dma_semaphore, #tpu.memory_space<semaphore_mem>>) src(%dma_wait3A_127 : memref<10000x128xf32, #tpu.memory_space<hbm>>) dst(%arg11 : memref<128x128xf32, #tpu.memory_space<vmem>>)
      %run_scoped3A_128 = arith.constant 3 : i32
      "tpu.region"() ({
        %run_scoped3A_326 = tpu.sem_alloc : memref<!tpu.dma_semaphore, #tpu.memory_space<semaphore_mem>>
        %dma_start3A_327 = arith.constant 0 : i32
        %dma_start3A_328 = tpu.memref_slice %arg8[%run_scoped3A_128, %dma_start3A_327] : memref<8x128xi32, #tpu.memory_space<vmem>> -> memref<1x128xi32, #tpu.memory_space<vmem>>
        %dma_start3A_329 = tpu.memref_squeeze %dma_start3A_328 : memref<1x128xi32, #tpu.memory_space<vmem>> -> memref<128xi32, #tpu.memory_space<vmem>>
        %dma_start3A_330 = arith.constant 0 : i32
        %dma_start3A_331 = arith.constant 0 : i32
        %dma_start3A_332 = tpu.memref_slice %arg12[%dma_start3A_330, %dma_start3A_331] : memref<10112x128xf32, #tpu.memory_space<vmem_shared>> -> memref<10112x128xf32, #tpu.memory_space<vmem_shared>>
        tpu.enqueue_indirect_dma source(%arg11 : memref<128x128xf32, #tpu.memory_space<vmem>>) target(%dma_start3A_332 : memref<10112x128xf32, #tpu.memory_space<vmem_shared>>) offsets(%dma_start3A_329 : memref<128xi32, #tpu.memory_space<vmem>>) semaphore(%run_scoped3A_326 : memref<!tpu.dma_semaphore, #tpu.memory_space<semaphore_mem>>) {add = true}
        %dma_wait3A_333 = arith.constant 0 : i32
        %dma_wait3A_334 = tpu.memref_slice %arg8[%run_scoped3A_128, %dma_wait3A_333] : memref<8x128xi32, #tpu.memory_space<vmem>> -> memref<1x128xi32, #tpu.memory_space<vmem>>
        %dma_wait3A_335 = tpu.memref_squeeze %dma_wait3A_334 : memref<1x128xi32, #tpu.memory_space<vmem>> -> memref<128xi32, #tpu.memory_space<vmem>>
        %dma_wait3A_336 = arith.constant 0 : i32
        %dma_wait3A_337 = arith.constant 0 : i32
        %dma_wait3A_338 = tpu.memref_slice %arg12[%dma_wait3A_336, %dma_wait3A_337] : memref<10112x128xf32, #tpu.memory_space<vmem_shared>> -> memref<10112x128xf32, #tpu.memory_space<vmem_shared>>
        tpu.wait_indirect_dma semaphore(%run_scoped3A_326 : memref<!tpu.dma_semaphore, #tpu.memory_space<semaphore_mem>>) src(%arg11 : memref<128x128xf32, #tpu.memory_space<vmem>>) dst(%dma_wait3A_338 : memref<10112x128xf32, #tpu.memory_space<vmem_shared>>)
        tpu.yield
      }) : () -> ()
      %dma_start3A_129 = arith.constant 5 : i32
      %dma_start3A_130 = arith.constant 0 : i32
      %dma_start3A_131 = tpu.memref_slice %arg6[%dma_start3A_129, %dma_start3A_130] : memref<8x128xi32, #tpu.memory_space<vmem>> -> memref<1x128xi32, #tpu.memory_space<vmem>>
      %dma_start3A_132 = tpu.memref_squeeze %dma_start3A_131 : memref<1x128xi32, #tpu.memory_space<vmem>> -> memref<128xi32, #tpu.memory_space<vmem>>
      %dma_start3A_133 = arith.constant 0 : i32
      %dma_start3A_134 = arith.constant 0 : i32
      %dma_start3A_135 = tpu.memref_slice %arg2[%dma_start3A_133, %dma_start3A_134] : memref<10000x128xf32, #tpu.memory_space<hbm>> -> memref<10000x128xf32, #tpu.memory_space<hbm>>
      tpu.enqueue_indirect_dma source(%dma_start3A_135 : memref<10000x128xf32, #tpu.memory_space<hbm>>) target(%arg11 : memref<128x128xf32, #tpu.memory_space<vmem>>) offsets(%dma_start3A_132 : memref<128xi32, #tpu.memory_space<vmem>>) semaphore(%arg16 : memref<!tpu.dma_semaphore, #tpu.memory_space<semaphore_mem>>)
      %dma_wait3A_136 = arith.constant 4 : i32
      %dma_wait3A_137 = arith.constant 0 : i32
      %dma_wait3A_138 = tpu.memref_slice %arg6[%dma_wait3A_136, %dma_wait3A_137] : memref<8x128xi32, #tpu.memory_space<vmem>> -> memref<1x128xi32, #tpu.memory_space<vmem>>
      %dma_wait3A_139 = tpu.memref_squeeze %dma_wait3A_138 : memref<1x128xi32, #tpu.memory_space<vmem>> -> memref<128xi32, #tpu.memory_space<vmem>>
      %dma_wait3A_140 = arith.constant 0 : i32
      %dma_wait3A_141 = arith.constant 0 : i32
      %dma_wait3A_142 = tpu.memref_slice %arg2[%dma_wait3A_140, %dma_wait3A_141] : memref<10000x128xf32, #tpu.memory_space<hbm>> -> memref<10000x128xf32, #tpu.memory_space<hbm>>
      tpu.wait_indirect_dma semaphore(%arg15 : memref<!tpu.dma_semaphore, #tpu.memory_space<semaphore_mem>>) src(%dma_wait3A_142 : memref<10000x128xf32, #tpu.memory_space<hbm>>) dst(%arg10 : memref<128x128xf32, #tpu.memory_space<vmem>>)
      %run_scoped3A_143 = arith.constant 4 : i32
      "tpu.region"() ({
        %run_scoped3A_326 = tpu.sem_alloc : memref<!tpu.dma_semaphore, #tpu.memory_space<semaphore_mem>>
        %dma_start3A_327 = arith.constant 0 : i32
        %dma_start3A_328 = tpu.memref_slice %arg8[%run_scoped3A_143, %dma_start3A_327] : memref<8x128xi32, #tpu.memory_space<vmem>> -> memref<1x128xi32, #tpu.memory_space<vmem>>
        %dma_start3A_329 = tpu.memref_squeeze %dma_start3A_328 : memref<1x128xi32, #tpu.memory_space<vmem>> -> memref<128xi32, #tpu.memory_space<vmem>>
        %dma_start3A_330 = arith.constant 0 : i32
        %dma_start3A_331 = arith.constant 0 : i32
        %dma_start3A_332 = tpu.memref_slice %arg12[%dma_start3A_330, %dma_start3A_331] : memref<10112x128xf32, #tpu.memory_space<vmem_shared>> -> memref<10112x128xf32, #tpu.memory_space<vmem_shared>>
        tpu.enqueue_indirect_dma source(%arg10 : memref<128x128xf32, #tpu.memory_space<vmem>>) target(%dma_start3A_332 : memref<10112x128xf32, #tpu.memory_space<vmem_shared>>) offsets(%dma_start3A_329 : memref<128xi32, #tpu.memory_space<vmem>>) semaphore(%run_scoped3A_326 : memref<!tpu.dma_semaphore, #tpu.memory_space<semaphore_mem>>) {add = true}
        %dma_wait3A_333 = arith.constant 0 : i32
        %dma_wait3A_334 = tpu.memref_slice %arg8[%run_scoped3A_143, %dma_wait3A_333] : memref<8x128xi32, #tpu.memory_space<vmem>> -> memref<1x128xi32, #tpu.memory_space<vmem>>
        %dma_wait3A_335 = tpu.memref_squeeze %dma_wait3A_334 : memref<1x128xi32, #tpu.memory_space<vmem>> -> memref<128xi32, #tpu.memory_space<vmem>>
        %dma_wait3A_336 = arith.constant 0 : i32
        %dma_wait3A_337 = arith.constant 0 : i32
        %dma_wait3A_338 = tpu.memref_slice %arg12[%dma_wait3A_336, %dma_wait3A_337] : memref<10112x128xf32, #tpu.memory_space<vmem_shared>> -> memref<10112x128xf32, #tpu.memory_space<vmem_shared>>
        tpu.wait_indirect_dma semaphore(%run_scoped3A_326 : memref<!tpu.dma_semaphore, #tpu.memory_space<semaphore_mem>>) src(%arg10 : memref<128x128xf32, #tpu.memory_space<vmem>>) dst(%dma_wait3A_338 : memref<10112x128xf32, #tpu.memory_space<vmem_shared>>)
        tpu.yield
      }) : () -> ()
      %dma_start3A_144 = arith.constant 6 : i32
      %dma_start3A_145 = arith.constant 0 : i32
      %dma_start3A_146 = tpu.memref_slice %arg6[%dma_start3A_144, %dma_start3A_145] : memref<8x128xi32, #tpu.memory_space<vmem>> -> memref<1x128xi32, #tpu.memory_space<vmem>>
      %dma_start3A_147 = tpu.memref_squeeze %dma_start3A_146 : memref<1x128xi32, #tpu.memory_space<vmem>> -> memref<128xi32, #tpu.memory_space<vmem>>
      %dma_start3A_148 = arith.constant 0 : i32
      %dma_start3A_149 = arith.constant 0 : i32
      %dma_start3A_150 = tpu.memref_slice %arg2[%dma_start3A_148, %dma_start3A_149] : memref<10000x128xf32, #tpu.memory_space<hbm>> -> memref<10000x128xf32, #tpu.memory_space<hbm>>
      tpu.enqueue_indirect_dma source(%dma_start3A_150 : memref<10000x128xf32, #tpu.memory_space<hbm>>) target(%arg10 : memref<128x128xf32, #tpu.memory_space<vmem>>) offsets(%dma_start3A_147 : memref<128xi32, #tpu.memory_space<vmem>>) semaphore(%arg15 : memref<!tpu.dma_semaphore, #tpu.memory_space<semaphore_mem>>)
      %dma_wait3A_151 = arith.constant 5 : i32
      %dma_wait3A_152 = arith.constant 0 : i32
      %dma_wait3A_153 = tpu.memref_slice %arg6[%dma_wait3A_151, %dma_wait3A_152] : memref<8x128xi32, #tpu.memory_space<vmem>> -> memref<1x128xi32, #tpu.memory_space<vmem>>
      %dma_wait3A_154 = tpu.memref_squeeze %dma_wait3A_153 : memref<1x128xi32, #tpu.memory_space<vmem>> -> memref<128xi32, #tpu.memory_space<vmem>>
      %dma_wait3A_155 = arith.constant 0 : i32
      %dma_wait3A_156 = arith.constant 0 : i32
      %dma_wait3A_157 = tpu.memref_slice %arg2[%dma_wait3A_155, %dma_wait3A_156] : memref<10000x128xf32, #tpu.memory_space<hbm>> -> memref<10000x128xf32, #tpu.memory_space<hbm>>
      tpu.wait_indirect_dma semaphore(%arg16 : memref<!tpu.dma_semaphore, #tpu.memory_space<semaphore_mem>>) src(%dma_wait3A_157 : memref<10000x128xf32, #tpu.memory_space<hbm>>) dst(%arg11 : memref<128x128xf32, #tpu.memory_space<vmem>>)
      %run_scoped3A_158 = arith.constant 5 : i32
      "tpu.region"() ({
        %run_scoped3A_326 = tpu.sem_alloc : memref<!tpu.dma_semaphore, #tpu.memory_space<semaphore_mem>>
        %dma_start3A_327 = arith.constant 0 : i32
        %dma_start3A_328 = tpu.memref_slice %arg8[%run_scoped3A_158, %dma_start3A_327] : memref<8x128xi32, #tpu.memory_space<vmem>> -> memref<1x128xi32, #tpu.memory_space<vmem>>
        %dma_start3A_329 = tpu.memref_squeeze %dma_start3A_328 : memref<1x128xi32, #tpu.memory_space<vmem>> -> memref<128xi32, #tpu.memory_space<vmem>>
        %dma_start3A_330 = arith.constant 0 : i32
        %dma_start3A_331 = arith.constant 0 : i32
        %dma_start3A_332 = tpu.memref_slice %arg12[%dma_start3A_330, %dma_start3A_331] : memref<10112x128xf32, #tpu.memory_space<vmem_shared>> -> memref<10112x128xf32, #tpu.memory_space<vmem_shared>>
        tpu.enqueue_indirect_dma source(%arg11 : memref<128x128xf32, #tpu.memory_space<vmem>>) target(%dma_start3A_332 : memref<10112x128xf32, #tpu.memory_space<vmem_shared>>) offsets(%dma_start3A_329 : memref<128xi32, #tpu.memory_space<vmem>>) semaphore(%run_scoped3A_326 : memref<!tpu.dma_semaphore, #tpu.memory_space<semaphore_mem>>) {add = true}
        %dma_wait3A_333 = arith.constant 0 : i32
        %dma_wait3A_334 = tpu.memref_slice %arg8[%run_scoped3A_158, %dma_wait3A_333] : memref<8x128xi32, #tpu.memory_space<vmem>> -> memref<1x128xi32, #tpu.memory_space<vmem>>
        %dma_wait3A_335 = tpu.memref_squeeze %dma_wait3A_334 : memref<1x128xi32, #tpu.memory_space<vmem>> -> memref<128xi32, #tpu.memory_space<vmem>>
        %dma_wait3A_336 = arith.constant 0 : i32
        %dma_wait3A_337 = arith.constant 0 : i32
        %dma_wait3A_338 = tpu.memref_slice %arg12[%dma_wait3A_336, %dma_wait3A_337] : memref<10112x128xf32, #tpu.memory_space<vmem_shared>> -> memref<10112x128xf32, #tpu.memory_space<vmem_shared>>
        tpu.wait_indirect_dma semaphore(%run_scoped3A_326 : memref<!tpu.dma_semaphore, #tpu.memory_space<semaphore_mem>>) src(%arg11 : memref<128x128xf32, #tpu.memory_space<vmem>>) dst(%dma_wait3A_338 : memref<10112x128xf32, #tpu.memory_space<vmem_shared>>)
        tpu.yield
      }) : () -> ()
      %dma_start3A_159 = arith.constant 7 : i32
      %dma_start3A_160 = arith.constant 0 : i32
      %dma_start3A_161 = tpu.memref_slice %arg6[%dma_start3A_159, %dma_start3A_160] : memref<8x128xi32, #tpu.memory_space<vmem>> -> memref<1x128xi32, #tpu.memory_space<vmem>>
      %dma_start3A_162 = tpu.memref_squeeze %dma_start3A_161 : memref<1x128xi32, #tpu.memory_space<vmem>> -> memref<128xi32, #tpu.memory_space<vmem>>
      %dma_start3A_163 = arith.constant 0 : i32
      %dma_start3A_164 = arith.constant 0 : i32
      %dma_start3A_165 = tpu.memref_slice %arg2[%dma_start3A_163, %dma_start3A_164] : memref<10000x128xf32, #tpu.memory_space<hbm>> -> memref<10000x128xf32, #tpu.memory_space<hbm>>
      tpu.enqueue_indirect_dma source(%dma_start3A_165 : memref<10000x128xf32, #tpu.memory_space<hbm>>) target(%arg11 : memref<128x128xf32, #tpu.memory_space<vmem>>) offsets(%dma_start3A_162 : memref<128xi32, #tpu.memory_space<vmem>>) semaphore(%arg16 : memref<!tpu.dma_semaphore, #tpu.memory_space<semaphore_mem>>)
      %dma_wait3A_166 = arith.constant 6 : i32
      %dma_wait3A_167 = arith.constant 0 : i32
      %dma_wait3A_168 = tpu.memref_slice %arg6[%dma_wait3A_166, %dma_wait3A_167] : memref<8x128xi32, #tpu.memory_space<vmem>> -> memref<1x128xi32, #tpu.memory_space<vmem>>
      %dma_wait3A_169 = tpu.memref_squeeze %dma_wait3A_168 : memref<1x128xi32, #tpu.memory_space<vmem>> -> memref<128xi32, #tpu.memory_space<vmem>>
      %dma_wait3A_170 = arith.constant 0 : i32
      %dma_wait3A_171 = arith.constant 0 : i32
      %dma_wait3A_172 = tpu.memref_slice %arg2[%dma_wait3A_170, %dma_wait3A_171] : memref<10000x128xf32, #tpu.memory_space<hbm>> -> memref<10000x128xf32, #tpu.memory_space<hbm>>
      tpu.wait_indirect_dma semaphore(%arg15 : memref<!tpu.dma_semaphore, #tpu.memory_space<semaphore_mem>>) src(%dma_wait3A_172 : memref<10000x128xf32, #tpu.memory_space<hbm>>) dst(%arg10 : memref<128x128xf32, #tpu.memory_space<vmem>>)
      %run_scoped3A_173 = arith.constant 6 : i32
      "tpu.region"() ({
        %run_scoped3A_326 = tpu.sem_alloc : memref<!tpu.dma_semaphore, #tpu.memory_space<semaphore_mem>>
        %dma_start3A_327 = arith.constant 0 : i32
        %dma_start3A_328 = tpu.memref_slice %arg8[%run_scoped3A_173, %dma_start3A_327] : memref<8x128xi32, #tpu.memory_space<vmem>> -> memref<1x128xi32, #tpu.memory_space<vmem>>
        %dma_start3A_329 = tpu.memref_squeeze %dma_start3A_328 : memref<1x128xi32, #tpu.memory_space<vmem>> -> memref<128xi32, #tpu.memory_space<vmem>>
        %dma_start3A_330 = arith.constant 0 : i32
        %dma_start3A_331 = arith.constant 0 : i32
        %dma_start3A_332 = tpu.memref_slice %arg12[%dma_start3A_330, %dma_start3A_331] : memref<10112x128xf32, #tpu.memory_space<vmem_shared>> -> memref<10112x128xf32, #tpu.memory_space<vmem_shared>>
        tpu.enqueue_indirect_dma source(%arg10 : memref<128x128xf32, #tpu.memory_space<vmem>>) target(%dma_start3A_332 : memref<10112x128xf32, #tpu.memory_space<vmem_shared>>) offsets(%dma_start3A_329 : memref<128xi32, #tpu.memory_space<vmem>>) semaphore(%run_scoped3A_326 : memref<!tpu.dma_semaphore, #tpu.memory_space<semaphore_mem>>) {add = true}
        %dma_wait3A_333 = arith.constant 0 : i32
        %dma_wait3A_334 = tpu.memref_slice %arg8[%run_scoped3A_173, %dma_wait3A_333] : memref<8x128xi32, #tpu.memory_space<vmem>> -> memref<1x128xi32, #tpu.memory_space<vmem>>
        %dma_wait3A_335 = tpu.memref_squeeze %dma_wait3A_334 : memref<1x128xi32, #tpu.memory_space<vmem>> -> memref<128xi32, #tpu.memory_space<vmem>>
        %dma_wait3A_336 = arith.constant 0 : i32
        %dma_wait3A_337 = arith.constant 0 : i32
        %dma_wait3A_338 = tpu.memref_slice %arg12[%dma_wait3A_336, %dma_wait3A_337] : memref<10112x128xf32, #tpu.memory_space<vmem_shared>> -> memref<10112x128xf32, #tpu.memory_space<vmem_shared>>
        tpu.wait_indirect_dma semaphore(%run_scoped3A_326 : memref<!tpu.dma_semaphore, #tpu.memory_space<semaphore_mem>>) src(%arg10 : memref<128x128xf32, #tpu.memory_space<vmem>>) dst(%dma_wait3A_338 : memref<10112x128xf32, #tpu.memory_space<vmem_shared>>)
        tpu.yield
      }) : () -> ()
      %dma_wait3A_174 = arith.constant 7 : i32
      %dma_wait3A_175 = arith.constant 0 : i32
      %dma_wait3A_176 = tpu.memref_slice %arg6[%dma_wait3A_174, %dma_wait3A_175] : memref<8x128xi32, #tpu.memory_space<vmem>> -> memref<1x128xi32, #tpu.memory_space<vmem>>
      %dma_wait3A_177 = tpu.memref_squeeze %dma_wait3A_176 : memref<1x128xi32, #tpu.memory_space<vmem>> -> memref<128xi32, #tpu.memory_space<vmem>>
      %dma_wait3A_178 = arith.constant 0 : i32
      %dma_wait3A_179 = arith.constant 0 : i32
      %dma_wait3A_180 = tpu.memref_slice %arg2[%dma_wait3A_178, %dma_wait3A_179] : memref<10000x128xf32, #tpu.memory_space<hbm>> -> memref<10000x128xf32, #tpu.memory_space<hbm>>
      tpu.wait_indirect_dma semaphore(%arg16 : memref<!tpu.dma_semaphore, #tpu.memory_space<semaphore_mem>>) src(%dma_wait3A_180 : memref<10000x128xf32, #tpu.memory_space<hbm>>) dst(%arg11 : memref<128x128xf32, #tpu.memory_space<vmem>>)
      %run_scoped3A_181 = arith.constant 7 : i32
      "tpu.region"() ({
        %run_scoped3A_326 = tpu.sem_alloc : memref<!tpu.dma_semaphore, #tpu.memory_space<semaphore_mem>>
        %dma_start3A_327 = arith.constant 0 : i32
        %dma_start3A_328 = tpu.memref_slice %arg8[%run_scoped3A_181, %dma_start3A_327] : memref<8x128xi32, #tpu.memory_space<vmem>> -> memref<1x128xi32, #tpu.memory_space<vmem>>
        %dma_start3A_329 = tpu.memref_squeeze %dma_start3A_328 : memref<1x128xi32, #tpu.memory_space<vmem>> -> memref<128xi32, #tpu.memory_space<vmem>>
        %dma_start3A_330 = arith.constant 0 : i32
        %dma_start3A_331 = arith.constant 0 : i32
        %dma_start3A_332 = tpu.memref_slice %arg12[%dma_start3A_330, %dma_start3A_331] : memref<10112x128xf32, #tpu.memory_space<vmem_shared>> -> memref<10112x128xf32, #tpu.memory_space<vmem_shared>>
        tpu.enqueue_indirect_dma source(%arg11 : memref<128x128xf32, #tpu.memory_space<vmem>>) target(%dma_start3A_332 : memref<10112x128xf32, #tpu.memory_space<vmem_shared>>) offsets(%dma_start3A_329 : memref<128xi32, #tpu.memory_space<vmem>>) semaphore(%run_scoped3A_326 : memref<!tpu.dma_semaphore, #tpu.memory_space<semaphore_mem>>) {add = true}
        %dma_wait3A_333 = arith.constant 0 : i32
        %dma_wait3A_334 = tpu.memref_slice %arg8[%run_scoped3A_181, %dma_wait3A_333] : memref<8x128xi32, #tpu.memory_space<vmem>> -> memref<1x128xi32, #tpu.memory_space<vmem>>
        %dma_wait3A_335 = tpu.memref_squeeze %dma_wait3A_334 : memref<1x128xi32, #tpu.memory_space<vmem>> -> memref<128xi32, #tpu.memory_space<vmem>>
        %dma_wait3A_336 = arith.constant 0 : i32
        %dma_wait3A_337 = arith.constant 0 : i32
        %dma_wait3A_338 = tpu.memref_slice %arg12[%dma_wait3A_336, %dma_wait3A_337] : memref<10112x128xf32, #tpu.memory_space<vmem_shared>> -> memref<10112x128xf32, #tpu.memory_space<vmem_shared>>
        tpu.wait_indirect_dma semaphore(%run_scoped3A_326 : memref<!tpu.dma_semaphore, #tpu.memory_space<semaphore_mem>>) src(%arg11 : memref<128x128xf32, #tpu.memory_space<vmem>>) dst(%dma_wait3A_338 : memref<10112x128xf32, #tpu.memory_space<vmem_shared>>)
        tpu.yield
      }) : () -> ()
      %add3A_182 = arith.constant 2 : i32
      %add3A_183 = arith.addi %add3A_52, %add3A_182 : i32
      %lt3A = arith.constant 10 : i32
      %lt3A_184 = arith.cmpi slt, %add3A_183, %lt3A : i32
      %convert_element_type3A = arith.extui %lt3A_184 : i1 to i32
      %cond3A = arith.constant 0 : i32
      %cond3A_185 = arith.cmpi ne, %convert_element_type3A, %cond3A : i32
      scf.if %cond3A_185 {
        %add3A_326 = arith.constant 2 : i32
        %add3A_327 = arith.addi %add3A_52, %add3A_326 : i32
        %mul3A_328 = arith.constant 8 : i32
        %mul3A_329 = arith.muli %add3A_327, %mul3A_328 : i32
        %add3A_330 = arith.addi %mul3A_4, %mul3A_329 : i32
        %dma_start3A_331 = arith.constant 0 : i32
        %dma_start3A_332 = tpu.memref_slice %arg4[%add3A_330, %dma_start3A_331] : memref<2560x128xi32, #tpu.memory_space<hbm>> -> memref<8x128xi32, #tpu.memory_space<hbm>>
        %dma_start3A_333 = arith.constant 0 : i32
        %dma_start3A_334 = tpu.memref_slice %arg4[%add3A_330, %dma_start3A_333] : memref<2560x128xi32, #tpu.memory_space<hbm>> -> memref<8x128xi32, #tpu.memory_space<hbm>>
        tpu.enqueue_dma source(%dma_start3A_334 : memref<8x128xi32, #tpu.memory_space<hbm>>) target(%arg6 : memref<8x128xi32, #tpu.memory_space<vmem>>) target_semaphore(%arg13 : memref<!tpu.dma_semaphore, #tpu.memory_space<semaphore_mem>>)
        %dma_start3A_335 = arith.constant 0 : i32
        %dma_start3A_336 = tpu.memref_slice %arg3[%add3A_330, %dma_start3A_335] : memref<2560x128xi32, #tpu.memory_space<hbm>> -> memref<8x128xi32, #tpu.memory_space<hbm>>
        %dma_start3A_337 = arith.constant 0 : i32
        %dma_start3A_338 = tpu.memref_slice %arg3[%add3A_330, %dma_start3A_337] : memref<2560x128xi32, #tpu.memory_space<hbm>> -> memref<8x128xi32, #tpu.memory_space<hbm>>
        tpu.enqueue_dma source(%dma_start3A_338 : memref<8x128xi32, #tpu.memory_space<hbm>>) target(%arg8 : memref<8x128xi32, #tpu.memory_space<vmem>>) target_semaphore(%arg13 : memref<!tpu.dma_semaphore, #tpu.memory_space<semaphore_mem>>)
      } else {
      }
      %add3A_186 = arith.constant 1 : i32
      %add3A_187 = arith.addi %add3A_52, %add3A_186 : i32
      %mul3A_188 = arith.constant 8 : i32
      %mul3A_189 = arith.muli %add3A_187, %mul3A_188 : i32
      %add3A_190 = arith.addi %mul3A_4, %mul3A_189 : i32
      %dma_wait3A_191 = arith.constant 0 : i32
      %dma_wait3A_192 = tpu.memref_slice %arg4[%add3A_190, %dma_wait3A_191] : memref<2560x128xi32, #tpu.memory_space<hbm>> -> memref<8x128xi32, #tpu.memory_space<hbm>>
      %dma_wait3A_193 = arith.constant 0 : i32
      %dma_wait3A_194 = tpu.memref_slice %arg4[%add3A_190, %dma_wait3A_193] : memref<2560x128xi32, #tpu.memory_space<hbm>> -> memref<8x128xi32, #tpu.memory_space<hbm>>
      tpu.wait_dma2 semaphore(%arg14 : memref<!tpu.dma_semaphore, #tpu.memory_space<semaphore_mem>>) src(%dma_wait3A_194 : memref<8x128xi32, #tpu.memory_space<hbm>>) dst(%arg7 : memref<8x128xi32, #tpu.memory_space<vmem>>)
      %dma_wait3A_195 = arith.constant 0 : i32
      %dma_wait3A_196 = tpu.memref_slice %arg3[%add3A_190, %dma_wait3A_195] : memref<2560x128xi32, #tpu.memory_space<hbm>> -> memref<8x128xi32, #tpu.memory_space<hbm>>
      %dma_wait3A_197 = arith.constant 0 : i32
      %dma_wait3A_198 = tpu.memref_slice %arg3[%add3A_190, %dma_wait3A_197] : memref<2560x128xi32, #tpu.memory_space<hbm>> -> memref<8x128xi32, #tpu.memory_space<hbm>>
      tpu.wait_dma2 semaphore(%arg14 : memref<!tpu.dma_semaphore, #tpu.memory_space<semaphore_mem>>) src(%dma_wait3A_198 : memref<8x128xi32, #tpu.memory_space<hbm>>) dst(%arg9 : memref<8x128xi32, #tpu.memory_space<vmem>>)
      %dma_start3A_199 = arith.constant 0 : i32
      %dma_start3A_200 = arith.constant 0 : i32
      %dma_start3A_201 = tpu.memref_slice %arg7[%dma_start3A_199, %dma_start3A_200] : memref<8x128xi32, #tpu.memory_space<vmem>> -> memref<1x128xi32, #tpu.memory_space<vmem>>
      %dma_start3A_202 = tpu.memref_squeeze %dma_start3A_201 : memref<1x128xi32, #tpu.memory_space<vmem>> -> memref<128xi32, #tpu.memory_space<vmem>>
      %dma_start3A_203 = arith.constant 0 : i32
      %dma_start3A_204 = arith.constant 0 : i32
      %dma_start3A_205 = tpu.memref_slice %arg2[%dma_start3A_203, %dma_start3A_204] : memref<10000x128xf32, #tpu.memory_space<hbm>> -> memref<10000x128xf32, #tpu.memory_space<hbm>>
      tpu.enqueue_indirect_dma source(%dma_start3A_205 : memref<10000x128xf32, #tpu.memory_space<hbm>>) target(%arg10 : memref<128x128xf32, #tpu.memory_space<vmem>>) offsets(%dma_start3A_202 : memref<128xi32, #tpu.memory_space<vmem>>) semaphore(%arg15 : memref<!tpu.dma_semaphore, #tpu.memory_space<semaphore_mem>>)
      %dma_start3A_206 = arith.constant 1 : i32
      %dma_start3A_207 = arith.constant 0 : i32
      %dma_start3A_208 = tpu.memref_slice %arg7[%dma_start3A_206, %dma_start3A_207] : memref<8x128xi32, #tpu.memory_space<vmem>> -> memref<1x128xi32, #tpu.memory_space<vmem>>
      %dma_start3A_209 = tpu.memref_squeeze %dma_start3A_208 : memref<1x128xi32, #tpu.memory_space<vmem>> -> memref<128xi32, #tpu.memory_space<vmem>>
      %dma_start3A_210 = arith.constant 0 : i32
      %dma_start3A_211 = arith.constant 0 : i32
      %dma_start3A_212 = tpu.memref_slice %arg2[%dma_start3A_210, %dma_start3A_211] : memref<10000x128xf32, #tpu.memory_space<hbm>> -> memref<10000x128xf32, #tpu.memory_space<hbm>>
      tpu.enqueue_indirect_dma source(%dma_start3A_212 : memref<10000x128xf32, #tpu.memory_space<hbm>>) target(%arg11 : memref<128x128xf32, #tpu.memory_space<vmem>>) offsets(%dma_start3A_209 : memref<128xi32, #tpu.memory_space<vmem>>) semaphore(%arg16 : memref<!tpu.dma_semaphore, #tpu.memory_space<semaphore_mem>>)
      %dma_wait3A_213 = arith.constant 0 : i32
      %dma_wait3A_214 = arith.constant 0 : i32
      %dma_wait3A_215 = tpu.memref_slice %arg7[%dma_wait3A_213, %dma_wait3A_214] : memref<8x128xi32, #tpu.memory_space<vmem>> -> memref<1x128xi32, #tpu.memory_space<vmem>>
      %dma_wait3A_216 = tpu.memref_squeeze %dma_wait3A_215 : memref<1x128xi32, #tpu.memory_space<vmem>> -> memref<128xi32, #tpu.memory_space<vmem>>
      %dma_wait3A_217 = arith.constant 0 : i32
      %dma_wait3A_218 = arith.constant 0 : i32
      %dma_wait3A_219 = tpu.memref_slice %arg2[%dma_wait3A_217, %dma_wait3A_218] : memref<10000x128xf32, #tpu.memory_space<hbm>> -> memref<10000x128xf32, #tpu.memory_space<hbm>>
      tpu.wait_indirect_dma semaphore(%arg15 : memref<!tpu.dma_semaphore, #tpu.memory_space<semaphore_mem>>) src(%dma_wait3A_219 : memref<10000x128xf32, #tpu.memory_space<hbm>>) dst(%arg10 : memref<128x128xf32, #tpu.memory_space<vmem>>)
      %run_scoped3A_220 = arith.constant 0 : i32
      "tpu.region"() ({
        %run_scoped3A_326 = tpu.sem_alloc : memref<!tpu.dma_semaphore, #tpu.memory_space<semaphore_mem>>
        %dma_start3A_327 = arith.constant 0 : i32
        %dma_start3A_328 = tpu.memref_slice %arg9[%run_scoped3A_220, %dma_start3A_327] : memref<8x128xi32, #tpu.memory_space<vmem>> -> memref<1x128xi32, #tpu.memory_space<vmem>>
        %dma_start3A_329 = tpu.memref_squeeze %dma_start3A_328 : memref<1x128xi32, #tpu.memory_space<vmem>> -> memref<128xi32, #tpu.memory_space<vmem>>
        %dma_start3A_330 = arith.constant 0 : i32
        %dma_start3A_331 = arith.constant 0 : i32
        %dma_start3A_332 = tpu.memref_slice %arg12[%dma_start3A_330, %dma_start3A_331] : memref<10112x128xf32, #tpu.memory_space<vmem_shared>> -> memref<10112x128xf32, #tpu.memory_space<vmem_shared>>
        tpu.enqueue_indirect_dma source(%arg10 : memref<128x128xf32, #tpu.memory_space<vmem>>) target(%dma_start3A_332 : memref<10112x128xf32, #tpu.memory_space<vmem_shared>>) offsets(%dma_start3A_329 : memref<128xi32, #tpu.memory_space<vmem>>) semaphore(%run_scoped3A_326 : memref<!tpu.dma_semaphore, #tpu.memory_space<semaphore_mem>>) {add = true}
        %dma_wait3A_333 = arith.constant 0 : i32
        %dma_wait3A_334 = tpu.memref_slice %arg9[%run_scoped3A_220, %dma_wait3A_333] : memref<8x128xi32, #tpu.memory_space<vmem>> -> memref<1x128xi32, #tpu.memory_space<vmem>>
        %dma_wait3A_335 = tpu.memref_squeeze %dma_wait3A_334 : memref<1x128xi32, #tpu.memory_space<vmem>> -> memref<128xi32, #tpu.memory_space<vmem>>
        %dma_wait3A_336 = arith.constant 0 : i32
        %dma_wait3A_337 = arith.constant 0 : i32
        %dma_wait3A_338 = tpu.memref_slice %arg12[%dma_wait3A_336, %dma_wait3A_337] : memref<10112x128xf32, #tpu.memory_space<vmem_shared>> -> memref<10112x128xf32, #tpu.memory_space<vmem_shared>>
        tpu.wait_indirect_dma semaphore(%run_scoped3A_326 : memref<!tpu.dma_semaphore, #tpu.memory_space<semaphore_mem>>) src(%arg10 : memref<128x128xf32, #tpu.memory_space<vmem>>) dst(%dma_wait3A_338 : memref<10112x128xf32, #tpu.memory_space<vmem_shared>>)
        tpu.yield
      }) : () -> ()
      %dma_start3A_221 = arith.constant 2 : i32
      %dma_start3A_222 = arith.constant 0 : i32
      %dma_start3A_223 = tpu.memref_slice %arg7[%dma_start3A_221, %dma_start3A_222] : memref<8x128xi32, #tpu.memory_space<vmem>> -> memref<1x128xi32, #tpu.memory_space<vmem>>
      %dma_start3A_224 = tpu.memref_squeeze %dma_start3A_223 : memref<1x128xi32, #tpu.memory_space<vmem>> -> memref<128xi32, #tpu.memory_space<vmem>>
      %dma_start3A_225 = arith.constant 0 : i32
      %dma_start3A_226 = arith.constant 0 : i32
      %dma_start3A_227 = tpu.memref_slice %arg2[%dma_start3A_225, %dma_start3A_226] : memref<10000x128xf32, #tpu.memory_space<hbm>> -> memref<10000x128xf32, #tpu.memory_space<hbm>>
      tpu.enqueue_indirect_dma source(%dma_start3A_227 : memref<10000x128xf32, #tpu.memory_space<hbm>>) target(%arg10 : memref<128x128xf32, #tpu.memory_space<vmem>>) offsets(%dma_start3A_224 : memref<128xi32, #tpu.memory_space<vmem>>) semaphore(%arg15 : memref<!tpu.dma_semaphore, #tpu.memory_space<semaphore_mem>>)
      %dma_wait3A_228 = arith.constant 1 : i32
      %dma_wait3A_229 = arith.constant 0 : i32
      %dma_wait3A_230 = tpu.memref_slice %arg7[%dma_wait3A_228, %dma_wait3A_229] : memref<8x128xi32, #tpu.memory_space<vmem>> -> memref<1x128xi32, #tpu.memory_space<vmem>>
      %dma_wait3A_231 = tpu.memref_squeeze %dma_wait3A_230 : memref<1x128xi32, #tpu.memory_space<vmem>> -> memref<128xi32, #tpu.memory_space<vmem>>
      %dma_wait3A_232 = arith.constant 0 : i32
      %dma_wait3A_233 = arith.constant 0 : i32
      %dma_wait3A_234 = tpu.memref_slice %arg2[%dma_wait3A_232, %dma_wait3A_233] : memref<10000x128xf32, #tpu.memory_space<hbm>> -> memref<10000x128xf32, #tpu.memory_space<hbm>>
      tpu.wait_indirect_dma semaphore(%arg16 : memref<!tpu.dma_semaphore, #tpu.memory_space<semaphore_mem>>) src(%dma_wait3A_234 : memref<10000x128xf32, #tpu.memory_space<hbm>>) dst(%arg11 : memref<128x128xf32, #tpu.memory_space<vmem>>)
      %run_scoped3A_235 = arith.constant 1 : i32
      "tpu.region"() ({
        %run_scoped3A_326 = tpu.sem_alloc : memref<!tpu.dma_semaphore, #tpu.memory_space<semaphore_mem>>
        %dma_start3A_327 = arith.constant 0 : i32
        %dma_start3A_328 = tpu.memref_slice %arg9[%run_scoped3A_235, %dma_start3A_327] : memref<8x128xi32, #tpu.memory_space<vmem>> -> memref<1x128xi32, #tpu.memory_space<vmem>>
        %dma_start3A_329 = tpu.memref_squeeze %dma_start3A_328 : memref<1x128xi32, #tpu.memory_space<vmem>> -> memref<128xi32, #tpu.memory_space<vmem>>
        %dma_start3A_330 = arith.constant 0 : i32
        %dma_start3A_331 = arith.constant 0 : i32
        %dma_start3A_332 = tpu.memref_slice %arg12[%dma_start3A_330, %dma_start3A_331] : memref<10112x128xf32, #tpu.memory_space<vmem_shared>> -> memref<10112x128xf32, #tpu.memory_space<vmem_shared>>
        tpu.enqueue_indirect_dma source(%arg11 : memref<128x128xf32, #tpu.memory_space<vmem>>) target(%dma_start3A_332 : memref<10112x128xf32, #tpu.memory_space<vmem_shared>>) offsets(%dma_start3A_329 : memref<128xi32, #tpu.memory_space<vmem>>) semaphore(%run_scoped3A_326 : memref<!tpu.dma_semaphore, #tpu.memory_space<semaphore_mem>>) {add = true}
        %dma_wait3A_333 = arith.constant 0 : i32
        %dma_wait3A_334 = tpu.memref_slice %arg9[%run_scoped3A_235, %dma_wait3A_333] : memref<8x128xi32, #tpu.memory_space<vmem>> -> memref<1x128xi32, #tpu.memory_space<vmem>>
        %dma_wait3A_335 = tpu.memref_squeeze %dma_wait3A_334 : memref<1x128xi32, #tpu.memory_space<vmem>> -> memref<128xi32, #tpu.memory_space<vmem>>
        %dma_wait3A_336 = arith.constant 0 : i32
        %dma_wait3A_337 = arith.constant 0 : i32
        %dma_wait3A_338 = tpu.memref_slice %arg12[%dma_wait3A_336, %dma_wait3A_337] : memref<10112x128xf32, #tpu.memory_space<vmem_shared>> -> memref<10112x128xf32, #tpu.memory_space<vmem_shared>>
        tpu.wait_indirect_dma semaphore(%run_scoped3A_326 : memref<!tpu.dma_semaphore, #tpu.memory_space<semaphore_mem>>) src(%arg11 : memref<128x128xf32, #tpu.memory_space<vmem>>) dst(%dma_wait3A_338 : memref<10112x128xf32, #tpu.memory_space<vmem_shared>>)
        tpu.yield
      }) : () -> ()
      %dma_start3A_236 = arith.constant 3 : i32
      %dma_start3A_237 = arith.constant 0 : i32
      %dma_start3A_238 = tpu.memref_slice %arg7[%dma_start3A_236, %dma_start3A_237] : memref<8x128xi32, #tpu.memory_space<vmem>> -> memref<1x128xi32, #tpu.memory_space<vmem>>
      %dma_start3A_239 = tpu.memref_squeeze %dma_start3A_238 : memref<1x128xi32, #tpu.memory_space<vmem>> -> memref<128xi32, #tpu.memory_space<vmem>>
      %dma_start3A_240 = arith.constant 0 : i32
      %dma_start3A_241 = arith.constant 0 : i32
      %dma_start3A_242 = tpu.memref_slice %arg2[%dma_start3A_240, %dma_start3A_241] : memref<10000x128xf32, #tpu.memory_space<hbm>> -> memref<10000x128xf32, #tpu.memory_space<hbm>>
      tpu.enqueue_indirect_dma source(%dma_start3A_242 : memref<10000x128xf32, #tpu.memory_space<hbm>>) target(%arg11 : memref<128x128xf32, #tpu.memory_space<vmem>>) offsets(%dma_start3A_239 : memref<128xi32, #tpu.memory_space<vmem>>) semaphore(%arg16 : memref<!tpu.dma_semaphore, #tpu.memory_space<semaphore_mem>>)
      %dma_wait3A_243 = arith.constant 2 : i32
      %dma_wait3A_244 = arith.constant 0 : i32
      %dma_wait3A_245 = tpu.memref_slice %arg7[%dma_wait3A_243, %dma_wait3A_244] : memref<8x128xi32, #tpu.memory_space<vmem>> -> memref<1x128xi32, #tpu.memory_space<vmem>>
      %dma_wait3A_246 = tpu.memref_squeeze %dma_wait3A_245 : memref<1x128xi32, #tpu.memory_space<vmem>> -> memref<128xi32, #tpu.memory_space<vmem>>
      %dma_wait3A_247 = arith.constant 0 : i32
      %dma_wait3A_248 = arith.constant 0 : i32
      %dma_wait3A_249 = tpu.memref_slice %arg2[%dma_wait3A_247, %dma_wait3A_248] : memref<10000x128xf32, #tpu.memory_space<hbm>> -> memref<10000x128xf32, #tpu.memory_space<hbm>>
      tpu.wait_indirect_dma semaphore(%arg15 : memref<!tpu.dma_semaphore, #tpu.memory_space<semaphore_mem>>) src(%dma_wait3A_249 : memref<10000x128xf32, #tpu.memory_space<hbm>>) dst(%arg10 : memref<128x128xf32, #tpu.memory_space<vmem>>)
      %run_scoped3A_250 = arith.constant 2 : i32
      "tpu.region"() ({
        %run_scoped3A_326 = tpu.sem_alloc : memref<!tpu.dma_semaphore, #tpu.memory_space<semaphore_mem>>
        %dma_start3A_327 = arith.constant 0 : i32
        %dma_start3A_328 = tpu.memref_slice %arg9[%run_scoped3A_250, %dma_start3A_327] : memref<8x128xi32, #tpu.memory_space<vmem>> -> memref<1x128xi32, #tpu.memory_space<vmem>>
        %dma_start3A_329 = tpu.memref_squeeze %dma_start3A_328 : memref<1x128xi32, #tpu.memory_space<vmem>> -> memref<128xi32, #tpu.memory_space<vmem>>
        %dma_start3A_330 = arith.constant 0 : i32
        %dma_start3A_331 = arith.constant 0 : i32
        %dma_start3A_332 = tpu.memref_slice %arg12[%dma_start3A_330, %dma_start3A_331] : memref<10112x128xf32, #tpu.memory_space<vmem_shared>> -> memref<10112x128xf32, #tpu.memory_space<vmem_shared>>
        tpu.enqueue_indirect_dma source(%arg10 : memref<128x128xf32, #tpu.memory_space<vmem>>) target(%dma_start3A_332 : memref<10112x128xf32, #tpu.memory_space<vmem_shared>>) offsets(%dma_start3A_329 : memref<128xi32, #tpu.memory_space<vmem>>) semaphore(%run_scoped3A_326 : memref<!tpu.dma_semaphore, #tpu.memory_space<semaphore_mem>>) {add = true}
        %dma_wait3A_333 = arith.constant 0 : i32
        %dma_wait3A_334 = tpu.memref_slice %arg9[%run_scoped3A_250, %dma_wait3A_333] : memref<8x128xi32, #tpu.memory_space<vmem>> -> memref<1x128xi32, #tpu.memory_space<vmem>>
        %dma_wait3A_335 = tpu.memref_squeeze %dma_wait3A_334 : memref<1x128xi32, #tpu.memory_space<vmem>> -> memref<128xi32, #tpu.memory_space<vmem>>
        %dma_wait3A_336 = arith.constant 0 : i32
        %dma_wait3A_337 = arith.constant 0 : i32
        %dma_wait3A_338 = tpu.memref_slice %arg12[%dma_wait3A_336, %dma_wait3A_337] : memref<10112x128xf32, #tpu.memory_space<vmem_shared>> -> memref<10112x128xf32, #tpu.memory_space<vmem_shared>>
        tpu.wait_indirect_dma semaphore(%run_scoped3A_326 : memref<!tpu.dma_semaphore, #tpu.memory_space<semaphore_mem>>) src(%arg10 : memref<128x128xf32, #tpu.memory_space<vmem>>) dst(%dma_wait3A_338 : memref<10112x128xf32, #tpu.memory_space<vmem_shared>>)
        tpu.yield
      }) : () -> ()
      %dma_start3A_251 = arith.constant 4 : i32
      %dma_start3A_252 = arith.constant 0 : i32
      %dma_start3A_253 = tpu.memref_slice %arg7[%dma_start3A_251, %dma_start3A_252] : memref<8x128xi32, #tpu.memory_space<vmem>> -> memref<1x128xi32, #tpu.memory_space<vmem>>
      %dma_start3A_254 = tpu.memref_squeeze %dma_start3A_253 : memref<1x128xi32, #tpu.memory_space<vmem>> -> memref<128xi32, #tpu.memory_space<vmem>>
      %dma_start3A_255 = arith.constant 0 : i32
      %dma_start3A_256 = arith.constant 0 : i32
      %dma_start3A_257 = tpu.memref_slice %arg2[%dma_start3A_255, %dma_start3A_256] : memref<10000x128xf32, #tpu.memory_space<hbm>> -> memref<10000x128xf32, #tpu.memory_space<hbm>>
      tpu.enqueue_indirect_dma source(%dma_start3A_257 : memref<10000x128xf32, #tpu.memory_space<hbm>>) target(%arg10 : memref<128x128xf32, #tpu.memory_space<vmem>>) offsets(%dma_start3A_254 : memref<128xi32, #tpu.memory_space<vmem>>) semaphore(%arg15 : memref<!tpu.dma_semaphore, #tpu.memory_space<semaphore_mem>>)
      %dma_wait3A_258 = arith.constant 3 : i32
      %dma_wait3A_259 = arith.constant 0 : i32
      %dma_wait3A_260 = tpu.memref_slice %arg7[%dma_wait3A_258, %dma_wait3A_259] : memref<8x128xi32, #tpu.memory_space<vmem>> -> memref<1x128xi32, #tpu.memory_space<vmem>>
      %dma_wait3A_261 = tpu.memref_squeeze %dma_wait3A_260 : memref<1x128xi32, #tpu.memory_space<vmem>> -> memref<128xi32, #tpu.memory_space<vmem>>
      %dma_wait3A_262 = arith.constant 0 : i32
      %dma_wait3A_263 = arith.constant 0 : i32
      %dma_wait3A_264 = tpu.memref_slice %arg2[%dma_wait3A_262, %dma_wait3A_263] : memref<10000x128xf32, #tpu.memory_space<hbm>> -> memref<10000x128xf32, #tpu.memory_space<hbm>>
      tpu.wait_indirect_dma semaphore(%arg16 : memref<!tpu.dma_semaphore, #tpu.memory_space<semaphore_mem>>) src(%dma_wait3A_264 : memref<10000x128xf32, #tpu.memory_space<hbm>>) dst(%arg11 : memref<128x128xf32, #tpu.memory_space<vmem>>)
      %run_scoped3A_265 = arith.constant 3 : i32
      "tpu.region"() ({
        %run_scoped3A_326 = tpu.sem_alloc : memref<!tpu.dma_semaphore, #tpu.memory_space<semaphore_mem>>
        %dma_start3A_327 = arith.constant 0 : i32
        %dma_start3A_328 = tpu.memref_slice %arg9[%run_scoped3A_265, %dma_start3A_327] : memref<8x128xi32, #tpu.memory_space<vmem>> -> memref<1x128xi32, #tpu.memory_space<vmem>>
        %dma_start3A_329 = tpu.memref_squeeze %dma_start3A_328 : memref<1x128xi32, #tpu.memory_space<vmem>> -> memref<128xi32, #tpu.memory_space<vmem>>
        %dma_start3A_330 = arith.constant 0 : i32
        %dma_start3A_331 = arith.constant 0 : i32
        %dma_start3A_332 = tpu.memref_slice %arg12[%dma_start3A_330, %dma_start3A_331] : memref<10112x128xf32, #tpu.memory_space<vmem_shared>> -> memref<10112x128xf32, #tpu.memory_space<vmem_shared>>
        tpu.enqueue_indirect_dma source(%arg11 : memref<128x128xf32, #tpu.memory_space<vmem>>) target(%dma_start3A_332 : memref<10112x128xf32, #tpu.memory_space<vmem_shared>>) offsets(%dma_start3A_329 : memref<128xi32, #tpu.memory_space<vmem>>) semaphore(%run_scoped3A_326 : memref<!tpu.dma_semaphore, #tpu.memory_space<semaphore_mem>>) {add = true}
        %dma_wait3A_333 = arith.constant 0 : i32
        %dma_wait3A_334 = tpu.memref_slice %arg9[%run_scoped3A_265, %dma_wait3A_333] : memref<8x128xi32, #tpu.memory_space<vmem>> -> memref<1x128xi32, #tpu.memory_space<vmem>>
        %dma_wait3A_335 = tpu.memref_squeeze %dma_wait3A_334 : memref<1x128xi32, #tpu.memory_space<vmem>> -> memref<128xi32, #tpu.memory_space<vmem>>
        %dma_wait3A_336 = arith.constant 0 : i32
        %dma_wait3A_337 = arith.constant 0 : i32
        %dma_wait3A_338 = tpu.memref_slice %arg12[%dma_wait3A_336, %dma_wait3A_337] : memref<10112x128xf32, #tpu.memory_space<vmem_shared>> -> memref<10112x128xf32, #tpu.memory_space<vmem_shared>>
        tpu.wait_indirect_dma semaphore(%run_scoped3A_326 : memref<!tpu.dma_semaphore, #tpu.memory_space<semaphore_mem>>) src(%arg11 : memref<128x128xf32, #tpu.memory_space<vmem>>) dst(%dma_wait3A_338 : memref<10112x128xf32, #tpu.memory_space<vmem_shared>>)
        tpu.yield
      }) : () -> ()
      %dma_start3A_266 = arith.constant 5 : i32
      %dma_start3A_267 = arith.constant 0 : i32
      %dma_start3A_268 = tpu.memref_slice %arg7[%dma_start3A_266, %dma_start3A_267] : memref<8x128xi32, #tpu.memory_space<vmem>> -> memref<1x128xi32, #tpu.memory_space<vmem>>
      %dma_start3A_269 = tpu.memref_squeeze %dma_start3A_268 : memref<1x128xi32, #tpu.memory_space<vmem>> -> memref<128xi32, #tpu.memory_space<vmem>>
      %dma_start3A_270 = arith.constant 0 : i32
      %dma_start3A_271 = arith.constant 0 : i32
      %dma_start3A_272 = tpu.memref_slice %arg2[%dma_start3A_270, %dma_start3A_271] : memref<10000x128xf32, #tpu.memory_space<hbm>> -> memref<10000x128xf32, #tpu.memory_space<hbm>>
      tpu.enqueue_indirect_dma source(%dma_start3A_272 : memref<10000x128xf32, #tpu.memory_space<hbm>>) target(%arg11 : memref<128x128xf32, #tpu.memory_space<vmem>>) offsets(%dma_start3A_269 : memref<128xi32, #tpu.memory_space<vmem>>) semaphore(%arg16 : memref<!tpu.dma_semaphore, #tpu.memory_space<semaphore_mem>>)
      %dma_wait3A_273 = arith.constant 4 : i32
      %dma_wait3A_274 = arith.constant 0 : i32
      %dma_wait3A_275 = tpu.memref_slice %arg7[%dma_wait3A_273, %dma_wait3A_274] : memref<8x128xi32, #tpu.memory_space<vmem>> -> memref<1x128xi32, #tpu.memory_space<vmem>>
      %dma_wait3A_276 = tpu.memref_squeeze %dma_wait3A_275 : memref<1x128xi32, #tpu.memory_space<vmem>> -> memref<128xi32, #tpu.memory_space<vmem>>
      %dma_wait3A_277 = arith.constant 0 : i32
      %dma_wait3A_278 = arith.constant 0 : i32
      %dma_wait3A_279 = tpu.memref_slice %arg2[%dma_wait3A_277, %dma_wait3A_278] : memref<10000x128xf32, #tpu.memory_space<hbm>> -> memref<10000x128xf32, #tpu.memory_space<hbm>>
      tpu.wait_indirect_dma semaphore(%arg15 : memref<!tpu.dma_semaphore, #tpu.memory_space<semaphore_mem>>) src(%dma_wait3A_279 : memref<10000x128xf32, #tpu.memory_space<hbm>>) dst(%arg10 : memref<128x128xf32, #tpu.memory_space<vmem>>)
      %run_scoped3A_280 = arith.constant 4 : i32
      "tpu.region"() ({
        %run_scoped3A_326 = tpu.sem_alloc : memref<!tpu.dma_semaphore, #tpu.memory_space<semaphore_mem>>
        %dma_start3A_327 = arith.constant 0 : i32
        %dma_start3A_328 = tpu.memref_slice %arg9[%run_scoped3A_280, %dma_start3A_327] : memref<8x128xi32, #tpu.memory_space<vmem>> -> memref<1x128xi32, #tpu.memory_space<vmem>>
        %dma_start3A_329 = tpu.memref_squeeze %dma_start3A_328 : memref<1x128xi32, #tpu.memory_space<vmem>> -> memref<128xi32, #tpu.memory_space<vmem>>
        %dma_start3A_330 = arith.constant 0 : i32
        %dma_start3A_331 = arith.constant 0 : i32
        %dma_start3A_332 = tpu.memref_slice %arg12[%dma_start3A_330, %dma_start3A_331] : memref<10112x128xf32, #tpu.memory_space<vmem_shared>> -> memref<10112x128xf32, #tpu.memory_space<vmem_shared>>
        tpu.enqueue_indirect_dma source(%arg10 : memref<128x128xf32, #tpu.memory_space<vmem>>) target(%dma_start3A_332 : memref<10112x128xf32, #tpu.memory_space<vmem_shared>>) offsets(%dma_start3A_329 : memref<128xi32, #tpu.memory_space<vmem>>) semaphore(%run_scoped3A_326 : memref<!tpu.dma_semaphore, #tpu.memory_space<semaphore_mem>>) {add = true}
        %dma_wait3A_333 = arith.constant 0 : i32
        %dma_wait3A_334 = tpu.memref_slice %arg9[%run_scoped3A_280, %dma_wait3A_333] : memref<8x128xi32, #tpu.memory_space<vmem>> -> memref<1x128xi32, #tpu.memory_space<vmem>>
        %dma_wait3A_335 = tpu.memref_squeeze %dma_wait3A_334 : memref<1x128xi32, #tpu.memory_space<vmem>> -> memref<128xi32, #tpu.memory_space<vmem>>
        %dma_wait3A_336 = arith.constant 0 : i32
        %dma_wait3A_337 = arith.constant 0 : i32
        %dma_wait3A_338 = tpu.memref_slice %arg12[%dma_wait3A_336, %dma_wait3A_337] : memref<10112x128xf32, #tpu.memory_space<vmem_shared>> -> memref<10112x128xf32, #tpu.memory_space<vmem_shared>>
        tpu.wait_indirect_dma semaphore(%run_scoped3A_326 : memref<!tpu.dma_semaphore, #tpu.memory_space<semaphore_mem>>) src(%arg10 : memref<128x128xf32, #tpu.memory_space<vmem>>) dst(%dma_wait3A_338 : memref<10112x128xf32, #tpu.memory_space<vmem_shared>>)
        tpu.yield
      }) : () -> ()
      %dma_start3A_281 = arith.constant 6 : i32
      %dma_start3A_282 = arith.constant 0 : i32
      %dma_start3A_283 = tpu.memref_slice %arg7[%dma_start3A_281, %dma_start3A_282] : memref<8x128xi32, #tpu.memory_space<vmem>> -> memref<1x128xi32, #tpu.memory_space<vmem>>
      %dma_start3A_284 = tpu.memref_squeeze %dma_start3A_283 : memref<1x128xi32, #tpu.memory_space<vmem>> -> memref<128xi32, #tpu.memory_space<vmem>>
      %dma_start3A_285 = arith.constant 0 : i32
      %dma_start3A_286 = arith.constant 0 : i32
      %dma_start3A_287 = tpu.memref_slice %arg2[%dma_start3A_285, %dma_start3A_286] : memref<10000x128xf32, #tpu.memory_space<hbm>> -> memref<10000x128xf32, #tpu.memory_space<hbm>>
      tpu.enqueue_indirect_dma source(%dma_start3A_287 : memref<10000x128xf32, #tpu.memory_space<hbm>>) target(%arg10 : memref<128x128xf32, #tpu.memory_space<vmem>>) offsets(%dma_start3A_284 : memref<128xi32, #tpu.memory_space<vmem>>) semaphore(%arg15 : memref<!tpu.dma_semaphore, #tpu.memory_space<semaphore_mem>>)
      %dma_wait3A_288 = arith.constant 5 : i32
      %dma_wait3A_289 = arith.constant 0 : i32
      %dma_wait3A_290 = tpu.memref_slice %arg7[%dma_wait3A_288, %dma_wait3A_289] : memref<8x128xi32, #tpu.memory_space<vmem>> -> memref<1x128xi32, #tpu.memory_space<vmem>>
      %dma_wait3A_291 = tpu.memref_squeeze %dma_wait3A_290 : memref<1x128xi32, #tpu.memory_space<vmem>> -> memref<128xi32, #tpu.memory_space<vmem>>
      %dma_wait3A_292 = arith.constant 0 : i32
      %dma_wait3A_293 = arith.constant 0 : i32
      %dma_wait3A_294 = tpu.memref_slice %arg2[%dma_wait3A_292, %dma_wait3A_293] : memref<10000x128xf32, #tpu.memory_space<hbm>> -> memref<10000x128xf32, #tpu.memory_space<hbm>>
      tpu.wait_indirect_dma semaphore(%arg16 : memref<!tpu.dma_semaphore, #tpu.memory_space<semaphore_mem>>) src(%dma_wait3A_294 : memref<10000x128xf32, #tpu.memory_space<hbm>>) dst(%arg11 : memref<128x128xf32, #tpu.memory_space<vmem>>)
      %run_scoped3A_295 = arith.constant 5 : i32
      "tpu.region"() ({
        %run_scoped3A_326 = tpu.sem_alloc : memref<!tpu.dma_semaphore, #tpu.memory_space<semaphore_mem>>
        %dma_start3A_327 = arith.constant 0 : i32
        %dma_start3A_328 = tpu.memref_slice %arg9[%run_scoped3A_295, %dma_start3A_327] : memref<8x128xi32, #tpu.memory_space<vmem>> -> memref<1x128xi32, #tpu.memory_space<vmem>>
        %dma_start3A_329 = tpu.memref_squeeze %dma_start3A_328 : memref<1x128xi32, #tpu.memory_space<vmem>> -> memref<128xi32, #tpu.memory_space<vmem>>
        %dma_start3A_330 = arith.constant 0 : i32
        %dma_start3A_331 = arith.constant 0 : i32
        %dma_start3A_332 = tpu.memref_slice %arg12[%dma_start3A_330, %dma_start3A_331] : memref<10112x128xf32, #tpu.memory_space<vmem_shared>> -> memref<10112x128xf32, #tpu.memory_space<vmem_shared>>
        tpu.enqueue_indirect_dma source(%arg11 : memref<128x128xf32, #tpu.memory_space<vmem>>) target(%dma_start3A_332 : memref<10112x128xf32, #tpu.memory_space<vmem_shared>>) offsets(%dma_start3A_329 : memref<128xi32, #tpu.memory_space<vmem>>) semaphore(%run_scoped3A_326 : memref<!tpu.dma_semaphore, #tpu.memory_space<semaphore_mem>>) {add = true}
        %dma_wait3A_333 = arith.constant 0 : i32
        %dma_wait3A_334 = tpu.memref_slice %arg9[%run_scoped3A_295, %dma_wait3A_333] : memref<8x128xi32, #tpu.memory_space<vmem>> -> memref<1x128xi32, #tpu.memory_space<vmem>>
        %dma_wait3A_335 = tpu.memref_squeeze %dma_wait3A_334 : memref<1x128xi32, #tpu.memory_space<vmem>> -> memref<128xi32, #tpu.memory_space<vmem>>
        %dma_wait3A_336 = arith.constant 0 : i32
        %dma_wait3A_337 = arith.constant 0 : i32
        %dma_wait3A_338 = tpu.memref_slice %arg12[%dma_wait3A_336, %dma_wait3A_337] : memref<10112x128xf32, #tpu.memory_space<vmem_shared>> -> memref<10112x128xf32, #tpu.memory_space<vmem_shared>>
        tpu.wait_indirect_dma semaphore(%run_scoped3A_326 : memref<!tpu.dma_semaphore, #tpu.memory_space<semaphore_mem>>) src(%arg11 : memref<128x128xf32, #tpu.memory_space<vmem>>) dst(%dma_wait3A_338 : memref<10112x128xf32, #tpu.memory_space<vmem_shared>>)
        tpu.yield
      }) : () -> ()
      %dma_start3A_296 = arith.constant 7 : i32
      %dma_start3A_297 = arith.constant 0 : i32
      %dma_start3A_298 = tpu.memref_slice %arg7[%dma_start3A_296, %dma_start3A_297] : memref<8x128xi32, #tpu.memory_space<vmem>> -> memref<1x128xi32, #tpu.memory_space<vmem>>
      %dma_start3A_299 = tpu.memref_squeeze %dma_start3A_298 : memref<1x128xi32, #tpu.memory_space<vmem>> -> memref<128xi32, #tpu.memory_space<vmem>>
      %dma_start3A_300 = arith.constant 0 : i32
      %dma_start3A_301 = arith.constant 0 : i32
      %dma_start3A_302 = tpu.memref_slice %arg2[%dma_start3A_300, %dma_start3A_301] : memref<10000x128xf32, #tpu.memory_space<hbm>> -> memref<10000x128xf32, #tpu.memory_space<hbm>>
      tpu.enqueue_indirect_dma source(%dma_start3A_302 : memref<10000x128xf32, #tpu.memory_space<hbm>>) target(%arg11 : memref<128x128xf32, #tpu.memory_space<vmem>>) offsets(%dma_start3A_299 : memref<128xi32, #tpu.memory_space<vmem>>) semaphore(%arg16 : memref<!tpu.dma_semaphore, #tpu.memory_space<semaphore_mem>>)
      %dma_wait3A_303 = arith.constant 6 : i32
      %dma_wait3A_304 = arith.constant 0 : i32
      %dma_wait3A_305 = tpu.memref_slice %arg7[%dma_wait3A_303, %dma_wait3A_304] : memref<8x128xi32, #tpu.memory_space<vmem>> -> memref<1x128xi32, #tpu.memory_space<vmem>>
      %dma_wait3A_306 = tpu.memref_squeeze %dma_wait3A_305 : memref<1x128xi32, #tpu.memory_space<vmem>> -> memref<128xi32, #tpu.memory_space<vmem>>
      %dma_wait3A_307 = arith.constant 0 : i32
      %dma_wait3A_308 = arith.constant 0 : i32
      %dma_wait3A_309 = tpu.memref_slice %arg2[%dma_wait3A_307, %dma_wait3A_308] : memref<10000x128xf32, #tpu.memory_space<hbm>> -> memref<10000x128xf32, #tpu.memory_space<hbm>>
      tpu.wait_indirect_dma semaphore(%arg15 : memref<!tpu.dma_semaphore, #tpu.memory_space<semaphore_mem>>) src(%dma_wait3A_309 : memref<10000x128xf32, #tpu.memory_space<hbm>>) dst(%arg10 : memref<128x128xf32, #tpu.memory_space<vmem>>)
      %run_scoped3A_310 = arith.constant 6 : i32
      "tpu.region"() ({
        %run_scoped3A_326 = tpu.sem_alloc : memref<!tpu.dma_semaphore, #tpu.memory_space<semaphore_mem>>
        %dma_start3A_327 = arith.constant 0 : i32
        %dma_start3A_328 = tpu.memref_slice %arg9[%run_scoped3A_310, %dma_start3A_327] : memref<8x128xi32, #tpu.memory_space<vmem>> -> memref<1x128xi32, #tpu.memory_space<vmem>>
        %dma_start3A_329 = tpu.memref_squeeze %dma_start3A_328 : memref<1x128xi32, #tpu.memory_space<vmem>> -> memref<128xi32, #tpu.memory_space<vmem>>
        %dma_start3A_330 = arith.constant 0 : i32
        %dma_start3A_331 = arith.constant 0 : i32
        %dma_start3A_332 = tpu.memref_slice %arg12[%dma_start3A_330, %dma_start3A_331] : memref<10112x128xf32, #tpu.memory_space<vmem_shared>> -> memref<10112x128xf32, #tpu.memory_space<vmem_shared>>
        tpu.enqueue_indirect_dma source(%arg10 : memref<128x128xf32, #tpu.memory_space<vmem>>) target(%dma_start3A_332 : memref<10112x128xf32, #tpu.memory_space<vmem_shared>>) offsets(%dma_start3A_329 : memref<128xi32, #tpu.memory_space<vmem>>) semaphore(%run_scoped3A_326 : memref<!tpu.dma_semaphore, #tpu.memory_space<semaphore_mem>>) {add = true}
        %dma_wait3A_333 = arith.constant 0 : i32
        %dma_wait3A_334 = tpu.memref_slice %arg9[%run_scoped3A_310, %dma_wait3A_333] : memref<8x128xi32, #tpu.memory_space<vmem>> -> memref<1x128xi32, #tpu.memory_space<vmem>>
        %dma_wait3A_335 = tpu.memref_squeeze %dma_wait3A_334 : memref<1x128xi32, #tpu.memory_space<vmem>> -> memref<128xi32, #tpu.memory_space<vmem>>
        %dma_wait3A_336 = arith.constant 0 : i32
        %dma_wait3A_337 = arith.constant 0 : i32
        %dma_wait3A_338 = tpu.memref_slice %arg12[%dma_wait3A_336, %dma_wait3A_337] : memref<10112x128xf32, #tpu.memory_space<vmem_shared>> -> memref<10112x128xf32, #tpu.memory_space<vmem_shared>>
        tpu.wait_indirect_dma semaphore(%run_scoped3A_326 : memref<!tpu.dma_semaphore, #tpu.memory_space<semaphore_mem>>) src(%arg10 : memref<128x128xf32, #tpu.memory_space<vmem>>) dst(%dma_wait3A_338 : memref<10112x128xf32, #tpu.memory_space<vmem_shared>>)
        tpu.yield
      }) : () -> ()
      %dma_wait3A_311 = arith.constant 7 : i32
      %dma_wait3A_312 = arith.constant 0 : i32
      %dma_wait3A_313 = tpu.memref_slice %arg7[%dma_wait3A_311, %dma_wait3A_312] : memref<8x128xi32, #tpu.memory_space<vmem>> -> memref<1x128xi32, #tpu.memory_space<vmem>>
      %dma_wait3A_314 = tpu.memref_squeeze %dma_wait3A_313 : memref<1x128xi32, #tpu.memory_space<vmem>> -> memref<128xi32, #tpu.memory_space<vmem>>
      %dma_wait3A_315 = arith.constant 0 : i32
      %dma_wait3A_316 = arith.constant 0 : i32
      %dma_wait3A_317 = tpu.memref_slice %arg2[%dma_wait3A_315, %dma_wait3A_316] : memref<10000x128xf32, #tpu.memory_space<hbm>> -> memref<10000x128xf32, #tpu.memory_space<hbm>>
      tpu.wait_indirect_dma semaphore(%arg16 : memref<!tpu.dma_semaphore, #tpu.memory_space<semaphore_mem>>) src(%dma_wait3A_317 : memref<10000x128xf32, #tpu.memory_space<hbm>>) dst(%arg11 : memref<128x128xf32, #tpu.memory_space<vmem>>)
      %run_scoped3A_318 = arith.constant 7 : i32
      "tpu.region"() ({
        %run_scoped3A_326 = tpu.sem_alloc : memref<!tpu.dma_semaphore, #tpu.memory_space<semaphore_mem>>
        %dma_start3A_327 = arith.constant 0 : i32
        %dma_start3A_328 = tpu.memref_slice %arg9[%run_scoped3A_318, %dma_start3A_327] : memref<8x128xi32, #tpu.memory_space<vmem>> -> memref<1x128xi32, #tpu.memory_space<vmem>>
        %dma_start3A_329 = tpu.memref_squeeze %dma_start3A_328 : memref<1x128xi32, #tpu.memory_space<vmem>> -> memref<128xi32, #tpu.memory_space<vmem>>
        %dma_start3A_330 = arith.constant 0 : i32
        %dma_start3A_331 = arith.constant 0 : i32
        %dma_start3A_332 = tpu.memref_slice %arg12[%dma_start3A_330, %dma_start3A_331] : memref<10112x128xf32, #tpu.memory_space<vmem_shared>> -> memref<10112x128xf32, #tpu.memory_space<vmem_shared>>
        tpu.enqueue_indirect_dma source(%arg11 : memref<128x128xf32, #tpu.memory_space<vmem>>) target(%dma_start3A_332 : memref<10112x128xf32, #tpu.memory_space<vmem_shared>>) offsets(%dma_start3A_329 : memref<128xi32, #tpu.memory_space<vmem>>) semaphore(%run_scoped3A_326 : memref<!tpu.dma_semaphore, #tpu.memory_space<semaphore_mem>>) {add = true}
        %dma_wait3A_333 = arith.constant 0 : i32
        %dma_wait3A_334 = tpu.memref_slice %arg9[%run_scoped3A_318, %dma_wait3A_333] : memref<8x128xi32, #tpu.memory_space<vmem>> -> memref<1x128xi32, #tpu.memory_space<vmem>>
        %dma_wait3A_335 = tpu.memref_squeeze %dma_wait3A_334 : memref<1x128xi32, #tpu.memory_space<vmem>> -> memref<128xi32, #tpu.memory_space<vmem>>
        %dma_wait3A_336 = arith.constant 0 : i32
        %dma_wait3A_337 = arith.constant 0 : i32
        %dma_wait3A_338 = tpu.memref_slice %arg12[%dma_wait3A_336, %dma_wait3A_337] : memref<10112x128xf32, #tpu.memory_space<vmem_shared>> -> memref<10112x128xf32, #tpu.memory_space<vmem_shared>>
        tpu.wait_indirect_dma semaphore(%run_scoped3A_326 : memref<!tpu.dma_semaphore, #tpu.memory_space<semaphore_mem>>) src(%arg11 : memref<128x128xf32, #tpu.memory_space<vmem>>) dst(%dma_wait3A_338 : memref<10112x128xf32, #tpu.memory_space<vmem_shared>>)
        tpu.yield
      }) : () -> ()
      %add3A_319 = arith.constant 2 : i32
      %add3A_320 = arith.addi %add3A_187, %add3A_319 : i32
      %lt3A_321 = arith.constant 10 : i32
      %lt3A_322 = arith.cmpi slt, %add3A_320, %lt3A_321 : i32
      %convert_element_type3A_323 = arith.extui %lt3A_322 : i1 to i32
      %cond3A_324 = arith.constant 0 : i32
      %cond3A_325 = arith.cmpi ne, %convert_element_type3A_323, %cond3A_324 : i32
      scf.if %cond3A_325 {
        %add3A_326 = arith.constant 2 : i32
        %add3A_327 = arith.addi %add3A_187, %add3A_326 : i32
        %mul3A_328 = arith.constant 8 : i32
        %mul3A_329 = arith.muli %add3A_327, %mul3A_328 : i32
        %add3A_330 = arith.addi %mul3A_4, %mul3A_329 : i32
        %dma_start3A_331 = arith.constant 0 : i32
        %dma_start3A_332 = tpu.memref_slice %arg4[%add3A_330, %dma_start3A_331] : memref<2560x128xi32, #tpu.memory_space<hbm>> -> memref<8x128xi32, #tpu.memory_space<hbm>>
        %dma_start3A_333 = arith.constant 0 : i32
        %dma_start3A_334 = tpu.memref_slice %arg4[%add3A_330, %dma_start3A_333] : memref<2560x128xi32, #tpu.memory_space<hbm>> -> memref<8x128xi32, #tpu.memory_space<hbm>>
        tpu.enqueue_dma source(%dma_start3A_334 : memref<8x128xi32, #tpu.memory_space<hbm>>) target(%arg7 : memref<8x128xi32, #tpu.memory_space<vmem>>) target_semaphore(%arg14 : memref<!tpu.dma_semaphore, #tpu.memory_space<semaphore_mem>>)
        %dma_start3A_335 = arith.constant 0 : i32
        %dma_start3A_336 = tpu.memref_slice %arg3[%add3A_330, %dma_start3A_335] : memref<2560x128xi32, #tpu.memory_space<hbm>> -> memref<8x128xi32, #tpu.memory_space<hbm>>
        %dma_start3A_337 = arith.constant 0 : i32
        %dma_start3A_338 = tpu.memref_slice %arg3[%add3A_330, %dma_start3A_337] : memref<2560x128xi32, #tpu.memory_space<hbm>> -> memref<8x128xi32, #tpu.memory_space<hbm>>
        tpu.enqueue_dma source(%dma_start3A_338 : memref<8x128xi32, #tpu.memory_space<hbm>>) target(%arg9 : memref<8x128xi32, #tpu.memory_space<vmem>>) target_semaphore(%arg14 : memref<!tpu.dma_semaphore, #tpu.memory_space<semaphore_mem>>)
      } else {
      }
    }
    %scan3A_42 = arith.constant 5 : i32
    %barrier3A_43 = arith.constant 0 : index
    tpu.barrier barrier_id(%barrier3A_43)
    %mul3A_44 = arith.constant 632 : i32
    %mul3A_45 = arith.muli %arg1, %mul3A_44 : i32
    %mul3A_46 = arith.constant 632 : i32
    %mul3A_47 = arith.muli %arg1, %mul3A_46 : i32
    "tpu.region"() ({
      %run_scoped3A = tpu.sem_alloc : memref<!tpu.dma_semaphore, #tpu.memory_space<semaphore_mem>>
      %dma_start3A_48 = arith.constant 0 : i32
      %dma_start3A_49 = tpu.memref_slice %arg5[%arg0, %mul3A_47, %dma_start3A_48] : memref<2x10112x128xf32, #tpu.memory_space<hbm>> -> memref<1x632x128xf32, #tpu.memory_space<hbm>>
      %dma_start3A_50 = tpu.memref_squeeze %dma_start3A_49 : memref<1x632x128xf32, #tpu.memory_space<hbm>> -> memref<632x128xf32, #tpu.memory_space<hbm>>
      %dma_start3A_51 = arith.constant 0 : i32
      %dma_start3A_52 = tpu.memref_slice %arg12[%mul3A_45, %dma_start3A_51] : memref<10112x128xf32, #tpu.memory_space<vmem_shared>> -> memref<632x128xf32, #tpu.memory_space<vmem_shared>>
      tpu.enqueue_dma source(%dma_start3A_52 : memref<632x128xf32, #tpu.memory_space<vmem_shared>>) target(%dma_start3A_50 : memref<632x128xf32, #tpu.memory_space<hbm>>) target_semaphore(%run_scoped3A : memref<!tpu.dma_semaphore, #tpu.memory_space<semaphore_mem>>)
      %dma_wait3A = arith.constant 0 : i32
      %dma_wait3A_53 = tpu.memref_slice %arg5[%arg0, %mul3A_47, %dma_wait3A] : memref<2x10112x128xf32, #tpu.memory_space<hbm>> -> memref<1x632x128xf32, #tpu.memory_space<hbm>>
      %dma_wait3A_54 = tpu.memref_squeeze %dma_wait3A_53 : memref<1x632x128xf32, #tpu.memory_space<hbm>> -> memref<632x128xf32, #tpu.memory_space<hbm>>
      %dma_wait3A_55 = arith.constant 0 : i32
      %dma_wait3A_56 = tpu.memref_slice %arg12[%mul3A_45, %dma_wait3A_55] : memref<10112x128xf32, #tpu.memory_space<vmem_shared>> -> memref<632x128xf32, #tpu.memory_space<vmem_shared>>
      tpu.wait_dma2 semaphore(%run_scoped3A : memref<!tpu.dma_semaphore, #tpu.memory_space<semaphore_mem>>) src(%dma_wait3A_56 : memref<632x128xf32, #tpu.memory_space<vmem_shared>>) dst(%dma_wait3A_54 : memref<632x128xf32, #tpu.memory_space<hbm>>)
      tpu.yield
    }) : () -> ()
    return
  }
}

#map = affine_map<(d0, d1) -> (0, 0)>
#map1 = affine_map<(d0, d1) -> (0, 0, 0)>
module attributes {stable_mosaic.version = 14 : i64} {
  func.func @_agg(%arg0: i32, %arg1: i32, %arg2: memref<10000x128xf32, #tpu.memory_space<hbm>>, %arg3: memref<2560x128xi32, #tpu.memory_space<hbm>>, %arg4: memref<2560x128xi32, #tpu.memory_space<hbm>>, %arg5: memref<2x10112x128xf32, #tpu.memory_space<hbm>>, %arg6: memref<8x128xi32, #tpu.memory_space<vmem>>, %arg7: memref<8x128xi32, #tpu.memory_space<vmem>>, %arg8: memref<8x128xi32, #tpu.memory_space<vmem>>, %arg9: memref<8x128xi32, #tpu.memory_space<vmem>>, %arg10: memref<128x128xf32, #tpu.memory_space<vmem>>, %arg11: memref<128x128xf32, #tpu.memory_space<vmem>>, %arg12: memref<10112x128xf32, #tpu.memory_space<vmem_shared>>, %arg13: memref<!tpu.dma_semaphore, #tpu.memory_space<semaphore_mem>>, %arg14: memref<!tpu.dma_semaphore, #tpu.memory_space<semaphore_mem>>, %arg15: memref<!tpu.dma_semaphore, #tpu.memory_space<semaphore_mem>>, %arg16: memref<!tpu.dma_semaphore, #tpu.memory_space<semaphore_mem>>) attributes {dimension_semantics = [#tpu.dimension_semantics<core_parallel>, #tpu.dimension_semantics<subcore_parallel>], iteration_bounds = array<i64: 2, 16>, scalar_prefetch = 0 : i64, scratch_operands = 11 : i64, tpu.core_type = #tpu.core_type<sc_vector_subcore>, window_params = [{transform_indices = #map}, {transform_indices = #map}, {transform_indices = #map}, {transform_indices = #map1}]} {
    %mul3A = arith.constant 16 : i32
    %mul3A_0 = arith.muli %arg0, %mul3A : i32
    %add3A = arith.addi %mul3A_0, %arg1 : i32
    %mul3A_1 = arith.constant 10 : i32
    %mul3A_2 = arith.muli %add3A, %mul3A_1 : i32
    %mul3A_3 = arith.constant 8 : i32
    %mul3A_4 = arith.muli %mul3A_2, %mul3A_3 : i32
    %broadcast_in_dim3A = arith.constant 0.000000e+00 : f32
    %broadcast_in_dim3A_5 = vector.broadcast %broadcast_in_dim3A : f32 to vector<16xf32>
    %scan3A = arith.constant 0 : i32
    %scan3A_6 = arith.constant 128 : i32
    %scan3A_7 = arith.addi %scan3A, %scan3A_6 : i32
    %scan3A_8 = arith.constant 1 : i32
    scf.for %scan3A_48 = %scan3A to %scan3A_7 step %scan3A_8  : i32 {
      %mul3A_49 = arith.constant 1 : i32
      %mul3A_50 = arith.muli %scan3A_48, %mul3A_49 : i32
      %add3A_51 = arith.constant 0 : i32
      %add3A_52 = arith.addi %add3A_51, %mul3A_50 : i32
      %scan3A_53 = arith.constant 0 : i32
      %scan3A_54 = arith.constant 8 : i32
      %scan3A_55 = arith.addi %scan3A_53, %scan3A_54 : i32
      %scan3A_56 = arith.constant 1 : i32
      scf.for %scan3A_58 = %scan3A_53 to %scan3A_55 step %scan3A_56  : i32 {
        %mul3A_59 = arith.constant 16 : i32
        %mul3A_60 = arith.muli %scan3A_58, %mul3A_59 : i32
        %add3A_61 = arith.constant 0 : i32
        %add3A_62 = arith.addi %add3A_61, %mul3A_60 : i32
        %swap3A = arith.index_cast %add3A_52 : i32 to index
        %swap3A_63 = arith.index_cast %add3A_62 : i32 to index
        %swap3A_64 = tpu.vector_load %arg10[%swap3A, %swap3A_63] {strides = array<i32>} : memref<128x128xf32, #tpu.memory_space<vmem>>, vector<1x16xf32>,
        %swap3A_65 = vector.shape_cast %swap3A_64 : vector<1x16xf32> to vector<16xf32>
        %swap3A_66 = vector.shape_cast %broadcast_in_dim3A_5 : vector<16xf32> to vector<1x16xf32>
        tpu.vector_store %arg10[%swap3A, %swap3A_63], %swap3A_66 {strides = array<i32>} : memref<128x128xf32, #tpu.memory_space<vmem>>, vector<1x16xf32>,
      }
      %scan3A_57 = arith.constant 8 : i32
    }
    %scan3A_9 = arith.constant 128 : i32
    %scan3A_10 = arith.constant 0 : i32
    %scan3A_11 = arith.constant 4 : i32
    %scan3A_12 = arith.addi %scan3A_10, %scan3A_11 : i32
    %scan3A_13 = arith.constant 1 : i32
    scf.for %scan3A_48 = %scan3A_10 to %scan3A_12 step %scan3A_13  : i32 {
      %mul3A_49 = arith.constant 128 : i32
      %mul3A_50 = arith.muli %scan3A_48, %mul3A_49 : i32
      %add3A_51 = arith.constant 0 : i32
      %add3A_52 = arith.addi %add3A_51, %mul3A_50 : i32
      %mul3A_53 = arith.constant 632 : i32
      %mul3A_54 = arith.muli %arg1, %mul3A_53 : i32
      %add3A_55 = arith.addi %mul3A_54, %add3A_52 : i32
      "tpu.region"() ({
        %run_scoped3A = tpu.sem_alloc : memref<!tpu.dma_semaphore, #tpu.memory_space<semaphore_mem>>
        %dma_start3A_56 = arith.constant 0 : i32
        %dma_start3A_57 = tpu.memref_slice %arg12[%add3A_55, %dma_start3A_56] : memref<10112x128xf32, #tpu.memory_space<vmem_shared>> -> memref<128x128xf32, #tpu.memory_space<vmem_shared>>
        %dma_start3A_58 = arith.constant 0 : i32
        %dma_start3A_59 = tpu.memref_slice %arg12[%add3A_55, %dma_start3A_58] : memref<10112x128xf32, #tpu.memory_space<vmem_shared>> -> memref<128x128xf32, #tpu.memory_space<vmem_shared>>
        tpu.enqueue_dma source(%arg10 : memref<128x128xf32, #tpu.memory_space<vmem>>) target(%dma_start3A_59 : memref<128x128xf32, #tpu.memory_space<vmem_shared>>) target_semaphore(%run_scoped3A : memref<!tpu.dma_semaphore, #tpu.memory_space<semaphore_mem>>)
        %dma_wait3A = arith.constant 0 : i32
        %dma_wait3A_60 = tpu.memref_slice %arg12[%add3A_55, %dma_wait3A] : memref<10112x128xf32, #tpu.memory_space<vmem_shared>> -> memref<128x128xf32, #tpu.memory_space<vmem_shared>>
        %dma_wait3A_61 = arith.constant 0 : i32
        %dma_wait3A_62 = tpu.memref_slice %arg12[%add3A_55, %dma_wait3A_61] : memref<10112x128xf32, #tpu.memory_space<vmem_shared>> -> memref<128x128xf32, #tpu.memory_space<vmem_shared>>
        tpu.wait_dma2 semaphore(%run_scoped3A : memref<!tpu.dma_semaphore, #tpu.memory_space<semaphore_mem>>) src(%arg10 : memref<128x128xf32, #tpu.memory_space<vmem>>) dst(%dma_wait3A_62 : memref<128x128xf32, #tpu.memory_space<vmem_shared>>)
        tpu.yield
      }) : () -> ()
    }
    %scan3A_14 = arith.constant 4 : i32
    %mul3A_15 = arith.constant 632 : i32
    %mul3A_16 = arith.muli %arg1, %mul3A_15 : i32
    %add3A_17 = arith.constant 512 : i32
    %add3A_18 = arith.addi %mul3A_16, %add3A_17 : i32
    "tpu.region"() ({
      %run_scoped3A = tpu.sem_alloc : memref<!tpu.dma_semaphore, #tpu.memory_space<semaphore_mem>>
      %dma_start3A_48 = arith.constant 0 : i32
      %dma_start3A_49 = arith.constant 0 : i32
      %dma_start3A_50 = tpu.memref_slice %arg10[%dma_start3A_48, %dma_start3A_49] : memref<128x128xf32, #tpu.memory_space<vmem>> -> memref<120x128xf32, #tpu.memory_space<vmem>>
      %dma_start3A_51 = arith.constant 0 : i32
      %dma_start3A_52 = tpu.memref_slice %arg12[%add3A_18, %dma_start3A_51] : memref<10112x128xf32, #tpu.memory_space<vmem_shared>> -> memref<120x128xf32, #tpu.memory_space<vmem_shared>>
      %dma_start3A_53 = arith.constant 0 : i32
      %dma_start3A_54 = tpu.memref_slice %arg12[%add3A_18, %dma_start3A_53] : memref<10112x128xf32, #tpu.memory_space<vmem_shared>> -> memref<120x128xf32, #tpu.memory_space<vmem_shared>>
      %dma_start3A_55 = arith.constant 0 : i32
      %dma_start3A_56 = arith.constant 0 : i32
      %dma_start3A_57 = tpu.memref_slice %arg10[%dma_start3A_55, %dma_start3A_56] : memref<128x128xf32, #tpu.memory_space<vmem>> -> memref<120x128xf32, #tpu.memory_space<vmem>>
      tpu.enqueue_dma source(%dma_start3A_57 : memref<120x128xf32, #tpu.memory_space<vmem>>) target(%dma_start3A_54 : memref<120x128xf32, #tpu.memory_space<vmem_shared>>) target_semaphore(%run_scoped3A : memref<!tpu.dma_semaphore, #tpu.memory_space<semaphore_mem>>)
      %dma_wait3A = arith.constant 0 : i32
      %dma_wait3A_58 = arith.constant 0 : i32
      %dma_wait3A_59 = tpu.memref_slice %arg10[%dma_wait3A, %dma_wait3A_58] : memref<128x128xf32, #tpu.memory_space<vmem>> -> memref<120x128xf32, #tpu.memory_space<vmem>>
      %dma_wait3A_60 = arith.constant 0 : i32
      %dma_wait3A_61 = tpu.memref_slice %arg12[%add3A_18, %dma_wait3A_60] : memref<10112x128xf32, #tpu.memory_space<vmem_shared>> -> memref<120x128xf32, #tpu.memory_space<vmem_shared>>
      %dma_wait3A_62 = arith.constant 0 : i32
      %dma_wait3A_63 = tpu.memref_slice %arg12[%add3A_18, %dma_wait3A_62] : memref<10112x128xf32, #tpu.memory_space<vmem_shared>> -> memref<120x128xf32, #tpu.memory_space<vmem_shared>>
      %dma_wait3A_64 = arith.constant 0 : i32
      %dma_wait3A_65 = arith.constant 0 : i32
      %dma_wait3A_66 = tpu.memref_slice %arg10[%dma_wait3A_64, %dma_wait3A_65] : memref<128x128xf32, #tpu.memory_space<vmem>> -> memref<120x128xf32, #tpu.memory_space<vmem>>
      tpu.wait_dma2 semaphore(%run_scoped3A : memref<!tpu.dma_semaphore, #tpu.memory_space<semaphore_mem>>) src(%dma_wait3A_66 : memref<120x128xf32, #tpu.memory_space<vmem>>) dst(%dma_wait3A_63 : memref<120x128xf32, #tpu.memory_space<vmem_shared>>)
      tpu.yield
    }) : () -> ()
    %barrier3A = arith.constant 0 : index
    tpu.barrier barrier_id(%barrier3A)
    %dma_start3A = arith.constant 0 : i32
    %dma_start3A_19 = tpu.memref_slice %arg4[%mul3A_4, %dma_start3A] : memref<2560x128xi32, #tpu.memory_space<hbm>> -> memref<8x128xi32, #tpu.memory_space<hbm>>
    %dma_start3A_20 = arith.constant 0 : i32
    %dma_start3A_21 = tpu.memref_slice %arg4[%mul3A_4, %dma_start3A_20] : memref<2560x128xi32, #tpu.memory_space<hbm>> -> memref<8x128xi32, #tpu.memory_space<hbm>>
    tpu.enqueue_dma source(%dma_start3A_21 : memref<8x128xi32, #tpu.memory_space<hbm>>) target(%arg6 : memref<8x128xi32, #tpu.memory_space<vmem>>) target_semaphore(%arg13 : memref<!tpu.dma_semaphore, #tpu.memory_space<semaphore_mem>>)
    %dma_start3A_22 = arith.constant 0 : i32
    %dma_start3A_23 = tpu.memref_slice %arg3[%mul3A_4, %dma_start3A_22] : memref<2560x128xi32, #tpu.memory_space<hbm>> -> memref<8x128xi32, #tpu.memory_space<hbm>>
    %dma_start3A_24 = arith.constant 0 : i32
    %dma_start3A_25 = tpu.memref_slice %arg3[%mul3A_4, %dma_start3A_24] : memref<2560x128xi32, #tpu.memory_space<hbm>> -> memref<8x128xi32, #tpu.memory_space<hbm>>
    tpu.enqueue_dma source(%dma_start3A_25 : memref<8x128xi32, #tpu.memory_space<hbm>>) target(%arg8 : memref<8x128xi32, #tpu.memory_space<vmem>>) target_semaphore(%arg13 : memref<!tpu.dma_semaphore, #tpu.memory_space<semaphore_mem>>)
    %add3A_26 = arith.constant 8 : i32
    %add3A_27 = arith.addi %mul3A_4, %add3A_26 : i32
    %dma_start3A_28 = arith.constant 0 : i32
    %dma_start3A_29 = tpu.memref_slice %arg4[%add3A_27, %dma_start3A_28] : memref<2560x128xi32, #tpu.memory_space<hbm>> -> memref<8x128xi32, #tpu.memory_space<hbm>>
    %dma_start3A_30 = arith.constant 0 : i32
    %dma_start3A_31 = tpu.memref_slice %arg4[%add3A_27, %dma_start3A_30] : memref<2560x128xi32, #tpu.memory_space<hbm>> -> memref<8x128xi32, #tpu.memory_space<hbm>>
    tpu.enqueue_dma source(%dma_start3A_31 : memref<8x128xi32, #tpu.memory_space<hbm>>) target(%arg7 : memref<8x128xi32, #tpu.memory_space<vmem>>) target_semaphore(%arg14 : memref<!tpu.dma_semaphore, #tpu.memory_space<semaphore_mem>>)
    %add3A_32 = arith.constant 8 : i32
    %add3A_33 = arith.addi %mul3A_4, %add3A_32 : i32
    %dma_start3A_34 = arith.constant 0 : i32
    %dma_start3A_35 = tpu.memref_slice %arg3[%add3A_33, %dma_start3A_34] : memref<2560x128xi32, #tpu.memory_space<hbm>> -> memref<8x128xi32, #tpu.memory_space<hbm>>
    %dma_start3A_36 = arith.constant 0 : i32
    %dma_start3A_37 = tpu.memref_slice %arg3[%add3A_33, %dma_start3A_36] : memref<2560x128xi32, #tpu.memory_space<hbm>> -> memref<8x128xi32, #tpu.memory_space<hbm>>
    tpu.enqueue_dma source(%dma_start3A_37 : memref<8x128xi32, #tpu.memory_space<hbm>>) target(%arg9 : memref<8x128xi32, #tpu.memory_space<vmem>>) target_semaphore(%arg14 : memref<!tpu.dma_semaphore, #tpu.memory_space<semaphore_mem>>)
    %scan3A_38 = arith.constant 0 : i32
    %scan3A_39 = arith.constant 5 : i32
    %scan3A_40 = arith.addi %scan3A_38, %scan3A_39 : i32
    %scan3A_41 = arith.constant 1 : i32
    scf.for %scan3A_48 = %scan3A_38 to %scan3A_40 step %scan3A_41  : i32 {
      %mul3A_49 = arith.constant 2 : i32
      %mul3A_50 = arith.muli %scan3A_48, %mul3A_49 : i32
      %add3A_51 = arith.constant 0 : i32
      %add3A_52 = arith.addi %add3A_51, %mul3A_50 : i32
      %mul3A_53 = arith.constant 8 : i32
      %mul3A_54 = arith.muli %add3A_52, %mul3A_53 : i32
      %add3A_55 = arith.addi %mul3A_4, %mul3A_54 : i32
      %dma_wait3A = arith.constant 0 : i32
      %dma_wait3A_56 = tpu.memref_slice %arg4[%add3A_55, %dma_wait3A] : memref<2560x128xi32, #tpu.memory_space<hbm>> -> memref<8x128xi32, #tpu.memory_space<hbm>>
      %dma_wait3A_57 = arith.constant 0 : i32
      %dma_wait3A_58 = tpu.memref_slice %arg4[%add3A_55, %dma_wait3A_57] : memref<2560x128xi32, #tpu.memory_space<hbm>> -> memref<8x128xi32, #tpu.memory_space<hbm>>
      tpu.wait_dma2 semaphore(%arg13 : memref<!tpu.dma_semaphore, #tpu.memory_space<semaphore_mem>>) src(%dma_wait3A_58 : memref<8x128xi32, #tpu.memory_space<hbm>>) dst(%arg6 : memref<8x128xi32, #tpu.memory_space<vmem>>)
      %dma_wait3A_59 = arith.constant 0 : i32
      %dma_wait3A_60 = tpu.memref_slice %arg3[%add3A_55, %dma_wait3A_59] : memref<2560x128xi32, #tpu.memory_space<hbm>> -> memref<8x128xi32, #tpu.memory_space<hbm>>
      %dma_wait3A_61 = arith.constant 0 : i32
      %dma_wait3A_62 = tpu.memref_slice %arg3[%add3A_55, %dma_wait3A_61] : memref<2560x128xi32, #tpu.memory_space<hbm>> -> memref<8x128xi32, #tpu.memory_space<hbm>>
      tpu.wait_dma2 semaphore(%arg13 : memref<!tpu.dma_semaphore, #tpu.memory_space<semaphore_mem>>) src(%dma_wait3A_62 : memref<8x128xi32, #tpu.memory_space<hbm>>) dst(%arg8 : memref<8x128xi32, #tpu.memory_space<vmem>>)
      %dma_start3A_63 = arith.constant 0 : i32
      %dma_start3A_64 = arith.constant 0 : i32
      %dma_start3A_65 = tpu.memref_slice %arg6[%dma_start3A_63, %dma_start3A_64] : memref<8x128xi32, #tpu.memory_space<vmem>> -> memref<1x128xi32, #tpu.memory_space<vmem>>
      %dma_start3A_66 = tpu.memref_squeeze %dma_start3A_65 : memref<1x128xi32, #tpu.memory_space<vmem>> -> memref<128xi32, #tpu.memory_space<vmem>>
      %dma_start3A_67 = arith.constant 0 : i32
      %dma_start3A_68 = arith.constant 0 : i32
      %dma_start3A_69 = tpu.memref_slice %arg2[%dma_start3A_67, %dma_start3A_68] : memref<10000x128xf32, #tpu.memory_space<hbm>> -> memref<10000x128xf32, #tpu.memory_space<hbm>>
      tpu.enqueue_indirect_dma source(%dma_start3A_69 : memref<10000x128xf32, #tpu.memory_space<hbm>>) target(%arg10 : memref<128x128xf32, #tpu.memory_space<vmem>>) offsets(%dma_start3A_66 : memref<128xi32, #tpu.memory_space<vmem>>) semaphore(%arg15 : memref<!tpu.dma_semaphore, #tpu.memory_space<semaphore_mem>>)
      %dma_start3A_70 = arith.constant 1 : i32
      %dma_start3A_71 = arith.constant 0 : i32
      %dma_start3A_72 = tpu.memref_slice %arg6[%dma_start3A_70, %dma_start3A_71] : memref<8x128xi32, #tpu.memory_space<vmem>> -> memref<1x128xi32, #tpu.memory_space<vmem>>
      %dma_start3A_73 = tpu.memref_squeeze %dma_start3A_72 : memref<1x128xi32, #tpu.memory_space<vmem>> -> memref<128xi32, #tpu.memory_space<vmem>>
      %dma_start3A_74 = arith.constant 0 : i32
      %dma_start3A_75 = arith.constant 0 : i32
      %dma_start3A_76 = tpu.memref_slice %arg2[%dma_start3A_74, %dma_start3A_75] : memref<10000x128xf32, #tpu.memory_space<hbm>> -> memref<10000x128xf32, #tpu.memory_space<hbm>>
      tpu.enqueue_indirect_dma source(%dma_start3A_76 : memref<10000x128xf32, #tpu.memory_space<hbm>>) target(%arg11 : memref<128x128xf32, #tpu.memory_space<vmem>>) offsets(%dma_start3A_73 : memref<128xi32, #tpu.memory_space<vmem>>) semaphore(%arg16 : memref<!tpu.dma_semaphore, #tpu.memory_space<semaphore_mem>>)
      %dma_wait3A_77 = arith.constant 0 : i32
      %dma_wait3A_78 = arith.constant 0 : i32
      %dma_wait3A_79 = tpu.memref_slice %arg6[%dma_wait3A_77, %dma_wait3A_78] : memref<8x128xi32, #tpu.memory_space<vmem>> -> memref<1x128xi32, #tpu.memory_space<vmem>>
      %dma_wait3A_80 = tpu.memref_squeeze %dma_wait3A_79 : memref<1x128xi32, #tpu.memory_space<vmem>> -> memref<128xi32, #tpu.memory_space<vmem>>
      %dma_wait3A_81 = arith.constant 0 : i32
      %dma_wait3A_82 = arith.constant 0 : i32
      %dma_wait3A_83 = tpu.memref_slice %arg2[%dma_wait3A_81, %dma_wait3A_82] : memref<10000x128xf32, #tpu.memory_space<hbm>> -> memref<10000x128xf32, #tpu.memory_space<hbm>>
      tpu.wait_indirect_dma semaphore(%arg15 : memref<!tpu.dma_semaphore, #tpu.memory_space<semaphore_mem>>) src(%dma_wait3A_83 : memref<10000x128xf32, #tpu.memory_space<hbm>>) dst(%arg10 : memref<128x128xf32, #tpu.memory_space<vmem>>)
      %run_scoped3A = arith.constant 0 : i32
      "tpu.region"() ({
        %run_scoped3A_326 = tpu.sem_alloc : memref<!tpu.dma_semaphore, #tpu.memory_space<semaphore_mem>>
        %dma_start3A_327 = arith.constant 0 : i32
        %dma_start3A_328 = tpu.memref_slice %arg8[%run_scoped3A, %dma_start3A_327] : memref<8x128xi32, #tpu.memory_space<vmem>> -> memref<1x128xi32, #tpu.memory_space<vmem>>
        %dma_start3A_329 = tpu.memref_squeeze %dma_start3A_328 : memref<1x128xi32, #tpu.memory_space<vmem>> -> memref<128xi32, #tpu.memory_space<vmem>>
        %dma_start3A_330 = arith.constant 0 : i32
        %dma_start3A_331 = arith.constant 0 : i32
        %dma_start3A_332 = tpu.memref_slice %arg12[%dma_start3A_330, %dma_start3A_331] : memref<10112x128xf32, #tpu.memory_space<vmem_shared>> -> memref<10112x128xf32, #tpu.memory_space<vmem_shared>>
        tpu.enqueue_indirect_dma source(%arg10 : memref<128x128xf32, #tpu.memory_space<vmem>>) target(%dma_start3A_332 : memref<10112x128xf32, #tpu.memory_space<vmem_shared>>) offsets(%dma_start3A_329 : memref<128xi32, #tpu.memory_space<vmem>>) semaphore(%run_scoped3A_326 : memref<!tpu.dma_semaphore, #tpu.memory_space<semaphore_mem>>) {add = true}
        %dma_wait3A_333 = arith.constant 0 : i32
        %dma_wait3A_334 = tpu.memref_slice %arg8[%run_scoped3A, %dma_wait3A_333] : memref<8x128xi32, #tpu.memory_space<vmem>> -> memref<1x128xi32, #tpu.memory_space<vmem>>
        %dma_wait3A_335 = tpu.memref_squeeze %dma_wait3A_334 : memref<1x128xi32, #tpu.memory_space<vmem>> -> memref<128xi32, #tpu.memory_space<vmem>>
        %dma_wait3A_336 = arith.constant 0 : i32
        %dma_wait3A_337 = arith.constant 0 : i32
        %dma_wait3A_338 = tpu.memref_slice %arg12[%dma_wait3A_336, %dma_wait3A_337] : memref<10112x128xf32, #tpu.memory_space<vmem_shared>> -> memref<10112x128xf32, #tpu.memory_space<vmem_shared>>
        tpu.wait_indirect_dma semaphore(%run_scoped3A_326 : memref<!tpu.dma_semaphore, #tpu.memory_space<semaphore_mem>>) src(%arg10 : memref<128x128xf32, #tpu.memory_space<vmem>>) dst(%dma_wait3A_338 : memref<10112x128xf32, #tpu.memory_space<vmem_shared>>)
        tpu.yield
      }) : () -> ()
      %dma_start3A_84 = arith.constant 2 : i32
      %dma_start3A_85 = arith.constant 0 : i32
      %dma_start3A_86 = tpu.memref_slice %arg6[%dma_start3A_84, %dma_start3A_85] : memref<8x128xi32, #tpu.memory_space<vmem>> -> memref<1x128xi32, #tpu.memory_space<vmem>>
      %dma_start3A_87 = tpu.memref_squeeze %dma_start3A_86 : memref<1x128xi32, #tpu.memory_space<vmem>> -> memref<128xi32, #tpu.memory_space<vmem>>
      %dma_start3A_88 = arith.constant 0 : i32
      %dma_start3A_89 = arith.constant 0 : i32
      %dma_start3A_90 = tpu.memref_slice %arg2[%dma_start3A_88, %dma_start3A_89] : memref<10000x128xf32, #tpu.memory_space<hbm>> -> memref<10000x128xf32, #tpu.memory_space<hbm>>
      tpu.enqueue_indirect_dma source(%dma_start3A_90 : memref<10000x128xf32, #tpu.memory_space<hbm>>) target(%arg10 : memref<128x128xf32, #tpu.memory_space<vmem>>) offsets(%dma_start3A_87 : memref<128xi32, #tpu.memory_space<vmem>>) semaphore(%arg15 : memref<!tpu.dma_semaphore, #tpu.memory_space<semaphore_mem>>)
      %dma_wait3A_91 = arith.constant 1 : i32
      %dma_wait3A_92 = arith.constant 0 : i32
      %dma_wait3A_93 = tpu.memref_slice %arg6[%dma_wait3A_91, %dma_wait3A_92] : memref<8x128xi32, #tpu.memory_space<vmem>> -> memref<1x128xi32, #tpu.memory_space<vmem>>
      %dma_wait3A_94 = tpu.memref_squeeze %dma_wait3A_93 : memref<1x128xi32, #tpu.memory_space<vmem>> -> memref<128xi32, #tpu.memory_space<vmem>>
      %dma_wait3A_95 = arith.constant 0 : i32
      %dma_wait3A_96 = arith.constant 0 : i32
      %dma_wait3A_97 = tpu.memref_slice %arg2[%dma_wait3A_95, %dma_wait3A_96] : memref<10000x128xf32, #tpu.memory_space<hbm>> -> memref<10000x128xf32, #tpu.memory_space<hbm>>
      tpu.wait_indirect_dma semaphore(%arg16 : memref<!tpu.dma_semaphore, #tpu.memory_space<semaphore_mem>>) src(%dma_wait3A_97 : memref<10000x128xf32, #tpu.memory_space<hbm>>) dst(%arg11 : memref<128x128xf32, #tpu.memory_space<vmem>>)
      %run_scoped3A_98 = arith.constant 1 : i32
      "tpu.region"() ({
        %run_scoped3A_326 = tpu.sem_alloc : memref<!tpu.dma_semaphore, #tpu.memory_space<semaphore_mem>>
        %dma_start3A_327 = arith.constant 0 : i32
        %dma_start3A_328 = tpu.memref_slice %arg8[%run_scoped3A_98, %dma_start3A_327] : memref<8x128xi32, #tpu.memory_space<vmem>> -> memref<1x128xi32, #tpu.memory_space<vmem>>
        %dma_start3A_329 = tpu.memref_squeeze %dma_start3A_328 : memref<1x128xi32, #tpu.memory_space<vmem>> -> memref<128xi32, #tpu.memory_space<vmem>>
        %dma_start3A_330 = arith.constant 0 : i32
        %dma_start3A_331 = arith.constant 0 : i32
        %dma_start3A_332 = tpu.memref_slice %arg12[%dma_start3A_330, %dma_start3A_331] : memref<10112x128xf32, #tpu.memory_space<vmem_shared>> -> memref<10112x128xf32, #tpu.memory_space<vmem_shared>>
        tpu.enqueue_indirect_dma source(%arg11 : memref<128x128xf32, #tpu.memory_space<vmem>>) target(%dma_start3A_332 : memref<10112x128xf32, #tpu.memory_space<vmem_shared>>) offsets(%dma_start3A_329 : memref<128xi32, #tpu.memory_space<vmem>>) semaphore(%run_scoped3A_326 : memref<!tpu.dma_semaphore, #tpu.memory_space<semaphore_mem>>) {add = true}
        %dma_wait3A_333 = arith.constant 0 : i32
        %dma_wait3A_334 = tpu.memref_slice %arg8[%run_scoped3A_98, %dma_wait3A_333] : memref<8x128xi32, #tpu.memory_space<vmem>> -> memref<1x128xi32, #tpu.memory_space<vmem>>
        %dma_wait3A_335 = tpu.memref_squeeze %dma_wait3A_334 : memref<1x128xi32, #tpu.memory_space<vmem>> -> memref<128xi32, #tpu.memory_space<vmem>>
        %dma_wait3A_336 = arith.constant 0 : i32
        %dma_wait3A_337 = arith.constant 0 : i32
        %dma_wait3A_338 = tpu.memref_slice %arg12[%dma_wait3A_336, %dma_wait3A_337] : memref<10112x128xf32, #tpu.memory_space<vmem_shared>> -> memref<10112x128xf32, #tpu.memory_space<vmem_shared>>
        tpu.wait_indirect_dma semaphore(%run_scoped3A_326 : memref<!tpu.dma_semaphore, #tpu.memory_space<semaphore_mem>>) src(%arg11 : memref<128x128xf32, #tpu.memory_space<vmem>>) dst(%dma_wait3A_338 : memref<10112x128xf32, #tpu.memory_space<vmem_shared>>)
        tpu.yield
      }) : () -> ()
      %dma_start3A_99 = arith.constant 3 : i32
      %dma_start3A_100 = arith.constant 0 : i32
      %dma_start3A_101 = tpu.memref_slice %arg6[%dma_start3A_99, %dma_start3A_100] : memref<8x128xi32, #tpu.memory_space<vmem>> -> memref<1x128xi32, #tpu.memory_space<vmem>>
      %dma_start3A_102 = tpu.memref_squeeze %dma_start3A_101 : memref<1x128xi32, #tpu.memory_space<vmem>> -> memref<128xi32, #tpu.memory_space<vmem>>
      %dma_start3A_103 = arith.constant 0 : i32
      %dma_start3A_104 = arith.constant 0 : i32
      %dma_start3A_105 = tpu.memref_slice %arg2[%dma_start3A_103, %dma_start3A_104] : memref<10000x128xf32, #tpu.memory_space<hbm>> -> memref<10000x128xf32, #tpu.memory_space<hbm>>
      tpu.enqueue_indirect_dma source(%dma_start3A_105 : memref<10000x128xf32, #tpu.memory_space<hbm>>) target(%arg11 : memref<128x128xf32, #tpu.memory_space<vmem>>) offsets(%dma_start3A_102 : memref<128xi32, #tpu.memory_space<vmem>>) semaphore(%arg16 : memref<!tpu.dma_semaphore, #tpu.memory_space<semaphore_mem>>)
      %dma_wait3A_106 = arith.constant 2 : i32
      %dma_wait3A_107 = arith.constant 0 : i32
      %dma_wait3A_108 = tpu.memref_slice %arg6[%dma_wait3A_106, %dma_wait3A_107] : memref<8x128xi32, #tpu.memory_space<vmem>> -> memref<1x128xi32, #tpu.memory_space<vmem>>
      %dma_wait3A_109 = tpu.memref_squeeze %dma_wait3A_108 : memref<1x128xi32, #tpu.memory_space<vmem>> -> memref<128xi32, #tpu.memory_space<vmem>>
      %dma_wait3A_110 = arith.constant 0 : i32
      %dma_wait3A_111 = arith.constant 0 : i32
      %dma_wait3A_112 = tpu.memref_slice %arg2[%dma_wait3A_110, %dma_wait3A_111] : memref<10000x128xf32, #tpu.memory_space<hbm>> -> memref<10000x128xf32, #tpu.memory_space<hbm>>
      tpu.wait_indirect_dma semaphore(%arg15 : memref<!tpu.dma_semaphore, #tpu.memory_space<semaphore_mem>>) src(%dma_wait3A_112 : memref<10000x128xf32, #tpu.memory_space<hbm>>) dst(%arg10 : memref<128x128xf32, #tpu.memory_space<vmem>>)
      %run_scoped3A_113 = arith.constant 2 : i32
      "tpu.region"() ({
        %run_scoped3A_326 = tpu.sem_alloc : memref<!tpu.dma_semaphore, #tpu.memory_space<semaphore_mem>>
        %dma_start3A_327 = arith.constant 0 : i32
        %dma_start3A_328 = tpu.memref_slice %arg8[%run_scoped3A_113, %dma_start3A_327] : memref<8x128xi32, #tpu.memory_space<vmem>> -> memref<1x128xi32, #tpu.memory_space<vmem>>
        %dma_start3A_329 = tpu.memref_squeeze %dma_start3A_328 : memref<1x128xi32, #tpu.memory_space<vmem>> -> memref<128xi32, #tpu.memory_space<vmem>>
        %dma_start3A_330 = arith.constant 0 : i32
        %dma_start3A_331 = arith.constant 0 : i32
        %dma_start3A_332 = tpu.memref_slice %arg12[%dma_start3A_330, %dma_start3A_331] : memref<10112x128xf32, #tpu.memory_space<vmem_shared>> -> memref<10112x128xf32, #tpu.memory_space<vmem_shared>>
        tpu.enqueue_indirect_dma source(%arg10 : memref<128x128xf32, #tpu.memory_space<vmem>>) target(%dma_start3A_332 : memref<10112x128xf32, #tpu.memory_space<vmem_shared>>) offsets(%dma_start3A_329 : memref<128xi32, #tpu.memory_space<vmem>>) semaphore(%run_scoped3A_326 : memref<!tpu.dma_semaphore, #tpu.memory_space<semaphore_mem>>) {add = true}
        %dma_wait3A_333 = arith.constant 0 : i32
        %dma_wait3A_334 = tpu.memref_slice %arg8[%run_scoped3A_113, %dma_wait3A_333] : memref<8x128xi32, #tpu.memory_space<vmem>> -> memref<1x128xi32, #tpu.memory_space<vmem>>
        %dma_wait3A_335 = tpu.memref_squeeze %dma_wait3A_334 : memref<1x128xi32, #tpu.memory_space<vmem>> -> memref<128xi32, #tpu.memory_space<vmem>>
        %dma_wait3A_336 = arith.constant 0 : i32
        %dma_wait3A_337 = arith.constant 0 : i32
        %dma_wait3A_338 = tpu.memref_slice %arg12[%dma_wait3A_336, %dma_wait3A_337] : memref<10112x128xf32, #tpu.memory_space<vmem_shared>> -> memref<10112x128xf32, #tpu.memory_space<vmem_shared>>
        tpu.wait_indirect_dma semaphore(%run_scoped3A_326 : memref<!tpu.dma_semaphore, #tpu.memory_space<semaphore_mem>>) src(%arg10 : memref<128x128xf32, #tpu.memory_space<vmem>>) dst(%dma_wait3A_338 : memref<10112x128xf32, #tpu.memory_space<vmem_shared>>)
        tpu.yield
      }) : () -> ()
      %dma_start3A_114 = arith.constant 4 : i32
      %dma_start3A_115 = arith.constant 0 : i32
      %dma_start3A_116 = tpu.memref_slice %arg6[%dma_start3A_114, %dma_start3A_115] : memref<8x128xi32, #tpu.memory_space<vmem>> -> memref<1x128xi32, #tpu.memory_space<vmem>>
      %dma_start3A_117 = tpu.memref_squeeze %dma_start3A_116 : memref<1x128xi32, #tpu.memory_space<vmem>> -> memref<128xi32, #tpu.memory_space<vmem>>
      %dma_start3A_118 = arith.constant 0 : i32
      %dma_start3A_119 = arith.constant 0 : i32
      %dma_start3A_120 = tpu.memref_slice %arg2[%dma_start3A_118, %dma_start3A_119] : memref<10000x128xf32, #tpu.memory_space<hbm>> -> memref<10000x128xf32, #tpu.memory_space<hbm>>
      tpu.enqueue_indirect_dma source(%dma_start3A_120 : memref<10000x128xf32, #tpu.memory_space<hbm>>) target(%arg10 : memref<128x128xf32, #tpu.memory_space<vmem>>) offsets(%dma_start3A_117 : memref<128xi32, #tpu.memory_space<vmem>>) semaphore(%arg15 : memref<!tpu.dma_semaphore, #tpu.memory_space<semaphore_mem>>)
      %dma_wait3A_121 = arith.constant 3 : i32
      %dma_wait3A_122 = arith.constant 0 : i32
      %dma_wait3A_123 = tpu.memref_slice %arg6[%dma_wait3A_121, %dma_wait3A_122] : memref<8x128xi32, #tpu.memory_space<vmem>> -> memref<1x128xi32, #tpu.memory_space<vmem>>
      %dma_wait3A_124 = tpu.memref_squeeze %dma_wait3A_123 : memref<1x128xi32, #tpu.memory_space<vmem>> -> memref<128xi32, #tpu.memory_space<vmem>>
      %dma_wait3A_125 = arith.constant 0 : i32
      %dma_wait3A_126 = arith.constant 0 : i32
      %dma_wait3A_127 = tpu.memref_slice %arg2[%dma_wait3A_125, %dma_wait3A_126] : memref<10000x128xf32, #tpu.memory_space<hbm>> -> memref<10000x128xf32, #tpu.memory_space<hbm>>
      tpu.wait_indirect_dma semaphore(%arg16 : memref<!tpu.dma_semaphore, #tpu.memory_space<semaphore_mem>>) src(%dma_wait3A_127 : memref<10000x128xf32, #tpu.memory_space<hbm>>) dst(%arg11 : memref<128x128xf32, #tpu.memory_space<vmem>>)
      %run_scoped3A_128 = arith.constant 3 : i32
      "tpu.region"() ({
        %run_scoped3A_326 = tpu.sem_alloc : memref<!tpu.dma_semaphore, #tpu.memory_space<semaphore_mem>>
        %dma_start3A_327 = arith.constant 0 : i32
        %dma_start3A_328 = tpu.memref_slice %arg8[%run_scoped3A_128, %dma_start3A_327] : memref<8x128xi32, #tpu.memory_space<vmem>> -> memref<1x128xi32, #tpu.memory_space<vmem>>
        %dma_start3A_329 = tpu.memref_squeeze %dma_start3A_328 : memref<1x128xi32, #tpu.memory_space<vmem>> -> memref<128xi32, #tpu.memory_space<vmem>>
        %dma_start3A_330 = arith.constant 0 : i32
        %dma_start3A_331 = arith.constant 0 : i32
        %dma_start3A_332 = tpu.memref_slice %arg12[%dma_start3A_330, %dma_start3A_331] : memref<10112x128xf32, #tpu.memory_space<vmem_shared>> -> memref<10112x128xf32, #tpu.memory_space<vmem_shared>>
        tpu.enqueue_indirect_dma source(%arg11 : memref<128x128xf32, #tpu.memory_space<vmem>>) target(%dma_start3A_332 : memref<10112x128xf32, #tpu.memory_space<vmem_shared>>) offsets(%dma_start3A_329 : memref<128xi32, #tpu.memory_space<vmem>>) semaphore(%run_scoped3A_326 : memref<!tpu.dma_semaphore, #tpu.memory_space<semaphore_mem>>) {add = true}
        %dma_wait3A_333 = arith.constant 0 : i32
        %dma_wait3A_334 = tpu.memref_slice %arg8[%run_scoped3A_128, %dma_wait3A_333] : memref<8x128xi32, #tpu.memory_space<vmem>> -> memref<1x128xi32, #tpu.memory_space<vmem>>
        %dma_wait3A_335 = tpu.memref_squeeze %dma_wait3A_334 : memref<1x128xi32, #tpu.memory_space<vmem>> -> memref<128xi32, #tpu.memory_space<vmem>>
        %dma_wait3A_336 = arith.constant 0 : i32
        %dma_wait3A_337 = arith.constant 0 : i32
        %dma_wait3A_338 = tpu.memref_slice %arg12[%dma_wait3A_336, %dma_wait3A_337] : memref<10112x128xf32, #tpu.memory_space<vmem_shared>> -> memref<10112x128xf32, #tpu.memory_space<vmem_shared>>
        tpu.wait_indirect_dma semaphore(%run_scoped3A_326 : memref<!tpu.dma_semaphore, #tpu.memory_space<semaphore_mem>>) src(%arg11 : memref<128x128xf32, #tpu.memory_space<vmem>>) dst(%dma_wait3A_338 : memref<10112x128xf32, #tpu.memory_space<vmem_shared>>)
        tpu.yield
      }) : () -> ()
      %dma_start3A_129 = arith.constant 5 : i32
      %dma_start3A_130 = arith.constant 0 : i32
      %dma_start3A_131 = tpu.memref_slice %arg6[%dma_start3A_129, %dma_start3A_130] : memref<8x128xi32, #tpu.memory_space<vmem>> -> memref<1x128xi32, #tpu.memory_space<vmem>>
      %dma_start3A_132 = tpu.memref_squeeze %dma_start3A_131 : memref<1x128xi32, #tpu.memory_space<vmem>> -> memref<128xi32, #tpu.memory_space<vmem>>
      %dma_start3A_133 = arith.constant 0 : i32
      %dma_start3A_134 = arith.constant 0 : i32
      %dma_start3A_135 = tpu.memref_slice %arg2[%dma_start3A_133, %dma_start3A_134] : memref<10000x128xf32, #tpu.memory_space<hbm>> -> memref<10000x128xf32, #tpu.memory_space<hbm>>
      tpu.enqueue_indirect_dma source(%dma_start3A_135 : memref<10000x128xf32, #tpu.memory_space<hbm>>) target(%arg11 : memref<128x128xf32, #tpu.memory_space<vmem>>) offsets(%dma_start3A_132 : memref<128xi32, #tpu.memory_space<vmem>>) semaphore(%arg16 : memref<!tpu.dma_semaphore, #tpu.memory_space<semaphore_mem>>)
      %dma_wait3A_136 = arith.constant 4 : i32
      %dma_wait3A_137 = arith.constant 0 : i32
      %dma_wait3A_138 = tpu.memref_slice %arg6[%dma_wait3A_136, %dma_wait3A_137] : memref<8x128xi32, #tpu.memory_space<vmem>> -> memref<1x128xi32, #tpu.memory_space<vmem>>
      %dma_wait3A_139 = tpu.memref_squeeze %dma_wait3A_138 : memref<1x128xi32, #tpu.memory_space<vmem>> -> memref<128xi32, #tpu.memory_space<vmem>>
      %dma_wait3A_140 = arith.constant 0 : i32
      %dma_wait3A_141 = arith.constant 0 : i32
      %dma_wait3A_142 = tpu.memref_slice %arg2[%dma_wait3A_140, %dma_wait3A_141] : memref<10000x128xf32, #tpu.memory_space<hbm>> -> memref<10000x128xf32, #tpu.memory_space<hbm>>
      tpu.wait_indirect_dma semaphore(%arg15 : memref<!tpu.dma_semaphore, #tpu.memory_space<semaphore_mem>>) src(%dma_wait3A_142 : memref<10000x128xf32, #tpu.memory_space<hbm>>) dst(%arg10 : memref<128x128xf32, #tpu.memory_space<vmem>>)
      %run_scoped3A_143 = arith.constant 4 : i32
      "tpu.region"() ({
        %run_scoped3A_326 = tpu.sem_alloc : memref<!tpu.dma_semaphore, #tpu.memory_space<semaphore_mem>>
        %dma_start3A_327 = arith.constant 0 : i32
        %dma_start3A_328 = tpu.memref_slice %arg8[%run_scoped3A_143, %dma_start3A_327] : memref<8x128xi32, #tpu.memory_space<vmem>> -> memref<1x128xi32, #tpu.memory_space<vmem>>
        %dma_start3A_329 = tpu.memref_squeeze %dma_start3A_328 : memref<1x128xi32, #tpu.memory_space<vmem>> -> memref<128xi32, #tpu.memory_space<vmem>>
        %dma_start3A_330 = arith.constant 0 : i32
        %dma_start3A_331 = arith.constant 0 : i32
        %dma_start3A_332 = tpu.memref_slice %arg12[%dma_start3A_330, %dma_start3A_331] : memref<10112x128xf32, #tpu.memory_space<vmem_shared>> -> memref<10112x128xf32, #tpu.memory_space<vmem_shared>>
        tpu.enqueue_indirect_dma source(%arg10 : memref<128x128xf32, #tpu.memory_space<vmem>>) target(%dma_start3A_332 : memref<10112x128xf32, #tpu.memory_space<vmem_shared>>) offsets(%dma_start3A_329 : memref<128xi32, #tpu.memory_space<vmem>>) semaphore(%run_scoped3A_326 : memref<!tpu.dma_semaphore, #tpu.memory_space<semaphore_mem>>) {add = true}
        %dma_wait3A_333 = arith.constant 0 : i32
        %dma_wait3A_334 = tpu.memref_slice %arg8[%run_scoped3A_143, %dma_wait3A_333] : memref<8x128xi32, #tpu.memory_space<vmem>> -> memref<1x128xi32, #tpu.memory_space<vmem>>
        %dma_wait3A_335 = tpu.memref_squeeze %dma_wait3A_334 : memref<1x128xi32, #tpu.memory_space<vmem>> -> memref<128xi32, #tpu.memory_space<vmem>>
        %dma_wait3A_336 = arith.constant 0 : i32
        %dma_wait3A_337 = arith.constant 0 : i32
        %dma_wait3A_338 = tpu.memref_slice %arg12[%dma_wait3A_336, %dma_wait3A_337] : memref<10112x128xf32, #tpu.memory_space<vmem_shared>> -> memref<10112x128xf32, #tpu.memory_space<vmem_shared>>
        tpu.wait_indirect_dma semaphore(%run_scoped3A_326 : memref<!tpu.dma_semaphore, #tpu.memory_space<semaphore_mem>>) src(%arg10 : memref<128x128xf32, #tpu.memory_space<vmem>>) dst(%dma_wait3A_338 : memref<10112x128xf32, #tpu.memory_space<vmem_shared>>)
        tpu.yield
      }) : () -> ()
      %dma_start3A_144 = arith.constant 6 : i32
      %dma_start3A_145 = arith.constant 0 : i32
      %dma_start3A_146 = tpu.memref_slice %arg6[%dma_start3A_144, %dma_start3A_145] : memref<8x128xi32, #tpu.memory_space<vmem>> -> memref<1x128xi32, #tpu.memory_space<vmem>>
      %dma_start3A_147 = tpu.memref_squeeze %dma_start3A_146 : memref<1x128xi32, #tpu.memory_space<vmem>> -> memref<128xi32, #tpu.memory_space<vmem>>
      %dma_start3A_148 = arith.constant 0 : i32
      %dma_start3A_149 = arith.constant 0 : i32
      %dma_start3A_150 = tpu.memref_slice %arg2[%dma_start3A_148, %dma_start3A_149] : memref<10000x128xf32, #tpu.memory_space<hbm>> -> memref<10000x128xf32, #tpu.memory_space<hbm>>
      tpu.enqueue_indirect_dma source(%dma_start3A_150 : memref<10000x128xf32, #tpu.memory_space<hbm>>) target(%arg10 : memref<128x128xf32, #tpu.memory_space<vmem>>) offsets(%dma_start3A_147 : memref<128xi32, #tpu.memory_space<vmem>>) semaphore(%arg15 : memref<!tpu.dma_semaphore, #tpu.memory_space<semaphore_mem>>)
      %dma_wait3A_151 = arith.constant 5 : i32
      %dma_wait3A_152 = arith.constant 0 : i32
      %dma_wait3A_153 = tpu.memref_slice %arg6[%dma_wait3A_151, %dma_wait3A_152] : memref<8x128xi32, #tpu.memory_space<vmem>> -> memref<1x128xi32, #tpu.memory_space<vmem>>
      %dma_wait3A_154 = tpu.memref_squeeze %dma_wait3A_153 : memref<1x128xi32, #tpu.memory_space<vmem>> -> memref<128xi32, #tpu.memory_space<vmem>>
      %dma_wait3A_155 = arith.constant 0 : i32
      %dma_wait3A_156 = arith.constant 0 : i32
      %dma_wait3A_157 = tpu.memref_slice %arg2[%dma_wait3A_155, %dma_wait3A_156] : memref<10000x128xf32, #tpu.memory_space<hbm>> -> memref<10000x128xf32, #tpu.memory_space<hbm>>
      tpu.wait_indirect_dma semaphore(%arg16 : memref<!tpu.dma_semaphore, #tpu.memory_space<semaphore_mem>>) src(%dma_wait3A_157 : memref<10000x128xf32, #tpu.memory_space<hbm>>) dst(%arg11 : memref<128x128xf32, #tpu.memory_space<vmem>>)
      %run_scoped3A_158 = arith.constant 5 : i32
      "tpu.region"() ({
        %run_scoped3A_326 = tpu.sem_alloc : memref<!tpu.dma_semaphore, #tpu.memory_space<semaphore_mem>>
        %dma_start3A_327 = arith.constant 0 : i32
        %dma_start3A_328 = tpu.memref_slice %arg8[%run_scoped3A_158, %dma_start3A_327] : memref<8x128xi32, #tpu.memory_space<vmem>> -> memref<1x128xi32, #tpu.memory_space<vmem>>
        %dma_start3A_329 = tpu.memref_squeeze %dma_start3A_328 : memref<1x128xi32, #tpu.memory_space<vmem>> -> memref<128xi32, #tpu.memory_space<vmem>>
        %dma_start3A_330 = arith.constant 0 : i32
        %dma_start3A_331 = arith.constant 0 : i32
        %dma_start3A_332 = tpu.memref_slice %arg12[%dma_start3A_330, %dma_start3A_331] : memref<10112x128xf32, #tpu.memory_space<vmem_shared>> -> memref<10112x128xf32, #tpu.memory_space<vmem_shared>>
        tpu.enqueue_indirect_dma source(%arg11 : memref<128x128xf32, #tpu.memory_space<vmem>>) target(%dma_start3A_332 : memref<10112x128xf32, #tpu.memory_space<vmem_shared>>) offsets(%dma_start3A_329 : memref<128xi32, #tpu.memory_space<vmem>>) semaphore(%run_scoped3A_326 : memref<!tpu.dma_semaphore, #tpu.memory_space<semaphore_mem>>) {add = true}
        %dma_wait3A_333 = arith.constant 0 : i32
        %dma_wait3A_334 = tpu.memref_slice %arg8[%run_scoped3A_158, %dma_wait3A_333] : memref<8x128xi32, #tpu.memory_space<vmem>> -> memref<1x128xi32, #tpu.memory_space<vmem>>
        %dma_wait3A_335 = tpu.memref_squeeze %dma_wait3A_334 : memref<1x128xi32, #tpu.memory_space<vmem>> -> memref<128xi32, #tpu.memory_space<vmem>>
        %dma_wait3A_336 = arith.constant 0 : i32
        %dma_wait3A_337 = arith.constant 0 : i32
        %dma_wait3A_338 = tpu.memref_slice %arg12[%dma_wait3A_336, %dma_wait3A_337] : memref<10112x128xf32, #tpu.memory_space<vmem_shared>> -> memref<10112x128xf32, #tpu.memory_space<vmem_shared>>
        tpu.wait_indirect_dma semaphore(%run_scoped3A_326 : memref<!tpu.dma_semaphore, #tpu.memory_space<semaphore_mem>>) src(%arg11 : memref<128x128xf32, #tpu.memory_space<vmem>>) dst(%dma_wait3A_338 : memref<10112x128xf32, #tpu.memory_space<vmem_shared>>)
        tpu.yield
      }) : () -> ()
      %dma_start3A_159 = arith.constant 7 : i32
      %dma_start3A_160 = arith.constant 0 : i32
      %dma_start3A_161 = tpu.memref_slice %arg6[%dma_start3A_159, %dma_start3A_160] : memref<8x128xi32, #tpu.memory_space<vmem>> -> memref<1x128xi32, #tpu.memory_space<vmem>>
      %dma_start3A_162 = tpu.memref_squeeze %dma_start3A_161 : memref<1x128xi32, #tpu.memory_space<vmem>> -> memref<128xi32, #tpu.memory_space<vmem>>
      %dma_start3A_163 = arith.constant 0 : i32
      %dma_start3A_164 = arith.constant 0 : i32
      %dma_start3A_165 = tpu.memref_slice %arg2[%dma_start3A_163, %dma_start3A_164] : memref<10000x128xf32, #tpu.memory_space<hbm>> -> memref<10000x128xf32, #tpu.memory_space<hbm>>
      tpu.enqueue_indirect_dma source(%dma_start3A_165 : memref<10000x128xf32, #tpu.memory_space<hbm>>) target(%arg11 : memref<128x128xf32, #tpu.memory_space<vmem>>) offsets(%dma_start3A_162 : memref<128xi32, #tpu.memory_space<vmem>>) semaphore(%arg16 : memref<!tpu.dma_semaphore, #tpu.memory_space<semaphore_mem>>)
      %dma_wait3A_166 = arith.constant 6 : i32
      %dma_wait3A_167 = arith.constant 0 : i32
      %dma_wait3A_168 = tpu.memref_slice %arg6[%dma_wait3A_166, %dma_wait3A_167] : memref<8x128xi32, #tpu.memory_space<vmem>> -> memref<1x128xi32, #tpu.memory_space<vmem>>
      %dma_wait3A_169 = tpu.memref_squeeze %dma_wait3A_168 : memref<1x128xi32, #tpu.memory_space<vmem>> -> memref<128xi32, #tpu.memory_space<vmem>>
      %dma_wait3A_170 = arith.constant 0 : i32
      %dma_wait3A_171 = arith.constant 0 : i32
      %dma_wait3A_172 = tpu.memref_slice %arg2[%dma_wait3A_170, %dma_wait3A_171] : memref<10000x128xf32, #tpu.memory_space<hbm>> -> memref<10000x128xf32, #tpu.memory_space<hbm>>
      tpu.wait_indirect_dma semaphore(%arg15 : memref<!tpu.dma_semaphore, #tpu.memory_space<semaphore_mem>>) src(%dma_wait3A_172 : memref<10000x128xf32, #tpu.memory_space<hbm>>) dst(%arg10 : memref<128x128xf32, #tpu.memory_space<vmem>>)
      %run_scoped3A_173 = arith.constant 6 : i32
      "tpu.region"() ({
        %run_scoped3A_326 = tpu.sem_alloc : memref<!tpu.dma_semaphore, #tpu.memory_space<semaphore_mem>>
        %dma_start3A_327 = arith.constant 0 : i32
        %dma_start3A_328 = tpu.memref_slice %arg8[%run_scoped3A_173, %dma_start3A_327] : memref<8x128xi32, #tpu.memory_space<vmem>> -> memref<1x128xi32, #tpu.memory_space<vmem>>
        %dma_start3A_329 = tpu.memref_squeeze %dma_start3A_328 : memref<1x128xi32, #tpu.memory_space<vmem>> -> memref<128xi32, #tpu.memory_space<vmem>>
        %dma_start3A_330 = arith.constant 0 : i32
        %dma_start3A_331 = arith.constant 0 : i32
        %dma_start3A_332 = tpu.memref_slice %arg12[%dma_start3A_330, %dma_start3A_331] : memref<10112x128xf32, #tpu.memory_space<vmem_shared>> -> memref<10112x128xf32, #tpu.memory_space<vmem_shared>>
        tpu.enqueue_indirect_dma source(%arg10 : memref<128x128xf32, #tpu.memory_space<vmem>>) target(%dma_start3A_332 : memref<10112x128xf32, #tpu.memory_space<vmem_shared>>) offsets(%dma_start3A_329 : memref<128xi32, #tpu.memory_space<vmem>>) semaphore(%run_scoped3A_326 : memref<!tpu.dma_semaphore, #tpu.memory_space<semaphore_mem>>) {add = true}
        %dma_wait3A_333 = arith.constant 0 : i32
        %dma_wait3A_334 = tpu.memref_slice %arg8[%run_scoped3A_173, %dma_wait3A_333] : memref<8x128xi32, #tpu.memory_space<vmem>> -> memref<1x128xi32, #tpu.memory_space<vmem>>
        %dma_wait3A_335 = tpu.memref_squeeze %dma_wait3A_334 : memref<1x128xi32, #tpu.memory_space<vmem>> -> memref<128xi32, #tpu.memory_space<vmem>>
        %dma_wait3A_336 = arith.constant 0 : i32
        %dma_wait3A_337 = arith.constant 0 : i32
        %dma_wait3A_338 = tpu.memref_slice %arg12[%dma_wait3A_336, %dma_wait3A_337] : memref<10112x128xf32, #tpu.memory_space<vmem_shared>> -> memref<10112x128xf32, #tpu.memory_space<vmem_shared>>
        tpu.wait_indirect_dma semaphore(%run_scoped3A_326 : memref<!tpu.dma_semaphore, #tpu.memory_space<semaphore_mem>>) src(%arg10 : memref<128x128xf32, #tpu.memory_space<vmem>>) dst(%dma_wait3A_338 : memref<10112x128xf32, #tpu.memory_space<vmem_shared>>)
        tpu.yield
      }) : () -> ()
      %dma_wait3A_174 = arith.constant 7 : i32
      %dma_wait3A_175 = arith.constant 0 : i32
      %dma_wait3A_176 = tpu.memref_slice %arg6[%dma_wait3A_174, %dma_wait3A_175] : memref<8x128xi32, #tpu.memory_space<vmem>> -> memref<1x128xi32, #tpu.memory_space<vmem>>
      %dma_wait3A_177 = tpu.memref_squeeze %dma_wait3A_176 : memref<1x128xi32, #tpu.memory_space<vmem>> -> memref<128xi32, #tpu.memory_space<vmem>>
      %dma_wait3A_178 = arith.constant 0 : i32
      %dma_wait3A_179 = arith.constant 0 : i32
      %dma_wait3A_180 = tpu.memref_slice %arg2[%dma_wait3A_178, %dma_wait3A_179] : memref<10000x128xf32, #tpu.memory_space<hbm>> -> memref<10000x128xf32, #tpu.memory_space<hbm>>
      tpu.wait_indirect_dma semaphore(%arg16 : memref<!tpu.dma_semaphore, #tpu.memory_space<semaphore_mem>>) src(%dma_wait3A_180 : memref<10000x128xf32, #tpu.memory_space<hbm>>) dst(%arg11 : memref<128x128xf32, #tpu.memory_space<vmem>>)
      %run_scoped3A_181 = arith.constant 7 : i32
      "tpu.region"() ({
        %run_scoped3A_326 = tpu.sem_alloc : memref<!tpu.dma_semaphore, #tpu.memory_space<semaphore_mem>>
        %dma_start3A_327 = arith.constant 0 : i32
        %dma_start3A_328 = tpu.memref_slice %arg8[%run_scoped3A_181, %dma_start3A_327] : memref<8x128xi32, #tpu.memory_space<vmem>> -> memref<1x128xi32, #tpu.memory_space<vmem>>
        %dma_start3A_329 = tpu.memref_squeeze %dma_start3A_328 : memref<1x128xi32, #tpu.memory_space<vmem>> -> memref<128xi32, #tpu.memory_space<vmem>>
        %dma_start3A_330 = arith.constant 0 : i32
        %dma_start3A_331 = arith.constant 0 : i32
        %dma_start3A_332 = tpu.memref_slice %arg12[%dma_start3A_330, %dma_start3A_331] : memref<10112x128xf32, #tpu.memory_space<vmem_shared>> -> memref<10112x128xf32, #tpu.memory_space<vmem_shared>>
        tpu.enqueue_indirect_dma source(%arg11 : memref<128x128xf32, #tpu.memory_space<vmem>>) target(%dma_start3A_332 : memref<10112x128xf32, #tpu.memory_space<vmem_shared>>) offsets(%dma_start3A_329 : memref<128xi32, #tpu.memory_space<vmem>>) semaphore(%run_scoped3A_326 : memref<!tpu.dma_semaphore, #tpu.memory_space<semaphore_mem>>) {add = true}
        %dma_wait3A_333 = arith.constant 0 : i32
        %dma_wait3A_334 = tpu.memref_slice %arg8[%run_scoped3A_181, %dma_wait3A_333] : memref<8x128xi32, #tpu.memory_space<vmem>> -> memref<1x128xi32, #tpu.memory_space<vmem>>
        %dma_wait3A_335 = tpu.memref_squeeze %dma_wait3A_334 : memref<1x128xi32, #tpu.memory_space<vmem>> -> memref<128xi32, #tpu.memory_space<vmem>>
        %dma_wait3A_336 = arith.constant 0 : i32
        %dma_wait3A_337 = arith.constant 0 : i32
        %dma_wait3A_338 = tpu.memref_slice %arg12[%dma_wait3A_336, %dma_wait3A_337] : memref<10112x128xf32, #tpu.memory_space<vmem_shared>> -> memref<10112x128xf32, #tpu.memory_space<vmem_shared>>
        tpu.wait_indirect_dma semaphore(%run_scoped3A_326 : memref<!tpu.dma_semaphore, #tpu.memory_space<semaphore_mem>>) src(%arg11 : memref<128x128xf32, #tpu.memory_space<vmem>>) dst(%dma_wait3A_338 : memref<10112x128xf32, #tpu.memory_space<vmem_shared>>)
        tpu.yield
      }) : () -> ()
      %add3A_182 = arith.constant 2 : i32
      %add3A_183 = arith.addi %add3A_52, %add3A_182 : i32
      %lt3A = arith.constant 10 : i32
      %lt3A_184 = arith.cmpi slt, %add3A_183, %lt3A : i32
      %convert_element_type3A = arith.extui %lt3A_184 : i1 to i32
      %cond3A = arith.constant 0 : i32
      %cond3A_185 = arith.cmpi ne, %convert_element_type3A, %cond3A : i32
      scf.if %cond3A_185 {
        %add3A_326 = arith.constant 2 : i32
        %add3A_327 = arith.addi %add3A_52, %add3A_326 : i32
        %mul3A_328 = arith.constant 8 : i32
        %mul3A_329 = arith.muli %add3A_327, %mul3A_328 : i32
        %add3A_330 = arith.addi %mul3A_4, %mul3A_329 : i32
        %dma_start3A_331 = arith.constant 0 : i32
        %dma_start3A_332 = tpu.memref_slice %arg4[%add3A_330, %dma_start3A_331] : memref<2560x128xi32, #tpu.memory_space<hbm>> -> memref<8x128xi32, #tpu.memory_space<hbm>>
        %dma_start3A_333 = arith.constant 0 : i32
        %dma_start3A_334 = tpu.memref_slice %arg4[%add3A_330, %dma_start3A_333] : memref<2560x128xi32, #tpu.memory_space<hbm>> -> memref<8x128xi32, #tpu.memory_space<hbm>>
        tpu.enqueue_dma source(%dma_start3A_334 : memref<8x128xi32, #tpu.memory_space<hbm>>) target(%arg6 : memref<8x128xi32, #tpu.memory_space<vmem>>) target_semaphore(%arg13 : memref<!tpu.dma_semaphore, #tpu.memory_space<semaphore_mem>>)
        %dma_start3A_335 = arith.constant 0 : i32
        %dma_start3A_336 = tpu.memref_slice %arg3[%add3A_330, %dma_start3A_335] : memref<2560x128xi32, #tpu.memory_space<hbm>> -> memref<8x128xi32, #tpu.memory_space<hbm>>
        %dma_start3A_337 = arith.constant 0 : i32
        %dma_start3A_338 = tpu.memref_slice %arg3[%add3A_330, %dma_start3A_337] : memref<2560x128xi32, #tpu.memory_space<hbm>> -> memref<8x128xi32, #tpu.memory_space<hbm>>
        tpu.enqueue_dma source(%dma_start3A_338 : memref<8x128xi32, #tpu.memory_space<hbm>>) target(%arg8 : memref<8x128xi32, #tpu.memory_space<vmem>>) target_semaphore(%arg13 : memref<!tpu.dma_semaphore, #tpu.memory_space<semaphore_mem>>)
      } else {
      }
      %add3A_186 = arith.constant 1 : i32
      %add3A_187 = arith.addi %add3A_52, %add3A_186 : i32
      %mul3A_188 = arith.constant 8 : i32
      %mul3A_189 = arith.muli %add3A_187, %mul3A_188 : i32
      %add3A_190 = arith.addi %mul3A_4, %mul3A_189 : i32
      %dma_wait3A_191 = arith.constant 0 : i32
      %dma_wait3A_192 = tpu.memref_slice %arg4[%add3A_190, %dma_wait3A_191] : memref<2560x128xi32, #tpu.memory_space<hbm>> -> memref<8x128xi32, #tpu.memory_space<hbm>>
      %dma_wait3A_193 = arith.constant 0 : i32
      %dma_wait3A_194 = tpu.memref_slice %arg4[%add3A_190, %dma_wait3A_193] : memref<2560x128xi32, #tpu.memory_space<hbm>> -> memref<8x128xi32, #tpu.memory_space<hbm>>
      tpu.wait_dma2 semaphore(%arg14 : memref<!tpu.dma_semaphore, #tpu.memory_space<semaphore_mem>>) src(%dma_wait3A_194 : memref<8x128xi32, #tpu.memory_space<hbm>>) dst(%arg7 : memref<8x128xi32, #tpu.memory_space<vmem>>)
      %dma_wait3A_195 = arith.constant 0 : i32
      %dma_wait3A_196 = tpu.memref_slice %arg3[%add3A_190, %dma_wait3A_195] : memref<2560x128xi32, #tpu.memory_space<hbm>> -> memref<8x128xi32, #tpu.memory_space<hbm>>
      %dma_wait3A_197 = arith.constant 0 : i32
      %dma_wait3A_198 = tpu.memref_slice %arg3[%add3A_190, %dma_wait3A_197] : memref<2560x128xi32, #tpu.memory_space<hbm>> -> memref<8x128xi32, #tpu.memory_space<hbm>>
      tpu.wait_dma2 semaphore(%arg14 : memref<!tpu.dma_semaphore, #tpu.memory_space<semaphore_mem>>) src(%dma_wait3A_198 : memref<8x128xi32, #tpu.memory_space<hbm>>) dst(%arg9 : memref<8x128xi32, #tpu.memory_space<vmem>>)
      %dma_start3A_199 = arith.constant 0 : i32
      %dma_start3A_200 = arith.constant 0 : i32
      %dma_start3A_201 = tpu.memref_slice %arg7[%dma_start3A_199, %dma_start3A_200] : memref<8x128xi32, #tpu.memory_space<vmem>> -> memref<1x128xi32, #tpu.memory_space<vmem>>
      %dma_start3A_202 = tpu.memref_squeeze %dma_start3A_201 : memref<1x128xi32, #tpu.memory_space<vmem>> -> memref<128xi32, #tpu.memory_space<vmem>>
      %dma_start3A_203 = arith.constant 0 : i32
      %dma_start3A_204 = arith.constant 0 : i32
      %dma_start3A_205 = tpu.memref_slice %arg2[%dma_start3A_203, %dma_start3A_204] : memref<10000x128xf32, #tpu.memory_space<hbm>> -> memref<10000x128xf32, #tpu.memory_space<hbm>>
      tpu.enqueue_indirect_dma source(%dma_start3A_205 : memref<10000x128xf32, #tpu.memory_space<hbm>>) target(%arg10 : memref<128x128xf32, #tpu.memory_space<vmem>>) offsets(%dma_start3A_202 : memref<128xi32, #tpu.memory_space<vmem>>) semaphore(%arg15 : memref<!tpu.dma_semaphore, #tpu.memory_space<semaphore_mem>>)
      %dma_start3A_206 = arith.constant 1 : i32
      %dma_start3A_207 = arith.constant 0 : i32
      %dma_start3A_208 = tpu.memref_slice %arg7[%dma_start3A_206, %dma_start3A_207] : memref<8x128xi32, #tpu.memory_space<vmem>> -> memref<1x128xi32, #tpu.memory_space<vmem>>
      %dma_start3A_209 = tpu.memref_squeeze %dma_start3A_208 : memref<1x128xi32, #tpu.memory_space<vmem>> -> memref<128xi32, #tpu.memory_space<vmem>>
      %dma_start3A_210 = arith.constant 0 : i32
      %dma_start3A_211 = arith.constant 0 : i32
      %dma_start3A_212 = tpu.memref_slice %arg2[%dma_start3A_210, %dma_start3A_211] : memref<10000x128xf32, #tpu.memory_space<hbm>> -> memref<10000x128xf32, #tpu.memory_space<hbm>>
      tpu.enqueue_indirect_dma source(%dma_start3A_212 : memref<10000x128xf32, #tpu.memory_space<hbm>>) target(%arg11 : memref<128x128xf32, #tpu.memory_space<vmem>>) offsets(%dma_start3A_209 : memref<128xi32, #tpu.memory_space<vmem>>) semaphore(%arg16 : memref<!tpu.dma_semaphore, #tpu.memory_space<semaphore_mem>>)
      %dma_wait3A_213 = arith.constant 0 : i32
      %dma_wait3A_214 = arith.constant 0 : i32
      %dma_wait3A_215 = tpu.memref_slice %arg7[%dma_wait3A_213, %dma_wait3A_214] : memref<8x128xi32, #tpu.memory_space<vmem>> -> memref<1x128xi32, #tpu.memory_space<vmem>>
      %dma_wait3A_216 = tpu.memref_squeeze %dma_wait3A_215 : memref<1x128xi32, #tpu.memory_space<vmem>> -> memref<128xi32, #tpu.memory_space<vmem>>
      %dma_wait3A_217 = arith.constant 0 : i32
      %dma_wait3A_218 = arith.constant 0 : i32
      %dma_wait3A_219 = tpu.memref_slice %arg2[%dma_wait3A_217, %dma_wait3A_218] : memref<10000x128xf32, #tpu.memory_space<hbm>> -> memref<10000x128xf32, #tpu.memory_space<hbm>>
      tpu.wait_indirect_dma semaphore(%arg15 : memref<!tpu.dma_semaphore, #tpu.memory_space<semaphore_mem>>) src(%dma_wait3A_219 : memref<10000x128xf32, #tpu.memory_space<hbm>>) dst(%arg10 : memref<128x128xf32, #tpu.memory_space<vmem>>)
      %run_scoped3A_220 = arith.constant 0 : i32
      "tpu.region"() ({
        %run_scoped3A_326 = tpu.sem_alloc : memref<!tpu.dma_semaphore, #tpu.memory_space<semaphore_mem>>
        %dma_start3A_327 = arith.constant 0 : i32
        %dma_start3A_328 = tpu.memref_slice %arg9[%run_scoped3A_220, %dma_start3A_327] : memref<8x128xi32, #tpu.memory_space<vmem>> -> memref<1x128xi32, #tpu.memory_space<vmem>>
        %dma_start3A_329 = tpu.memref_squeeze %dma_start3A_328 : memref<1x128xi32, #tpu.memory_space<vmem>> -> memref<128xi32, #tpu.memory_space<vmem>>
        %dma_start3A_330 = arith.constant 0 : i32
        %dma_start3A_331 = arith.constant 0 : i32
        %dma_start3A_332 = tpu.memref_slice %arg12[%dma_start3A_330, %dma_start3A_331] : memref<10112x128xf32, #tpu.memory_space<vmem_shared>> -> memref<10112x128xf32, #tpu.memory_space<vmem_shared>>
        tpu.enqueue_indirect_dma source(%arg10 : memref<128x128xf32, #tpu.memory_space<vmem>>) target(%dma_start3A_332 : memref<10112x128xf32, #tpu.memory_space<vmem_shared>>) offsets(%dma_start3A_329 : memref<128xi32, #tpu.memory_space<vmem>>) semaphore(%run_scoped3A_326 : memref<!tpu.dma_semaphore, #tpu.memory_space<semaphore_mem>>) {add = true}
        %dma_wait3A_333 = arith.constant 0 : i32
        %dma_wait3A_334 = tpu.memref_slice %arg9[%run_scoped3A_220, %dma_wait3A_333] : memref<8x128xi32, #tpu.memory_space<vmem>> -> memref<1x128xi32, #tpu.memory_space<vmem>>
        %dma_wait3A_335 = tpu.memref_squeeze %dma_wait3A_334 : memref<1x128xi32, #tpu.memory_space<vmem>> -> memref<128xi32, #tpu.memory_space<vmem>>
        %dma_wait3A_336 = arith.constant 0 : i32
        %dma_wait3A_337 = arith.constant 0 : i32
        %dma_wait3A_338 = tpu.memref_slice %arg12[%dma_wait3A_336, %dma_wait3A_337] : memref<10112x128xf32, #tpu.memory_space<vmem_shared>> -> memref<10112x128xf32, #tpu.memory_space<vmem_shared>>
        tpu.wait_indirect_dma semaphore(%run_scoped3A_326 : memref<!tpu.dma_semaphore, #tpu.memory_space<semaphore_mem>>) src(%arg10 : memref<128x128xf32, #tpu.memory_space<vmem>>) dst(%dma_wait3A_338 : memref<10112x128xf32, #tpu.memory_space<vmem_shared>>)
        tpu.yield
      }) : () -> ()
      %dma_start3A_221 = arith.constant 2 : i32
      %dma_start3A_222 = arith.constant 0 : i32
      %dma_start3A_223 = tpu.memref_slice %arg7[%dma_start3A_221, %dma_start3A_222] : memref<8x128xi32, #tpu.memory_space<vmem>> -> memref<1x128xi32, #tpu.memory_space<vmem>>
      %dma_start3A_224 = tpu.memref_squeeze %dma_start3A_223 : memref<1x128xi32, #tpu.memory_space<vmem>> -> memref<128xi32, #tpu.memory_space<vmem>>
      %dma_start3A_225 = arith.constant 0 : i32
      %dma_start3A_226 = arith.constant 0 : i32
      %dma_start3A_227 = tpu.memref_slice %arg2[%dma_start3A_225, %dma_start3A_226] : memref<10000x128xf32, #tpu.memory_space<hbm>> -> memref<10000x128xf32, #tpu.memory_space<hbm>>
      tpu.enqueue_indirect_dma source(%dma_start3A_227 : memref<10000x128xf32, #tpu.memory_space<hbm>>) target(%arg10 : memref<128x128xf32, #tpu.memory_space<vmem>>) offsets(%dma_start3A_224 : memref<128xi32, #tpu.memory_space<vmem>>) semaphore(%arg15 : memref<!tpu.dma_semaphore, #tpu.memory_space<semaphore_mem>>)
      %dma_wait3A_228 = arith.constant 1 : i32
      %dma_wait3A_229 = arith.constant 0 : i32
      %dma_wait3A_230 = tpu.memref_slice %arg7[%dma_wait3A_228, %dma_wait3A_229] : memref<8x128xi32, #tpu.memory_space<vmem>> -> memref<1x128xi32, #tpu.memory_space<vmem>>
      %dma_wait3A_231 = tpu.memref_squeeze %dma_wait3A_230 : memref<1x128xi32, #tpu.memory_space<vmem>> -> memref<128xi32, #tpu.memory_space<vmem>>
      %dma_wait3A_232 = arith.constant 0 : i32
      %dma_wait3A_233 = arith.constant 0 : i32
      %dma_wait3A_234 = tpu.memref_slice %arg2[%dma_wait3A_232, %dma_wait3A_233] : memref<10000x128xf32, #tpu.memory_space<hbm>> -> memref<10000x128xf32, #tpu.memory_space<hbm>>
      tpu.wait_indirect_dma semaphore(%arg16 : memref<!tpu.dma_semaphore, #tpu.memory_space<semaphore_mem>>) src(%dma_wait3A_234 : memref<10000x128xf32, #tpu.memory_space<hbm>>) dst(%arg11 : memref<128x128xf32, #tpu.memory_space<vmem>>)
      %run_scoped3A_235 = arith.constant 1 : i32
      "tpu.region"() ({
        %run_scoped3A_326 = tpu.sem_alloc : memref<!tpu.dma_semaphore, #tpu.memory_space<semaphore_mem>>
        %dma_start3A_327 = arith.constant 0 : i32
        %dma_start3A_328 = tpu.memref_slice %arg9[%run_scoped3A_235, %dma_start3A_327] : memref<8x128xi32, #tpu.memory_space<vmem>> -> memref<1x128xi32, #tpu.memory_space<vmem>>
        %dma_start3A_329 = tpu.memref_squeeze %dma_start3A_328 : memref<1x128xi32, #tpu.memory_space<vmem>> -> memref<128xi32, #tpu.memory_space<vmem>>
        %dma_start3A_330 = arith.constant 0 : i32
        %dma_start3A_331 = arith.constant 0 : i32
        %dma_start3A_332 = tpu.memref_slice %arg12[%dma_start3A_330, %dma_start3A_331] : memref<10112x128xf32, #tpu.memory_space<vmem_shared>> -> memref<10112x128xf32, #tpu.memory_space<vmem_shared>>
        tpu.enqueue_indirect_dma source(%arg11 : memref<128x128xf32, #tpu.memory_space<vmem>>) target(%dma_start3A_332 : memref<10112x128xf32, #tpu.memory_space<vmem_shared>>) offsets(%dma_start3A_329 : memref<128xi32, #tpu.memory_space<vmem>>) semaphore(%run_scoped3A_326 : memref<!tpu.dma_semaphore, #tpu.memory_space<semaphore_mem>>) {add = true}
        %dma_wait3A_333 = arith.constant 0 : i32
        %dma_wait3A_334 = tpu.memref_slice %arg9[%run_scoped3A_235, %dma_wait3A_333] : memref<8x128xi32, #tpu.memory_space<vmem>> -> memref<1x128xi32, #tpu.memory_space<vmem>>
        %dma_wait3A_335 = tpu.memref_squeeze %dma_wait3A_334 : memref<1x128xi32, #tpu.memory_space<vmem>> -> memref<128xi32, #tpu.memory_space<vmem>>
        %dma_wait3A_336 = arith.constant 0 : i32
        %dma_wait3A_337 = arith.constant 0 : i32
        %dma_wait3A_338 = tpu.memref_slice %arg12[%dma_wait3A_336, %dma_wait3A_337] : memref<10112x128xf32, #tpu.memory_space<vmem_shared>> -> memref<10112x128xf32, #tpu.memory_space<vmem_shared>>
        tpu.wait_indirect_dma semaphore(%run_scoped3A_326 : memref<!tpu.dma_semaphore, #tpu.memory_space<semaphore_mem>>) src(%arg11 : memref<128x128xf32, #tpu.memory_space<vmem>>) dst(%dma_wait3A_338 : memref<10112x128xf32, #tpu.memory_space<vmem_shared>>)
        tpu.yield
      }) : () -> ()
      %dma_start3A_236 = arith.constant 3 : i32
      %dma_start3A_237 = arith.constant 0 : i32
      %dma_start3A_238 = tpu.memref_slice %arg7[%dma_start3A_236, %dma_start3A_237] : memref<8x128xi32, #tpu.memory_space<vmem>> -> memref<1x128xi32, #tpu.memory_space<vmem>>
      %dma_start3A_239 = tpu.memref_squeeze %dma_start3A_238 : memref<1x128xi32, #tpu.memory_space<vmem>> -> memref<128xi32, #tpu.memory_space<vmem>>
      %dma_start3A_240 = arith.constant 0 : i32
      %dma_start3A_241 = arith.constant 0 : i32
      %dma_start3A_242 = tpu.memref_slice %arg2[%dma_start3A_240, %dma_start3A_241] : memref<10000x128xf32, #tpu.memory_space<hbm>> -> memref<10000x128xf32, #tpu.memory_space<hbm>>
      tpu.enqueue_indirect_dma source(%dma_start3A_242 : memref<10000x128xf32, #tpu.memory_space<hbm>>) target(%arg11 : memref<128x128xf32, #tpu.memory_space<vmem>>) offsets(%dma_start3A_239 : memref<128xi32, #tpu.memory_space<vmem>>) semaphore(%arg16 : memref<!tpu.dma_semaphore, #tpu.memory_space<semaphore_mem>>)
      %dma_wait3A_243 = arith.constant 2 : i32
      %dma_wait3A_244 = arith.constant 0 : i32
      %dma_wait3A_245 = tpu.memref_slice %arg7[%dma_wait3A_243, %dma_wait3A_244] : memref<8x128xi32, #tpu.memory_space<vmem>> -> memref<1x128xi32, #tpu.memory_space<vmem>>
      %dma_wait3A_246 = tpu.memref_squeeze %dma_wait3A_245 : memref<1x128xi32, #tpu.memory_space<vmem>> -> memref<128xi32, #tpu.memory_space<vmem>>
      %dma_wait3A_247 = arith.constant 0 : i32
      %dma_wait3A_248 = arith.constant 0 : i32
      %dma_wait3A_249 = tpu.memref_slice %arg2[%dma_wait3A_247, %dma_wait3A_248] : memref<10000x128xf32, #tpu.memory_space<hbm>> -> memref<10000x128xf32, #tpu.memory_space<hbm>>
      tpu.wait_indirect_dma semaphore(%arg15 : memref<!tpu.dma_semaphore, #tpu.memory_space<semaphore_mem>>) src(%dma_wait3A_249 : memref<10000x128xf32, #tpu.memory_space<hbm>>) dst(%arg10 : memref<128x128xf32, #tpu.memory_space<vmem>>)
      %run_scoped3A_250 = arith.constant 2 : i32
      "tpu.region"() ({
        %run_scoped3A_326 = tpu.sem_alloc : memref<!tpu.dma_semaphore, #tpu.memory_space<semaphore_mem>>
        %dma_start3A_327 = arith.constant 0 : i32
        %dma_start3A_328 = tpu.memref_slice %arg9[%run_scoped3A_250, %dma_start3A_327] : memref<8x128xi32, #tpu.memory_space<vmem>> -> memref<1x128xi32, #tpu.memory_space<vmem>>
        %dma_start3A_329 = tpu.memref_squeeze %dma_start3A_328 : memref<1x128xi32, #tpu.memory_space<vmem>> -> memref<128xi32, #tpu.memory_space<vmem>>
        %dma_start3A_330 = arith.constant 0 : i32
        %dma_start3A_331 = arith.constant 0 : i32
        %dma_start3A_332 = tpu.memref_slice %arg12[%dma_start3A_330, %dma_start3A_331] : memref<10112x128xf32, #tpu.memory_space<vmem_shared>> -> memref<10112x128xf32, #tpu.memory_space<vmem_shared>>
        tpu.enqueue_indirect_dma source(%arg10 : memref<128x128xf32, #tpu.memory_space<vmem>>) target(%dma_start3A_332 : memref<10112x128xf32, #tpu.memory_space<vmem_shared>>) offsets(%dma_start3A_329 : memref<128xi32, #tpu.memory_space<vmem>>) semaphore(%run_scoped3A_326 : memref<!tpu.dma_semaphore, #tpu.memory_space<semaphore_mem>>) {add = true}
        %dma_wait3A_333 = arith.constant 0 : i32
        %dma_wait3A_334 = tpu.memref_slice %arg9[%run_scoped3A_250, %dma_wait3A_333] : memref<8x128xi32, #tpu.memory_space<vmem>> -> memref<1x128xi32, #tpu.memory_space<vmem>>
        %dma_wait3A_335 = tpu.memref_squeeze %dma_wait3A_334 : memref<1x128xi32, #tpu.memory_space<vmem>> -> memref<128xi32, #tpu.memory_space<vmem>>
        %dma_wait3A_336 = arith.constant 0 : i32
        %dma_wait3A_337 = arith.constant 0 : i32
        %dma_wait3A_338 = tpu.memref_slice %arg12[%dma_wait3A_336, %dma_wait3A_337] : memref<10112x128xf32, #tpu.memory_space<vmem_shared>> -> memref<10112x128xf32, #tpu.memory_space<vmem_shared>>
        tpu.wait_indirect_dma semaphore(%run_scoped3A_326 : memref<!tpu.dma_semaphore, #tpu.memory_space<semaphore_mem>>) src(%arg10 : memref<128x128xf32, #tpu.memory_space<vmem>>) dst(%dma_wait3A_338 : memref<10112x128xf32, #tpu.memory_space<vmem_shared>>)
        tpu.yield
      }) : () -> ()
      %dma_start3A_251 = arith.constant 4 : i32
      %dma_start3A_252 = arith.constant 0 : i32
      %dma_start3A_253 = tpu.memref_slice %arg7[%dma_start3A_251, %dma_start3A_252] : memref<8x128xi32, #tpu.memory_space<vmem>> -> memref<1x128xi32, #tpu.memory_space<vmem>>
      %dma_start3A_254 = tpu.memref_squeeze %dma_start3A_253 : memref<1x128xi32, #tpu.memory_space<vmem>> -> memref<128xi32, #tpu.memory_space<vmem>>
      %dma_start3A_255 = arith.constant 0 : i32
      %dma_start3A_256 = arith.constant 0 : i32
      %dma_start3A_257 = tpu.memref_slice %arg2[%dma_start3A_255, %dma_start3A_256] : memref<10000x128xf32, #tpu.memory_space<hbm>> -> memref<10000x128xf32, #tpu.memory_space<hbm>>
      tpu.enqueue_indirect_dma source(%dma_start3A_257 : memref<10000x128xf32, #tpu.memory_space<hbm>>) target(%arg10 : memref<128x128xf32, #tpu.memory_space<vmem>>) offsets(%dma_start3A_254 : memref<128xi32, #tpu.memory_space<vmem>>) semaphore(%arg15 : memref<!tpu.dma_semaphore, #tpu.memory_space<semaphore_mem>>)
      %dma_wait3A_258 = arith.constant 3 : i32
      %dma_wait3A_259 = arith.constant 0 : i32
      %dma_wait3A_260 = tpu.memref_slice %arg7[%dma_wait3A_258, %dma_wait3A_259] : memref<8x128xi32, #tpu.memory_space<vmem>> -> memref<1x128xi32, #tpu.memory_space<vmem>>
      %dma_wait3A_261 = tpu.memref_squeeze %dma_wait3A_260 : memref<1x128xi32, #tpu.memory_space<vmem>> -> memref<128xi32, #tpu.memory_space<vmem>>
      %dma_wait3A_262 = arith.constant 0 : i32
      %dma_wait3A_263 = arith.constant 0 : i32
      %dma_wait3A_264 = tpu.memref_slice %arg2[%dma_wait3A_262, %dma_wait3A_263] : memref<10000x128xf32, #tpu.memory_space<hbm>> -> memref<10000x128xf32, #tpu.memory_space<hbm>>
      tpu.wait_indirect_dma semaphore(%arg16 : memref<!tpu.dma_semaphore, #tpu.memory_space<semaphore_mem>>) src(%dma_wait3A_264 : memref<10000x128xf32, #tpu.memory_space<hbm>>) dst(%arg11 : memref<128x128xf32, #tpu.memory_space<vmem>>)
      %run_scoped3A_265 = arith.constant 3 : i32
      "tpu.region"() ({
        %run_scoped3A_326 = tpu.sem_alloc : memref<!tpu.dma_semaphore, #tpu.memory_space<semaphore_mem>>
        %dma_start3A_327 = arith.constant 0 : i32
        %dma_start3A_328 = tpu.memref_slice %arg9[%run_scoped3A_265, %dma_start3A_327] : memref<8x128xi32, #tpu.memory_space<vmem>> -> memref<1x128xi32, #tpu.memory_space<vmem>>
        %dma_start3A_329 = tpu.memref_squeeze %dma_start3A_328 : memref<1x128xi32, #tpu.memory_space<vmem>> -> memref<128xi32, #tpu.memory_space<vmem>>
        %dma_start3A_330 = arith.constant 0 : i32
        %dma_start3A_331 = arith.constant 0 : i32
        %dma_start3A_332 = tpu.memref_slice %arg12[%dma_start3A_330, %dma_start3A_331] : memref<10112x128xf32, #tpu.memory_space<vmem_shared>> -> memref<10112x128xf32, #tpu.memory_space<vmem_shared>>
        tpu.enqueue_indirect_dma source(%arg11 : memref<128x128xf32, #tpu.memory_space<vmem>>) target(%dma_start3A_332 : memref<10112x128xf32, #tpu.memory_space<vmem_shared>>) offsets(%dma_start3A_329 : memref<128xi32, #tpu.memory_space<vmem>>) semaphore(%run_scoped3A_326 : memref<!tpu.dma_semaphore, #tpu.memory_space<semaphore_mem>>) {add = true}
        %dma_wait3A_333 = arith.constant 0 : i32
        %dma_wait3A_334 = tpu.memref_slice %arg9[%run_scoped3A_265, %dma_wait3A_333] : memref<8x128xi32, #tpu.memory_space<vmem>> -> memref<1x128xi32, #tpu.memory_space<vmem>>
        %dma_wait3A_335 = tpu.memref_squeeze %dma_wait3A_334 : memref<1x128xi32, #tpu.memory_space<vmem>> -> memref<128xi32, #tpu.memory_space<vmem>>
        %dma_wait3A_336 = arith.constant 0 : i32
        %dma_wait3A_337 = arith.constant 0 : i32
        %dma_wait3A_338 = tpu.memref_slice %arg12[%dma_wait3A_336, %dma_wait3A_337] : memref<10112x128xf32, #tpu.memory_space<vmem_shared>> -> memref<10112x128xf32, #tpu.memory_space<vmem_shared>>
        tpu.wait_indirect_dma semaphore(%run_scoped3A_326 : memref<!tpu.dma_semaphore, #tpu.memory_space<semaphore_mem>>) src(%arg11 : memref<128x128xf32, #tpu.memory_space<vmem>>) dst(%dma_wait3A_338 : memref<10112x128xf32, #tpu.memory_space<vmem_shared>>)
        tpu.yield
      }) : () -> ()
      %dma_start3A_266 = arith.constant 5 : i32
      %dma_start3A_267 = arith.constant 0 : i32
      %dma_start3A_268 = tpu.memref_slice %arg7[%dma_start3A_266, %dma_start3A_267] : memref<8x128xi32, #tpu.memory_space<vmem>> -> memref<1x128xi32, #tpu.memory_space<vmem>>
      %dma_start3A_269 = tpu.memref_squeeze %dma_start3A_268 : memref<1x128xi32, #tpu.memory_space<vmem>> -> memref<128xi32, #tpu.memory_space<vmem>>
      %dma_start3A_270 = arith.constant 0 : i32
      %dma_start3A_271 = arith.constant 0 : i32
      %dma_start3A_272 = tpu.memref_slice %arg2[%dma_start3A_270, %dma_start3A_271] : memref<10000x128xf32, #tpu.memory_space<hbm>> -> memref<10000x128xf32, #tpu.memory_space<hbm>>
      tpu.enqueue_indirect_dma source(%dma_start3A_272 : memref<10000x128xf32, #tpu.memory_space<hbm>>) target(%arg11 : memref<128x128xf32, #tpu.memory_space<vmem>>) offsets(%dma_start3A_269 : memref<128xi32, #tpu.memory_space<vmem>>) semaphore(%arg16 : memref<!tpu.dma_semaphore, #tpu.memory_space<semaphore_mem>>)
      %dma_wait3A_273 = arith.constant 4 : i32
      %dma_wait3A_274 = arith.constant 0 : i32
      %dma_wait3A_275 = tpu.memref_slice %arg7[%dma_wait3A_273, %dma_wait3A_274] : memref<8x128xi32, #tpu.memory_space<vmem>> -> memref<1x128xi32, #tpu.memory_space<vmem>>
      %dma_wait3A_276 = tpu.memref_squeeze %dma_wait3A_275 : memref<1x128xi32, #tpu.memory_space<vmem>> -> memref<128xi32, #tpu.memory_space<vmem>>
      %dma_wait3A_277 = arith.constant 0 : i32
      %dma_wait3A_278 = arith.constant 0 : i32
      %dma_wait3A_279 = tpu.memref_slice %arg2[%dma_wait3A_277, %dma_wait3A_278] : memref<10000x128xf32, #tpu.memory_space<hbm>> -> memref<10000x128xf32, #tpu.memory_space<hbm>>
      tpu.wait_indirect_dma semaphore(%arg15 : memref<!tpu.dma_semaphore, #tpu.memory_space<semaphore_mem>>) src(%dma_wait3A_279 : memref<10000x128xf32, #tpu.memory_space<hbm>>) dst(%arg10 : memref<128x128xf32, #tpu.memory_space<vmem>>)
      %run_scoped3A_280 = arith.constant 4 : i32
      "tpu.region"() ({
        %run_scoped3A_326 = tpu.sem_alloc : memref<!tpu.dma_semaphore, #tpu.memory_space<semaphore_mem>>
        %dma_start3A_327 = arith.constant 0 : i32
        %dma_start3A_328 = tpu.memref_slice %arg9[%run_scoped3A_280, %dma_start3A_327] : memref<8x128xi32, #tpu.memory_space<vmem>> -> memref<1x128xi32, #tpu.memory_space<vmem>>
        %dma_start3A_329 = tpu.memref_squeeze %dma_start3A_328 : memref<1x128xi32, #tpu.memory_space<vmem>> -> memref<128xi32, #tpu.memory_space<vmem>>
        %dma_start3A_330 = arith.constant 0 : i32
        %dma_start3A_331 = arith.constant 0 : i32
        %dma_start3A_332 = tpu.memref_slice %arg12[%dma_start3A_330, %dma_start3A_331] : memref<10112x128xf32, #tpu.memory_space<vmem_shared>> -> memref<10112x128xf32, #tpu.memory_space<vmem_shared>>
        tpu.enqueue_indirect_dma source(%arg10 : memref<128x128xf32, #tpu.memory_space<vmem>>) target(%dma_start3A_332 : memref<10112x128xf32, #tpu.memory_space<vmem_shared>>) offsets(%dma_start3A_329 : memref<128xi32, #tpu.memory_space<vmem>>) semaphore(%run_scoped3A_326 : memref<!tpu.dma_semaphore, #tpu.memory_space<semaphore_mem>>) {add = true}
        %dma_wait3A_333 = arith.constant 0 : i32
        %dma_wait3A_334 = tpu.memref_slice %arg9[%run_scoped3A_280, %dma_wait3A_333] : memref<8x128xi32, #tpu.memory_space<vmem>> -> memref<1x128xi32, #tpu.memory_space<vmem>>
        %dma_wait3A_335 = tpu.memref_squeeze %dma_wait3A_334 : memref<1x128xi32, #tpu.memory_space<vmem>> -> memref<128xi32, #tpu.memory_space<vmem>>
        %dma_wait3A_336 = arith.constant 0 : i32
        %dma_wait3A_337 = arith.constant 0 : i32
        %dma_wait3A_338 = tpu.memref_slice %arg12[%dma_wait3A_336, %dma_wait3A_337] : memref<10112x128xf32, #tpu.memory_space<vmem_shared>> -> memref<10112x128xf32, #tpu.memory_space<vmem_shared>>
        tpu.wait_indirect_dma semaphore(%run_scoped3A_326 : memref<!tpu.dma_semaphore, #tpu.memory_space<semaphore_mem>>) src(%arg10 : memref<128x128xf32, #tpu.memory_space<vmem>>) dst(%dma_wait3A_338 : memref<10112x128xf32, #tpu.memory_space<vmem_shared>>)
        tpu.yield
      }) : () -> ()
      %dma_start3A_281 = arith.constant 6 : i32
      %dma_start3A_282 = arith.constant 0 : i32
      %dma_start3A_283 = tpu.memref_slice %arg7[%dma_start3A_281, %dma_start3A_282] : memref<8x128xi32, #tpu.memory_space<vmem>> -> memref<1x128xi32, #tpu.memory_space<vmem>>
      %dma_start3A_284 = tpu.memref_squeeze %dma_start3A_283 : memref<1x128xi32, #tpu.memory_space<vmem>> -> memref<128xi32, #tpu.memory_space<vmem>>
      %dma_start3A_285 = arith.constant 0 : i32
      %dma_start3A_286 = arith.constant 0 : i32
      %dma_start3A_287 = tpu.memref_slice %arg2[%dma_start3A_285, %dma_start3A_286] : memref<10000x128xf32, #tpu.memory_space<hbm>> -> memref<10000x128xf32, #tpu.memory_space<hbm>>
      tpu.enqueue_indirect_dma source(%dma_start3A_287 : memref<10000x128xf32, #tpu.memory_space<hbm>>) target(%arg10 : memref<128x128xf32, #tpu.memory_space<vmem>>) offsets(%dma_start3A_284 : memref<128xi32, #tpu.memory_space<vmem>>) semaphore(%arg15 : memref<!tpu.dma_semaphore, #tpu.memory_space<semaphore_mem>>)
      %dma_wait3A_288 = arith.constant 5 : i32
      %dma_wait3A_289 = arith.constant 0 : i32
      %dma_wait3A_290 = tpu.memref_slice %arg7[%dma_wait3A_288, %dma_wait3A_289] : memref<8x128xi32, #tpu.memory_space<vmem>> -> memref<1x128xi32, #tpu.memory_space<vmem>>
      %dma_wait3A_291 = tpu.memref_squeeze %dma_wait3A_290 : memref<1x128xi32, #tpu.memory_space<vmem>> -> memref<128xi32, #tpu.memory_space<vmem>>
      %dma_wait3A_292 = arith.constant 0 : i32
      %dma_wait3A_293 = arith.constant 0 : i32
      %dma_wait3A_294 = tpu.memref_slice %arg2[%dma_wait3A_292, %dma_wait3A_293] : memref<10000x128xf32, #tpu.memory_space<hbm>> -> memref<10000x128xf32, #tpu.memory_space<hbm>>
      tpu.wait_indirect_dma semaphore(%arg16 : memref<!tpu.dma_semaphore, #tpu.memory_space<semaphore_mem>>) src(%dma_wait3A_294 : memref<10000x128xf32, #tpu.memory_space<hbm>>) dst(%arg11 : memref<128x128xf32, #tpu.memory_space<vmem>>)
      %run_scoped3A_295 = arith.constant 5 : i32
      "tpu.region"() ({
        %run_scoped3A_326 = tpu.sem_alloc : memref<!tpu.dma_semaphore, #tpu.memory_space<semaphore_mem>>
        %dma_start3A_327 = arith.constant 0 : i32
        %dma_start3A_328 = tpu.memref_slice %arg9[%run_scoped3A_295, %dma_start3A_327] : memref<8x128xi32, #tpu.memory_space<vmem>> -> memref<1x128xi32, #tpu.memory_space<vmem>>
        %dma_start3A_329 = tpu.memref_squeeze %dma_start3A_328 : memref<1x128xi32, #tpu.memory_space<vmem>> -> memref<128xi32, #tpu.memory_space<vmem>>
        %dma_start3A_330 = arith.constant 0 : i32
        %dma_start3A_331 = arith.constant 0 : i32
        %dma_start3A_332 = tpu.memref_slice %arg12[%dma_start3A_330, %dma_start3A_331] : memref<10112x128xf32, #tpu.memory_space<vmem_shared>> -> memref<10112x128xf32, #tpu.memory_space<vmem_shared>>
        tpu.enqueue_indirect_dma source(%arg11 : memref<128x128xf32, #tpu.memory_space<vmem>>) target(%dma_start3A_332 : memref<10112x128xf32, #tpu.memory_space<vmem_shared>>) offsets(%dma_start3A_329 : memref<128xi32, #tpu.memory_space<vmem>>) semaphore(%run_scoped3A_326 : memref<!tpu.dma_semaphore, #tpu.memory_space<semaphore_mem>>) {add = true}
        %dma_wait3A_333 = arith.constant 0 : i32
        %dma_wait3A_334 = tpu.memref_slice %arg9[%run_scoped3A_295, %dma_wait3A_333] : memref<8x128xi32, #tpu.memory_space<vmem>> -> memref<1x128xi32, #tpu.memory_space<vmem>>
        %dma_wait3A_335 = tpu.memref_squeeze %dma_wait3A_334 : memref<1x128xi32, #tpu.memory_space<vmem>> -> memref<128xi32, #tpu.memory_space<vmem>>
        %dma_wait3A_336 = arith.constant 0 : i32
        %dma_wait3A_337 = arith.constant 0 : i32
        %dma_wait3A_338 = tpu.memref_slice %arg12[%dma_wait3A_336, %dma_wait3A_337] : memref<10112x128xf32, #tpu.memory_space<vmem_shared>> -> memref<10112x128xf32, #tpu.memory_space<vmem_shared>>
        tpu.wait_indirect_dma semaphore(%run_scoped3A_326 : memref<!tpu.dma_semaphore, #tpu.memory_space<semaphore_mem>>) src(%arg11 : memref<128x128xf32, #tpu.memory_space<vmem>>) dst(%dma_wait3A_338 : memref<10112x128xf32, #tpu.memory_space<vmem_shared>>)
        tpu.yield
      }) : () -> ()
      %dma_start3A_296 = arith.constant 7 : i32
      %dma_start3A_297 = arith.constant 0 : i32
      %dma_start3A_298 = tpu.memref_slice %arg7[%dma_start3A_296, %dma_start3A_297] : memref<8x128xi32, #tpu.memory_space<vmem>> -> memref<1x128xi32, #tpu.memory_space<vmem>>
      %dma_start3A_299 = tpu.memref_squeeze %dma_start3A_298 : memref<1x128xi32, #tpu.memory_space<vmem>> -> memref<128xi32, #tpu.memory_space<vmem>>
      %dma_start3A_300 = arith.constant 0 : i32
      %dma_start3A_301 = arith.constant 0 : i32
      %dma_start3A_302 = tpu.memref_slice %arg2[%dma_start3A_300, %dma_start3A_301] : memref<10000x128xf32, #tpu.memory_space<hbm>> -> memref<10000x128xf32, #tpu.memory_space<hbm>>
      tpu.enqueue_indirect_dma source(%dma_start3A_302 : memref<10000x128xf32, #tpu.memory_space<hbm>>) target(%arg11 : memref<128x128xf32, #tpu.memory_space<vmem>>) offsets(%dma_start3A_299 : memref<128xi32, #tpu.memory_space<vmem>>) semaphore(%arg16 : memref<!tpu.dma_semaphore, #tpu.memory_space<semaphore_mem>>)
      %dma_wait3A_303 = arith.constant 6 : i32
      %dma_wait3A_304 = arith.constant 0 : i32
      %dma_wait3A_305 = tpu.memref_slice %arg7[%dma_wait3A_303, %dma_wait3A_304] : memref<8x128xi32, #tpu.memory_space<vmem>> -> memref<1x128xi32, #tpu.memory_space<vmem>>
      %dma_wait3A_306 = tpu.memref_squeeze %dma_wait3A_305 : memref<1x128xi32, #tpu.memory_space<vmem>> -> memref<128xi32, #tpu.memory_space<vmem>>
      %dma_wait3A_307 = arith.constant 0 : i32
      %dma_wait3A_308 = arith.constant 0 : i32
      %dma_wait3A_309 = tpu.memref_slice %arg2[%dma_wait3A_307, %dma_wait3A_308] : memref<10000x128xf32, #tpu.memory_space<hbm>> -> memref<10000x128xf32, #tpu.memory_space<hbm>>
      tpu.wait_indirect_dma semaphore(%arg15 : memref<!tpu.dma_semaphore, #tpu.memory_space<semaphore_mem>>) src(%dma_wait3A_309 : memref<10000x128xf32, #tpu.memory_space<hbm>>) dst(%arg10 : memref<128x128xf32, #tpu.memory_space<vmem>>)
      %run_scoped3A_310 = arith.constant 6 : i32
      "tpu.region"() ({
        %run_scoped3A_326 = tpu.sem_alloc : memref<!tpu.dma_semaphore, #tpu.memory_space<semaphore_mem>>
        %dma_start3A_327 = arith.constant 0 : i32
        %dma_start3A_328 = tpu.memref_slice %arg9[%run_scoped3A_310, %dma_start3A_327] : memref<8x128xi32, #tpu.memory_space<vmem>> -> memref<1x128xi32, #tpu.memory_space<vmem>>
        %dma_start3A_329 = tpu.memref_squeeze %dma_start3A_328 : memref<1x128xi32, #tpu.memory_space<vmem>> -> memref<128xi32, #tpu.memory_space<vmem>>
        %dma_start3A_330 = arith.constant 0 : i32
        %dma_start3A_331 = arith.constant 0 : i32
        %dma_start3A_332 = tpu.memref_slice %arg12[%dma_start3A_330, %dma_start3A_331] : memref<10112x128xf32, #tpu.memory_space<vmem_shared>> -> memref<10112x128xf32, #tpu.memory_space<vmem_shared>>
        tpu.enqueue_indirect_dma source(%arg10 : memref<128x128xf32, #tpu.memory_space<vmem>>) target(%dma_start3A_332 : memref<10112x128xf32, #tpu.memory_space<vmem_shared>>) offsets(%dma_start3A_329 : memref<128xi32, #tpu.memory_space<vmem>>) semaphore(%run_scoped3A_326 : memref<!tpu.dma_semaphore, #tpu.memory_space<semaphore_mem>>) {add = true}
        %dma_wait3A_333 = arith.constant 0 : i32
        %dma_wait3A_334 = tpu.memref_slice %arg9[%run_scoped3A_310, %dma_wait3A_333] : memref<8x128xi32, #tpu.memory_space<vmem>> -> memref<1x128xi32, #tpu.memory_space<vmem>>
        %dma_wait3A_335 = tpu.memref_squeeze %dma_wait3A_334 : memref<1x128xi32, #tpu.memory_space<vmem>> -> memref<128xi32, #tpu.memory_space<vmem>>
        %dma_wait3A_336 = arith.constant 0 : i32
        %dma_wait3A_337 = arith.constant 0 : i32
        %dma_wait3A_338 = tpu.memref_slice %arg12[%dma_wait3A_336, %dma_wait3A_337] : memref<10112x128xf32, #tpu.memory_space<vmem_shared>> -> memref<10112x128xf32, #tpu.memory_space<vmem_shared>>
        tpu.wait_indirect_dma semaphore(%run_scoped3A_326 : memref<!tpu.dma_semaphore, #tpu.memory_space<semaphore_mem>>) src(%arg10 : memref<128x128xf32, #tpu.memory_space<vmem>>) dst(%dma_wait3A_338 : memref<10112x128xf32, #tpu.memory_space<vmem_shared>>)
        tpu.yield
      }) : () -> ()
      %dma_wait3A_311 = arith.constant 7 : i32
      %dma_wait3A_312 = arith.constant 0 : i32
      %dma_wait3A_313 = tpu.memref_slice %arg7[%dma_wait3A_311, %dma_wait3A_312] : memref<8x128xi32, #tpu.memory_space<vmem>> -> memref<1x128xi32, #tpu.memory_space<vmem>>
      %dma_wait3A_314 = tpu.memref_squeeze %dma_wait3A_313 : memref<1x128xi32, #tpu.memory_space<vmem>> -> memref<128xi32, #tpu.memory_space<vmem>>
      %dma_wait3A_315 = arith.constant 0 : i32
      %dma_wait3A_316 = arith.constant 0 : i32
      %dma_wait3A_317 = tpu.memref_slice %arg2[%dma_wait3A_315, %dma_wait3A_316] : memref<10000x128xf32, #tpu.memory_space<hbm>> -> memref<10000x128xf32, #tpu.memory_space<hbm>>
      tpu.wait_indirect_dma semaphore(%arg16 : memref<!tpu.dma_semaphore, #tpu.memory_space<semaphore_mem>>) src(%dma_wait3A_317 : memref<10000x128xf32, #tpu.memory_space<hbm>>) dst(%arg11 : memref<128x128xf32, #tpu.memory_space<vmem>>)
      %run_scoped3A_318 = arith.constant 7 : i32
      "tpu.region"() ({
        %run_scoped3A_326 = tpu.sem_alloc : memref<!tpu.dma_semaphore, #tpu.memory_space<semaphore_mem>>
        %dma_start3A_327 = arith.constant 0 : i32
        %dma_start3A_328 = tpu.memref_slice %arg9[%run_scoped3A_318, %dma_start3A_327] : memref<8x128xi32, #tpu.memory_space<vmem>> -> memref<1x128xi32, #tpu.memory_space<vmem>>
        %dma_start3A_329 = tpu.memref_squeeze %dma_start3A_328 : memref<1x128xi32, #tpu.memory_space<vmem>> -> memref<128xi32, #tpu.memory_space<vmem>>
        %dma_start3A_330 = arith.constant 0 : i32
        %dma_start3A_331 = arith.constant 0 : i32
        %dma_start3A_332 = tpu.memref_slice %arg12[%dma_start3A_330, %dma_start3A_331] : memref<10112x128xf32, #tpu.memory_space<vmem_shared>> -> memref<10112x128xf32, #tpu.memory_space<vmem_shared>>
        tpu.enqueue_indirect_dma source(%arg11 : memref<128x128xf32, #tpu.memory_space<vmem>>) target(%dma_start3A_332 : memref<10112x128xf32, #tpu.memory_space<vmem_shared>>) offsets(%dma_start3A_329 : memref<128xi32, #tpu.memory_space<vmem>>) semaphore(%run_scoped3A_326 : memref<!tpu.dma_semaphore, #tpu.memory_space<semaphore_mem>>) {add = true}
        %dma_wait3A_333 = arith.constant 0 : i32
        %dma_wait3A_334 = tpu.memref_slice %arg9[%run_scoped3A_318, %dma_wait3A_333] : memref<8x128xi32, #tpu.memory_space<vmem>> -> memref<1x128xi32, #tpu.memory_space<vmem>>
        %dma_wait3A_335 = tpu.memref_squeeze %dma_wait3A_334 : memref<1x128xi32, #tpu.memory_space<vmem>> -> memref<128xi32, #tpu.memory_space<vmem>>
        %dma_wait3A_336 = arith.constant 0 : i32
        %dma_wait3A_337 = arith.constant 0 : i32
        %dma_wait3A_338 = tpu.memref_slice %arg12[%dma_wait3A_336, %dma_wait3A_337] : memref<10112x128xf32, #tpu.memory_space<vmem_shared>> -> memref<10112x128xf32, #tpu.memory_space<vmem_shared>>
        tpu.wait_indirect_dma semaphore(%run_scoped3A_326 : memref<!tpu.dma_semaphore, #tpu.memory_space<semaphore_mem>>) src(%arg11 : memref<128x128xf32, #tpu.memory_space<vmem>>) dst(%dma_wait3A_338 : memref<10112x128xf32, #tpu.memory_space<vmem_shared>>)
        tpu.yield
      }) : () -> ()
      %add3A_319 = arith.constant 2 : i32
      %add3A_320 = arith.addi %add3A_187, %add3A_319 : i32
      %lt3A_321 = arith.constant 10 : i32
      %lt3A_322 = arith.cmpi slt, %add3A_320, %lt3A_321 : i32
      %convert_element_type3A_323 = arith.extui %lt3A_322 : i1 to i32
      %cond3A_324 = arith.constant 0 : i32
      %cond3A_325 = arith.cmpi ne, %convert_element_type3A_323, %cond3A_324 : i32
      scf.if %cond3A_325 {
        %add3A_326 = arith.constant 2 : i32
        %add3A_327 = arith.addi %add3A_187, %add3A_326 : i32
        %mul3A_328 = arith.constant 8 : i32
        %mul3A_329 = arith.muli %add3A_327, %mul3A_328 : i32
        %add3A_330 = arith.addi %mul3A_4, %mul3A_329 : i32
        %dma_start3A_331 = arith.constant 0 : i32
        %dma_start3A_332 = tpu.memref_slice %arg4[%add3A_330, %dma_start3A_331] : memref<2560x128xi32, #tpu.memory_space<hbm>> -> memref<8x128xi32, #tpu.memory_space<hbm>>
        %dma_start3A_333 = arith.constant 0 : i32
        %dma_start3A_334 = tpu.memref_slice %arg4[%add3A_330, %dma_start3A_333] : memref<2560x128xi32, #tpu.memory_space<hbm>> -> memref<8x128xi32, #tpu.memory_space<hbm>>
        tpu.enqueue_dma source(%dma_start3A_334 : memref<8x128xi32, #tpu.memory_space<hbm>>) target(%arg7 : memref<8x128xi32, #tpu.memory_space<vmem>>) target_semaphore(%arg14 : memref<!tpu.dma_semaphore, #tpu.memory_space<semaphore_mem>>)
        %dma_start3A_335 = arith.constant 0 : i32
        %dma_start3A_336 = tpu.memref_slice %arg3[%add3A_330, %dma_start3A_335] : memref<2560x128xi32, #tpu.memory_space<hbm>> -> memref<8x128xi32, #tpu.memory_space<hbm>>
        %dma_start3A_337 = arith.constant 0 : i32
        %dma_start3A_338 = tpu.memref_slice %arg3[%add3A_330, %dma_start3A_337] : memref<2560x128xi32, #tpu.memory_space<hbm>> -> memref<8x128xi32, #tpu.memory_space<hbm>>
        tpu.enqueue_dma source(%dma_start3A_338 : memref<8x128xi32, #tpu.memory_space<hbm>>) target(%arg9 : memref<8x128xi32, #tpu.memory_space<vmem>>) target_semaphore(%arg14 : memref<!tpu.dma_semaphore, #tpu.memory_space<semaphore_mem>>)
      } else {
      }
    }
    %scan3A_42 = arith.constant 5 : i32
    %barrier3A_43 = arith.constant 0 : index
    tpu.barrier barrier_id(%barrier3A_43)
    %mul3A_44 = arith.constant 632 : i32
    %mul3A_45 = arith.muli %arg1, %mul3A_44 : i32
    %mul3A_46 = arith.constant 632 : i32
    %mul3A_47 = arith.muli %arg1, %mul3A_46 : i32
    "tpu.region"() ({
      %run_scoped3A = tpu.sem_alloc : memref<!tpu.dma_semaphore, #tpu.memory_space<semaphore_mem>>
      %dma_start3A_48 = arith.constant 0 : i32
      %dma_start3A_49 = tpu.memref_slice %arg5[%arg0, %mul3A_47, %dma_start3A_48] : memref<2x10112x128xf32, #tpu.memory_space<hbm>> -> memref<1x632x128xf32, #tpu.memory_space<hbm>>
      %dma_start3A_50 = tpu.memref_squeeze %dma_start3A_49 : memref<1x632x128xf32, #tpu.memory_space<hbm>> -> memref<632x128xf32, #tpu.memory_space<hbm>>
      %dma_start3A_51 = arith.constant 0 : i32
      %dma_start3A_52 = tpu.memref_slice %arg12[%mul3A_45, %dma_start3A_51] : memref<10112x128xf32, #tpu.memory_space<vmem_shared>> -> memref<632x128xf32, #tpu.memory_space<vmem_shared>>
      tpu.enqueue_dma source(%dma_start3A_52 : memref<632x128xf32, #tpu.memory_space<vmem_shared>>) target(%dma_start3A_50 : memref<632x128xf32, #tpu.memory_space<hbm>>) target_semaphore(%run_scoped3A : memref<!tpu.dma_semaphore, #tpu.memory_space<semaphore_mem>>)
      %dma_wait3A = arith.constant 0 : i32
      %dma_wait3A_53 = tpu.memref_slice %arg5[%arg0, %mul3A_47, %dma_wait3A] : memref<2x10112x128xf32, #tpu.memory_space<hbm>> -> memref<1x632x128xf32, #tpu.memory_space<hbm>>
      %dma_wait3A_54 = tpu.memref_squeeze %dma_wait3A_53 : memref<1x632x128xf32, #tpu.memory_space<hbm>> -> memref<632x128xf32, #tpu.memory_space<hbm>>
      %dma_wait3A_55 = arith.constant 0 : i32
      %dma_wait3A_56 = tpu.memref_slice %arg12[%mul3A_45, %dma_wait3A_55] : memref<10112x128xf32, #tpu.memory_space<vmem_shared>> -> memref<632x128xf32, #tpu.memory_space<vmem_shared>>
      tpu.wait_dma2 semaphore(%run_scoped3A : memref<!tpu.dma_semaphore, #tpu.memory_space<semaphore_mem>>) src(%dma_wait3A_56 : memref<632x128xf32, #tpu.memory_space<vmem_shared>>) dst(%dma_wait3A_54 : memref<632x128xf32, #tpu.memory_space<hbm>>)
      tpu.yield
    }) : () -> ()
    return
  }
}

#map = affine_map<(d0, d1) -> (0, 0)>
#map1 = affine_map<(d0, d1) -> (0, 0, 0)>
module attributes {stable_mosaic.version = 14 : i64} {
  func.func @_agg(%arg0: i32, %arg1: i32, %arg2: memref<10000x128xf32, #tpu.memory_space<hbm>>, %arg3: memref<2560x128xi32, #tpu.memory_space<hbm>>, %arg4: memref<2560x128xi32, #tpu.memory_space<hbm>>, %arg5: memref<2x10112x128xf32, #tpu.memory_space<hbm>>, %arg6: memref<8x128xi32, #tpu.memory_space<vmem>>, %arg7: memref<8x128xi32, #tpu.memory_space<vmem>>, %arg8: memref<8x128xi32, #tpu.memory_space<vmem>>, %arg9: memref<8x128xi32, #tpu.memory_space<vmem>>, %arg10: memref<128x128xf32, #tpu.memory_space<vmem>>, %arg11: memref<128x128xf32, #tpu.memory_space<vmem>>, %arg12: memref<10112x128xf32, #tpu.memory_space<vmem_shared>>, %arg13: memref<!tpu.dma_semaphore, #tpu.memory_space<semaphore_mem>>, %arg14: memref<!tpu.dma_semaphore, #tpu.memory_space<semaphore_mem>>, %arg15: memref<!tpu.dma_semaphore, #tpu.memory_space<semaphore_mem>>, %arg16: memref<!tpu.dma_semaphore, #tpu.memory_space<semaphore_mem>>) attributes {dimension_semantics = [#tpu.dimension_semantics<core_parallel>, #tpu.dimension_semantics<subcore_parallel>], iteration_bounds = array<i64: 2, 16>, scalar_prefetch = 0 : i64, scratch_operands = 11 : i64, tpu.core_type = #tpu.core_type<sc_vector_subcore>, window_params = [{transform_indices = #map}, {transform_indices = #map}, {transform_indices = #map}, {transform_indices = #map1}]} {
    %mul3A = arith.constant 16 : i32
    %mul3A_0 = arith.muli %arg0, %mul3A : i32
    %add3A = arith.addi %mul3A_0, %arg1 : i32
    %mul3A_1 = arith.constant 10 : i32
    %mul3A_2 = arith.muli %add3A, %mul3A_1 : i32
    %mul3A_3 = arith.constant 8 : i32
    %mul3A_4 = arith.muli %mul3A_2, %mul3A_3 : i32
    %broadcast_in_dim3A = arith.constant 0.000000e+00 : f32
    %broadcast_in_dim3A_5 = vector.broadcast %broadcast_in_dim3A : f32 to vector<16xf32>
    %scan3A = arith.constant 0 : i32
    %scan3A_6 = arith.constant 128 : i32
    %scan3A_7 = arith.addi %scan3A, %scan3A_6 : i32
    %scan3A_8 = arith.constant 1 : i32
    scf.for %scan3A_48 = %scan3A to %scan3A_7 step %scan3A_8  : i32 {
      %mul3A_49 = arith.constant 1 : i32
      %mul3A_50 = arith.muli %scan3A_48, %mul3A_49 : i32
      %add3A_51 = arith.constant 0 : i32
      %add3A_52 = arith.addi %add3A_51, %mul3A_50 : i32
      %scan3A_53 = arith.constant 0 : i32
      %scan3A_54 = arith.constant 8 : i32
      %scan3A_55 = arith.addi %scan3A_53, %scan3A_54 : i32
      %scan3A_56 = arith.constant 1 : i32
      scf.for %scan3A_58 = %scan3A_53 to %scan3A_55 step %scan3A_56  : i32 {
        %mul3A_59 = arith.constant 16 : i32
        %mul3A_60 = arith.muli %scan3A_58, %mul3A_59 : i32
        %add3A_61 = arith.constant 0 : i32
        %add3A_62 = arith.addi %add3A_61, %mul3A_60 : i32
        %swap3A = arith.index_cast %add3A_52 : i32 to index
        %swap3A_63 = arith.index_cast %add3A_62 : i32 to index
        %swap3A_64 = tpu.vector_load %arg10[%swap3A, %swap3A_63] {strides = array<i32>} : memref<128x128xf32, #tpu.memory_space<vmem>>, vector<1x16xf32>,
        %swap3A_65 = vector.shape_cast %swap3A_64 : vector<1x16xf32> to vector<16xf32>
        %swap3A_66 = vector.shape_cast %broadcast_in_dim3A_5 : vector<16xf32> to vector<1x16xf32>
        tpu.vector_store %arg10[%swap3A, %swap3A_63], %swap3A_66 {strides = array<i32>} : memref<128x128xf32, #tpu.memory_space<vmem>>, vector<1x16xf32>,
      }
      %scan3A_57 = arith.constant 8 : i32
    }
    %scan3A_9 = arith.constant 128 : i32
    %scan3A_10 = arith.constant 0 : i32
    %scan3A_11 = arith.constant 4 : i32
    %scan3A_12 = arith.addi %scan3A_10, %scan3A_11 : i32
    %scan3A_13 = arith.constant 1 : i32
    scf.for %scan3A_48 = %scan3A_10 to %scan3A_12 step %scan3A_13  : i32 {
      %mul3A_49 = arith.constant 128 : i32
      %mul3A_50 = arith.muli %scan3A_48, %mul3A_49 : i32
      %add3A_51 = arith.constant 0 : i32
      %add3A_52 = arith.addi %add3A_51, %mul3A_50 : i32
      %mul3A_53 = arith.constant 632 : i32
      %mul3A_54 = arith.muli %arg1, %mul3A_53 : i32
      %add3A_55 = arith.addi %mul3A_54, %add3A_52 : i32
      "tpu.region"() ({
        %run_scoped3A = tpu.sem_alloc : memref<!tpu.dma_semaphore, #tpu.memory_space<semaphore_mem>>
        %dma_start3A_56 = arith.constant 0 : i32
        %dma_start3A_57 = tpu.memref_slice %arg12[%add3A_55, %dma_start3A_56] : memref<10112x128xf32, #tpu.memory_space<vmem_shared>> -> memref<128x128xf32, #tpu.memory_space<vmem_shared>>
        %dma_start3A_58 = arith.constant 0 : i32
        %dma_start3A_59 = tpu.memref_slice %arg12[%add3A_55, %dma_start3A_58] : memref<10112x128xf32, #tpu.memory_space<vmem_shared>> -> memref<128x128xf32, #tpu.memory_space<vmem_shared>>
        tpu.enqueue_dma source(%arg10 : memref<128x128xf32, #tpu.memory_space<vmem>>) target(%dma_start3A_59 : memref<128x128xf32, #tpu.memory_space<vmem_shared>>) target_semaphore(%run_scoped3A : memref<!tpu.dma_semaphore, #tpu.memory_space<semaphore_mem>>)
        %dma_wait3A = arith.constant 0 : i32
        %dma_wait3A_60 = tpu.memref_slice %arg12[%add3A_55, %dma_wait3A] : memref<10112x128xf32, #tpu.memory_space<vmem_shared>> -> memref<128x128xf32, #tpu.memory_space<vmem_shared>>
        %dma_wait3A_61 = arith.constant 0 : i32
        %dma_wait3A_62 = tpu.memref_slice %arg12[%add3A_55, %dma_wait3A_61] : memref<10112x128xf32, #tpu.memory_space<vmem_shared>> -> memref<128x128xf32, #tpu.memory_space<vmem_shared>>
        tpu.wait_dma2 semaphore(%run_scoped3A : memref<!tpu.dma_semaphore, #tpu.memory_space<semaphore_mem>>) src(%arg10 : memref<128x128xf32, #tpu.memory_space<vmem>>) dst(%dma_wait3A_62 : memref<128x128xf32, #tpu.memory_space<vmem_shared>>)
        tpu.yield
      }) : () -> ()
    }
    %scan3A_14 = arith.constant 4 : i32
    %mul3A_15 = arith.constant 632 : i32
    %mul3A_16 = arith.muli %arg1, %mul3A_15 : i32
    %add3A_17 = arith.constant 512 : i32
    %add3A_18 = arith.addi %mul3A_16, %add3A_17 : i32
    "tpu.region"() ({
      %run_scoped3A = tpu.sem_alloc : memref<!tpu.dma_semaphore, #tpu.memory_space<semaphore_mem>>
      %dma_start3A_48 = arith.constant 0 : i32
      %dma_start3A_49 = arith.constant 0 : i32
      %dma_start3A_50 = tpu.memref_slice %arg10[%dma_start3A_48, %dma_start3A_49] : memref<128x128xf32, #tpu.memory_space<vmem>> -> memref<120x128xf32, #tpu.memory_space<vmem>>
      %dma_start3A_51 = arith.constant 0 : i32
      %dma_start3A_52 = tpu.memref_slice %arg12[%add3A_18, %dma_start3A_51] : memref<10112x128xf32, #tpu.memory_space<vmem_shared>> -> memref<120x128xf32, #tpu.memory_space<vmem_shared>>
      %dma_start3A_53 = arith.constant 0 : i32
      %dma_start3A_54 = tpu.memref_slice %arg12[%add3A_18, %dma_start3A_53] : memref<10112x128xf32, #tpu.memory_space<vmem_shared>> -> memref<120x128xf32, #tpu.memory_space<vmem_shared>>
      %dma_start3A_55 = arith.constant 0 : i32
      %dma_start3A_56 = arith.constant 0 : i32
      %dma_start3A_57 = tpu.memref_slice %arg10[%dma_start3A_55, %dma_start3A_56] : memref<128x128xf32, #tpu.memory_space<vmem>> -> memref<120x128xf32, #tpu.memory_space<vmem>>
      tpu.enqueue_dma source(%dma_start3A_57 : memref<120x128xf32, #tpu.memory_space<vmem>>) target(%dma_start3A_54 : memref<120x128xf32, #tpu.memory_space<vmem_shared>>) target_semaphore(%run_scoped3A : memref<!tpu.dma_semaphore, #tpu.memory_space<semaphore_mem>>)
      %dma_wait3A = arith.constant 0 : i32
      %dma_wait3A_58 = arith.constant 0 : i32
      %dma_wait3A_59 = tpu.memref_slice %arg10[%dma_wait3A, %dma_wait3A_58] : memref<128x128xf32, #tpu.memory_space<vmem>> -> memref<120x128xf32, #tpu.memory_space<vmem>>
      %dma_wait3A_60 = arith.constant 0 : i32
      %dma_wait3A_61 = tpu.memref_slice %arg12[%add3A_18, %dma_wait3A_60] : memref<10112x128xf32, #tpu.memory_space<vmem_shared>> -> memref<120x128xf32, #tpu.memory_space<vmem_shared>>
      %dma_wait3A_62 = arith.constant 0 : i32
      %dma_wait3A_63 = tpu.memref_slice %arg12[%add3A_18, %dma_wait3A_62] : memref<10112x128xf32, #tpu.memory_space<vmem_shared>> -> memref<120x128xf32, #tpu.memory_space<vmem_shared>>
      %dma_wait3A_64 = arith.constant 0 : i32
      %dma_wait3A_65 = arith.constant 0 : i32
      %dma_wait3A_66 = tpu.memref_slice %arg10[%dma_wait3A_64, %dma_wait3A_65] : memref<128x128xf32, #tpu.memory_space<vmem>> -> memref<120x128xf32, #tpu.memory_space<vmem>>
      tpu.wait_dma2 semaphore(%run_scoped3A : memref<!tpu.dma_semaphore, #tpu.memory_space<semaphore_mem>>) src(%dma_wait3A_66 : memref<120x128xf32, #tpu.memory_space<vmem>>) dst(%dma_wait3A_63 : memref<120x128xf32, #tpu.memory_space<vmem_shared>>)
      tpu.yield
    }) : () -> ()
    %barrier3A = arith.constant 0 : index
    tpu.barrier barrier_id(%barrier3A)
    %dma_start3A = arith.constant 0 : i32
    %dma_start3A_19 = tpu.memref_slice %arg4[%mul3A_4, %dma_start3A] : memref<2560x128xi32, #tpu.memory_space<hbm>> -> memref<8x128xi32, #tpu.memory_space<hbm>>
    %dma_start3A_20 = arith.constant 0 : i32
    %dma_start3A_21 = tpu.memref_slice %arg4[%mul3A_4, %dma_start3A_20] : memref<2560x128xi32, #tpu.memory_space<hbm>> -> memref<8x128xi32, #tpu.memory_space<hbm>>
    tpu.enqueue_dma source(%dma_start3A_21 : memref<8x128xi32, #tpu.memory_space<hbm>>) target(%arg6 : memref<8x128xi32, #tpu.memory_space<vmem>>) target_semaphore(%arg13 : memref<!tpu.dma_semaphore, #tpu.memory_space<semaphore_mem>>)
    %dma_start3A_22 = arith.constant 0 : i32
    %dma_start3A_23 = tpu.memref_slice %arg3[%mul3A_4, %dma_start3A_22] : memref<2560x128xi32, #tpu.memory_space<hbm>> -> memref<8x128xi32, #tpu.memory_space<hbm>>
    %dma_start3A_24 = arith.constant 0 : i32
    %dma_start3A_25 = tpu.memref_slice %arg3[%mul3A_4, %dma_start3A_24] : memref<2560x128xi32, #tpu.memory_space<hbm>> -> memref<8x128xi32, #tpu.memory_space<hbm>>
    tpu.enqueue_dma source(%dma_start3A_25 : memref<8x128xi32, #tpu.memory_space<hbm>>) target(%arg8 : memref<8x128xi32, #tpu.memory_space<vmem>>) target_semaphore(%arg13 : memref<!tpu.dma_semaphore, #tpu.memory_space<semaphore_mem>>)
    %add3A_26 = arith.constant 8 : i32
    %add3A_27 = arith.addi %mul3A_4, %add3A_26 : i32
    %dma_start3A_28 = arith.constant 0 : i32
    %dma_start3A_29 = tpu.memref_slice %arg4[%add3A_27, %dma_start3A_28] : memref<2560x128xi32, #tpu.memory_space<hbm>> -> memref<8x128xi32, #tpu.memory_space<hbm>>
    %dma_start3A_30 = arith.constant 0 : i32
    %dma_start3A_31 = tpu.memref_slice %arg4[%add3A_27, %dma_start3A_30] : memref<2560x128xi32, #tpu.memory_space<hbm>> -> memref<8x128xi32, #tpu.memory_space<hbm>>
    tpu.enqueue_dma source(%dma_start3A_31 : memref<8x128xi32, #tpu.memory_space<hbm>>) target(%arg7 : memref<8x128xi32, #tpu.memory_space<vmem>>) target_semaphore(%arg14 : memref<!tpu.dma_semaphore, #tpu.memory_space<semaphore_mem>>)
    %add3A_32 = arith.constant 8 : i32
    %add3A_33 = arith.addi %mul3A_4, %add3A_32 : i32
    %dma_start3A_34 = arith.constant 0 : i32
    %dma_start3A_35 = tpu.memref_slice %arg3[%add3A_33, %dma_start3A_34] : memref<2560x128xi32, #tpu.memory_space<hbm>> -> memref<8x128xi32, #tpu.memory_space<hbm>>
    %dma_start3A_36 = arith.constant 0 : i32
    %dma_start3A_37 = tpu.memref_slice %arg3[%add3A_33, %dma_start3A_36] : memref<2560x128xi32, #tpu.memory_space<hbm>> -> memref<8x128xi32, #tpu.memory_space<hbm>>
    tpu.enqueue_dma source(%dma_start3A_37 : memref<8x128xi32, #tpu.memory_space<hbm>>) target(%arg9 : memref<8x128xi32, #tpu.memory_space<vmem>>) target_semaphore(%arg14 : memref<!tpu.dma_semaphore, #tpu.memory_space<semaphore_mem>>)
    %scan3A_38 = arith.constant 0 : i32
    %scan3A_39 = arith.constant 5 : i32
    %scan3A_40 = arith.addi %scan3A_38, %scan3A_39 : i32
    %scan3A_41 = arith.constant 1 : i32
    scf.for %scan3A_48 = %scan3A_38 to %scan3A_40 step %scan3A_41  : i32 {
      %mul3A_49 = arith.constant 2 : i32
      %mul3A_50 = arith.muli %scan3A_48, %mul3A_49 : i32
      %add3A_51 = arith.constant 0 : i32
      %add3A_52 = arith.addi %add3A_51, %mul3A_50 : i32
      %mul3A_53 = arith.constant 8 : i32
      %mul3A_54 = arith.muli %add3A_52, %mul3A_53 : i32
      %add3A_55 = arith.addi %mul3A_4, %mul3A_54 : i32
      %dma_wait3A = arith.constant 0 : i32
      %dma_wait3A_56 = tpu.memref_slice %arg4[%add3A_55, %dma_wait3A] : memref<2560x128xi32, #tpu.memory_space<hbm>> -> memref<8x128xi32, #tpu.memory_space<hbm>>
      %dma_wait3A_57 = arith.constant 0 : i32
      %dma_wait3A_58 = tpu.memref_slice %arg4[%add3A_55, %dma_wait3A_57] : memref<2560x128xi32, #tpu.memory_space<hbm>> -> memref<8x128xi32, #tpu.memory_space<hbm>>
      tpu.wait_dma2 semaphore(%arg13 : memref<!tpu.dma_semaphore, #tpu.memory_space<semaphore_mem>>) src(%dma_wait3A_58 : memref<8x128xi32, #tpu.memory_space<hbm>>) dst(%arg6 : memref<8x128xi32, #tpu.memory_space<vmem>>)
      %dma_wait3A_59 = arith.constant 0 : i32
      %dma_wait3A_60 = tpu.memref_slice %arg3[%add3A_55, %dma_wait3A_59] : memref<2560x128xi32, #tpu.memory_space<hbm>> -> memref<8x128xi32, #tpu.memory_space<hbm>>
      %dma_wait3A_61 = arith.constant 0 : i32
      %dma_wait3A_62 = tpu.memref_slice %arg3[%add3A_55, %dma_wait3A_61] : memref<2560x128xi32, #tpu.memory_space<hbm>> -> memref<8x128xi32, #tpu.memory_space<hbm>>
      tpu.wait_dma2 semaphore(%arg13 : memref<!tpu.dma_semaphore, #tpu.memory_space<semaphore_mem>>) src(%dma_wait3A_62 : memref<8x128xi32, #tpu.memory_space<hbm>>) dst(%arg8 : memref<8x128xi32, #tpu.memory_space<vmem>>)
      %dma_start3A_63 = arith.constant 0 : i32
      %dma_start3A_64 = arith.constant 0 : i32
      %dma_start3A_65 = tpu.memref_slice %arg6[%dma_start3A_63, %dma_start3A_64] : memref<8x128xi32, #tpu.memory_space<vmem>> -> memref<1x128xi32, #tpu.memory_space<vmem>>
      %dma_start3A_66 = tpu.memref_squeeze %dma_start3A_65 : memref<1x128xi32, #tpu.memory_space<vmem>> -> memref<128xi32, #tpu.memory_space<vmem>>
      %dma_start3A_67 = arith.constant 0 : i32
      %dma_start3A_68 = arith.constant 0 : i32
      %dma_start3A_69 = tpu.memref_slice %arg2[%dma_start3A_67, %dma_start3A_68] : memref<10000x128xf32, #tpu.memory_space<hbm>> -> memref<10000x128xf32, #tpu.memory_space<hbm>>
      tpu.enqueue_indirect_dma source(%dma_start3A_69 : memref<10000x128xf32, #tpu.memory_space<hbm>>) target(%arg10 : memref<128x128xf32, #tpu.memory_space<vmem>>) offsets(%dma_start3A_66 : memref<128xi32, #tpu.memory_space<vmem>>) semaphore(%arg15 : memref<!tpu.dma_semaphore, #tpu.memory_space<semaphore_mem>>)
      %dma_start3A_70 = arith.constant 1 : i32
      %dma_start3A_71 = arith.constant 0 : i32
      %dma_start3A_72 = tpu.memref_slice %arg6[%dma_start3A_70, %dma_start3A_71] : memref<8x128xi32, #tpu.memory_space<vmem>> -> memref<1x128xi32, #tpu.memory_space<vmem>>
      %dma_start3A_73 = tpu.memref_squeeze %dma_start3A_72 : memref<1x128xi32, #tpu.memory_space<vmem>> -> memref<128xi32, #tpu.memory_space<vmem>>
      %dma_start3A_74 = arith.constant 0 : i32
      %dma_start3A_75 = arith.constant 0 : i32
      %dma_start3A_76 = tpu.memref_slice %arg2[%dma_start3A_74, %dma_start3A_75] : memref<10000x128xf32, #tpu.memory_space<hbm>> -> memref<10000x128xf32, #tpu.memory_space<hbm>>
      tpu.enqueue_indirect_dma source(%dma_start3A_76 : memref<10000x128xf32, #tpu.memory_space<hbm>>) target(%arg11 : memref<128x128xf32, #tpu.memory_space<vmem>>) offsets(%dma_start3A_73 : memref<128xi32, #tpu.memory_space<vmem>>) semaphore(%arg16 : memref<!tpu.dma_semaphore, #tpu.memory_space<semaphore_mem>>)
      %dma_wait3A_77 = arith.constant 0 : i32
      %dma_wait3A_78 = arith.constant 0 : i32
      %dma_wait3A_79 = tpu.memref_slice %arg6[%dma_wait3A_77, %dma_wait3A_78] : memref<8x128xi32, #tpu.memory_space<vmem>> -> memref<1x128xi32, #tpu.memory_space<vmem>>
      %dma_wait3A_80 = tpu.memref_squeeze %dma_wait3A_79 : memref<1x128xi32, #tpu.memory_space<vmem>> -> memref<128xi32, #tpu.memory_space<vmem>>
      %dma_wait3A_81 = arith.constant 0 : i32
      %dma_wait3A_82 = arith.constant 0 : i32
      %dma_wait3A_83 = tpu.memref_slice %arg2[%dma_wait3A_81, %dma_wait3A_82] : memref<10000x128xf32, #tpu.memory_space<hbm>> -> memref<10000x128xf32, #tpu.memory_space<hbm>>
      tpu.wait_indirect_dma semaphore(%arg15 : memref<!tpu.dma_semaphore, #tpu.memory_space<semaphore_mem>>) src(%dma_wait3A_83 : memref<10000x128xf32, #tpu.memory_space<hbm>>) dst(%arg10 : memref<128x128xf32, #tpu.memory_space<vmem>>)
      %run_scoped3A = arith.constant 0 : i32
      "tpu.region"() ({
        %run_scoped3A_326 = tpu.sem_alloc : memref<!tpu.dma_semaphore, #tpu.memory_space<semaphore_mem>>
        %dma_start3A_327 = arith.constant 0 : i32
        %dma_start3A_328 = tpu.memref_slice %arg8[%run_scoped3A, %dma_start3A_327] : memref<8x128xi32, #tpu.memory_space<vmem>> -> memref<1x128xi32, #tpu.memory_space<vmem>>
        %dma_start3A_329 = tpu.memref_squeeze %dma_start3A_328 : memref<1x128xi32, #tpu.memory_space<vmem>> -> memref<128xi32, #tpu.memory_space<vmem>>
        %dma_start3A_330 = arith.constant 0 : i32
        %dma_start3A_331 = arith.constant 0 : i32
        %dma_start3A_332 = tpu.memref_slice %arg12[%dma_start3A_330, %dma_start3A_331] : memref<10112x128xf32, #tpu.memory_space<vmem_shared>> -> memref<10112x128xf32, #tpu.memory_space<vmem_shared>>
        tpu.enqueue_indirect_dma source(%arg10 : memref<128x128xf32, #tpu.memory_space<vmem>>) target(%dma_start3A_332 : memref<10112x128xf32, #tpu.memory_space<vmem_shared>>) offsets(%dma_start3A_329 : memref<128xi32, #tpu.memory_space<vmem>>) semaphore(%run_scoped3A_326 : memref<!tpu.dma_semaphore, #tpu.memory_space<semaphore_mem>>) {add = true}
        %dma_wait3A_333 = arith.constant 0 : i32
        %dma_wait3A_334 = tpu.memref_slice %arg8[%run_scoped3A, %dma_wait3A_333] : memref<8x128xi32, #tpu.memory_space<vmem>> -> memref<1x128xi32, #tpu.memory_space<vmem>>
        %dma_wait3A_335 = tpu.memref_squeeze %dma_wait3A_334 : memref<1x128xi32, #tpu.memory_space<vmem>> -> memref<128xi32, #tpu.memory_space<vmem>>
        %dma_wait3A_336 = arith.constant 0 : i32
        %dma_wait3A_337 = arith.constant 0 : i32
        %dma_wait3A_338 = tpu.memref_slice %arg12[%dma_wait3A_336, %dma_wait3A_337] : memref<10112x128xf32, #tpu.memory_space<vmem_shared>> -> memref<10112x128xf32, #tpu.memory_space<vmem_shared>>
        tpu.wait_indirect_dma semaphore(%run_scoped3A_326 : memref<!tpu.dma_semaphore, #tpu.memory_space<semaphore_mem>>) src(%arg10 : memref<128x128xf32, #tpu.memory_space<vmem>>) dst(%dma_wait3A_338 : memref<10112x128xf32, #tpu.memory_space<vmem_shared>>)
        tpu.yield
      }) : () -> ()
      %dma_start3A_84 = arith.constant 2 : i32
      %dma_start3A_85 = arith.constant 0 : i32
      %dma_start3A_86 = tpu.memref_slice %arg6[%dma_start3A_84, %dma_start3A_85] : memref<8x128xi32, #tpu.memory_space<vmem>> -> memref<1x128xi32, #tpu.memory_space<vmem>>
      %dma_start3A_87 = tpu.memref_squeeze %dma_start3A_86 : memref<1x128xi32, #tpu.memory_space<vmem>> -> memref<128xi32, #tpu.memory_space<vmem>>
      %dma_start3A_88 = arith.constant 0 : i32
      %dma_start3A_89 = arith.constant 0 : i32
      %dma_start3A_90 = tpu.memref_slice %arg2[%dma_start3A_88, %dma_start3A_89] : memref<10000x128xf32, #tpu.memory_space<hbm>> -> memref<10000x128xf32, #tpu.memory_space<hbm>>
      tpu.enqueue_indirect_dma source(%dma_start3A_90 : memref<10000x128xf32, #tpu.memory_space<hbm>>) target(%arg10 : memref<128x128xf32, #tpu.memory_space<vmem>>) offsets(%dma_start3A_87 : memref<128xi32, #tpu.memory_space<vmem>>) semaphore(%arg15 : memref<!tpu.dma_semaphore, #tpu.memory_space<semaphore_mem>>)
      %dma_wait3A_91 = arith.constant 1 : i32
      %dma_wait3A_92 = arith.constant 0 : i32
      %dma_wait3A_93 = tpu.memref_slice %arg6[%dma_wait3A_91, %dma_wait3A_92] : memref<8x128xi32, #tpu.memory_space<vmem>> -> memref<1x128xi32, #tpu.memory_space<vmem>>
      %dma_wait3A_94 = tpu.memref_squeeze %dma_wait3A_93 : memref<1x128xi32, #tpu.memory_space<vmem>> -> memref<128xi32, #tpu.memory_space<vmem>>
      %dma_wait3A_95 = arith.constant 0 : i32
      %dma_wait3A_96 = arith.constant 0 : i32
      %dma_wait3A_97 = tpu.memref_slice %arg2[%dma_wait3A_95, %dma_wait3A_96] : memref<10000x128xf32, #tpu.memory_space<hbm>> -> memref<10000x128xf32, #tpu.memory_space<hbm>>
      tpu.wait_indirect_dma semaphore(%arg16 : memref<!tpu.dma_semaphore, #tpu.memory_space<semaphore_mem>>) src(%dma_wait3A_97 : memref<10000x128xf32, #tpu.memory_space<hbm>>) dst(%arg11 : memref<128x128xf32, #tpu.memory_space<vmem>>)
      %run_scoped3A_98 = arith.constant 1 : i32
      "tpu.region"() ({
        %run_scoped3A_326 = tpu.sem_alloc : memref<!tpu.dma_semaphore, #tpu.memory_space<semaphore_mem>>
        %dma_start3A_327 = arith.constant 0 : i32
        %dma_start3A_328 = tpu.memref_slice %arg8[%run_scoped3A_98, %dma_start3A_327] : memref<8x128xi32, #tpu.memory_space<vmem>> -> memref<1x128xi32, #tpu.memory_space<vmem>>
        %dma_start3A_329 = tpu.memref_squeeze %dma_start3A_328 : memref<1x128xi32, #tpu.memory_space<vmem>> -> memref<128xi32, #tpu.memory_space<vmem>>
        %dma_start3A_330 = arith.constant 0 : i32
        %dma_start3A_331 = arith.constant 0 : i32
        %dma_start3A_332 = tpu.memref_slice %arg12[%dma_start3A_330, %dma_start3A_331] : memref<10112x128xf32, #tpu.memory_space<vmem_shared>> -> memref<10112x128xf32, #tpu.memory_space<vmem_shared>>
        tpu.enqueue_indirect_dma source(%arg11 : memref<128x128xf32, #tpu.memory_space<vmem>>) target(%dma_start3A_332 : memref<10112x128xf32, #tpu.memory_space<vmem_shared>>) offsets(%dma_start3A_329 : memref<128xi32, #tpu.memory_space<vmem>>) semaphore(%run_scoped3A_326 : memref<!tpu.dma_semaphore, #tpu.memory_space<semaphore_mem>>) {add = true}
        %dma_wait3A_333 = arith.constant 0 : i32
        %dma_wait3A_334 = tpu.memref_slice %arg8[%run_scoped3A_98, %dma_wait3A_333] : memref<8x128xi32, #tpu.memory_space<vmem>> -> memref<1x128xi32, #tpu.memory_space<vmem>>
        %dma_wait3A_335 = tpu.memref_squeeze %dma_wait3A_334 : memref<1x128xi32, #tpu.memory_space<vmem>> -> memref<128xi32, #tpu.memory_space<vmem>>
        %dma_wait3A_336 = arith.constant 0 : i32
        %dma_wait3A_337 = arith.constant 0 : i32
        %dma_wait3A_338 = tpu.memref_slice %arg12[%dma_wait3A_336, %dma_wait3A_337] : memref<10112x128xf32, #tpu.memory_space<vmem_shared>> -> memref<10112x128xf32, #tpu.memory_space<vmem_shared>>
        tpu.wait_indirect_dma semaphore(%run_scoped3A_326 : memref<!tpu.dma_semaphore, #tpu.memory_space<semaphore_mem>>) src(%arg11 : memref<128x128xf32, #tpu.memory_space<vmem>>) dst(%dma_wait3A_338 : memref<10112x128xf32, #tpu.memory_space<vmem_shared>>)
        tpu.yield
      }) : () -> ()
      %dma_start3A_99 = arith.constant 3 : i32
      %dma_start3A_100 = arith.constant 0 : i32
      %dma_start3A_101 = tpu.memref_slice %arg6[%dma_start3A_99, %dma_start3A_100] : memref<8x128xi32, #tpu.memory_space<vmem>> -> memref<1x128xi32, #tpu.memory_space<vmem>>
      %dma_start3A_102 = tpu.memref_squeeze %dma_start3A_101 : memref<1x128xi32, #tpu.memory_space<vmem>> -> memref<128xi32, #tpu.memory_space<vmem>>
      %dma_start3A_103 = arith.constant 0 : i32
      %dma_start3A_104 = arith.constant 0 : i32
      %dma_start3A_105 = tpu.memref_slice %arg2[%dma_start3A_103, %dma_start3A_104] : memref<10000x128xf32, #tpu.memory_space<hbm>> -> memref<10000x128xf32, #tpu.memory_space<hbm>>
      tpu.enqueue_indirect_dma source(%dma_start3A_105 : memref<10000x128xf32, #tpu.memory_space<hbm>>) target(%arg11 : memref<128x128xf32, #tpu.memory_space<vmem>>) offsets(%dma_start3A_102 : memref<128xi32, #tpu.memory_space<vmem>>) semaphore(%arg16 : memref<!tpu.dma_semaphore, #tpu.memory_space<semaphore_mem>>)
      %dma_wait3A_106 = arith.constant 2 : i32
      %dma_wait3A_107 = arith.constant 0 : i32
      %dma_wait3A_108 = tpu.memref_slice %arg6[%dma_wait3A_106, %dma_wait3A_107] : memref<8x128xi32, #tpu.memory_space<vmem>> -> memref<1x128xi32, #tpu.memory_space<vmem>>
      %dma_wait3A_109 = tpu.memref_squeeze %dma_wait3A_108 : memref<1x128xi32, #tpu.memory_space<vmem>> -> memref<128xi32, #tpu.memory_space<vmem>>
      %dma_wait3A_110 = arith.constant 0 : i32
      %dma_wait3A_111 = arith.constant 0 : i32
      %dma_wait3A_112 = tpu.memref_slice %arg2[%dma_wait3A_110, %dma_wait3A_111] : memref<10000x128xf32, #tpu.memory_space<hbm>> -> memref<10000x128xf32, #tpu.memory_space<hbm>>
      tpu.wait_indirect_dma semaphore(%arg15 : memref<!tpu.dma_semaphore, #tpu.memory_space<semaphore_mem>>) src(%dma_wait3A_112 : memref<10000x128xf32, #tpu.memory_space<hbm>>) dst(%arg10 : memref<128x128xf32, #tpu.memory_space<vmem>>)
      %run_scoped3A_113 = arith.constant 2 : i32
      "tpu.region"() ({
        %run_scoped3A_326 = tpu.sem_alloc : memref<!tpu.dma_semaphore, #tpu.memory_space<semaphore_mem>>
        %dma_start3A_327 = arith.constant 0 : i32
        %dma_start3A_328 = tpu.memref_slice %arg8[%run_scoped3A_113, %dma_start3A_327] : memref<8x128xi32, #tpu.memory_space<vmem>> -> memref<1x128xi32, #tpu.memory_space<vmem>>
        %dma_start3A_329 = tpu.memref_squeeze %dma_start3A_328 : memref<1x128xi32, #tpu.memory_space<vmem>> -> memref<128xi32, #tpu.memory_space<vmem>>
        %dma_start3A_330 = arith.constant 0 : i32
        %dma_start3A_331 = arith.constant 0 : i32
        %dma_start3A_332 = tpu.memref_slice %arg12[%dma_start3A_330, %dma_start3A_331] : memref<10112x128xf32, #tpu.memory_space<vmem_shared>> -> memref<10112x128xf32, #tpu.memory_space<vmem_shared>>
        tpu.enqueue_indirect_dma source(%arg10 : memref<128x128xf32, #tpu.memory_space<vmem>>) target(%dma_start3A_332 : memref<10112x128xf32, #tpu.memory_space<vmem_shared>>) offsets(%dma_start3A_329 : memref<128xi32, #tpu.memory_space<vmem>>) semaphore(%run_scoped3A_326 : memref<!tpu.dma_semaphore, #tpu.memory_space<semaphore_mem>>) {add = true}
        %dma_wait3A_333 = arith.constant 0 : i32
        %dma_wait3A_334 = tpu.memref_slice %arg8[%run_scoped3A_113, %dma_wait3A_333] : memref<8x128xi32, #tpu.memory_space<vmem>> -> memref<1x128xi32, #tpu.memory_space<vmem>>
        %dma_wait3A_335 = tpu.memref_squeeze %dma_wait3A_334 : memref<1x128xi32, #tpu.memory_space<vmem>> -> memref<128xi32, #tpu.memory_space<vmem>>
        %dma_wait3A_336 = arith.constant 0 : i32
        %dma_wait3A_337 = arith.constant 0 : i32
        %dma_wait3A_338 = tpu.memref_slice %arg12[%dma_wait3A_336, %dma_wait3A_337] : memref<10112x128xf32, #tpu.memory_space<vmem_shared>> -> memref<10112x128xf32, #tpu.memory_space<vmem_shared>>
        tpu.wait_indirect_dma semaphore(%run_scoped3A_326 : memref<!tpu.dma_semaphore, #tpu.memory_space<semaphore_mem>>) src(%arg10 : memref<128x128xf32, #tpu.memory_space<vmem>>) dst(%dma_wait3A_338 : memref<10112x128xf32, #tpu.memory_space<vmem_shared>>)
        tpu.yield
      }) : () -> ()
      %dma_start3A_114 = arith.constant 4 : i32
      %dma_start3A_115 = arith.constant 0 : i32
      %dma_start3A_116 = tpu.memref_slice %arg6[%dma_start3A_114, %dma_start3A_115] : memref<8x128xi32, #tpu.memory_space<vmem>> -> memref<1x128xi32, #tpu.memory_space<vmem>>
      %dma_start3A_117 = tpu.memref_squeeze %dma_start3A_116 : memref<1x128xi32, #tpu.memory_space<vmem>> -> memref<128xi32, #tpu.memory_space<vmem>>
      %dma_start3A_118 = arith.constant 0 : i32
      %dma_start3A_119 = arith.constant 0 : i32
      %dma_start3A_120 = tpu.memref_slice %arg2[%dma_start3A_118, %dma_start3A_119] : memref<10000x128xf32, #tpu.memory_space<hbm>> -> memref<10000x128xf32, #tpu.memory_space<hbm>>
      tpu.enqueue_indirect_dma source(%dma_start3A_120 : memref<10000x128xf32, #tpu.memory_space<hbm>>) target(%arg10 : memref<128x128xf32, #tpu.memory_space<vmem>>) offsets(%dma_start3A_117 : memref<128xi32, #tpu.memory_space<vmem>>) semaphore(%arg15 : memref<!tpu.dma_semaphore, #tpu.memory_space<semaphore_mem>>)
      %dma_wait3A_121 = arith.constant 3 : i32
      %dma_wait3A_122 = arith.constant 0 : i32
      %dma_wait3A_123 = tpu.memref_slice %arg6[%dma_wait3A_121, %dma_wait3A_122] : memref<8x128xi32, #tpu.memory_space<vmem>> -> memref<1x128xi32, #tpu.memory_space<vmem>>
      %dma_wait3A_124 = tpu.memref_squeeze %dma_wait3A_123 : memref<1x128xi32, #tpu.memory_space<vmem>> -> memref<128xi32, #tpu.memory_space<vmem>>
      %dma_wait3A_125 = arith.constant 0 : i32
      %dma_wait3A_126 = arith.constant 0 : i32
      %dma_wait3A_127 = tpu.memref_slice %arg2[%dma_wait3A_125, %dma_wait3A_126] : memref<10000x128xf32, #tpu.memory_space<hbm>> -> memref<10000x128xf32, #tpu.memory_space<hbm>>
      tpu.wait_indirect_dma semaphore(%arg16 : memref<!tpu.dma_semaphore, #tpu.memory_space<semaphore_mem>>) src(%dma_wait3A_127 : memref<10000x128xf32, #tpu.memory_space<hbm>>) dst(%arg11 : memref<128x128xf32, #tpu.memory_space<vmem>>)
      %run_scoped3A_128 = arith.constant 3 : i32
      "tpu.region"() ({
        %run_scoped3A_326 = tpu.sem_alloc : memref<!tpu.dma_semaphore, #tpu.memory_space<semaphore_mem>>
        %dma_start3A_327 = arith.constant 0 : i32
        %dma_start3A_328 = tpu.memref_slice %arg8[%run_scoped3A_128, %dma_start3A_327] : memref<8x128xi32, #tpu.memory_space<vmem>> -> memref<1x128xi32, #tpu.memory_space<vmem>>
        %dma_start3A_329 = tpu.memref_squeeze %dma_start3A_328 : memref<1x128xi32, #tpu.memory_space<vmem>> -> memref<128xi32, #tpu.memory_space<vmem>>
        %dma_start3A_330 = arith.constant 0 : i32
        %dma_start3A_331 = arith.constant 0 : i32
        %dma_start3A_332 = tpu.memref_slice %arg12[%dma_start3A_330, %dma_start3A_331] : memref<10112x128xf32, #tpu.memory_space<vmem_shared>> -> memref<10112x128xf32, #tpu.memory_space<vmem_shared>>
        tpu.enqueue_indirect_dma source(%arg11 : memref<128x128xf32, #tpu.memory_space<vmem>>) target(%dma_start3A_332 : memref<10112x128xf32, #tpu.memory_space<vmem_shared>>) offsets(%dma_start3A_329 : memref<128xi32, #tpu.memory_space<vmem>>) semaphore(%run_scoped3A_326 : memref<!tpu.dma_semaphore, #tpu.memory_space<semaphore_mem>>) {add = true}
        %dma_wait3A_333 = arith.constant 0 : i32
        %dma_wait3A_334 = tpu.memref_slice %arg8[%run_scoped3A_128, %dma_wait3A_333] : memref<8x128xi32, #tpu.memory_space<vmem>> -> memref<1x128xi32, #tpu.memory_space<vmem>>
        %dma_wait3A_335 = tpu.memref_squeeze %dma_wait3A_334 : memref<1x128xi32, #tpu.memory_space<vmem>> -> memref<128xi32, #tpu.memory_space<vmem>>
        %dma_wait3A_336 = arith.constant 0 : i32
        %dma_wait3A_337 = arith.constant 0 : i32
        %dma_wait3A_338 = tpu.memref_slice %arg12[%dma_wait3A_336, %dma_wait3A_337] : memref<10112x128xf32, #tpu.memory_space<vmem_shared>> -> memref<10112x128xf32, #tpu.memory_space<vmem_shared>>
        tpu.wait_indirect_dma semaphore(%run_scoped3A_326 : memref<!tpu.dma_semaphore, #tpu.memory_space<semaphore_mem>>) src(%arg11 : memref<128x128xf32, #tpu.memory_space<vmem>>) dst(%dma_wait3A_338 : memref<10112x128xf32, #tpu.memory_space<vmem_shared>>)
        tpu.yield
      }) : () -> ()
      %dma_start3A_129 = arith.constant 5 : i32
      %dma_start3A_130 = arith.constant 0 : i32
      %dma_start3A_131 = tpu.memref_slice %arg6[%dma_start3A_129, %dma_start3A_130] : memref<8x128xi32, #tpu.memory_space<vmem>> -> memref<1x128xi32, #tpu.memory_space<vmem>>
      %dma_start3A_132 = tpu.memref_squeeze %dma_start3A_131 : memref<1x128xi32, #tpu.memory_space<vmem>> -> memref<128xi32, #tpu.memory_space<vmem>>
      %dma_start3A_133 = arith.constant 0 : i32
      %dma_start3A_134 = arith.constant 0 : i32
      %dma_start3A_135 = tpu.memref_slice %arg2[%dma_start3A_133, %dma_start3A_134] : memref<10000x128xf32, #tpu.memory_space<hbm>> -> memref<10000x128xf32, #tpu.memory_space<hbm>>
      tpu.enqueue_indirect_dma source(%dma_start3A_135 : memref<10000x128xf32, #tpu.memory_space<hbm>>) target(%arg11 : memref<128x128xf32, #tpu.memory_space<vmem>>) offsets(%dma_start3A_132 : memref<128xi32, #tpu.memory_space<vmem>>) semaphore(%arg16 : memref<!tpu.dma_semaphore, #tpu.memory_space<semaphore_mem>>)
      %dma_wait3A_136 = arith.constant 4 : i32
      %dma_wait3A_137 = arith.constant 0 : i32
      %dma_wait3A_138 = tpu.memref_slice %arg6[%dma_wait3A_136, %dma_wait3A_137] : memref<8x128xi32, #tpu.memory_space<vmem>> -> memref<1x128xi32, #tpu.memory_space<vmem>>
      %dma_wait3A_139 = tpu.memref_squeeze %dma_wait3A_138 : memref<1x128xi32, #tpu.memory_space<vmem>> -> memref<128xi32, #tpu.memory_space<vmem>>
      %dma_wait3A_140 = arith.constant 0 : i32
      %dma_wait3A_141 = arith.constant 0 : i32
      %dma_wait3A_142 = tpu.memref_slice %arg2[%dma_wait3A_140, %dma_wait3A_141] : memref<10000x128xf32, #tpu.memory_space<hbm>> -> memref<10000x128xf32, #tpu.memory_space<hbm>>
      tpu.wait_indirect_dma semaphore(%arg15 : memref<!tpu.dma_semaphore, #tpu.memory_space<semaphore_mem>>) src(%dma_wait3A_142 : memref<10000x128xf32, #tpu.memory_space<hbm>>) dst(%arg10 : memref<128x128xf32, #tpu.memory_space<vmem>>)
      %run_scoped3A_143 = arith.constant 4 : i32
      "tpu.region"() ({
        %run_scoped3A_326 = tpu.sem_alloc : memref<!tpu.dma_semaphore, #tpu.memory_space<semaphore_mem>>
        %dma_start3A_327 = arith.constant 0 : i32
        %dma_start3A_328 = tpu.memref_slice %arg8[%run_scoped3A_143, %dma_start3A_327] : memref<8x128xi32, #tpu.memory_space<vmem>> -> memref<1x128xi32, #tpu.memory_space<vmem>>
        %dma_start3A_329 = tpu.memref_squeeze %dma_start3A_328 : memref<1x128xi32, #tpu.memory_space<vmem>> -> memref<128xi32, #tpu.memory_space<vmem>>
        %dma_start3A_330 = arith.constant 0 : i32
        %dma_start3A_331 = arith.constant 0 : i32
        %dma_start3A_332 = tpu.memref_slice %arg12[%dma_start3A_330, %dma_start3A_331] : memref<10112x128xf32, #tpu.memory_space<vmem_shared>> -> memref<10112x128xf32, #tpu.memory_space<vmem_shared>>
        tpu.enqueue_indirect_dma source(%arg10 : memref<128x128xf32, #tpu.memory_space<vmem>>) target(%dma_start3A_332 : memref<10112x128xf32, #tpu.memory_space<vmem_shared>>) offsets(%dma_start3A_329 : memref<128xi32, #tpu.memory_space<vmem>>) semaphore(%run_scoped3A_326 : memref<!tpu.dma_semaphore, #tpu.memory_space<semaphore_mem>>) {add = true}
        %dma_wait3A_333 = arith.constant 0 : i32
        %dma_wait3A_334 = tpu.memref_slice %arg8[%run_scoped3A_143, %dma_wait3A_333] : memref<8x128xi32, #tpu.memory_space<vmem>> -> memref<1x128xi32, #tpu.memory_space<vmem>>
        %dma_wait3A_335 = tpu.memref_squeeze %dma_wait3A_334 : memref<1x128xi32, #tpu.memory_space<vmem>> -> memref<128xi32, #tpu.memory_space<vmem>>
        %dma_wait3A_336 = arith.constant 0 : i32
        %dma_wait3A_337 = arith.constant 0 : i32
        %dma_wait3A_338 = tpu.memref_slice %arg12[%dma_wait3A_336, %dma_wait3A_337] : memref<10112x128xf32, #tpu.memory_space<vmem_shared>> -> memref<10112x128xf32, #tpu.memory_space<vmem_shared>>
        tpu.wait_indirect_dma semaphore(%run_scoped3A_326 : memref<!tpu.dma_semaphore, #tpu.memory_space<semaphore_mem>>) src(%arg10 : memref<128x128xf32, #tpu.memory_space<vmem>>) dst(%dma_wait3A_338 : memref<10112x128xf32, #tpu.memory_space<vmem_shared>>)
        tpu.yield
      }) : () -> ()
      %dma_start3A_144 = arith.constant 6 : i32
      %dma_start3A_145 = arith.constant 0 : i32
      %dma_start3A_146 = tpu.memref_slice %arg6[%dma_start3A_144, %dma_start3A_145] : memref<8x128xi32, #tpu.memory_space<vmem>> -> memref<1x128xi32, #tpu.memory_space<vmem>>
      %dma_start3A_147 = tpu.memref_squeeze %dma_start3A_146 : memref<1x128xi32, #tpu.memory_space<vmem>> -> memref<128xi32, #tpu.memory_space<vmem>>
      %dma_start3A_148 = arith.constant 0 : i32
      %dma_start3A_149 = arith.constant 0 : i32
      %dma_start3A_150 = tpu.memref_slice %arg2[%dma_start3A_148, %dma_start3A_149] : memref<10000x128xf32, #tpu.memory_space<hbm>> -> memref<10000x128xf32, #tpu.memory_space<hbm>>
      tpu.enqueue_indirect_dma source(%dma_start3A_150 : memref<10000x128xf32, #tpu.memory_space<hbm>>) target(%arg10 : memref<128x128xf32, #tpu.memory_space<vmem>>) offsets(%dma_start3A_147 : memref<128xi32, #tpu.memory_space<vmem>>) semaphore(%arg15 : memref<!tpu.dma_semaphore, #tpu.memory_space<semaphore_mem>>)
      %dma_wait3A_151 = arith.constant 5 : i32
      %dma_wait3A_152 = arith.constant 0 : i32
      %dma_wait3A_153 = tpu.memref_slice %arg6[%dma_wait3A_151, %dma_wait3A_152] : memref<8x128xi32, #tpu.memory_space<vmem>> -> memref<1x128xi32, #tpu.memory_space<vmem>>
      %dma_wait3A_154 = tpu.memref_squeeze %dma_wait3A_153 : memref<1x128xi32, #tpu.memory_space<vmem>> -> memref<128xi32, #tpu.memory_space<vmem>>
      %dma_wait3A_155 = arith.constant 0 : i32
      %dma_wait3A_156 = arith.constant 0 : i32
      %dma_wait3A_157 = tpu.memref_slice %arg2[%dma_wait3A_155, %dma_wait3A_156] : memref<10000x128xf32, #tpu.memory_space<hbm>> -> memref<10000x128xf32, #tpu.memory_space<hbm>>
      tpu.wait_indirect_dma semaphore(%arg16 : memref<!tpu.dma_semaphore, #tpu.memory_space<semaphore_mem>>) src(%dma_wait3A_157 : memref<10000x128xf32, #tpu.memory_space<hbm>>) dst(%arg11 : memref<128x128xf32, #tpu.memory_space<vmem>>)
      %run_scoped3A_158 = arith.constant 5 : i32
      "tpu.region"() ({
        %run_scoped3A_326 = tpu.sem_alloc : memref<!tpu.dma_semaphore, #tpu.memory_space<semaphore_mem>>
        %dma_start3A_327 = arith.constant 0 : i32
        %dma_start3A_328 = tpu.memref_slice %arg8[%run_scoped3A_158, %dma_start3A_327] : memref<8x128xi32, #tpu.memory_space<vmem>> -> memref<1x128xi32, #tpu.memory_space<vmem>>
        %dma_start3A_329 = tpu.memref_squeeze %dma_start3A_328 : memref<1x128xi32, #tpu.memory_space<vmem>> -> memref<128xi32, #tpu.memory_space<vmem>>
        %dma_start3A_330 = arith.constant 0 : i32
        %dma_start3A_331 = arith.constant 0 : i32
        %dma_start3A_332 = tpu.memref_slice %arg12[%dma_start3A_330, %dma_start3A_331] : memref<10112x128xf32, #tpu.memory_space<vmem_shared>> -> memref<10112x128xf32, #tpu.memory_space<vmem_shared>>
        tpu.enqueue_indirect_dma source(%arg11 : memref<128x128xf32, #tpu.memory_space<vmem>>) target(%dma_start3A_332 : memref<10112x128xf32, #tpu.memory_space<vmem_shared>>) offsets(%dma_start3A_329 : memref<128xi32, #tpu.memory_space<vmem>>) semaphore(%run_scoped3A_326 : memref<!tpu.dma_semaphore, #tpu.memory_space<semaphore_mem>>) {add = true}
        %dma_wait3A_333 = arith.constant 0 : i32
        %dma_wait3A_334 = tpu.memref_slice %arg8[%run_scoped3A_158, %dma_wait3A_333] : memref<8x128xi32, #tpu.memory_space<vmem>> -> memref<1x128xi32, #tpu.memory_space<vmem>>
        %dma_wait3A_335 = tpu.memref_squeeze %dma_wait3A_334 : memref<1x128xi32, #tpu.memory_space<vmem>> -> memref<128xi32, #tpu.memory_space<vmem>>
        %dma_wait3A_336 = arith.constant 0 : i32
        %dma_wait3A_337 = arith.constant 0 : i32
        %dma_wait3A_338 = tpu.memref_slice %arg12[%dma_wait3A_336, %dma_wait3A_337] : memref<10112x128xf32, #tpu.memory_space<vmem_shared>> -> memref<10112x128xf32, #tpu.memory_space<vmem_shared>>
        tpu.wait_indirect_dma semaphore(%run_scoped3A_326 : memref<!tpu.dma_semaphore, #tpu.memory_space<semaphore_mem>>) src(%arg11 : memref<128x128xf32, #tpu.memory_space<vmem>>) dst(%dma_wait3A_338 : memref<10112x128xf32, #tpu.memory_space<vmem_shared>>)
        tpu.yield
      }) : () -> ()
      %dma_start3A_159 = arith.constant 7 : i32
      %dma_start3A_160 = arith.constant 0 : i32
      %dma_start3A_161 = tpu.memref_slice %arg6[%dma_start3A_159, %dma_start3A_160] : memref<8x128xi32, #tpu.memory_space<vmem>> -> memref<1x128xi32, #tpu.memory_space<vmem>>
      %dma_start3A_162 = tpu.memref_squeeze %dma_start3A_161 : memref<1x128xi32, #tpu.memory_space<vmem>> -> memref<128xi32, #tpu.memory_space<vmem>>
      %dma_start3A_163 = arith.constant 0 : i32
      %dma_start3A_164 = arith.constant 0 : i32
      %dma_start3A_165 = tpu.memref_slice %arg2[%dma_start3A_163, %dma_start3A_164] : memref<10000x128xf32, #tpu.memory_space<hbm>> -> memref<10000x128xf32, #tpu.memory_space<hbm>>
      tpu.enqueue_indirect_dma source(%dma_start3A_165 : memref<10000x128xf32, #tpu.memory_space<hbm>>) target(%arg11 : memref<128x128xf32, #tpu.memory_space<vmem>>) offsets(%dma_start3A_162 : memref<128xi32, #tpu.memory_space<vmem>>) semaphore(%arg16 : memref<!tpu.dma_semaphore, #tpu.memory_space<semaphore_mem>>)
      %dma_wait3A_166 = arith.constant 6 : i32
      %dma_wait3A_167 = arith.constant 0 : i32
      %dma_wait3A_168 = tpu.memref_slice %arg6[%dma_wait3A_166, %dma_wait3A_167] : memref<8x128xi32, #tpu.memory_space<vmem>> -> memref<1x128xi32, #tpu.memory_space<vmem>>
      %dma_wait3A_169 = tpu.memref_squeeze %dma_wait3A_168 : memref<1x128xi32, #tpu.memory_space<vmem>> -> memref<128xi32, #tpu.memory_space<vmem>>
      %dma_wait3A_170 = arith.constant 0 : i32
      %dma_wait3A_171 = arith.constant 0 : i32
      %dma_wait3A_172 = tpu.memref_slice %arg2[%dma_wait3A_170, %dma_wait3A_171] : memref<10000x128xf32, #tpu.memory_space<hbm>> -> memref<10000x128xf32, #tpu.memory_space<hbm>>
      tpu.wait_indirect_dma semaphore(%arg15 : memref<!tpu.dma_semaphore, #tpu.memory_space<semaphore_mem>>) src(%dma_wait3A_172 : memref<10000x128xf32, #tpu.memory_space<hbm>>) dst(%arg10 : memref<128x128xf32, #tpu.memory_space<vmem>>)
      %run_scoped3A_173 = arith.constant 6 : i32
      "tpu.region"() ({
        %run_scoped3A_326 = tpu.sem_alloc : memref<!tpu.dma_semaphore, #tpu.memory_space<semaphore_mem>>
        %dma_start3A_327 = arith.constant 0 : i32
        %dma_start3A_328 = tpu.memref_slice %arg8[%run_scoped3A_173, %dma_start3A_327] : memref<8x128xi32, #tpu.memory_space<vmem>> -> memref<1x128xi32, #tpu.memory_space<vmem>>
        %dma_start3A_329 = tpu.memref_squeeze %dma_start3A_328 : memref<1x128xi32, #tpu.memory_space<vmem>> -> memref<128xi32, #tpu.memory_space<vmem>>
        %dma_start3A_330 = arith.constant 0 : i32
        %dma_start3A_331 = arith.constant 0 : i32
        %dma_start3A_332 = tpu.memref_slice %arg12[%dma_start3A_330, %dma_start3A_331] : memref<10112x128xf32, #tpu.memory_space<vmem_shared>> -> memref<10112x128xf32, #tpu.memory_space<vmem_shared>>
        tpu.enqueue_indirect_dma source(%arg10 : memref<128x128xf32, #tpu.memory_space<vmem>>) target(%dma_start3A_332 : memref<10112x128xf32, #tpu.memory_space<vmem_shared>>) offsets(%dma_start3A_329 : memref<128xi32, #tpu.memory_space<vmem>>) semaphore(%run_scoped3A_326 : memref<!tpu.dma_semaphore, #tpu.memory_space<semaphore_mem>>) {add = true}
        %dma_wait3A_333 = arith.constant 0 : i32
        %dma_wait3A_334 = tpu.memref_slice %arg8[%run_scoped3A_173, %dma_wait3A_333] : memref<8x128xi32, #tpu.memory_space<vmem>> -> memref<1x128xi32, #tpu.memory_space<vmem>>
        %dma_wait3A_335 = tpu.memref_squeeze %dma_wait3A_334 : memref<1x128xi32, #tpu.memory_space<vmem>> -> memref<128xi32, #tpu.memory_space<vmem>>
        %dma_wait3A_336 = arith.constant 0 : i32
        %dma_wait3A_337 = arith.constant 0 : i32
        %dma_wait3A_338 = tpu.memref_slice %arg12[%dma_wait3A_336, %dma_wait3A_337] : memref<10112x128xf32, #tpu.memory_space<vmem_shared>> -> memref<10112x128xf32, #tpu.memory_space<vmem_shared>>
        tpu.wait_indirect_dma semaphore(%run_scoped3A_326 : memref<!tpu.dma_semaphore, #tpu.memory_space<semaphore_mem>>) src(%arg10 : memref<128x128xf32, #tpu.memory_space<vmem>>) dst(%dma_wait3A_338 : memref<10112x128xf32, #tpu.memory_space<vmem_shared>>)
        tpu.yield
      }) : () -> ()
      %dma_wait3A_174 = arith.constant 7 : i32
      %dma_wait3A_175 = arith.constant 0 : i32
      %dma_wait3A_176 = tpu.memref_slice %arg6[%dma_wait3A_174, %dma_wait3A_175] : memref<8x128xi32, #tpu.memory_space<vmem>> -> memref<1x128xi32, #tpu.memory_space<vmem>>
      %dma_wait3A_177 = tpu.memref_squeeze %dma_wait3A_176 : memref<1x128xi32, #tpu.memory_space<vmem>> -> memref<128xi32, #tpu.memory_space<vmem>>
      %dma_wait3A_178 = arith.constant 0 : i32
      %dma_wait3A_179 = arith.constant 0 : i32
      %dma_wait3A_180 = tpu.memref_slice %arg2[%dma_wait3A_178, %dma_wait3A_179] : memref<10000x128xf32, #tpu.memory_space<hbm>> -> memref<10000x128xf32, #tpu.memory_space<hbm>>
      tpu.wait_indirect_dma semaphore(%arg16 : memref<!tpu.dma_semaphore, #tpu.memory_space<semaphore_mem>>) src(%dma_wait3A_180 : memref<10000x128xf32, #tpu.memory_space<hbm>>) dst(%arg11 : memref<128x128xf32, #tpu.memory_space<vmem>>)
      %run_scoped3A_181 = arith.constant 7 : i32
      "tpu.region"() ({
        %run_scoped3A_326 = tpu.sem_alloc : memref<!tpu.dma_semaphore, #tpu.memory_space<semaphore_mem>>
        %dma_start3A_327 = arith.constant 0 : i32
        %dma_start3A_328 = tpu.memref_slice %arg8[%run_scoped3A_181, %dma_start3A_327] : memref<8x128xi32, #tpu.memory_space<vmem>> -> memref<1x128xi32, #tpu.memory_space<vmem>>
        %dma_start3A_329 = tpu.memref_squeeze %dma_start3A_328 : memref<1x128xi32, #tpu.memory_space<vmem>> -> memref<128xi32, #tpu.memory_space<vmem>>
        %dma_start3A_330 = arith.constant 0 : i32
        %dma_start3A_331 = arith.constant 0 : i32
        %dma_start3A_332 = tpu.memref_slice %arg12[%dma_start3A_330, %dma_start3A_331] : memref<10112x128xf32, #tpu.memory_space<vmem_shared>> -> memref<10112x128xf32, #tpu.memory_space<vmem_shared>>
        tpu.enqueue_indirect_dma source(%arg11 : memref<128x128xf32, #tpu.memory_space<vmem>>) target(%dma_start3A_332 : memref<10112x128xf32, #tpu.memory_space<vmem_shared>>) offsets(%dma_start3A_329 : memref<128xi32, #tpu.memory_space<vmem>>) semaphore(%run_scoped3A_326 : memref<!tpu.dma_semaphore, #tpu.memory_space<semaphore_mem>>) {add = true}
        %dma_wait3A_333 = arith.constant 0 : i32
        %dma_wait3A_334 = tpu.memref_slice %arg8[%run_scoped3A_181, %dma_wait3A_333] : memref<8x128xi32, #tpu.memory_space<vmem>> -> memref<1x128xi32, #tpu.memory_space<vmem>>
        %dma_wait3A_335 = tpu.memref_squeeze %dma_wait3A_334 : memref<1x128xi32, #tpu.memory_space<vmem>> -> memref<128xi32, #tpu.memory_space<vmem>>
        %dma_wait3A_336 = arith.constant 0 : i32
        %dma_wait3A_337 = arith.constant 0 : i32
        %dma_wait3A_338 = tpu.memref_slice %arg12[%dma_wait3A_336, %dma_wait3A_337] : memref<10112x128xf32, #tpu.memory_space<vmem_shared>> -> memref<10112x128xf32, #tpu.memory_space<vmem_shared>>
        tpu.wait_indirect_dma semaphore(%run_scoped3A_326 : memref<!tpu.dma_semaphore, #tpu.memory_space<semaphore_mem>>) src(%arg11 : memref<128x128xf32, #tpu.memory_space<vmem>>) dst(%dma_wait3A_338 : memref<10112x128xf32, #tpu.memory_space<vmem_shared>>)
        tpu.yield
      }) : () -> ()
      %add3A_182 = arith.constant 2 : i32
      %add3A_183 = arith.addi %add3A_52, %add3A_182 : i32
      %lt3A = arith.constant 10 : i32
      %lt3A_184 = arith.cmpi slt, %add3A_183, %lt3A : i32
      %convert_element_type3A = arith.extui %lt3A_184 : i1 to i32
      %cond3A = arith.constant 0 : i32
      %cond3A_185 = arith.cmpi ne, %convert_element_type3A, %cond3A : i32
      scf.if %cond3A_185 {
        %add3A_326 = arith.constant 2 : i32
        %add3A_327 = arith.addi %add3A_52, %add3A_326 : i32
        %mul3A_328 = arith.constant 8 : i32
        %mul3A_329 = arith.muli %add3A_327, %mul3A_328 : i32
        %add3A_330 = arith.addi %mul3A_4, %mul3A_329 : i32
        %dma_start3A_331 = arith.constant 0 : i32
        %dma_start3A_332 = tpu.memref_slice %arg4[%add3A_330, %dma_start3A_331] : memref<2560x128xi32, #tpu.memory_space<hbm>> -> memref<8x128xi32, #tpu.memory_space<hbm>>
        %dma_start3A_333 = arith.constant 0 : i32
        %dma_start3A_334 = tpu.memref_slice %arg4[%add3A_330, %dma_start3A_333] : memref<2560x128xi32, #tpu.memory_space<hbm>> -> memref<8x128xi32, #tpu.memory_space<hbm>>
        tpu.enqueue_dma source(%dma_start3A_334 : memref<8x128xi32, #tpu.memory_space<hbm>>) target(%arg6 : memref<8x128xi32, #tpu.memory_space<vmem>>) target_semaphore(%arg13 : memref<!tpu.dma_semaphore, #tpu.memory_space<semaphore_mem>>)
        %dma_start3A_335 = arith.constant 0 : i32
        %dma_start3A_336 = tpu.memref_slice %arg3[%add3A_330, %dma_start3A_335] : memref<2560x128xi32, #tpu.memory_space<hbm>> -> memref<8x128xi32, #tpu.memory_space<hbm>>
        %dma_start3A_337 = arith.constant 0 : i32
        %dma_start3A_338 = tpu.memref_slice %arg3[%add3A_330, %dma_start3A_337] : memref<2560x128xi32, #tpu.memory_space<hbm>> -> memref<8x128xi32, #tpu.memory_space<hbm>>
        tpu.enqueue_dma source(%dma_start3A_338 : memref<8x128xi32, #tpu.memory_space<hbm>>) target(%arg8 : memref<8x128xi32, #tpu.memory_space<vmem>>) target_semaphore(%arg13 : memref<!tpu.dma_semaphore, #tpu.memory_space<semaphore_mem>>)
      } else {
      }
      %add3A_186 = arith.constant 1 : i32
      %add3A_187 = arith.addi %add3A_52, %add3A_186 : i32
      %mul3A_188 = arith.constant 8 : i32
      %mul3A_189 = arith.muli %add3A_187, %mul3A_188 : i32
      %add3A_190 = arith.addi %mul3A_4, %mul3A_189 : i32
      %dma_wait3A_191 = arith.constant 0 : i32
      %dma_wait3A_192 = tpu.memref_slice %arg4[%add3A_190, %dma_wait3A_191] : memref<2560x128xi32, #tpu.memory_space<hbm>> -> memref<8x128xi32, #tpu.memory_space<hbm>>
      %dma_wait3A_193 = arith.constant 0 : i32
      %dma_wait3A_194 = tpu.memref_slice %arg4[%add3A_190, %dma_wait3A_193] : memref<2560x128xi32, #tpu.memory_space<hbm>> -> memref<8x128xi32, #tpu.memory_space<hbm>>
      tpu.wait_dma2 semaphore(%arg14 : memref<!tpu.dma_semaphore, #tpu.memory_space<semaphore_mem>>) src(%dma_wait3A_194 : memref<8x128xi32, #tpu.memory_space<hbm>>) dst(%arg7 : memref<8x128xi32, #tpu.memory_space<vmem>>)
      %dma_wait3A_195 = arith.constant 0 : i32
      %dma_wait3A_196 = tpu.memref_slice %arg3[%add3A_190, %dma_wait3A_195] : memref<2560x128xi32, #tpu.memory_space<hbm>> -> memref<8x128xi32, #tpu.memory_space<hbm>>
      %dma_wait3A_197 = arith.constant 0 : i32
      %dma_wait3A_198 = tpu.memref_slice %arg3[%add3A_190, %dma_wait3A_197] : memref<2560x128xi32, #tpu.memory_space<hbm>> -> memref<8x128xi32, #tpu.memory_space<hbm>>
      tpu.wait_dma2 semaphore(%arg14 : memref<!tpu.dma_semaphore, #tpu.memory_space<semaphore_mem>>) src(%dma_wait3A_198 : memref<8x128xi32, #tpu.memory_space<hbm>>) dst(%arg9 : memref<8x128xi32, #tpu.memory_space<vmem>>)
      %dma_start3A_199 = arith.constant 0 : i32
      %dma_start3A_200 = arith.constant 0 : i32
      %dma_start3A_201 = tpu.memref_slice %arg7[%dma_start3A_199, %dma_start3A_200] : memref<8x128xi32, #tpu.memory_space<vmem>> -> memref<1x128xi32, #tpu.memory_space<vmem>>
      %dma_start3A_202 = tpu.memref_squeeze %dma_start3A_201 : memref<1x128xi32, #tpu.memory_space<vmem>> -> memref<128xi32, #tpu.memory_space<vmem>>
      %dma_start3A_203 = arith.constant 0 : i32
      %dma_start3A_204 = arith.constant 0 : i32
      %dma_start3A_205 = tpu.memref_slice %arg2[%dma_start3A_203, %dma_start3A_204] : memref<10000x128xf32, #tpu.memory_space<hbm>> -> memref<10000x128xf32, #tpu.memory_space<hbm>>
      tpu.enqueue_indirect_dma source(%dma_start3A_205 : memref<10000x128xf32, #tpu.memory_space<hbm>>) target(%arg10 : memref<128x128xf32, #tpu.memory_space<vmem>>) offsets(%dma_start3A_202 : memref<128xi32, #tpu.memory_space<vmem>>) semaphore(%arg15 : memref<!tpu.dma_semaphore, #tpu.memory_space<semaphore_mem>>)
      %dma_start3A_206 = arith.constant 1 : i32
      %dma_start3A_207 = arith.constant 0 : i32
      %dma_start3A_208 = tpu.memref_slice %arg7[%dma_start3A_206, %dma_start3A_207] : memref<8x128xi32, #tpu.memory_space<vmem>> -> memref<1x128xi32, #tpu.memory_space<vmem>>
      %dma_start3A_209 = tpu.memref_squeeze %dma_start3A_208 : memref<1x128xi32, #tpu.memory_space<vmem>> -> memref<128xi32, #tpu.memory_space<vmem>>
      %dma_start3A_210 = arith.constant 0 : i32
      %dma_start3A_211 = arith.constant 0 : i32
      %dma_start3A_212 = tpu.memref_slice %arg2[%dma_start3A_210, %dma_start3A_211] : memref<10000x128xf32, #tpu.memory_space<hbm>> -> memref<10000x128xf32, #tpu.memory_space<hbm>>
      tpu.enqueue_indirect_dma source(%dma_start3A_212 : memref<10000x128xf32, #tpu.memory_space<hbm>>) target(%arg11 : memref<128x128xf32, #tpu.memory_space<vmem>>) offsets(%dma_start3A_209 : memref<128xi32, #tpu.memory_space<vmem>>) semaphore(%arg16 : memref<!tpu.dma_semaphore, #tpu.memory_space<semaphore_mem>>)
      %dma_wait3A_213 = arith.constant 0 : i32
      %dma_wait3A_214 = arith.constant 0 : i32
      %dma_wait3A_215 = tpu.memref_slice %arg7[%dma_wait3A_213, %dma_wait3A_214] : memref<8x128xi32, #tpu.memory_space<vmem>> -> memref<1x128xi32, #tpu.memory_space<vmem>>
      %dma_wait3A_216 = tpu.memref_squeeze %dma_wait3A_215 : memref<1x128xi32, #tpu.memory_space<vmem>> -> memref<128xi32, #tpu.memory_space<vmem>>
      %dma_wait3A_217 = arith.constant 0 : i32
      %dma_wait3A_218 = arith.constant 0 : i32
      %dma_wait3A_219 = tpu.memref_slice %arg2[%dma_wait3A_217, %dma_wait3A_218] : memref<10000x128xf32, #tpu.memory_space<hbm>> -> memref<10000x128xf32, #tpu.memory_space<hbm>>
      tpu.wait_indirect_dma semaphore(%arg15 : memref<!tpu.dma_semaphore, #tpu.memory_space<semaphore_mem>>) src(%dma_wait3A_219 : memref<10000x128xf32, #tpu.memory_space<hbm>>) dst(%arg10 : memref<128x128xf32, #tpu.memory_space<vmem>>)
      %run_scoped3A_220 = arith.constant 0 : i32
      "tpu.region"() ({
        %run_scoped3A_326 = tpu.sem_alloc : memref<!tpu.dma_semaphore, #tpu.memory_space<semaphore_mem>>
        %dma_start3A_327 = arith.constant 0 : i32
        %dma_start3A_328 = tpu.memref_slice %arg9[%run_scoped3A_220, %dma_start3A_327] : memref<8x128xi32, #tpu.memory_space<vmem>> -> memref<1x128xi32, #tpu.memory_space<vmem>>
        %dma_start3A_329 = tpu.memref_squeeze %dma_start3A_328 : memref<1x128xi32, #tpu.memory_space<vmem>> -> memref<128xi32, #tpu.memory_space<vmem>>
        %dma_start3A_330 = arith.constant 0 : i32
        %dma_start3A_331 = arith.constant 0 : i32
        %dma_start3A_332 = tpu.memref_slice %arg12[%dma_start3A_330, %dma_start3A_331] : memref<10112x128xf32, #tpu.memory_space<vmem_shared>> -> memref<10112x128xf32, #tpu.memory_space<vmem_shared>>
        tpu.enqueue_indirect_dma source(%arg10 : memref<128x128xf32, #tpu.memory_space<vmem>>) target(%dma_start3A_332 : memref<10112x128xf32, #tpu.memory_space<vmem_shared>>) offsets(%dma_start3A_329 : memref<128xi32, #tpu.memory_space<vmem>>) semaphore(%run_scoped3A_326 : memref<!tpu.dma_semaphore, #tpu.memory_space<semaphore_mem>>) {add = true}
        %dma_wait3A_333 = arith.constant 0 : i32
        %dma_wait3A_334 = tpu.memref_slice %arg9[%run_scoped3A_220, %dma_wait3A_333] : memref<8x128xi32, #tpu.memory_space<vmem>> -> memref<1x128xi32, #tpu.memory_space<vmem>>
        %dma_wait3A_335 = tpu.memref_squeeze %dma_wait3A_334 : memref<1x128xi32, #tpu.memory_space<vmem>> -> memref<128xi32, #tpu.memory_space<vmem>>
        %dma_wait3A_336 = arith.constant 0 : i32
        %dma_wait3A_337 = arith.constant 0 : i32
        %dma_wait3A_338 = tpu.memref_slice %arg12[%dma_wait3A_336, %dma_wait3A_337] : memref<10112x128xf32, #tpu.memory_space<vmem_shared>> -> memref<10112x128xf32, #tpu.memory_space<vmem_shared>>
        tpu.wait_indirect_dma semaphore(%run_scoped3A_326 : memref<!tpu.dma_semaphore, #tpu.memory_space<semaphore_mem>>) src(%arg10 : memref<128x128xf32, #tpu.memory_space<vmem>>) dst(%dma_wait3A_338 : memref<10112x128xf32, #tpu.memory_space<vmem_shared>>)
        tpu.yield
      }) : () -> ()
      %dma_start3A_221 = arith.constant 2 : i32
      %dma_start3A_222 = arith.constant 0 : i32
      %dma_start3A_223 = tpu.memref_slice %arg7[%dma_start3A_221, %dma_start3A_222] : memref<8x128xi32, #tpu.memory_space<vmem>> -> memref<1x128xi32, #tpu.memory_space<vmem>>
      %dma_start3A_224 = tpu.memref_squeeze %dma_start3A_223 : memref<1x128xi32, #tpu.memory_space<vmem>> -> memref<128xi32, #tpu.memory_space<vmem>>
      %dma_start3A_225 = arith.constant 0 : i32
      %dma_start3A_226 = arith.constant 0 : i32
      %dma_start3A_227 = tpu.memref_slice %arg2[%dma_start3A_225, %dma_start3A_226] : memref<10000x128xf32, #tpu.memory_space<hbm>> -> memref<10000x128xf32, #tpu.memory_space<hbm>>
      tpu.enqueue_indirect_dma source(%dma_start3A_227 : memref<10000x128xf32, #tpu.memory_space<hbm>>) target(%arg10 : memref<128x128xf32, #tpu.memory_space<vmem>>) offsets(%dma_start3A_224 : memref<128xi32, #tpu.memory_space<vmem>>) semaphore(%arg15 : memref<!tpu.dma_semaphore, #tpu.memory_space<semaphore_mem>>)
      %dma_wait3A_228 = arith.constant 1 : i32
      %dma_wait3A_229 = arith.constant 0 : i32
      %dma_wait3A_230 = tpu.memref_slice %arg7[%dma_wait3A_228, %dma_wait3A_229] : memref<8x128xi32, #tpu.memory_space<vmem>> -> memref<1x128xi32, #tpu.memory_space<vmem>>
      %dma_wait3A_231 = tpu.memref_squeeze %dma_wait3A_230 : memref<1x128xi32, #tpu.memory_space<vmem>> -> memref<128xi32, #tpu.memory_space<vmem>>
      %dma_wait3A_232 = arith.constant 0 : i32
      %dma_wait3A_233 = arith.constant 0 : i32
      %dma_wait3A_234 = tpu.memref_slice %arg2[%dma_wait3A_232, %dma_wait3A_233] : memref<10000x128xf32, #tpu.memory_space<hbm>> -> memref<10000x128xf32, #tpu.memory_space<hbm>>
      tpu.wait_indirect_dma semaphore(%arg16 : memref<!tpu.dma_semaphore, #tpu.memory_space<semaphore_mem>>) src(%dma_wait3A_234 : memref<10000x128xf32, #tpu.memory_space<hbm>>) dst(%arg11 : memref<128x128xf32, #tpu.memory_space<vmem>>)
      %run_scoped3A_235 = arith.constant 1 : i32
      "tpu.region"() ({
        %run_scoped3A_326 = tpu.sem_alloc : memref<!tpu.dma_semaphore, #tpu.memory_space<semaphore_mem>>
        %dma_start3A_327 = arith.constant 0 : i32
        %dma_start3A_328 = tpu.memref_slice %arg9[%run_scoped3A_235, %dma_start3A_327] : memref<8x128xi32, #tpu.memory_space<vmem>> -> memref<1x128xi32, #tpu.memory_space<vmem>>
        %dma_start3A_329 = tpu.memref_squeeze %dma_start3A_328 : memref<1x128xi32, #tpu.memory_space<vmem>> -> memref<128xi32, #tpu.memory_space<vmem>>
        %dma_start3A_330 = arith.constant 0 : i32
        %dma_start3A_331 = arith.constant 0 : i32
        %dma_start3A_332 = tpu.memref_slice %arg12[%dma_start3A_330, %dma_start3A_331] : memref<10112x128xf32, #tpu.memory_space<vmem_shared>> -> memref<10112x128xf32, #tpu.memory_space<vmem_shared>>
        tpu.enqueue_indirect_dma source(%arg11 : memref<128x128xf32, #tpu.memory_space<vmem>>) target(%dma_start3A_332 : memref<10112x128xf32, #tpu.memory_space<vmem_shared>>) offsets(%dma_start3A_329 : memref<128xi32, #tpu.memory_space<vmem>>) semaphore(%run_scoped3A_326 : memref<!tpu.dma_semaphore, #tpu.memory_space<semaphore_mem>>) {add = true}
        %dma_wait3A_333 = arith.constant 0 : i32
        %dma_wait3A_334 = tpu.memref_slice %arg9[%run_scoped3A_235, %dma_wait3A_333] : memref<8x128xi32, #tpu.memory_space<vmem>> -> memref<1x128xi32, #tpu.memory_space<vmem>>
        %dma_wait3A_335 = tpu.memref_squeeze %dma_wait3A_334 : memref<1x128xi32, #tpu.memory_space<vmem>> -> memref<128xi32, #tpu.memory_space<vmem>>
        %dma_wait3A_336 = arith.constant 0 : i32
        %dma_wait3A_337 = arith.constant 0 : i32
        %dma_wait3A_338 = tpu.memref_slice %arg12[%dma_wait3A_336, %dma_wait3A_337] : memref<10112x128xf32, #tpu.memory_space<vmem_shared>> -> memref<10112x128xf32, #tpu.memory_space<vmem_shared>>
        tpu.wait_indirect_dma semaphore(%run_scoped3A_326 : memref<!tpu.dma_semaphore, #tpu.memory_space<semaphore_mem>>) src(%arg11 : memref<128x128xf32, #tpu.memory_space<vmem>>) dst(%dma_wait3A_338 : memref<10112x128xf32, #tpu.memory_space<vmem_shared>>)
        tpu.yield
      }) : () -> ()
      %dma_start3A_236 = arith.constant 3 : i32
      %dma_start3A_237 = arith.constant 0 : i32
      %dma_start3A_238 = tpu.memref_slice %arg7[%dma_start3A_236, %dma_start3A_237] : memref<8x128xi32, #tpu.memory_space<vmem>> -> memref<1x128xi32, #tpu.memory_space<vmem>>
      %dma_start3A_239 = tpu.memref_squeeze %dma_start3A_238 : memref<1x128xi32, #tpu.memory_space<vmem>> -> memref<128xi32, #tpu.memory_space<vmem>>
      %dma_start3A_240 = arith.constant 0 : i32
      %dma_start3A_241 = arith.constant 0 : i32
      %dma_start3A_242 = tpu.memref_slice %arg2[%dma_start3A_240, %dma_start3A_241] : memref<10000x128xf32, #tpu.memory_space<hbm>> -> memref<10000x128xf32, #tpu.memory_space<hbm>>
      tpu.enqueue_indirect_dma source(%dma_start3A_242 : memref<10000x128xf32, #tpu.memory_space<hbm>>) target(%arg11 : memref<128x128xf32, #tpu.memory_space<vmem>>) offsets(%dma_start3A_239 : memref<128xi32, #tpu.memory_space<vmem>>) semaphore(%arg16 : memref<!tpu.dma_semaphore, #tpu.memory_space<semaphore_mem>>)
      %dma_wait3A_243 = arith.constant 2 : i32
      %dma_wait3A_244 = arith.constant 0 : i32
      %dma_wait3A_245 = tpu.memref_slice %arg7[%dma_wait3A_243, %dma_wait3A_244] : memref<8x128xi32, #tpu.memory_space<vmem>> -> memref<1x128xi32, #tpu.memory_space<vmem>>
      %dma_wait3A_246 = tpu.memref_squeeze %dma_wait3A_245 : memref<1x128xi32, #tpu.memory_space<vmem>> -> memref<128xi32, #tpu.memory_space<vmem>>
      %dma_wait3A_247 = arith.constant 0 : i32
      %dma_wait3A_248 = arith.constant 0 : i32
      %dma_wait3A_249 = tpu.memref_slice %arg2[%dma_wait3A_247, %dma_wait3A_248] : memref<10000x128xf32, #tpu.memory_space<hbm>> -> memref<10000x128xf32, #tpu.memory_space<hbm>>
      tpu.wait_indirect_dma semaphore(%arg15 : memref<!tpu.dma_semaphore, #tpu.memory_space<semaphore_mem>>) src(%dma_wait3A_249 : memref<10000x128xf32, #tpu.memory_space<hbm>>) dst(%arg10 : memref<128x128xf32, #tpu.memory_space<vmem>>)
      %run_scoped3A_250 = arith.constant 2 : i32
      "tpu.region"() ({
        %run_scoped3A_326 = tpu.sem_alloc : memref<!tpu.dma_semaphore, #tpu.memory_space<semaphore_mem>>
        %dma_start3A_327 = arith.constant 0 : i32
        %dma_start3A_328 = tpu.memref_slice %arg9[%run_scoped3A_250, %dma_start3A_327] : memref<8x128xi32, #tpu.memory_space<vmem>> -> memref<1x128xi32, #tpu.memory_space<vmem>>
        %dma_start3A_329 = tpu.memref_squeeze %dma_start3A_328 : memref<1x128xi32, #tpu.memory_space<vmem>> -> memref<128xi32, #tpu.memory_space<vmem>>
        %dma_start3A_330 = arith.constant 0 : i32
        %dma_start3A_331 = arith.constant 0 : i32
        %dma_start3A_332 = tpu.memref_slice %arg12[%dma_start3A_330, %dma_start3A_331] : memref<10112x128xf32, #tpu.memory_space<vmem_shared>> -> memref<10112x128xf32, #tpu.memory_space<vmem_shared>>
        tpu.enqueue_indirect_dma source(%arg10 : memref<128x128xf32, #tpu.memory_space<vmem>>) target(%dma_start3A_332 : memref<10112x128xf32, #tpu.memory_space<vmem_shared>>) offsets(%dma_start3A_329 : memref<128xi32, #tpu.memory_space<vmem>>) semaphore(%run_scoped3A_326 : memref<!tpu.dma_semaphore, #tpu.memory_space<semaphore_mem>>) {add = true}
        %dma_wait3A_333 = arith.constant 0 : i32
        %dma_wait3A_334 = tpu.memref_slice %arg9[%run_scoped3A_250, %dma_wait3A_333] : memref<8x128xi32, #tpu.memory_space<vmem>> -> memref<1x128xi32, #tpu.memory_space<vmem>>
        %dma_wait3A_335 = tpu.memref_squeeze %dma_wait3A_334 : memref<1x128xi32, #tpu.memory_space<vmem>> -> memref<128xi32, #tpu.memory_space<vmem>>
        %dma_wait3A_336 = arith.constant 0 : i32
        %dma_wait3A_337 = arith.constant 0 : i32
        %dma_wait3A_338 = tpu.memref_slice %arg12[%dma_wait3A_336, %dma_wait3A_337] : memref<10112x128xf32, #tpu.memory_space<vmem_shared>> -> memref<10112x128xf32, #tpu.memory_space<vmem_shared>>
        tpu.wait_indirect_dma semaphore(%run_scoped3A_326 : memref<!tpu.dma_semaphore, #tpu.memory_space<semaphore_mem>>) src(%arg10 : memref<128x128xf32, #tpu.memory_space<vmem>>) dst(%dma_wait3A_338 : memref<10112x128xf32, #tpu.memory_space<vmem_shared>>)
        tpu.yield
      }) : () -> ()
      %dma_start3A_251 = arith.constant 4 : i32
      %dma_start3A_252 = arith.constant 0 : i32
      %dma_start3A_253 = tpu.memref_slice %arg7[%dma_start3A_251, %dma_start3A_252] : memref<8x128xi32, #tpu.memory_space<vmem>> -> memref<1x128xi32, #tpu.memory_space<vmem>>
      %dma_start3A_254 = tpu.memref_squeeze %dma_start3A_253 : memref<1x128xi32, #tpu.memory_space<vmem>> -> memref<128xi32, #tpu.memory_space<vmem>>
      %dma_start3A_255 = arith.constant 0 : i32
      %dma_start3A_256 = arith.constant 0 : i32
      %dma_start3A_257 = tpu.memref_slice %arg2[%dma_start3A_255, %dma_start3A_256] : memref<10000x128xf32, #tpu.memory_space<hbm>> -> memref<10000x128xf32, #tpu.memory_space<hbm>>
      tpu.enqueue_indirect_dma source(%dma_start3A_257 : memref<10000x128xf32, #tpu.memory_space<hbm>>) target(%arg10 : memref<128x128xf32, #tpu.memory_space<vmem>>) offsets(%dma_start3A_254 : memref<128xi32, #tpu.memory_space<vmem>>) semaphore(%arg15 : memref<!tpu.dma_semaphore, #tpu.memory_space<semaphore_mem>>)
      %dma_wait3A_258 = arith.constant 3 : i32
      %dma_wait3A_259 = arith.constant 0 : i32
      %dma_wait3A_260 = tpu.memref_slice %arg7[%dma_wait3A_258, %dma_wait3A_259] : memref<8x128xi32, #tpu.memory_space<vmem>> -> memref<1x128xi32, #tpu.memory_space<vmem>>
      %dma_wait3A_261 = tpu.memref_squeeze %dma_wait3A_260 : memref<1x128xi32, #tpu.memory_space<vmem>> -> memref<128xi32, #tpu.memory_space<vmem>>
      %dma_wait3A_262 = arith.constant 0 : i32
      %dma_wait3A_263 = arith.constant 0 : i32
      %dma_wait3A_264 = tpu.memref_slice %arg2[%dma_wait3A_262, %dma_wait3A_263] : memref<10000x128xf32, #tpu.memory_space<hbm>> -> memref<10000x128xf32, #tpu.memory_space<hbm>>
      tpu.wait_indirect_dma semaphore(%arg16 : memref<!tpu.dma_semaphore, #tpu.memory_space<semaphore_mem>>) src(%dma_wait3A_264 : memref<10000x128xf32, #tpu.memory_space<hbm>>) dst(%arg11 : memref<128x128xf32, #tpu.memory_space<vmem>>)
      %run_scoped3A_265 = arith.constant 3 : i32
      "tpu.region"() ({
        %run_scoped3A_326 = tpu.sem_alloc : memref<!tpu.dma_semaphore, #tpu.memory_space<semaphore_mem>>
        %dma_start3A_327 = arith.constant 0 : i32
        %dma_start3A_328 = tpu.memref_slice %arg9[%run_scoped3A_265, %dma_start3A_327] : memref<8x128xi32, #tpu.memory_space<vmem>> -> memref<1x128xi32, #tpu.memory_space<vmem>>
        %dma_start3A_329 = tpu.memref_squeeze %dma_start3A_328 : memref<1x128xi32, #tpu.memory_space<vmem>> -> memref<128xi32, #tpu.memory_space<vmem>>
        %dma_start3A_330 = arith.constant 0 : i32
        %dma_start3A_331 = arith.constant 0 : i32
        %dma_start3A_332 = tpu.memref_slice %arg12[%dma_start3A_330, %dma_start3A_331] : memref<10112x128xf32, #tpu.memory_space<vmem_shared>> -> memref<10112x128xf32, #tpu.memory_space<vmem_shared>>
        tpu.enqueue_indirect_dma source(%arg11 : memref<128x128xf32, #tpu.memory_space<vmem>>) target(%dma_start3A_332 : memref<10112x128xf32, #tpu.memory_space<vmem_shared>>) offsets(%dma_start3A_329 : memref<128xi32, #tpu.memory_space<vmem>>) semaphore(%run_scoped3A_326 : memref<!tpu.dma_semaphore, #tpu.memory_space<semaphore_mem>>) {add = true}
        %dma_wait3A_333 = arith.constant 0 : i32
        %dma_wait3A_334 = tpu.memref_slice %arg9[%run_scoped3A_265, %dma_wait3A_333] : memref<8x128xi32, #tpu.memory_space<vmem>> -> memref<1x128xi32, #tpu.memory_space<vmem>>
        %dma_wait3A_335 = tpu.memref_squeeze %dma_wait3A_334 : memref<1x128xi32, #tpu.memory_space<vmem>> -> memref<128xi32, #tpu.memory_space<vmem>>
        %dma_wait3A_336 = arith.constant 0 : i32
        %dma_wait3A_337 = arith.constant 0 : i32
        %dma_wait3A_338 = tpu.memref_slice %arg12[%dma_wait3A_336, %dma_wait3A_337] : memref<10112x128xf32, #tpu.memory_space<vmem_shared>> -> memref<10112x128xf32, #tpu.memory_space<vmem_shared>>
        tpu.wait_indirect_dma semaphore(%run_scoped3A_326 : memref<!tpu.dma_semaphore, #tpu.memory_space<semaphore_mem>>) src(%arg11 : memref<128x128xf32, #tpu.memory_space<vmem>>) dst(%dma_wait3A_338 : memref<10112x128xf32, #tpu.memory_space<vmem_shared>>)
        tpu.yield
      }) : () -> ()
      %dma_start3A_266 = arith.constant 5 : i32
      %dma_start3A_267 = arith.constant 0 : i32
      %dma_start3A_268 = tpu.memref_slice %arg7[%dma_start3A_266, %dma_start3A_267] : memref<8x128xi32, #tpu.memory_space<vmem>> -> memref<1x128xi32, #tpu.memory_space<vmem>>
      %dma_start3A_269 = tpu.memref_squeeze %dma_start3A_268 : memref<1x128xi32, #tpu.memory_space<vmem>> -> memref<128xi32, #tpu.memory_space<vmem>>
      %dma_start3A_270 = arith.constant 0 : i32
      %dma_start3A_271 = arith.constant 0 : i32
      %dma_start3A_272 = tpu.memref_slice %arg2[%dma_start3A_270, %dma_start3A_271] : memref<10000x128xf32, #tpu.memory_space<hbm>> -> memref<10000x128xf32, #tpu.memory_space<hbm>>
      tpu.enqueue_indirect_dma source(%dma_start3A_272 : memref<10000x128xf32, #tpu.memory_space<hbm>>) target(%arg11 : memref<128x128xf32, #tpu.memory_space<vmem>>) offsets(%dma_start3A_269 : memref<128xi32, #tpu.memory_space<vmem>>) semaphore(%arg16 : memref<!tpu.dma_semaphore, #tpu.memory_space<semaphore_mem>>)
      %dma_wait3A_273 = arith.constant 4 : i32
      %dma_wait3A_274 = arith.constant 0 : i32
      %dma_wait3A_275 = tpu.memref_slice %arg7[%dma_wait3A_273, %dma_wait3A_274] : memref<8x128xi32, #tpu.memory_space<vmem>> -> memref<1x128xi32, #tpu.memory_space<vmem>>
      %dma_wait3A_276 = tpu.memref_squeeze %dma_wait3A_275 : memref<1x128xi32, #tpu.memory_space<vmem>> -> memref<128xi32, #tpu.memory_space<vmem>>
      %dma_wait3A_277 = arith.constant 0 : i32
      %dma_wait3A_278 = arith.constant 0 : i32
      %dma_wait3A_279 = tpu.memref_slice %arg2[%dma_wait3A_277, %dma_wait3A_278] : memref<10000x128xf32, #tpu.memory_space<hbm>> -> memref<10000x128xf32, #tpu.memory_space<hbm>>
      tpu.wait_indirect_dma semaphore(%arg15 : memref<!tpu.dma_semaphore, #tpu.memory_space<semaphore_mem>>) src(%dma_wait3A_279 : memref<10000x128xf32, #tpu.memory_space<hbm>>) dst(%arg10 : memref<128x128xf32, #tpu.memory_space<vmem>>)
      %run_scoped3A_280 = arith.constant 4 : i32
      "tpu.region"() ({
        %run_scoped3A_326 = tpu.sem_alloc : memref<!tpu.dma_semaphore, #tpu.memory_space<semaphore_mem>>
        %dma_start3A_327 = arith.constant 0 : i32
        %dma_start3A_328 = tpu.memref_slice %arg9[%run_scoped3A_280, %dma_start3A_327] : memref<8x128xi32, #tpu.memory_space<vmem>> -> memref<1x128xi32, #tpu.memory_space<vmem>>
        %dma_start3A_329 = tpu.memref_squeeze %dma_start3A_328 : memref<1x128xi32, #tpu.memory_space<vmem>> -> memref<128xi32, #tpu.memory_space<vmem>>
        %dma_start3A_330 = arith.constant 0 : i32
        %dma_start3A_331 = arith.constant 0 : i32
        %dma_start3A_332 = tpu.memref_slice %arg12[%dma_start3A_330, %dma_start3A_331] : memref<10112x128xf32, #tpu.memory_space<vmem_shared>> -> memref<10112x128xf32, #tpu.memory_space<vmem_shared>>
        tpu.enqueue_indirect_dma source(%arg10 : memref<128x128xf32, #tpu.memory_space<vmem>>) target(%dma_start3A_332 : memref<10112x128xf32, #tpu.memory_space<vmem_shared>>) offsets(%dma_start3A_329 : memref<128xi32, #tpu.memory_space<vmem>>) semaphore(%run_scoped3A_326 : memref<!tpu.dma_semaphore, #tpu.memory_space<semaphore_mem>>) {add = true}
        %dma_wait3A_333 = arith.constant 0 : i32
        %dma_wait3A_334 = tpu.memref_slice %arg9[%run_scoped3A_280, %dma_wait3A_333] : memref<8x128xi32, #tpu.memory_space<vmem>> -> memref<1x128xi32, #tpu.memory_space<vmem>>
        %dma_wait3A_335 = tpu.memref_squeeze %dma_wait3A_334 : memref<1x128xi32, #tpu.memory_space<vmem>> -> memref<128xi32, #tpu.memory_space<vmem>>
        %dma_wait3A_336 = arith.constant 0 : i32
        %dma_wait3A_337 = arith.constant 0 : i32
        %dma_wait3A_338 = tpu.memref_slice %arg12[%dma_wait3A_336, %dma_wait3A_337] : memref<10112x128xf32, #tpu.memory_space<vmem_shared>> -> memref<10112x128xf32, #tpu.memory_space<vmem_shared>>
        tpu.wait_indirect_dma semaphore(%run_scoped3A_326 : memref<!tpu.dma_semaphore, #tpu.memory_space<semaphore_mem>>) src(%arg10 : memref<128x128xf32, #tpu.memory_space<vmem>>) dst(%dma_wait3A_338 : memref<10112x128xf32, #tpu.memory_space<vmem_shared>>)
        tpu.yield
      }) : () -> ()
      %dma_start3A_281 = arith.constant 6 : i32
      %dma_start3A_282 = arith.constant 0 : i32
      %dma_start3A_283 = tpu.memref_slice %arg7[%dma_start3A_281, %dma_start3A_282] : memref<8x128xi32, #tpu.memory_space<vmem>> -> memref<1x128xi32, #tpu.memory_space<vmem>>
      %dma_start3A_284 = tpu.memref_squeeze %dma_start3A_283 : memref<1x128xi32, #tpu.memory_space<vmem>> -> memref<128xi32, #tpu.memory_space<vmem>>
      %dma_start3A_285 = arith.constant 0 : i32
      %dma_start3A_286 = arith.constant 0 : i32
      %dma_start3A_287 = tpu.memref_slice %arg2[%dma_start3A_285, %dma_start3A_286] : memref<10000x128xf32, #tpu.memory_space<hbm>> -> memref<10000x128xf32, #tpu.memory_space<hbm>>
      tpu.enqueue_indirect_dma source(%dma_start3A_287 : memref<10000x128xf32, #tpu.memory_space<hbm>>) target(%arg10 : memref<128x128xf32, #tpu.memory_space<vmem>>) offsets(%dma_start3A_284 : memref<128xi32, #tpu.memory_space<vmem>>) semaphore(%arg15 : memref<!tpu.dma_semaphore, #tpu.memory_space<semaphore_mem>>)
      %dma_wait3A_288 = arith.constant 5 : i32
      %dma_wait3A_289 = arith.constant 0 : i32
      %dma_wait3A_290 = tpu.memref_slice %arg7[%dma_wait3A_288, %dma_wait3A_289] : memref<8x128xi32, #tpu.memory_space<vmem>> -> memref<1x128xi32, #tpu.memory_space<vmem>>
      %dma_wait3A_291 = tpu.memref_squeeze %dma_wait3A_290 : memref<1x128xi32, #tpu.memory_space<vmem>> -> memref<128xi32, #tpu.memory_space<vmem>>
      %dma_wait3A_292 = arith.constant 0 : i32
      %dma_wait3A_293 = arith.constant 0 : i32
      %dma_wait3A_294 = tpu.memref_slice %arg2[%dma_wait3A_292, %dma_wait3A_293] : memref<10000x128xf32, #tpu.memory_space<hbm>> -> memref<10000x128xf32, #tpu.memory_space<hbm>>
      tpu.wait_indirect_dma semaphore(%arg16 : memref<!tpu.dma_semaphore, #tpu.memory_space<semaphore_mem>>) src(%dma_wait3A_294 : memref<10000x128xf32, #tpu.memory_space<hbm>>) dst(%arg11 : memref<128x128xf32, #tpu.memory_space<vmem>>)
      %run_scoped3A_295 = arith.constant 5 : i32
      "tpu.region"() ({
        %run_scoped3A_326 = tpu.sem_alloc : memref<!tpu.dma_semaphore, #tpu.memory_space<semaphore_mem>>
        %dma_start3A_327 = arith.constant 0 : i32
        %dma_start3A_328 = tpu.memref_slice %arg9[%run_scoped3A_295, %dma_start3A_327] : memref<8x128xi32, #tpu.memory_space<vmem>> -> memref<1x128xi32, #tpu.memory_space<vmem>>
        %dma_start3A_329 = tpu.memref_squeeze %dma_start3A_328 : memref<1x128xi32, #tpu.memory_space<vmem>> -> memref<128xi32, #tpu.memory_space<vmem>>
        %dma_start3A_330 = arith.constant 0 : i32
        %dma_start3A_331 = arith.constant 0 : i32
        %dma_start3A_332 = tpu.memref_slice %arg12[%dma_start3A_330, %dma_start3A_331] : memref<10112x128xf32, #tpu.memory_space<vmem_shared>> -> memref<10112x128xf32, #tpu.memory_space<vmem_shared>>
        tpu.enqueue_indirect_dma source(%arg11 : memref<128x128xf32, #tpu.memory_space<vmem>>) target(%dma_start3A_332 : memref<10112x128xf32, #tpu.memory_space<vmem_shared>>) offsets(%dma_start3A_329 : memref<128xi32, #tpu.memory_space<vmem>>) semaphore(%run_scoped3A_326 : memref<!tpu.dma_semaphore, #tpu.memory_space<semaphore_mem>>) {add = true}
        %dma_wait3A_333 = arith.constant 0 : i32
        %dma_wait3A_334 = tpu.memref_slice %arg9[%run_scoped3A_295, %dma_wait3A_333] : memref<8x128xi32, #tpu.memory_space<vmem>> -> memref<1x128xi32, #tpu.memory_space<vmem>>
        %dma_wait3A_335 = tpu.memref_squeeze %dma_wait3A_334 : memref<1x128xi32, #tpu.memory_space<vmem>> -> memref<128xi32, #tpu.memory_space<vmem>>
        %dma_wait3A_336 = arith.constant 0 : i32
        %dma_wait3A_337 = arith.constant 0 : i32
        %dma_wait3A_338 = tpu.memref_slice %arg12[%dma_wait3A_336, %dma_wait3A_337] : memref<10112x128xf32, #tpu.memory_space<vmem_shared>> -> memref<10112x128xf32, #tpu.memory_space<vmem_shared>>
        tpu.wait_indirect_dma semaphore(%run_scoped3A_326 : memref<!tpu.dma_semaphore, #tpu.memory_space<semaphore_mem>>) src(%arg11 : memref<128x128xf32, #tpu.memory_space<vmem>>) dst(%dma_wait3A_338 : memref<10112x128xf32, #tpu.memory_space<vmem_shared>>)
        tpu.yield
      }) : () -> ()
      %dma_start3A_296 = arith.constant 7 : i32
      %dma_start3A_297 = arith.constant 0 : i32
      %dma_start3A_298 = tpu.memref_slice %arg7[%dma_start3A_296, %dma_start3A_297] : memref<8x128xi32, #tpu.memory_space<vmem>> -> memref<1x128xi32, #tpu.memory_space<vmem>>
      %dma_start3A_299 = tpu.memref_squeeze %dma_start3A_298 : memref<1x128xi32, #tpu.memory_space<vmem>> -> memref<128xi32, #tpu.memory_space<vmem>>
      %dma_start3A_300 = arith.constant 0 : i32
      %dma_start3A_301 = arith.constant 0 : i32
      %dma_start3A_302 = tpu.memref_slice %arg2[%dma_start3A_300, %dma_start3A_301] : memref<10000x128xf32, #tpu.memory_space<hbm>> -> memref<10000x128xf32, #tpu.memory_space<hbm>>
      tpu.enqueue_indirect_dma source(%dma_start3A_302 : memref<10000x128xf32, #tpu.memory_space<hbm>>) target(%arg11 : memref<128x128xf32, #tpu.memory_space<vmem>>) offsets(%dma_start3A_299 : memref<128xi32, #tpu.memory_space<vmem>>) semaphore(%arg16 : memref<!tpu.dma_semaphore, #tpu.memory_space<semaphore_mem>>)
      %dma_wait3A_303 = arith.constant 6 : i32
      %dma_wait3A_304 = arith.constant 0 : i32
      %dma_wait3A_305 = tpu.memref_slice %arg7[%dma_wait3A_303, %dma_wait3A_304] : memref<8x128xi32, #tpu.memory_space<vmem>> -> memref<1x128xi32, #tpu.memory_space<vmem>>
      %dma_wait3A_306 = tpu.memref_squeeze %dma_wait3A_305 : memref<1x128xi32, #tpu.memory_space<vmem>> -> memref<128xi32, #tpu.memory_space<vmem>>
      %dma_wait3A_307 = arith.constant 0 : i32
      %dma_wait3A_308 = arith.constant 0 : i32
      %dma_wait3A_309 = tpu.memref_slice %arg2[%dma_wait3A_307, %dma_wait3A_308] : memref<10000x128xf32, #tpu.memory_space<hbm>> -> memref<10000x128xf32, #tpu.memory_space<hbm>>
      tpu.wait_indirect_dma semaphore(%arg15 : memref<!tpu.dma_semaphore, #tpu.memory_space<semaphore_mem>>) src(%dma_wait3A_309 : memref<10000x128xf32, #tpu.memory_space<hbm>>) dst(%arg10 : memref<128x128xf32, #tpu.memory_space<vmem>>)
      %run_scoped3A_310 = arith.constant 6 : i32
      "tpu.region"() ({
        %run_scoped3A_326 = tpu.sem_alloc : memref<!tpu.dma_semaphore, #tpu.memory_space<semaphore_mem>>
        %dma_start3A_327 = arith.constant 0 : i32
        %dma_start3A_328 = tpu.memref_slice %arg9[%run_scoped3A_310, %dma_start3A_327] : memref<8x128xi32, #tpu.memory_space<vmem>> -> memref<1x128xi32, #tpu.memory_space<vmem>>
        %dma_start3A_329 = tpu.memref_squeeze %dma_start3A_328 : memref<1x128xi32, #tpu.memory_space<vmem>> -> memref<128xi32, #tpu.memory_space<vmem>>
        %dma_start3A_330 = arith.constant 0 : i32
        %dma_start3A_331 = arith.constant 0 : i32
        %dma_start3A_332 = tpu.memref_slice %arg12[%dma_start3A_330, %dma_start3A_331] : memref<10112x128xf32, #tpu.memory_space<vmem_shared>> -> memref<10112x128xf32, #tpu.memory_space<vmem_shared>>
        tpu.enqueue_indirect_dma source(%arg10 : memref<128x128xf32, #tpu.memory_space<vmem>>) target(%dma_start3A_332 : memref<10112x128xf32, #tpu.memory_space<vmem_shared>>) offsets(%dma_start3A_329 : memref<128xi32, #tpu.memory_space<vmem>>) semaphore(%run_scoped3A_326 : memref<!tpu.dma_semaphore, #tpu.memory_space<semaphore_mem>>) {add = true}
        %dma_wait3A_333 = arith.constant 0 : i32
        %dma_wait3A_334 = tpu.memref_slice %arg9[%run_scoped3A_310, %dma_wait3A_333] : memref<8x128xi32, #tpu.memory_space<vmem>> -> memref<1x128xi32, #tpu.memory_space<vmem>>
        %dma_wait3A_335 = tpu.memref_squeeze %dma_wait3A_334 : memref<1x128xi32, #tpu.memory_space<vmem>> -> memref<128xi32, #tpu.memory_space<vmem>>
        %dma_wait3A_336 = arith.constant 0 : i32
        %dma_wait3A_337 = arith.constant 0 : i32
        %dma_wait3A_338 = tpu.memref_slice %arg12[%dma_wait3A_336, %dma_wait3A_337] : memref<10112x128xf32, #tpu.memory_space<vmem_shared>> -> memref<10112x128xf32, #tpu.memory_space<vmem_shared>>
        tpu.wait_indirect_dma semaphore(%run_scoped3A_326 : memref<!tpu.dma_semaphore, #tpu.memory_space<semaphore_mem>>) src(%arg10 : memref<128x128xf32, #tpu.memory_space<vmem>>) dst(%dma_wait3A_338 : memref<10112x128xf32, #tpu.memory_space<vmem_shared>>)
        tpu.yield
      }) : () -> ()
      %dma_wait3A_311 = arith.constant 7 : i32
      %dma_wait3A_312 = arith.constant 0 : i32
      %dma_wait3A_313 = tpu.memref_slice %arg7[%dma_wait3A_311, %dma_wait3A_312] : memref<8x128xi32, #tpu.memory_space<vmem>> -> memref<1x128xi32, #tpu.memory_space<vmem>>
      %dma_wait3A_314 = tpu.memref_squeeze %dma_wait3A_313 : memref<1x128xi32, #tpu.memory_space<vmem>> -> memref<128xi32, #tpu.memory_space<vmem>>
      %dma_wait3A_315 = arith.constant 0 : i32
      %dma_wait3A_316 = arith.constant 0 : i32
      %dma_wait3A_317 = tpu.memref_slice %arg2[%dma_wait3A_315, %dma_wait3A_316] : memref<10000x128xf32, #tpu.memory_space<hbm>> -> memref<10000x128xf32, #tpu.memory_space<hbm>>
      tpu.wait_indirect_dma semaphore(%arg16 : memref<!tpu.dma_semaphore, #tpu.memory_space<semaphore_mem>>) src(%dma_wait3A_317 : memref<10000x128xf32, #tpu.memory_space<hbm>>) dst(%arg11 : memref<128x128xf32, #tpu.memory_space<vmem>>)
      %run_scoped3A_318 = arith.constant 7 : i32
      "tpu.region"() ({
        %run_scoped3A_326 = tpu.sem_alloc : memref<!tpu.dma_semaphore, #tpu.memory_space<semaphore_mem>>
        %dma_start3A_327 = arith.constant 0 : i32
        %dma_start3A_328 = tpu.memref_slice %arg9[%run_scoped3A_318, %dma_start3A_327] : memref<8x128xi32, #tpu.memory_space<vmem>> -> memref<1x128xi32, #tpu.memory_space<vmem>>
        %dma_start3A_329 = tpu.memref_squeeze %dma_start3A_328 : memref<1x128xi32, #tpu.memory_space<vmem>> -> memref<128xi32, #tpu.memory_space<vmem>>
        %dma_start3A_330 = arith.constant 0 : i32
        %dma_start3A_331 = arith.constant 0 : i32
        %dma_start3A_332 = tpu.memref_slice %arg12[%dma_start3A_330, %dma_start3A_331] : memref<10112x128xf32, #tpu.memory_space<vmem_shared>> -> memref<10112x128xf32, #tpu.memory_space<vmem_shared>>
        tpu.enqueue_indirect_dma source(%arg11 : memref<128x128xf32, #tpu.memory_space<vmem>>) target(%dma_start3A_332 : memref<10112x128xf32, #tpu.memory_space<vmem_shared>>) offsets(%dma_start3A_329 : memref<128xi32, #tpu.memory_space<vmem>>) semaphore(%run_scoped3A_326 : memref<!tpu.dma_semaphore, #tpu.memory_space<semaphore_mem>>) {add = true}
        %dma_wait3A_333 = arith.constant 0 : i32
        %dma_wait3A_334 = tpu.memref_slice %arg9[%run_scoped3A_318, %dma_wait3A_333] : memref<8x128xi32, #tpu.memory_space<vmem>> -> memref<1x128xi32, #tpu.memory_space<vmem>>
        %dma_wait3A_335 = tpu.memref_squeeze %dma_wait3A_334 : memref<1x128xi32, #tpu.memory_space<vmem>> -> memref<128xi32, #tpu.memory_space<vmem>>
        %dma_wait3A_336 = arith.constant 0 : i32
        %dma_wait3A_337 = arith.constant 0 : i32
        %dma_wait3A_338 = tpu.memref_slice %arg12[%dma_wait3A_336, %dma_wait3A_337] : memref<10112x128xf32, #tpu.memory_space<vmem_shared>> -> memref<10112x128xf32, #tpu.memory_space<vmem_shared>>
        tpu.wait_indirect_dma semaphore(%run_scoped3A_326 : memref<!tpu.dma_semaphore, #tpu.memory_space<semaphore_mem>>) src(%arg11 : memref<128x128xf32, #tpu.memory_space<vmem>>) dst(%dma_wait3A_338 : memref<10112x128xf32, #tpu.memory_space<vmem_shared>>)
        tpu.yield
      }) : () -> ()
      %add3A_319 = arith.constant 2 : i32
      %add3A_320 = arith.addi %add3A_187, %add3A_319 : i32
      %lt3A_321 = arith.constant 10 : i32
      %lt3A_322 = arith.cmpi slt, %add3A_320, %lt3A_321 : i32
      %convert_element_type3A_323 = arith.extui %lt3A_322 : i1 to i32
      %cond3A_324 = arith.constant 0 : i32
      %cond3A_325 = arith.cmpi ne, %convert_element_type3A_323, %cond3A_324 : i32
      scf.if %cond3A_325 {
        %add3A_326 = arith.constant 2 : i32
        %add3A_327 = arith.addi %add3A_187, %add3A_326 : i32
        %mul3A_328 = arith.constant 8 : i32
        %mul3A_329 = arith.muli %add3A_327, %mul3A_328 : i32
        %add3A_330 = arith.addi %mul3A_4, %mul3A_329 : i32
        %dma_start3A_331 = arith.constant 0 : i32
        %dma_start3A_332 = tpu.memref_slice %arg4[%add3A_330, %dma_start3A_331] : memref<2560x128xi32, #tpu.memory_space<hbm>> -> memref<8x128xi32, #tpu.memory_space<hbm>>
        %dma_start3A_333 = arith.constant 0 : i32
        %dma_start3A_334 = tpu.memref_slice %arg4[%add3A_330, %dma_start3A_333] : memref<2560x128xi32, #tpu.memory_space<hbm>> -> memref<8x128xi32, #tpu.memory_space<hbm>>
        tpu.enqueue_dma source(%dma_start3A_334 : memref<8x128xi32, #tpu.memory_space<hbm>>) target(%arg7 : memref<8x128xi32, #tpu.memory_space<vmem>>) target_semaphore(%arg14 : memref<!tpu.dma_semaphore, #tpu.memory_space<semaphore_mem>>)
        %dma_start3A_335 = arith.constant 0 : i32
        %dma_start3A_336 = tpu.memref_slice %arg3[%add3A_330, %dma_start3A_335] : memref<2560x128xi32, #tpu.memory_space<hbm>> -> memref<8x128xi32, #tpu.memory_space<hbm>>
        %dma_start3A_337 = arith.constant 0 : i32
        %dma_start3A_338 = tpu.memref_slice %arg3[%add3A_330, %dma_start3A_337] : memref<2560x128xi32, #tpu.memory_space<hbm>> -> memref<8x128xi32, #tpu.memory_space<hbm>>
        tpu.enqueue_dma source(%dma_start3A_338 : memref<8x128xi32, #tpu.memory_space<hbm>>) target(%arg9 : memref<8x128xi32, #tpu.memory_space<vmem>>) target_semaphore(%arg14 : memref<!tpu.dma_semaphore, #tpu.memory_space<semaphore_mem>>)
      } else {
      }
    }
    %scan3A_42 = arith.constant 5 : i32
    %barrier3A_43 = arith.constant 0 : index
    tpu.barrier barrier_id(%barrier3A_43)
    %mul3A_44 = arith.constant 632 : i32
    %mul3A_45 = arith.muli %arg1, %mul3A_44 : i32
    %mul3A_46 = arith.constant 632 : i32
    %mul3A_47 = arith.muli %arg1, %mul3A_46 : i32
    "tpu.region"() ({
      %run_scoped3A = tpu.sem_alloc : memref<!tpu.dma_semaphore, #tpu.memory_space<semaphore_mem>>
      %dma_start3A_48 = arith.constant 0 : i32
      %dma_start3A_49 = tpu.memref_slice %arg5[%arg0, %mul3A_47, %dma_start3A_48] : memref<2x10112x128xf32, #tpu.memory_space<hbm>> -> memref<1x632x128xf32, #tpu.memory_space<hbm>>
      %dma_start3A_50 = tpu.memref_squeeze %dma_start3A_49 : memref<1x632x128xf32, #tpu.memory_space<hbm>> -> memref<632x128xf32, #tpu.memory_space<hbm>>
      %dma_start3A_51 = arith.constant 0 : i32
      %dma_start3A_52 = tpu.memref_slice %arg12[%mul3A_45, %dma_start3A_51] : memref<10112x128xf32, #tpu.memory_space<vmem_shared>> -> memref<632x128xf32, #tpu.memory_space<vmem_shared>>
      tpu.enqueue_dma source(%dma_start3A_52 : memref<632x128xf32, #tpu.memory_space<vmem_shared>>) target(%dma_start3A_50 : memref<632x128xf32, #tpu.memory_space<hbm>>) target_semaphore(%run_scoped3A : memref<!tpu.dma_semaphore, #tpu.memory_space<semaphore_mem>>)
      %dma_wait3A = arith.constant 0 : i32
      %dma_wait3A_53 = tpu.memref_slice %arg5[%arg0, %mul3A_47, %dma_wait3A] : memref<2x10112x128xf32, #tpu.memory_space<hbm>> -> memref<1x632x128xf32, #tpu.memory_space<hbm>>
      %dma_wait3A_54 = tpu.memref_squeeze %dma_wait3A_53 : memref<1x632x128xf32, #tpu.memory_space<hbm>> -> memref<632x128xf32, #tpu.memory_space<hbm>>
      %dma_wait3A_55 = arith.constant 0 : i32
      %dma_wait3A_56 = tpu.memref_slice %arg12[%mul3A_45, %dma_wait3A_55] : memref<10112x128xf32, #tpu.memory_space<vmem_shared>> -> memref<632x128xf32, #tpu.memory_space<vmem_shared>>
      tpu.wait_dma2 semaphore(%run_scoped3A : memref<!tpu.dma_semaphore, #tpu.memory_space<semaphore_mem>>) src(%dma_wait3A_56 : memref<632x128xf32, #tpu.memory_space<vmem_shared>>) dst(%dma_wait3A_54 : memref<632x128xf32, #tpu.memory_space<hbm>>)
      tpu.yield
    }) : () -> ()
    return
  }
}

module attributes {stable_mosaic.version = 14 : i64} {
  func.func @_mlp_body(%arg0: memref<1x1xf32, #tpu.memory_space<vmem>>, %arg1: memref<10000x128xf32, #tpu.memory_space<vmem>>, %arg2: memref<10000x128xf32, #tpu.memory_space<vmem>>, %arg3: memref<10000x128xf32, #tpu.memory_space<vmem>>, %arg4: memref<128x128xf32, #tpu.memory_space<vmem>>, %arg5: memref<1x128xf32, #tpu.memory_space<vmem>>, %arg6: memref<1x128xf32, #tpu.memory_space<vmem>>, %arg7: memref<1x128xf32, #tpu.memory_space<vmem>>, %arg8: memref<128x128xf32, #tpu.memory_space<vmem>>, %arg9: memref<1x128xf32, #tpu.memory_space<vmem>>, %arg10: memref<1x128xf32, #tpu.memory_space<vmem>>, %arg11: memref<1x128xf32, #tpu.memory_space<vmem>>, %arg12: memref<10000x128xf32, #tpu.memory_space<vmem>>) attributes {dimension_semantics = [], scalar_prefetch = 0 : i64, scratch_operands = 0 : i64, tpu.core_type = #tpu.core_type<tc>} {
    %get3A = arith.constant 0 : index
    %get3A_0 = arith.constant 0 : index
    %get3A_1 = vector.load %arg1[%get3A, %get3A_0] : memref<10000x128xf32, #tpu.memory_space<vmem>>, vector<10000x128xf32>
    %get3A_2 = arith.constant 0 : index
    %get3A_3 = arith.constant 0 : index
    %get3A_4 = vector.load %arg2[%get3A_2, %get3A_3] : memref<10000x128xf32, #tpu.memory_space<vmem>>, vector<10000x128xf32>
    %add3A = arith.addf %get3A_1, %get3A_4 : vector<10000x128xf32>
    %get3A_5 = arith.constant 0 : index
    %get3A_6 = arith.constant 0 : index
    %get3A_7 = vector.load %arg0[%get3A_5, %get3A_6] : memref<1x1xf32, #tpu.memory_space<vmem>>, vector<1x1xf32>
    %get3A_8 = vector.extract %get3A_7[0, 0] : f32 from vector<1x1xf32>
    %add3A_9 = arith.constant 1.000000e+00 : f32
    %add3A_10 = arith.addf %add3A_9, %get3A_8 : f32
    %get3A_11 = arith.constant 0 : index
    %get3A_12 = arith.constant 0 : index
    %get3A_13 = vector.load %arg3[%get3A_11, %get3A_12] : memref<10000x128xf32, #tpu.memory_space<vmem>>, vector<10000x128xf32>
    %mul3A = vector.broadcast %add3A_10 : f32 to vector<10000x128xf32>
    %mul3A_14 = arith.mulf %mul3A, %get3A_13 : vector<10000x128xf32>
    %add3A_15 = arith.addf %add3A, %mul3A_14 : vector<10000x128xf32>
    %get3A_16 = arith.constant 0 : index
    %get3A_17 = arith.constant 0 : index
    %get3A_18 = vector.load %arg4[%get3A_16, %get3A_17] : memref<128x128xf32, #tpu.memory_space<vmem>>, vector<128x128xf32>
    %dot_general3A = arith.constant dense<0.000000e+00> : vector<10000x128xf32>
    %dot_general3A_19 = tpu.matmul %add3A_15, %get3A_18, %dot_general3A {dimension_numbers = #tpu.dot_dimension_numbers<[1], [0], [0], [1], [0, 0, 1, 1], [], []>, transpose_lhs_hint = false} : vector<10000x128xf32>, vector<128x128xf32>, vector<10000x128xf32> -> vector<10000x128xf32>
    %get3A_20 = arith.constant 0 : index
    %get3A_21 = arith.constant 0 : index
    %get3A_22 = vector.load %arg5[%get3A_20, %get3A_21] : memref<1x128xf32, #tpu.memory_space<vmem>>, vector<1x128xf32>
    %add3A_23 = vector.broadcast %get3A_22 : vector<1x128xf32> to vector<10000x128xf32>
    %add3A_24 = arith.addf %dot_general3A_19, %add3A_23 : vector<10000x128xf32>
    %get3A_25 = arith.constant 0 : index
    %get3A_26 = arith.constant 0 : index
    %get3A_27 = vector.load %arg6[%get3A_25, %get3A_26] : memref<1x128xf32, #tpu.memory_space<vmem>>, vector<1x128xf32>
    %get3A_28 = arith.constant 0 : index
    %get3A_29 = arith.constant 0 : index
    %get3A_30 = vector.load %arg7[%get3A_28, %get3A_29] : memref<1x128xf32, #tpu.memory_space<vmem>>, vector<1x128xf32>
    %reduce_sum3A = arith.constant dense<0.000000e+00> : vector<128xf32>
    %reduce_sum3A_31 = vector.multi_reduction <add>, %add3A_24, %reduce_sum3A [0] : vector<10000x128xf32> to vector<128xf32>
    %broadcast_in_dim3A = vector.shape_cast %reduce_sum3A_31 : vector<128xf32> to vector<1x128xf32>
    %div3A = arith.constant 1.000000e+04 : f32
    %div3A_32 = vector.broadcast %div3A : f32 to vector<1x128xf32>
    %div3A_33 = arith.divf %broadcast_in_dim3A, %div3A_32 : vector<1x128xf32>
    %sub3A = vector.broadcast %div3A_33 : vector<1x128xf32> to vector<10000x128xf32>
    %sub3A_34 = arith.subf %add3A_24, %sub3A : vector<10000x128xf32>
    %mul3A_35 = arith.mulf %sub3A_34, %sub3A_34 : vector<10000x128xf32>
    %reduce_sum3A_36 = arith.constant dense<0.000000e+00> : vector<128xf32>
    %reduce_sum3A_37 = vector.multi_reduction <add>, %mul3A_35, %reduce_sum3A_36 [0] : vector<10000x128xf32> to vector<128xf32>
    %broadcast_in_dim3A_38 = vector.shape_cast %reduce_sum3A_37 : vector<128xf32> to vector<1x128xf32>
    %div3A_39 = arith.constant 1.000000e+04 : f32
    %div3A_40 = vector.broadcast %div3A_39 : f32 to vector<1x128xf32>
    %div3A_41 = arith.divf %broadcast_in_dim3A_38, %div3A_40 : vector<1x128xf32>
    %add3A_42 = arith.constant 9.99999974E-6 : f32
    %add3A_43 = vector.broadcast %add3A_42 : f32 to vector<1x128xf32>
    %add3A_44 = arith.addf %div3A_41, %add3A_43 : vector<1x128xf32>
    %rsqrt3A = math.rsqrt %add3A_44 : vector<1x128xf32>
    %mul3A_45 = vector.broadcast %rsqrt3A : vector<1x128xf32> to vector<10000x128xf32>
    %mul3A_46 = arith.mulf %sub3A_34, %mul3A_45 : vector<10000x128xf32>
    %mul3A_47 = vector.broadcast %get3A_27 : vector<1x128xf32> to vector<10000x128xf32>
    %mul3A_48 = arith.mulf %mul3A_46, %mul3A_47 : vector<10000x128xf32>
    %add3A_49 = vector.broadcast %get3A_30 : vector<1x128xf32> to vector<10000x128xf32>
    %add3A_50 = arith.addf %mul3A_48, %add3A_49 : vector<10000x128xf32>
    %max3A = arith.constant 0.000000e+00 : f32
    %max3A_51 = vector.broadcast %max3A : f32 to vector<10000x128xf32>
    %max3A_52 = arith.maximumf %add3A_50, %max3A_51 : vector<10000x128xf32>
    %get3A_53 = arith.constant 0 : index
    %get3A_54 = arith.constant 0 : index
    %get3A_55 = vector.load %arg8[%get3A_53, %get3A_54] : memref<128x128xf32, #tpu.memory_space<vmem>>, vector<128x128xf32>
    %dot_general3A_56 = arith.constant dense<0.000000e+00> : vector<10000x128xf32>
    %dot_general3A_57 = tpu.matmul %max3A_52, %get3A_55, %dot_general3A_56 {dimension_numbers = #tpu.dot_dimension_numbers<[1], [0], [0], [1], [0, 0, 1, 1], [], []>, transpose_lhs_hint = false} : vector<10000x128xf32>, vector<128x128xf32>, vector<10000x128xf32> -> vector<10000x128xf32>
    %get3A_58 = arith.constant 0 : index
    %get3A_59 = arith.constant 0 : index
    %get3A_60 = vector.load %arg9[%get3A_58, %get3A_59] : memref<1x128xf32, #tpu.memory_space<vmem>>, vector<1x128xf32>
    %add3A_61 = vector.broadcast %get3A_60 : vector<1x128xf32> to vector<10000x128xf32>
    %add3A_62 = arith.addf %dot_general3A_57, %add3A_61 : vector<10000x128xf32>
    %get3A_63 = arith.constant 0 : index
    %get3A_64 = arith.constant 0 : index
    %get3A_65 = vector.load %arg10[%get3A_63, %get3A_64] : memref<1x128xf32, #tpu.memory_space<vmem>>, vector<1x128xf32>
    %get3A_66 = arith.constant 0 : index
    %get3A_67 = arith.constant 0 : index
    %get3A_68 = vector.load %arg11[%get3A_66, %get3A_67] : memref<1x128xf32, #tpu.memory_space<vmem>>, vector<1x128xf32>
    %reduce_sum3A_69 = arith.constant dense<0.000000e+00> : vector<128xf32>
    %reduce_sum3A_70 = vector.multi_reduction <add>, %add3A_62, %reduce_sum3A_69 [0] : vector<10000x128xf32> to vector<128xf32>
    %broadcast_in_dim3A_71 = vector.shape_cast %reduce_sum3A_70 : vector<128xf32> to vector<1x128xf32>
    %div3A_72 = arith.constant 1.000000e+04 : f32
    %div3A_73 = vector.broadcast %div3A_72 : f32 to vector<1x128xf32>
    %div3A_74 = arith.divf %broadcast_in_dim3A_71, %div3A_73 : vector<1x128xf32>
    %sub3A_75 = vector.broadcast %div3A_74 : vector<1x128xf32> to vector<10000x128xf32>
    %sub3A_76 = arith.subf %add3A_62, %sub3A_75 : vector<10000x128xf32>
    %mul3A_77 = arith.mulf %sub3A_76, %sub3A_76 : vector<10000x128xf32>
    %reduce_sum3A_78 = arith.constant dense<0.000000e+00> : vector<128xf32>
    %reduce_sum3A_79 = vector.multi_reduction <add>, %mul3A_77, %reduce_sum3A_78 [0] : vector<10000x128xf32> to vector<128xf32>
    %broadcast_in_dim3A_80 = vector.shape_cast %reduce_sum3A_79 : vector<128xf32> to vector<1x128xf32>
    %div3A_81 = arith.constant 1.000000e+04 : f32
    %div3A_82 = vector.broadcast %div3A_81 : f32 to vector<1x128xf32>
    %div3A_83 = arith.divf %broadcast_in_dim3A_80, %div3A_82 : vector<1x128xf32>
    %add3A_84 = arith.constant 9.99999974E-6 : f32
    %add3A_85 = vector.broadcast %add3A_84 : f32 to vector<1x128xf32>
    %add3A_86 = arith.addf %div3A_83, %add3A_85 : vector<1x128xf32>
    %rsqrt3A_87 = math.rsqrt %add3A_86 : vector<1x128xf32>
    %mul3A_88 = vector.broadcast %rsqrt3A_87 : vector<1x128xf32> to vector<10000x128xf32>
    %mul3A_89 = arith.mulf %sub3A_76, %mul3A_88 : vector<10000x128xf32>
    %mul3A_90 = vector.broadcast %get3A_65 : vector<1x128xf32> to vector<10000x128xf32>
    %mul3A_91 = arith.mulf %mul3A_89, %mul3A_90 : vector<10000x128xf32>
    %add3A_92 = vector.broadcast %get3A_68 : vector<1x128xf32> to vector<10000x128xf32>
    %add3A_93 = arith.addf %mul3A_91, %add3A_92 : vector<10000x128xf32>
    %max3A_94 = arith.constant 0.000000e+00 : f32
    %max3A_95 = vector.broadcast %max3A_94 : f32 to vector<10000x128xf32>
    %max3A_96 = arith.maximumf %add3A_93, %max3A_95 : vector<10000x128xf32>
    %swap3A = arith.constant 0 : index
    %swap3A_97 = arith.constant 0 : index
    %swap3A_98 = vector.load %arg12[%swap3A, %swap3A_97] : memref<10000x128xf32, #tpu.memory_space<vmem>>, vector<10000x128xf32>
    tpu.vector_store %arg12[%swap3A, %swap3A_97], %max3A_96 {strides = array<i32>} : memref<10000x128xf32, #tpu.memory_space<vmem>>, vector<10000x128xf32>,
    return
  }
}

module attributes {stable_mosaic.version = 14 : i64} {
  func.func @_pool_body(%arg0: memref<1x10000xi32, #tpu.memory_space<vmem>>, %arg1: memref<10000x128xf32, #tpu.memory_space<vmem>>, %arg2: memref<10000x128xf32, #tpu.memory_space<vmem>>, %arg3: memref<10000x128xf32, #tpu.memory_space<vmem>>, %arg4: memref<10000x128xf32, #tpu.memory_space<vmem>>, %arg5: memref<10000x128xf32, #tpu.memory_space<vmem>>, %arg6: memref<128x64xf32, #tpu.memory_space<vmem>>, %arg7: memref<128x64xf32, #tpu.memory_space<vmem>>, %arg8: memref<128x64xf32, #tpu.memory_space<vmem>>, %arg9: memref<128x64xf32, #tpu.memory_space<vmem>>, %arg10: memref<128x64xf32, #tpu.memory_space<vmem>>, %arg11: memref<1x64xf32, #tpu.memory_space<vmem>>, %arg12: memref<1x64xf32, #tpu.memory_space<vmem>>, %arg13: memref<1x64xf32, #tpu.memory_space<vmem>>, %arg14: memref<1x64xf32, #tpu.memory_space<vmem>>, %arg15: memref<1x64xf32, #tpu.memory_space<vmem>>, %arg16: memref<16x64xf32, #tpu.memory_space<vmem>>) attributes {dimension_semantics = [], scalar_prefetch = 0 : i64, scratch_operands = 0 : i64, tpu.core_type = #tpu.core_type<tc>} {
    %iota3A = tpu.iota {dimensions = array<i32: 0>} : vector<16x10000xi32>
    %get3A = arith.constant 0 : index
    %get3A_0 = arith.constant 0 : index
    %get3A_1 = vector.load %arg0[%get3A, %get3A_0] : memref<1x10000xi32, #tpu.memory_space<vmem>>, vector<1x10000xi32>
    %eq3A = vector.broadcast %get3A_1 : vector<1x10000xi32> to vector<16x10000xi32>
    %eq3A_2 = arith.cmpi eq, %iota3A, %eq3A : vector<16x10000xi32>
    %convert_element_type3A = arith.extui %eq3A_2 : vector<16x10000xi1> to vector<16x10000xi32>
    %convert_element_type3A_3 = arith.sitofp %convert_element_type3A : vector<16x10000xi32> to vector<16x10000xf32>
    %broadcast_in_dim3A = arith.constant 0.000000e+00 : f32
    %broadcast_in_dim3A_4 = vector.broadcast %broadcast_in_dim3A : f32 to vector<16x64xf32>
    %get3A_5 = arith.constant 0 : index
    %get3A_6 = arith.constant 0 : index
    %get3A_7 = vector.load %arg1[%get3A_5, %get3A_6] : memref<10000x128xf32, #tpu.memory_space<vmem>>, vector<10000x128xf32>
    %dot_general3A = arith.constant dense<0.000000e+00> : vector<16x128xf32>
    %dot_general3A_8 = tpu.matmul %convert_element_type3A_3, %get3A_7, %dot_general3A {dimension_numbers = #tpu.dot_dimension_numbers<[1], [0], [0], [1], [0, 0, 1, 1], [], []>, transpose_lhs_hint = false} : vector<16x10000xf32>, vector<10000x128xf32>, vector<16x128xf32> -> vector<16x128xf32>
    %get3A_9 = arith.constant 0 : index
    %get3A_10 = arith.constant 0 : index
    %get3A_11 = vector.load %arg6[%get3A_9, %get3A_10] : memref<128x64xf32, #tpu.memory_space<vmem>>, vector<128x64xf32>
    %dot_general3A_12 = arith.constant dense<0.000000e+00> : vector<16x64xf32>
    %dot_general3A_13 = tpu.matmul %dot_general3A_8, %get3A_11, %dot_general3A_12 {dimension_numbers = #tpu.dot_dimension_numbers<[1], [0], [0], [1], [0, 0, 1, 1], [], []>, transpose_lhs_hint = false} : vector<16x128xf32>, vector<128x64xf32>, vector<16x64xf32> -> vector<16x64xf32>
    %add3A = arith.addf %broadcast_in_dim3A_4, %dot_general3A_13 : vector<16x64xf32>
    %get3A_14 = arith.constant 0 : index
    %get3A_15 = arith.constant 0 : index
    %get3A_16 = vector.load %arg11[%get3A_14, %get3A_15] : memref<1x64xf32, #tpu.memory_space<vmem>>, vector<1x64xf32>
    %add3A_17 = vector.broadcast %get3A_16 : vector<1x64xf32> to vector<16x64xf32>
    %add3A_18 = arith.addf %add3A, %add3A_17 : vector<16x64xf32>
    %get3A_19 = arith.constant 0 : index
    %get3A_20 = arith.constant 0 : index
    %get3A_21 = vector.load %arg2[%get3A_19, %get3A_20] : memref<10000x128xf32, #tpu.memory_space<vmem>>, vector<10000x128xf32>
    %dot_general3A_22 = arith.constant dense<0.000000e+00> : vector<16x128xf32>
    %dot_general3A_23 = tpu.matmul %convert_element_type3A_3, %get3A_21, %dot_general3A_22 {dimension_numbers = #tpu.dot_dimension_numbers<[1], [0], [0], [1], [0, 0, 1, 1], [], []>, transpose_lhs_hint = false} : vector<16x10000xf32>, vector<10000x128xf32>, vector<16x128xf32> -> vector<16x128xf32>
    %get3A_24 = arith.constant 0 : index
    %get3A_25 = arith.constant 0 : index
    %get3A_26 = vector.load %arg7[%get3A_24, %get3A_25] : memref<128x64xf32, #tpu.memory_space<vmem>>, vector<128x64xf32>
    %dot_general3A_27 = arith.constant dense<0.000000e+00> : vector<16x64xf32>
    %dot_general3A_28 = tpu.matmul %dot_general3A_23, %get3A_26, %dot_general3A_27 {dimension_numbers = #tpu.dot_dimension_numbers<[1], [0], [0], [1], [0, 0, 1, 1], [], []>, transpose_lhs_hint = false} : vector<16x128xf32>, vector<128x64xf32>, vector<16x64xf32> -> vector<16x64xf32>
    %add3A_29 = arith.addf %add3A_18, %dot_general3A_28 : vector<16x64xf32>
    %get3A_30 = arith.constant 0 : index
    %get3A_31 = arith.constant 0 : index
    %get3A_32 = vector.load %arg12[%get3A_30, %get3A_31] : memref<1x64xf32, #tpu.memory_space<vmem>>, vector<1x64xf32>
    %add3A_33 = vector.broadcast %get3A_32 : vector<1x64xf32> to vector<16x64xf32>
    %add3A_34 = arith.addf %add3A_29, %add3A_33 : vector<16x64xf32>
    %get3A_35 = arith.constant 0 : index
    %get3A_36 = arith.constant 0 : index
    %get3A_37 = vector.load %arg3[%get3A_35, %get3A_36] : memref<10000x128xf32, #tpu.memory_space<vmem>>, vector<10000x128xf32>
    %dot_general3A_38 = arith.constant dense<0.000000e+00> : vector<16x128xf32>
    %dot_general3A_39 = tpu.matmul %convert_element_type3A_3, %get3A_37, %dot_general3A_38 {dimension_numbers = #tpu.dot_dimension_numbers<[1], [0], [0], [1], [0, 0, 1, 1], [], []>, transpose_lhs_hint = false} : vector<16x10000xf32>, vector<10000x128xf32>, vector<16x128xf32> -> vector<16x128xf32>
    %get3A_40 = arith.constant 0 : index
    %get3A_41 = arith.constant 0 : index
    %get3A_42 = vector.load %arg8[%get3A_40, %get3A_41] : memref<128x64xf32, #tpu.memory_space<vmem>>, vector<128x64xf32>
    %dot_general3A_43 = arith.constant dense<0.000000e+00> : vector<16x64xf32>
    %dot_general3A_44 = tpu.matmul %dot_general3A_39, %get3A_42, %dot_general3A_43 {dimension_numbers = #tpu.dot_dimension_numbers<[1], [0], [0], [1], [0, 0, 1, 1], [], []>, transpose_lhs_hint = false} : vector<16x128xf32>, vector<128x64xf32>, vector<16x64xf32> -> vector<16x64xf32>
    %add3A_45 = arith.addf %add3A_34, %dot_general3A_44 : vector<16x64xf32>
    %get3A_46 = arith.constant 0 : index
    %get3A_47 = arith.constant 0 : index
    %get3A_48 = vector.load %arg13[%get3A_46, %get3A_47] : memref<1x64xf32, #tpu.memory_space<vmem>>, vector<1x64xf32>
    %add3A_49 = vector.broadcast %get3A_48 : vector<1x64xf32> to vector<16x64xf32>
    %add3A_50 = arith.addf %add3A_45, %add3A_49 : vector<16x64xf32>
    %get3A_51 = arith.constant 0 : index
    %get3A_52 = arith.constant 0 : index
    %get3A_53 = vector.load %arg4[%get3A_51, %get3A_52] : memref<10000x128xf32, #tpu.memory_space<vmem>>, vector<10000x128xf32>
    %dot_general3A_54 = arith.constant dense<0.000000e+00> : vector<16x128xf32>
    %dot_general3A_55 = tpu.matmul %convert_element_type3A_3, %get3A_53, %dot_general3A_54 {dimension_numbers = #tpu.dot_dimension_numbers<[1], [0], [0], [1], [0, 0, 1, 1], [], []>, transpose_lhs_hint = false} : vector<16x10000xf32>, vector<10000x128xf32>, vector<16x128xf32> -> vector<16x128xf32>
    %get3A_56 = arith.constant 0 : index
    %get3A_57 = arith.constant 0 : index
    %get3A_58 = vector.load %arg9[%get3A_56, %get3A_57] : memref<128x64xf32, #tpu.memory_space<vmem>>, vector<128x64xf32>
    %dot_general3A_59 = arith.constant dense<0.000000e+00> : vector<16x64xf32>
    %dot_general3A_60 = tpu.matmul %dot_general3A_55, %get3A_58, %dot_general3A_59 {dimension_numbers = #tpu.dot_dimension_numbers<[1], [0], [0], [1], [0, 0, 1, 1], [], []>, transpose_lhs_hint = false} : vector<16x128xf32>, vector<128x64xf32>, vector<16x64xf32> -> vector<16x64xf32>
    %add3A_61 = arith.addf %add3A_50, %dot_general3A_60 : vector<16x64xf32>
    %get3A_62 = arith.constant 0 : index
    %get3A_63 = arith.constant 0 : index
    %get3A_64 = vector.load %arg14[%get3A_62, %get3A_63] : memref<1x64xf32, #tpu.memory_space<vmem>>, vector<1x64xf32>
    %add3A_65 = vector.broadcast %get3A_64 : vector<1x64xf32> to vector<16x64xf32>
    %add3A_66 = arith.addf %add3A_61, %add3A_65 : vector<16x64xf32>
    %get3A_67 = arith.constant 0 : index
    %get3A_68 = arith.constant 0 : index
    %get3A_69 = vector.load %arg5[%get3A_67, %get3A_68] : memref<10000x128xf32, #tpu.memory_space<vmem>>, vector<10000x128xf32>
    %dot_general3A_70 = arith.constant dense<0.000000e+00> : vector<16x128xf32>
    %dot_general3A_71 = tpu.matmul %convert_element_type3A_3, %get3A_69, %dot_general3A_70 {dimension_numbers = #tpu.dot_dimension_numbers<[1], [0], [0], [1], [0, 0, 1, 1], [], []>, transpose_lhs_hint = false} : vector<16x10000xf32>, vector<10000x128xf32>, vector<16x128xf32> -> vector<16x128xf32>
    %get3A_72 = arith.constant 0 : index
    %get3A_73 = arith.constant 0 : index
    %get3A_74 = vector.load %arg10[%get3A_72, %get3A_73] : memref<128x64xf32, #tpu.memory_space<vmem>>, vector<128x64xf32>
    %dot_general3A_75 = arith.constant dense<0.000000e+00> : vector<16x64xf32>
    %dot_general3A_76 = tpu.matmul %dot_general3A_71, %get3A_74, %dot_general3A_75 {dimension_numbers = #tpu.dot_dimension_numbers<[1], [0], [0], [1], [0, 0, 1, 1], [], []>, transpose_lhs_hint = false} : vector<16x128xf32>, vector<128x64xf32>, vector<16x64xf32> -> vector<16x64xf32>
    %add3A_77 = arith.addf %add3A_66, %dot_general3A_76 : vector<16x64xf32>
    %get3A_78 = arith.constant 0 : index
    %get3A_79 = arith.constant 0 : index
    %get3A_80 = vector.load %arg15[%get3A_78, %get3A_79] : memref<1x64xf32, #tpu.memory_space<vmem>>, vector<1x64xf32>
    %add3A_81 = vector.broadcast %get3A_80 : vector<1x64xf32> to vector<16x64xf32>
    %add3A_82 = arith.addf %add3A_77, %add3A_81 : vector<16x64xf32>
    %swap3A = arith.constant 0 : index
    %swap3A_83 = arith.constant 0 : index
    %swap3A_84 = vector.load %arg16[%swap3A, %swap3A_83] : memref<16x64xf32, #tpu.memory_space<vmem>>, vector<16x64xf32>
    tpu.vector_store %arg16[%swap3A, %swap3A_83], %add3A_82 {strides = array<i32>} : memref<16x64xf32, #tpu.memory_space<vmem>>, vector<16x64xf32>,
    return
  }
}

</mosaic_0001>

<sc_bundles>
// kernel: kernel.11.cloned.1.call-start
scs
__scs_entry_jumppad:
0x0: {  	(pc) =	sbr.rel $0x88, $3  }
0x1: {  	(tag) =	ssettag $0x0;
	lr =	simm.s32 $0x1  }
0x2: {  	[smem:$0x3F73] =	sst lr;
	_ =	strace $0xD0000000  }
0x3: {  	_ = 	snop  }
0x4: {  	_ = 	snop  }
0x5: {  	_ = 	snop  }
0x6: {  	_ = 	snop  }
0x7: {  	_ = 	snop  }
__scs_overlays_trampoline_lowered:
0x8: {  	[smem:$0x3F82] =	sst s0  }
0x9: {  	[smem:$0x3F83] =	sst s1  }
0xa: {  	[smem:$0x3F84] =	sst s2  }
0xb: {  	[smem:$0x3F85] =	sst s3  }
0xc: {  	[smem:$0x3F86] =	sst s4  }
0xd: {  	[smem:$0x3F87] =	sst s5  }
0xe: {  	[smem:$0x3F88] =	sst s6  }
0xf: {  	[smem:$0x3F89] =	sst s7  }
0x10: {  	[smem:$0x3F8A] =	sst s8  }
0x11: {  	[smem:$0x3F8B] =	sst s9;
	s0 =	simm.s32 @!p0 $0x0  }
0x12: {  	s1 =	sld [smem:$0x3F71];
	s0 =	simm.s32 @p0 $0x1  }
0x13: {  	[smem:$0x3F8C] =	sst s0;
	s0 =	simm.s32 @!p1 $0x0  }
0x14: {  	s2 =	sld [smem:$0x3F70];
	s0 =	simm.s32 @p1 $0x1  }
0x15: {  	[smem:$0x3F8D] =	sst s0;
	s0 =	simm.s32 @!p2 $0x0  }
0x16: {  	s3 =	sld [smem:$0x3FDB];
	s0 =	simm.s32 @p2 $0x1  }
0x17: {  	s4 =	simm.s32 $0x1BF5;
	[smem:$0x3F8F] =	sst s0  }
0x18: {  	s0 =	sld [smem:$0x3F72];
	_ =	swait.ge [sflag:s4], $0x0  }
0x19: {  	s7 =	sld [smem:$0x3F73]  }
0x1a: {  	s8 =	sadd.s32 $0xFFFFE003, lr  }
0x1b: {  	s9 =	sadd.s32 $0xFFFFFEF7, lr;
	s5 =	simm.s32 $0xFFFFFFFF;
	p2 =	slt.u32 s8, $0xFFFFF086  }
0x1c: {  	p1 =	slt.u32 s9, $0xF7A;
	s5 =	simm.s32 @!p2 $0x0  }
0x1d: {  	s5 =	simm.s32 @p1 $0x1;
	p0 =	seq.s32 s7, s2  }
0x1e: {  	s7 =	smul.u32 @!p0 $0xF7A, s2;
	p2 =	seq.s32 @!p0 s5, $0x0  }
0x1f: {  	s9 =	smul.u32 $0xF7A, s1;
	s8 =	simm.s32 @!p0 $0x1BF5;
	p2 =	por !p2, p0  }
0x20: {  	[sflag:s8] =	ssyncset.s32 @!p0 $0xFFFFF086;
	s6 =	sadd.s32 @!p0 s3, s7;
	s7 =	simm.s32 @!p0 $0x108  }
0x21: {  	s3 =	sadd.s32 s3, s9;
	s6 =	sadd.s32 @!p0 $0x88, s6;
	s7 =	simm.s32 @p2 $0x1082  }
0x22: {  	[simem:s7], [sflag:s8] =	dma.local @!p0 [hbm:s6], $0xF7A  }
0x23: {  	s9 =	sor.u32 $0xD0000000, s2;
	s6 =	simm.s32 $0x108;
	_ =	swait.ge @!p0 [sflag:s8], $0x0  }
0x24: {  	s3 =	sadd.s32 $0x88, s3;
	s6 =	simm.s32 @!p1 $0x1082;
	[sflag:s4] =	ssyncset.s32 $0xFFFFF086  }
0x25: {  	[simem:s6], [sflag:s4] =	dma.local [hbm:s3], $0xF7A  }
0x26: {  	[smem:$0x3F73] =	sst s1;
	(tag) =	ssettag s2;
	_ =	strace s9  }
0x27: {  	s1 =	sld [smem:$0x3F83]  }
0x28: {  	s2 =	sld [smem:$0x3F84]  }
0x29: {  	s4 =	sld [smem:$0x3F86]  }
0x2a: {  	p0 =	seq.s32 s5, $0x0;
	s5 =	sld [smem:$0x3F87]  }
0x2b: {  	s6 =	sld [smem:$0x3F88]  }
0x2c: {  	s7 =	sld [smem:$0x3F89]  }
0x2d: {  	s3 =	simm.s32 $0x108;
	s8 =	sld [smem:$0x3F8A]  }
0x2e: {  	s3 =	simm.s32 @!p0 $0x1082;
	s9 =	sld [smem:$0x3F8B]  }
0x2f: {  	lr =	sadd.s32 s0, s3;
	s0 =	sld [smem:$0x3F82]  }
0x30: {  	s3 =	sld [smem:$0x3F85]  }
0x31: {  	[smem:$0x3F8E] =	sst s10  }
0x32: {  	s10 =	sld [smem:$0x3F8C];
	_ =	sdelay $0x3  }
0x33: {  	p0 =	seq.s32 s10, $0x1;
	s10 =	sld [smem:$0x3F8E];
	_ =	sdelay $0x3  }
0x34: {  	[smem:$0x3F8E] =	sst s10  }
0x35: {  	s10 =	sld [smem:$0x3F8D];
	_ =	sdelay $0x3  }
0x36: {  	p1 =	seq.s32 s10, $0x1;
	s10 =	sld [smem:$0x3F8E];
	_ =	sdelay $0x3  }
0x37: {  	[smem:$0x3F8E] =	sst s10  }
0x38: {  	s10 =	sld [smem:$0x3F8F]  }
0x39: {  	_ = 	snop;
	(pc) =	sbr.ind lr, $3  }
0x3a: {  	_ = 	snop  }
0x3b: {  	_ = 	snop  }
0x3c: {  	p2 =	seq.s32 s10, $0x1;
	s10 =	sld [smem:$0x3F8E]  }
0x3d: {  	_ =	shalt  }
0x3e: {  	_ =	shalt  }
0x3f: {  	_ =	shalt  }
0x40: {  	_ =	shalt  }
0x41: {  	_ =	shalt  }
0x42: {  	_ =	shalt  }
0x43: {  	_ =	shalt  }
0x44: {  	_ =	shalt  }
0x45: {  	_ =	shalt  }
0x46: {  	_ =	shalt  }
0x47: {  	_ =	shalt  }
0x48: {  	_ =	shalt  }
0x49: {  	_ =	shalt  }
0x4a: {  	_ =	shalt  }
0x4b: {  	_ =	shalt  }
0x4c: {  	_ =	shalt  }
0x4d: {  	_ =	shalt  }
0x4e: {  	_ =	shalt  }
0x4f: {  	_ =	shalt  }
0x50: {  	_ =	shalt  }
0x51: {  	_ =	shalt  }
0x52: {  	_ =	shalt  }
0x53: {  	_ =	shalt  }
0x54: {  	_ =	shalt  }
0x55: {  	_ =	shalt  }
0x56: {  	_ =	shalt  }
0x57: {  	_ =	shalt  }
0x58: {  	_ =	shalt  }
0x59: {  	_ =	shalt  }
0x5a: {  	_ =	shalt  }
0x5b: {  	_ =	shalt  }
0x5c: {  	_ =	shalt  }
0x5d: {  	_ =	shalt  }
0x5e: {  	_ =	shalt  }
0x5f: {  	_ =	shalt  }
0x60: {  	_ =	shalt  }
0x61: {  	_ =	shalt  }
0x62: {  	_ =	shalt  }
0x63: {  	_ =	shalt  }
0x64: {  	_ =	shalt  }
0x65: {  	_ =	shalt  }
0x66: {  	_ =	shalt  }
0x67: {  	_ =	shalt  }
0x68: {  	_ =	shalt  }
0x69: {  	_ =	shalt  }
0x6a: {  	_ =	shalt  }
0x6b: {  	_ =	shalt  }
0x6c: {  	_ =	shalt  }
0x6d: {  	_ =	shalt  }
0x6e: {  	_ =	shalt  }
0x6f: {  	_ =	shalt  }
0x70: {  	_ =	shalt  }
0x71: {  	_ =	shalt  }
0x72: {  	_ =	shalt  }
0x73: {  	_ =	shalt  }
0x74: {  	_ =	shalt  }
0x75: {  	_ =	shalt  }
0x76: {  	_ =	shalt  }
0x77: {  	_ =	shalt  }
0x78: {  	_ =	shalt  }
0x79: {  	_ =	shalt  }
0x7a: {  	_ =	shalt  }
0x7b: {  	_ =	shalt  }
0x7c: {  	_ =	shalt  }
0x7d: {  	_ =	shalt  }
0x7e: {  	_ =	shalt  }
0x7f: {  	_ =	shalt  }
0x80: {  	_ =	shalt  }
0x81: {  	_ =	shalt  }
0x82: {  	_ =	shalt  }
0x83: {  	_ =	shalt  }
0x84: {  	_ =	shalt  }
0x85: {  	_ =	shalt  }
0x86: {  	_ =	shalt  }
0x87: {  	_ =	shalt  }
.Lfunc_end0:
.L_simem_size_0:
called_computation_lowered:
.L_overlay_start_0:
0x88: {  	s2 =	sld [smem:$0x3FD9]  }
0x89: {  	s3 =	sld [smem:$0x3FFE];
	_ =	sdelay $0x1  }
0x8a: {  	s1 =	srdreg.scid  }
0x8b: {  	s0 =	sand.u32 $0x1, s1  }
0x8c: {  	s17 =	sshll.u32 s0, $0xA;
	s2 =	sadd.s32 s3, s2  }
0x8d: {  	s2 =	sadd.s32 s2, s17  }
0x8e: {  	[smem:$0x3F9A] =	sst s2  }
0x8f: {  	_ = 	snop  }
0x90: {  	s2 =	sld [smem:$0x3FC9];
	(tm) =	ssettm $0x1  }
0x91: {  	s18 =	sld [smem:$0x3FFB];
	_ =	sdelay $0x3  }
0x92: {  	_ =	strace s18  }
0x93: {  	s3 =	sld [smem:$0x3FFC];
	_ =	sdelay $0x3  }
0x94: {  	_ =	strace s3  }
0x95: {  	s3 =	sld [smem:$0x3FFD];
	_ =	sdelay $0x3  }
0x96: {  	_ =	strace s3  }
0x97: {  	_ =	strace $0x8FFFFFFF  }
0x98: {  	s19 =	sld [smem:$0x3FDB];
	_ =	sdelay $0x1  }
0x99: {  	s4 =	simm.s32 $_scs_section_size  }
0x9a: {  	s5 =	simm.s32 $_size__tile_overlayer_lowered;
	s6 =	simm.s32 $_tile_overlayer_lowered  }
0x9b: {  	s22 =	simm.s32 $0x1BFF;
	s21 =	sshll.u32 s6, $0x1;
	s3 =	sadd.s32 s4, s19  }
0x9c: {  	s7 =	simm.s32 $0x0;
	s20 =	sshll.u32 s5, $0x1;
	s5 =	sadd.s32 s21, s3  }
0x9d: {  	[timem:s7], [sflag:s22] =	dma.local [hbm:s5], s20  }
0x9e: {  	_ =	swait.ge [sflag:s22], s20  }
0x9f: {  	s4 =	ssub.s32 $0x0, s20;
	[sflag:s22] =	ssyncset.done $0x0  }
0xa0: {  	[sflag:s22] =	ssyncadd.s32 s4;
	_ =	sdelay $0x1  }
0xa1: {  	s23 =	simm.s32 $0x1B8B  }
0xa2: {  	_ =	swait.ge [sflag:s23], $0x1  }
0xa3: {  	[sflag:s23] =	ssyncset.done $0x0  }
0xa4: {  	s25 =	simm.s32 $0x1B8E;
	s24 =	sld [smem:$0x3FFE];
	[sflag:s23] =	ssyncadd.s32 $0xFFFFFFFF  }
0xa5: {  	s26 =	simm.s32 $execute0_lowered;
	[smem:$0x3FD2] =	sst s25  }
0xa6: {  	s5 =	sshll.u32 s26, $0x1;
	_ =	strace $0x80000046;
	[dreg:$0x1] =	wrdreg $0xFFFFFFFF  }
0xa7: {  	s28 =	simm.s32 $_size_execute0_lowered;
	s3 =	sadd.s32 s3, s5;
	[dreg:$0x0] =	wrdreg $0x0  }
0xa8: {  	s5 =	sshll.u32 s28, $0x1;
	[dreg:$0x2] =	wrdreg s3  }
0xa9: {  	[dreg:$0x3] =	wrdreg s5  }
0xaa: {  	[dreg:$0x4] =	wrdreg $0xC0  }
0xab: {  	_ =	task [dreg:s7], $0x5FFFF  }
0xac: {  	[dreg:$0x1] =	wrdreg $0xFFFFFFFF  }
0xad: {  	[dreg:$0x0] =	wrdreg $0x60  }
0xae: {  	[dreg:$0x2] =	wrdreg s2  }
0xaf: {  	[dreg:$0x3] =	wrdreg s24  }
0xb0: {  	[dreg:$0x4] =	wrdreg $0x90000  }
0xb1: {  	[dreg:$0x5] =	wrdreg $0x9  }
0xb2: {  	_ =	task.clear_ibuf [dreg:s7], $0x6FFFF;
	_ =	strace $0x90000046  }
0xb3: {  	s29 =	simm.s32 $0x9;
	_ =	strace $0x80000048  }
0xb4: {  	_ =	swait.ge [sflag:s29], $0x1  }
0xb5: {  	[sflag:s29] =	ssyncadd.s32 $0xFFFFFFFF  }
0xb6: {  	_ =	strace $0x90000048  }
0xb7: {  	_ =	sfence  }
0xb8: {  	s30 =	sld [smem:$0x0];
	_ =	sdelay $0x2  }
0xb9: {  	s31 =	sshll.u32 s1, $0xD;
	s1 =	sshrl.u32 s1, $0x2  }
0xba: {  	s3 =	sand.u32 $0x4000, s31;
	s1 =	sadd.s32 s1, s30  }
0xbb: {  	s0 =	sor.u32 s3, s0;
	s1 =	sshll.u32 s1, $0x11  }
0xbc: {  	s0 =	sor.u32 s1, s0  }
0xbd: {  	s0 =	sadd.s32 $0x8F2B, s0  }
0xbe: {  	[sflag:s0] =	ssyncadd.remote.s32 $0x1  }
0xbf: {  	_ =	sfence.sel $0xFFFF  }
0xc0: {  	[dreg:$0x0] =	wrdreg $0xFFFFFFFF;
	(pc) =	sbr.abs _section_cstart, $3  }
0xc1: {  	[dreg:$0x1] =	wrdreg $0xFFFFFFFF  }
0xc2: {  	_ =	task.clear_ibuf [dreg:s7], $0x2FFFF;
	_ =	strace $0x9FFFFFFF  }
0xc3: {  	(tm) =	ssettm $0x7FFFFFFF  }
tec
execute0_lowered:
.L_overlay_start_1:
0x0: {  	(tag) =	ssettag $0x1  }
0x1: {  	s1 =	rddreg [dreg:$0x0]  }
0x2: {  	s0 =	rddreg [dreg:$0x1]  }
0x3: {  	s2 =	rddreg [dreg:$0x2];
	s11 =	stileid.u32  }
0x4: {  	s3 =	srdreg.scid;
	s6 =	smul.u32 $0x13C00, s11  }
0x5: {  	s4 =	simm.s32 $0x0;
	s28 =	simm.s32 $0x5000;
	s8 =	smul.u32 $0x4F000, s11  }
0x6: {  	s29 =	simm.s32 $0x3;
	s31 =	simm.s32 $0x4;
	s19 =	smul.u32 $0xA, s11  }
0x7: {  	s3 =	sand.u32 $0x1, s3;
	[smem:$0x7FF] =	sst s4;
	s22 =	smul.u32 $0x500, s11  }
0x8: {  	s7 =	sadd.s32 $0x13800, s0;
	s9 =	sadd.s32 $0x9800, s0;
	s5 =	smul.u32 $0x13C000, s3  }
0x9: {  	_ =	strace $0x80000047;
	s12 =	sshll.u32 s3, $0x4;
	s16 =	smul.u32 $0x5000, s3  }
0xa: {  	s10 =	ssub.s32 $0x2, s3;
	s3 =	smul.u32 $0xA0, s3;
	s8 =	sshrl.u32 s8, $0x2  }
0xb: {  	s13 =	sshrl.u32 s10, $0x1;
	s5 =	sadd.s32 s6, s5;
	s6 =	sor.u32 s11, s12  }
0xc: {  	s12 =	sadd.s32 s8, s2;
	s24 =	sadd.s32 s16, s7;
	s26 =	sadd.s32 s16, s9  }
0xd: {  	s11 =	simm.s32 $0x700;
	s5 =	sshrl.u32 s5, $0x3;
	s6 =	smul.u32 $0x500, s6  }
0xe: {  	s8 =	sadd.s32 $0x10000, s12;
	s20 =	sadd.s32 $0x4000, s12;
	s21 =	sadd.s32 $0x8000, s12  }
0xf: {  	[dreg:$0x4] =	wrdreg s12;
	s23 =	sadd.s32 $0xC000, s12;
	s25 =	sadd.s32 s22, s24  }
0x10: {  	s30 =	sadd.s32 s22, s26;
	s24 =	simm.s32 $0xC00;
	[dreg:$0x5] =	wrdreg s8  }
0x11: {  	s26 =	simm.s32 $0x80;
	s12 =	simm.s32 $0xE80;
	[dreg:$0xc] =	wrdreg s20  }
0x12: {  	s0 =	sadd.s32 s5, s0;
	s5 =	ssub.s32 s10, s13;
	[dreg:$0xd] =	wrdreg s21  }
0x13: {  	[dreg:$0xe] =	wrdreg s23;
	s16 =	sadd.s32 $0x180, s25;
	s20 =	simm.s32 $0x1000  }
0x14: {  	s21 =	simm.s32 $0x5;
	s23 =	simm.s32 $0x400;
	s25 =	simm.s32 $0x1  }
0x15: {  	s8 =	simm.s32 $0xD80;
	s10 =	simm.s32 $0xE00;
	s14 =	sadd.s32 s9, s6  }
0x16: {  	s13 =	simm.s32 $0x780;
	s15 =	sadd.s32 s7, s6;
	[dreg:$0x6] =	wrdreg s14  }
0x17: {  	s6 =	sor.u32 $0x80, s6;
	s0 =	sadd.s32 $0x1D800, s0;
	[dreg:$0x7] =	wrdreg s15  }
0x18: {  	s18 =	smax.u32 s5, $0x1;
	s5 =	simm.s32 $0x2;
	[dreg:$0xa] =	wrdreg s0  }
0x19: {  	s17 =	sadd.s32 s9, s6;
	s6 =	sadd.s32 s7, s6;
	[dreg:$0xb] =	wrdreg s18  }
.Ltmp0:
0x1a: {  	s0 =	sadd.s32 s19, s3;
	s14 =	simm.s32 $0xF00;
	(pc) =	sbr.rel .LBB2_1-.Ltmp0, $4  }
0x1b: {  	s15 =	simm.s32 $0xF80;
	[dreg:$0x8] =	wrdreg s17;
	s0 =	sshll.u32 s0, $0x7  }
0x1c: {  	s3 =	simm.s32 $0x0;
	[dreg:$0x9] =	wrdreg s6;
	s0 =	sadd.s32 $0x100, s0  }
0x1d: {  	s17 =	sadd.s32 $0x180, s30;
	s6 =	simm.s32 $0xD00;
	s18 =	sadd.s32 s0, s9  }
0x1e: {  	v0 =	vimm.f32 $0.0e+00;
	s19 =	sadd.s32 s0, s7;
	s7 =	simm.s32 $0x600;
	s9 =	simm.s32 $0x680  }
.LBB2_6:
0x1f: {  	s0 =	stileid.u32;
	[bflag:$0x0] =	sbarrier.arrive $0xFFFF  }
0x20: {  	s0 =	sshll.u32 s0, $0x6;
	s3 =	rddreg [dreg:$0x4]  }
0x21: {  	s22 =	rddreg [dreg:$0xa];
	s0 =	sor.u32 $0x1C05, s0;
	s3 =	sshrl.u32 s3, $0x3  }
0x22: {  	[hbm:s22], [sflag:s0] =	dma.local [spmem:s3], $0x2780  }
0x23: {  	_ =	swait.ge [sflag:s21], $0x2780  }
0x24: {  	s22 =	rddreg [dreg:$0xf]  }
0x25: {  	s30 =	rddreg [dreg:$0xb];
	s3 =	sadd.s32 $0x1, s22  }
0x26: {  	p0 =	sne.s32 s3, s30  }
.Ltmp1:
0x27: {  	_ = 	snop;
	(pc) =	sbr.rel @!p0 .LBB2_7-.Ltmp1, $3  }
0x28: {  	_ =	sdelay $0x1  }
0x29: {  	[sflag:s21] =	ssyncset.done $0x0  }
0x2a: {  	[sflag:s21] =	ssyncadd.s32 $0xFFFFD880  }
.LBB2_1:
0x2b: {  	[dreg:$0xf] =	wrdreg s3;
	s30 =	simm.s32 $0x0;
	s22 =	simm.s32 $0x200  }
.LBB2_2:
0x2c: {  	p0 =	sne.s32 s22, $0xFE00;
	[tilespmem:s30+$0x1070] =	vst v0  }
0x2d: {  	[tilespmem:s30+$0x1000] =	vst v0  }
0x2e: {  	[tilespmem:s30+$0x1010] =	vst v0  }
.Ltmp2:
0x2f: {  	[tilespmem:s30+$0x1020] =	vst v0;
	(pc) =	sbr.rel @p0 .LBB2_2-.Ltmp2, $4  }
0x30: {  	[tilespmem:s30+$0x1030] =	vst v0  }
0x31: {  	[tilespmem:s30+$0x1040] =	vst v0  }
0x32: {  	[tilespmem:s30+$0x1050] =	vst v0  }
0x33: {  	[tilespmem:s30+$0x1060] =	vst v0;
	s30 =	sshra.s32 s22, $0x2;
	s22 =	sadd.s32 $0x200, s22  }
0x34: {  	[tilespmem:s30+$0x1070] =	vst v0  }
0x35: {  	[tilespmem:s30+$0x1000] =	vst v0  }
0x36: {  	[tilespmem:s30+$0x1010] =	vst v0  }
0x37: {  	[tilespmem:s30+$0x1020] =	vst v0  }
0x38: {  	[tilespmem:s30+$0x1030] =	vst v0  }
0x39: {  	[tilespmem:s30+$0x1040] =	vst v0  }
0x3a: {  	[tilespmem:s30+$0x1050] =	vst v0  }
0x3b: {  	[tilespmem:s30+$0x1060] =	vst v0;
	s0 =	rddreg [dreg:$0x4]  }
0x3c: {  	[spmem:s0] =	stream.linear.scatter [tilespmem:s20], [sflag:$0x5], $0x4000, $0x38;
	[tilespmem:$0x1CC00] =	vst v63  }
0x3d: {  	_ =	swait.ge [sflag:s21], $0x4000  }
0x3e: {  	[sflag:s21] =	ssyncset.done $0x0  }
0x3f: {  	s3 =	rddreg [dreg:$0xc];
	[sflag:s21] =	ssyncadd.s32 $0xFFFFC000  }
0x40: {  	[spmem:s3] =	stream.linear.scatter [tilespmem:s20], [sflag:$0x5], $0x4000, $0x38;
	[tilespmem:$0x1CC00] =	vst v63  }
0x41: {  	_ =	swait.ge [sflag:s21], $0x4000  }
0x42: {  	[sflag:s21] =	ssyncset.done $0x0  }
0x43: {  	s22 =	rddreg [dreg:$0xd];
	[sflag:s21] =	ssyncadd.s32 $0xFFFFC000  }
0x44: {  	[spmem:s22] =	stream.linear.scatter [tilespmem:s20], [sflag:$0x5], $0x4000, $0x38;
	[tilespmem:$0x1CC00] =	vst v63  }
0x45: {  	_ =	swait.ge [sflag:s21], $0x4000  }
0x46: {  	[sflag:s21] =	ssyncset.done $0x0  }
0x47: {  	s3 =	rddreg [dreg:$0xe];
	[sflag:s21] =	ssyncadd.s32 $0xFFFFC000  }
0x48: {  	[spmem:s3] =	stream.linear.scatter [tilespmem:s20], [sflag:$0x5], $0x4000, $0x38;
	[tilespmem:$0x1CC00] =	vst v63  }
0x49: {  	_ =	swait.ge [sflag:s21], $0x4000  }
0x4a: {  	[sflag:s21] =	ssyncset.done $0x0  }
0x4b: {  	s22 =	rddreg [dreg:$0x5];
	[sflag:s21] =	ssyncadd.s32 $0xFFFFC000  }
0x4c: {  	[spmem:s22] =	stream.linear.scatter [tilespmem:s20], [sflag:$0x5], $0x3C00, $0x38;
	[tilespmem:$0x1CC00] =	vst v63  }
0x4d: {  	_ =	swait.ge [sflag:s21], $0x3C00  }
0x4e: {  	[sflag:s21] =	ssyncset.done $0x0  }
0x4f: {  	[sflag:s21] =	ssyncadd.s32 $0xFFFFC400  }
0x50: {  	[bflag:$0x0] =	sbarrier.arrive $0xFFFF  }
0x51: {  	s30 =	simm.s32 $0x0;
	s3 =	rddreg [dreg:$0x6]  }
0x52: {  	[tilespmem:s30], [sflag:$0x1] =	stream.linear.gather [hbm4b:s3+s30], $0x400, $0x38;
	[tilespmem:$0x1CC00] =	vst v63  }
0x53: {  	s22 =	rddreg [dreg:$0x7];
	s3 =	simm.s32 $0x800  }
0x54: {  	[tilespmem:s3], [sflag:$0x1] =	stream.linear.gather [hbm4b:s22+s30], $0x400, $0x38;
	[tilespmem:$0x1CC00] =	vst v63  }
0x55: {  	s3 =	rddreg [dreg:$0x8]  }
0x56: {  	[tilespmem:s23], [sflag:$0x2] =	stream.linear.gather [hbm4b:s3+s30], $0x400, $0x38;
	[tilespmem:$0x1CC00] =	vst v63  }
0x57: {  	s22 =	rddreg [dreg:$0x9]  }
0x58: {  	[tilespmem:s24], [sflag:$0x2] =	stream.linear.gather [hbm4b:s22+s30], $0x400, $0x38;
	[tilespmem:$0x1CC00] =	vst v63  }
.LBB2_4:
0x59: {  	_ =	swait.ge [sflag:s25], $0x400  }
0x5a: {  	[sflag:s25] =	ssyncset.done $0x0  }
0x5b: {  	[sflag:s25] =	ssyncadd.s32 $0xFFFFFC00  }
0x5c: {  	_ =	swait.ge [sflag:s25], $0x400  }
0x5d: {  	[sflag:s25] =	ssyncset.done $0x0  }
0x5e: {  	[sflag:s25] =	ssyncadd.s32 $0xFFFFFC00  }
0x5f: {  	[tilespmem:s20], [sflag:$0x3] =	stream.indirect.gather [hbm4b:s1+s26], $0x80, s4, s26, $0xb8;
	[tilespmem:$0x1CC00] =	vst v63  }
0x60: {  	_ = 	snop  }
0x61: {  	[tilespmem:s28], [sflag:$0x4] =	stream.indirect.gather [hbm4b:s1+s26], $0x80, s26, s26, $0xb8;
	[tilespmem:$0x1CC00] =	vst v63  }
0x62: {  	_ =	swait.ge [sflag:s29], $0x4000  }
0x63: {  	[sflag:s29] =	ssyncset.done $0x0  }
0x64: {  	s0 =	simm.s32 $0x800;
	[sflag:s29] =	ssyncadd.s32 $0xFFFFC000  }
0x65: {  	[spmem:s2] =	stream.indirect.scatter.add.f32 [tilespmem:s20], [sflag:$0x5], $0x80, s0, s26, $0xb8;
	[tilespmem:$0x1CC00] =	vst v63  }
0x66: {  	_ =	swait.ge [sflag:s21], $0x4000  }
0x67: {  	[sflag:s21] =	ssyncset.done $0x0  }
0x68: {  	s22 =	simm.s32 $0x100;
	[sflag:s21] =	ssyncadd.s32 $0xFFFFC000  }
0x69: {  	[tilespmem:s20], [sflag:$0x3] =	stream.indirect.gather [hbm4b:s1+s26], $0x80, s22, s26, $0xb8;
	[tilespmem:$0x1CC00] =	vst v63  }
0x6a: {  	_ =	swait.ge [sflag:s31], $0x4000  }
0x6b: {  	[sflag:s31] =	ssyncset.done $0x0  }
0x6c: {  	s3 =	simm.s32 $0x880;
	[sflag:s31] =	ssyncadd.s32 $0xFFFFC000  }
0x6d: {  	[spmem:s2] =	stream.indirect.scatter.add.f32 [tilespmem:s28], [sflag:$0x5], $0x80, s3, s26, $0xb8;
	[tilespmem:$0x1CC00] =	vst v63  }
0x6e: {  	_ =	swait.ge [sflag:s21], $0x4000  }
0x6f: {  	[sflag:s21] =	ssyncset.done $0x0  }
0x70: {  	s22 =	simm.s32 $0x180;
	[sflag:s21] =	ssyncadd.s32 $0xFFFFC000  }
0x71: {  	[tilespmem:s28], [sflag:$0x4] =	stream.indirect.gather [hbm4b:s1+s26], $0x80, s22, s26, $0xb8;
	[tilespmem:$0x1CC00] =	vst v63  }
0x72: {  	_ =	swait.ge [sflag:s29], $0x4000  }
0x73: {  	[sflag:s29] =	ssyncset.done $0x0  }
0x74: {  	s3 =	simm.s32 $0x900;
	[sflag:s29] =	ssyncadd.s32 $0xFFFFC000  }
0x75: {  	[spmem:s2] =	stream.indirect.scatter.add.f32 [tilespmem:s20], [sflag:$0x5], $0x80, s3, s26, $0xb8;
	[tilespmem:$0x1CC00] =	vst v63  }
0x76: {  	_ =	swait.ge [sflag:s21], $0x4000  }
0x77: {  	[sflag:s21] =	ssyncset.done $0x0  }
0x78: {  	s22 =	simm.s32 $0x200;
	[sflag:s21] =	ssyncadd.s32 $0xFFFFC000  }
0x79: {  	[tilespmem:s20], [sflag:$0x3] =	stream.indirect.gather [hbm4b:s1+s26], $0x80, s22, s26, $0xb8;
	[tilespmem:$0x1CC00] =	vst v63  }
0x7a: {  	_ =	swait.ge [sflag:s31], $0x4000  }
0x7b: {  	[sflag:s31] =	ssyncset.done $0x0  }
0x7c: {  	s3 =	simm.s32 $0x980;
	[sflag:s31] =	ssyncadd.s32 $0xFFFFC000  }
0x7d: {  	[spmem:s2] =	stream.indirect.scatter.add.f32 [tilespmem:s28], [sflag:$0x5], $0x80, s3, s26, $0xb8;
	[tilespmem:$0x1CC00] =	vst v63  }
0x7e: {  	_ =	swait.ge [sflag:s21], $0x4000  }
0x7f: {  	[sflag:s21] =	ssyncset.done $0x0  }
0x80: {  	s22 =	simm.s32 $0x280;
	[sflag:s21] =	ssyncadd.s32 $0xFFFFC000  }
0x81: {  	[tilespmem:s28], [sflag:$0x4] =	stream.indirect.gather [hbm4b:s1+s26], $0x80, s22, s26, $0xb8;
	[tilespmem:$0x1CC00] =	vst v63  }
0x82: {  	_ =	swait.ge [sflag:s29], $0x4000  }
0x83: {  	[sflag:s29] =	ssyncset.done $0x0  }
0x84: {  	s3 =	simm.s32 $0xA00;
	[sflag:s29] =	ssyncadd.s32 $0xFFFFC000  }
0x85: {  	[spmem:s2] =	stream.indirect.scatter.add.f32 [tilespmem:s20], [sflag:$0x5], $0x80, s3, s26, $0xb8;
	[tilespmem:$0x1CC00] =	vst v63  }
0x86: {  	_ =	swait.ge [sflag:s21], $0x4000  }
0x87: {  	[sflag:s21] =	ssyncset.done $0x0  }
0x88: {  	s22 =	simm.s32 $0x300;
	[sflag:s21] =	ssyncadd.s32 $0xFFFFC000  }
0x89: {  	[tilespmem:s20], [sflag:$0x3] =	stream.indirect.gather [hbm4b:s1+s26], $0x80, s22, s26, $0xb8;
	[tilespmem:$0x1CC00] =	vst v63  }
0x8a: {  	_ =	swait.ge [sflag:s31], $0x4000  }
0x8b: {  	[sflag:s31] =	ssyncset.done $0x0  }
0x8c: {  	s3 =	simm.s32 $0xA80;
	[sflag:s31] =	ssyncadd.s32 $0xFFFFC000  }
0x8d: {  	[spmem:s2] =	stream.indirect.scatter.add.f32 [tilespmem:s28], [sflag:$0x5], $0x80, s3, s26, $0xb8;
	[tilespmem:$0x1CC00] =	vst v63  }
0x8e: {  	_ =	swait.ge [sflag:s21], $0x4000  }
0x8f: {  	[sflag:s21] =	ssyncset.done $0x0  }
0x90: {  	s22 =	simm.s32 $0x380;
	[sflag:s21] =	ssyncadd.s32 $0xFFFFC000  }
0x91: {  	[tilespmem:s28], [sflag:$0x4] =	stream.indirect.gather [hbm4b:s1+s26], $0x80, s22, s26, $0xb8;
	[tilespmem:$0x1CC00] =	vst v63  }
0x92: {  	_ =	swait.ge [sflag:s29], $0x4000  }
0x93: {  	[sflag:s29] =	ssyncset.done $0x0  }
0x94: {  	s3 =	simm.s32 $0xB00;
	[sflag:s29] =	ssyncadd.s32 $0xFFFFC000  }
0x95: {  	[spmem:s2] =	stream.indirect.scatter.add.f32 [tilespmem:s20], [sflag:$0x5], $0x80, s3, s26, $0xb8;
	[tilespmem:$0x1CC00] =	vst v63  }
0x96: {  	_ =	swait.ge [sflag:s21], $0x4000  }
0x97: {  	[sflag:s21] =	ssyncset.done $0x0  }
0x98: {  	[sflag:s21] =	ssyncadd.s32 $0xFFFFC000  }
0x99: {  	_ =	swait.ge [sflag:s31], $0x4000  }
0x9a: {  	[sflag:s31] =	ssyncset.done $0x0  }
0x9b: {  	s22 =	simm.s32 $0xB80;
	[sflag:s31] =	ssyncadd.s32 $0xFFFFC000  }
0x9c: {  	[spmem:s2] =	stream.indirect.scatter.add.f32 [tilespmem:s28], [sflag:$0x5], $0x80, s22, s26, $0xb8;
	[tilespmem:$0x1CC00] =	vst v63  }
0x9d: {  	_ =	swait.ge [sflag:s21], $0x4000  }
0x9e: {  	p0 =	seq.s32 s30, $0x400;
	[sflag:s21] =	ssyncset.done $0x0  }
0x9f: {  	s0 =	simm.s32 @!p0 $0x0;
	s22 =	sadd.s32 @!p0 s30, s18;
	[sflag:s21] =	ssyncadd.s32 $0xFFFFC000  }
0xa0: {  	[tilespmem:s0], [sflag:$0x1] =	stream.linear.gather @!p0 [hbm4b:s22+s0], $0x400, $0x38;
	[tilespmem:$0x1CC00] =	vst v63  }
0xa1: {  	s3 =	simm.s32 @!p0 $0x800;
	s22 =	sadd.s32 @!p0 s30, s19  }
0xa2: {  	[tilespmem:s3], [sflag:$0x1] =	stream.linear.gather @!p0 [hbm4b:s22+s0], $0x400, $0x38;
	[tilespmem:$0x1CC00] =	vst v63  }
0xa3: {  	_ =	swait.ge [sflag:s5], $0x400  }
0xa4: {  	[sflag:s5] =	ssyncset.done $0x0  }
0xa5: {  	[sflag:s5] =	ssyncadd.s32 $0xFFFFFC00  }
0xa6: {  	_ =	swait.ge [sflag:s5], $0x400  }
0xa7: {  	[sflag:s5] =	ssyncset.done $0x0  }
0xa8: {  	[sflag:s5] =	ssyncadd.s32 $0xFFFFFC00  }
0xa9: {  	[tilespmem:s20], [sflag:$0x3] =	stream.indirect.gather [hbm4b:s1+s26], $0x80, s23, s26, $0xb8;
	[tilespmem:$0x1CC00] =	vst v63  }
0xaa: {  	s3 =	simm.s32 $0x480  }
0xab: {  	[tilespmem:s28], [sflag:$0x4] =	stream.indirect.gather [hbm4b:s1+s26], $0x80, s3, s26, $0xb8;
	[tilespmem:$0x1CC00] =	vst v63  }
0xac: {  	_ =	swait.ge [sflag:s29], $0x4000  }
0xad: {  	[sflag:s29] =	ssyncset.done $0x0  }
0xae: {  	[sflag:s29] =	ssyncadd.s32 $0xFFFFC000  }
0xaf: {  	[spmem:s2] =	stream.indirect.scatter.add.f32 [tilespmem:s20], [sflag:$0x5], $0x80, s24, s26, $0xb8;
	[tilespmem:$0x1CC00] =	vst v63  }
0xb0: {  	_ =	swait.ge [sflag:s21], $0x4000  }
0xb1: {  	[sflag:s21] =	ssyncset.done $0x0  }
0xb2: {  	s22 =	simm.s32 $0x500;
	[sflag:s21] =	ssyncadd.s32 $0xFFFFC000  }
0xb3: {  	[tilespmem:s20], [sflag:$0x3] =	stream.indirect.gather [hbm4b:s1+s26], $0x80, s22, s26, $0xb8;
	[tilespmem:$0x1CC00] =	vst v63  }
0xb4: {  	_ =	swait.ge [sflag:s31], $0x4000  }
0xb5: {  	[sflag:s31] =	ssyncset.done $0x0  }
0xb6: {  	s3 =	simm.s32 $0xC80;
	[sflag:s31] =	ssyncadd.s32 $0xFFFFC000  }
0xb7: {  	[spmem:s2] =	stream.indirect.scatter.add.f32 [tilespmem:s28], [sflag:$0x5], $0x80, s3, s26, $0xb8;
	[tilespmem:$0x1CC00] =	vst v63  }
0xb8: {  	_ =	swait.ge [sflag:s21], $0x4000  }
0xb9: {  	[sflag:s21] =	ssyncset.done $0x0  }
0xba: {  	s22 =	simm.s32 $0x580;
	[sflag:s21] =	ssyncadd.s32 $0xFFFFC000  }
0xbb: {  	[tilespmem:s28], [sflag:$0x4] =	stream.indirect.gather [hbm4b:s1+s26], $0x80, s22, s26, $0xb8;
	[tilespmem:$0x1CC00] =	vst v63  }
0xbc: {  	_ =	swait.ge [sflag:s29], $0x4000  }
0xbd: {  	[sflag:s29] =	ssyncset.done $0x0  }
0xbe: {  	[sflag:s29] =	ssyncadd.s32 $0xFFFFC000  }
0xbf: {  	[spmem:s2] =	stream.indirect.scatter.add.f32 [tilespmem:s20], [sflag:$0x5], $0x80, s6, s26, $0xb8;
	[tilespmem:$0x1CC00] =	vst v63  }
0xc0: {  	_ =	swait.ge [sflag:s21], $0x4000  }
0xc1: {  	[sflag:s21] =	ssyncset.done $0x0  }
0xc2: {  	[sflag:s21] =	ssyncadd.s32 $0xFFFFC000  }
0xc3: {  	[tilespmem:s20], [sflag:$0x3] =	stream.indirect.gather [hbm4b:s1+s26], $0x80, s7, s26, $0xb8;
	[tilespmem:$0x1CC00] =	vst v63  }
0xc4: {  	_ =	swait.ge [sflag:s31], $0x4000  }
0xc5: {  	[sflag:s31] =	ssyncset.done $0x0  }
0xc6: {  	[sflag:s31] =	ssyncadd.s32 $0xFFFFC000  }
0xc7: {  	[spmem:s2] =	stream.indirect.scatter.add.f32 [tilespmem:s28], [sflag:$0x5], $0x80, s8, s26, $0xb8;
	[tilespmem:$0x1CC00] =	vst v63  }
0xc8: {  	_ =	swait.ge [sflag:s21], $0x4000  }
0xc9: {  	[sflag:s21] =	ssyncset.done $0x0  }
0xca: {  	[sflag:s21] =	ssyncadd.s32 $0xFFFFC000  }
0xcb: {  	[tilespmem:s28], [sflag:$0x4] =	stream.indirect.gather [hbm4b:s1+s26], $0x80, s9, s26, $0xb8;
	[tilespmem:$0x1CC00] =	vst v63  }
0xcc: {  	_ =	swait.ge [sflag:s29], $0x4000  }
0xcd: {  	[sflag:s29] =	ssyncset.done $0x0  }
0xce: {  	[sflag:s29] =	ssyncadd.s32 $0xFFFFC000  }
0xcf: {  	[spmem:s2] =	stream.indirect.scatter.add.f32 [tilespmem:s20], [sflag:$0x5], $0x80, s10, s26, $0xb8;
	[tilespmem:$0x1CC00] =	vst v63  }
0xd0: {  	_ =	swait.ge [sflag:s21], $0x4000  }
0xd1: {  	[sflag:s21] =	ssyncset.done $0x0  }
0xd2: {  	[sflag:s21] =	ssyncadd.s32 $0xFFFFC000  }
0xd3: {  	[tilespmem:s20], [sflag:$0x3] =	stream.indirect.gather [hbm4b:s1+s26], $0x80, s11, s26, $0xb8;
	[tilespmem:$0x1CC00] =	vst v63  }
0xd4: {  	_ =	swait.ge [sflag:s31], $0x4000  }
0xd5: {  	[sflag:s31] =	ssyncset.done $0x0  }
0xd6: {  	[sflag:s31] =	ssyncadd.s32 $0xFFFFC000  }
0xd7: {  	[spmem:s2] =	stream.indirect.scatter.add.f32 [tilespmem:s28], [sflag:$0x5], $0x80, s12, s26, $0xb8;
	[tilespmem:$0x1CC00] =	vst v63  }
0xd8: {  	_ =	swait.ge [sflag:s21], $0x4000  }
0xd9: {  	[sflag:s21] =	ssyncset.done $0x0  }
0xda: {  	[sflag:s21] =	ssyncadd.s32 $0xFFFFC000  }
0xdb: {  	[tilespmem:s28], [sflag:$0x4] =	stream.indirect.gather [hbm4b:s1+s26], $0x80, s13, s26, $0xb8;
	[tilespmem:$0x1CC00] =	vst v63  }
0xdc: {  	_ =	swait.ge [sflag:s29], $0x4000  }
0xdd: {  	[sflag:s29] =	ssyncset.done $0x0  }
0xde: {  	[sflag:s29] =	ssyncadd.s32 $0xFFFFC000  }
0xdf: {  	[spmem:s2] =	stream.indirect.scatter.add.f32 [tilespmem:s20], [sflag:$0x5], $0x80, s14, s26, $0xb8;
	[tilespmem:$0x1CC00] =	vst v63  }
0xe0: {  	_ =	swait.ge [sflag:s21], $0x4000  }
0xe1: {  	[sflag:s21] =	ssyncset.done $0x0  }
0xe2: {  	[sflag:s21] =	ssyncadd.s32 $0xFFFFC000  }
0xe3: {  	_ =	swait.ge [sflag:s31], $0x4000  }
0xe4: {  	[sflag:s31] =	ssyncset.done $0x0  }
.Ltmp3:
0xe5: {  	[sflag:s31] =	ssyncadd.s32 $0xFFFFC000;
	(pc) =	sbr.rel @p0 .LBB2_6-.Ltmp3, $4  }
0xe6: {  	[spmem:s2] =	stream.indirect.scatter.add.f32 [tilespmem:s28], [sflag:$0x5], $0x80, s15, s26, $0xb8;
	[tilespmem:$0x1CC00] =	vst v63  }
0xe7: {  	_ =	swait.ge [sflag:s21], $0x4000  }
0xe8: {  	[sflag:s21] =	ssyncset.done $0x0  }
0xe9: {  	[sflag:s21] =	ssyncadd.s32 $0xFFFFC000  }
.Ltmp4:
0xea: {  	(pc) =	sbr.rel .LBB2_4-.Ltmp4, $4  }
0xeb: {  	s0 =	sadd.s32 s30, s17  }
0xec: {  	[tilespmem:s23], [sflag:$0x2] =	stream.linear.gather [hbm4b:s0+s4], $0x400, $0x38;
	[tilespmem:$0x1CC00] =	vst v63  }
0xed: {  	s22 =	sadd.s32 s30, s16;
	s30 =	sadd.s32 $0x100, s30  }
0xee: {  	[tilespmem:s24], [sflag:$0x2] =	stream.linear.gather [hbm4b:s22+s4], $0x400, $0x38;
	[tilespmem:$0x1CC00] =	vst v63  }
.LBB2_7:
0xef: {  	_ =	sfence.sel $0x180000  }
0xf0: {  	[bflag:$0x0] =	sbarrier.arrive $0xFFFF  }
0xf1: {  	_ =	strace $0x90000047  }
0xf2: {  	s0 =	stileid.u32;
	[bflag:$0x2] =	sbarrier.arrive $0xFFFF  }
0xf3: {  	p0 =	sne.s32 s0, $0x0;
	s0 =	rddreg [dreg:$0x3]  }
0xf4: {  	s0 =	sadd.s32 @!p0 $0x100000, s0  }
0xf5: {  	[sflag:s0] =	ssyncadd.tile.s32 @!p0 $0x1;
	_ =	shalt  }
.Lfunc_end2:
_tile_overlayer_lowered:
.L_overlay_start_2:
0xf6: {  	(tag) =	ssettag $0x2  }
0xf7: {  	s0 =	rddreg [dreg:$0x0];
	s2 =	stileid.u32  }
0xf8: {  	s1 =	rddreg [dreg:$0x1];
	p0 =	sne.s32 s2, $0x0  }
0xf9: {  	s3 =	rddreg [dreg:$0x2];
	[bflag:$0x3] =	sbarrier.arrive $0xFFFF;
	s2 =	simm.s32 @!p0 $0x1C05  }
0xfa: {  	[timem:s3], [sflag:s2] =	dma.local @!p0 [hbm:s0], s1  }
0xfb: {  	s0 =	simm.s32 @!p0 $0x5  }
0xfc: {  	_ =	swait.ge @!p0 [sflag:s0], s1  }
0xfd: {  	s1 =	ssub.s32 @!p0 $0x0, s1;
	[sflag:s0] =	ssyncset.done @!p0 $0x0  }
0xfe: {  	[sflag:s0] =	ssyncadd.s32 @!p0 s1  }
0xff: {  	[bflag:$0x3] =	sbarrier.arrive $0xFFFF  }
0x100: {  	_ =	shalt  }

// kernel: kernel.14.cloned.1.call-start
scs
__scs_entry_jumppad:
0x0: {  	(pc) =	sbr.rel $0x88, $3  }
0x1: {  	(tag) =	ssettag $0x0;
	lr =	simm.s32 $0x1  }
0x2: {  	[smem:$0x3F73] =	sst lr;
	_ =	strace $0xD0000000  }
0x3: {  	_ = 	snop  }
0x4: {  	_ = 	snop  }
0x5: {  	_ = 	snop  }
0x6: {  	_ = 	snop  }
0x7: {  	_ = 	snop  }
__scs_overlays_trampoline_lowered:
0x8: {  	[smem:$0x3F82] =	sst s0  }
0x9: {  	[smem:$0x3F83] =	sst s1  }
0xa: {  	[smem:$0x3F84] =	sst s2  }
0xb: {  	[smem:$0x3F85] =	sst s3  }
0xc: {  	[smem:$0x3F86] =	sst s4  }
0xd: {  	[smem:$0x3F87] =	sst s5  }
0xe: {  	[smem:$0x3F88] =	sst s6  }
0xf: {  	[smem:$0x3F89] =	sst s7  }
0x10: {  	[smem:$0x3F8A] =	sst s8  }
0x11: {  	[smem:$0x3F8B] =	sst s9;
	s0 =	simm.s32 @!p0 $0x0  }
0x12: {  	s1 =	sld [smem:$0x3F71];
	s0 =	simm.s32 @p0 $0x1  }
0x13: {  	[smem:$0x3F8C] =	sst s0;
	s0 =	simm.s32 @!p1 $0x0  }
0x14: {  	s2 =	sld [smem:$0x3F70];
	s0 =	simm.s32 @p1 $0x1  }
0x15: {  	[smem:$0x3F8D] =	sst s0;
	s0 =	simm.s32 @!p2 $0x0  }
0x16: {  	s3 =	sld [smem:$0x3FDB];
	s0 =	simm.s32 @p2 $0x1  }
0x17: {  	s4 =	simm.s32 $0x1BF5;
	[smem:$0x3F8F] =	sst s0  }
0x18: {  	s0 =	sld [smem:$0x3F72];
	_ =	swait.ge [sflag:s4], $0x0  }
0x19: {  	s7 =	sld [smem:$0x3F73]  }
0x1a: {  	s8 =	sadd.s32 $0xFFFFE003, lr  }
0x1b: {  	s9 =	sadd.s32 $0xFFFFFEF7, lr;
	s5 =	simm.s32 $0xFFFFFFFF;
	p2 =	slt.u32 s8, $0xFFFFF086  }
0x1c: {  	p1 =	slt.u32 s9, $0xF7A;
	s5 =	simm.s32 @!p2 $0x0  }
0x1d: {  	s5 =	simm.s32 @p1 $0x1;
	p0 =	seq.s32 s7, s2  }
0x1e: {  	s7 =	smul.u32 @!p0 $0xF7A, s2;
	p2 =	seq.s32 @!p0 s5, $0x0  }
0x1f: {  	s9 =	smul.u32 $0xF7A, s1;
	s8 =	simm.s32 @!p0 $0x1BF5;
	p2 =	por !p2, p0  }
0x20: {  	[sflag:s8] =	ssyncset.s32 @!p0 $0xFFFFF086;
	s6 =	sadd.s32 @!p0 s3, s7;
	s7 =	simm.s32 @!p0 $0x108  }
0x21: {  	s3 =	sadd.s32 s3, s9;
	s6 =	sadd.s32 @!p0 $0x88, s6;
	s7 =	simm.s32 @p2 $0x1082  }
0x22: {  	[simem:s7], [sflag:s8] =	dma.local @!p0 [hbm:s6], $0xF7A  }
0x23: {  	s9 =	sor.u32 $0xD0000000, s2;
	s6 =	simm.s32 $0x108;
	_ =	swait.ge @!p0 [sflag:s8], $0x0  }
0x24: {  	s3 =	sadd.s32 $0x88, s3;
	s6 =	simm.s32 @!p1 $0x1082;
	[sflag:s4] =	ssyncset.s32 $0xFFFFF086  }
0x25: {  	[simem:s6], [sflag:s4] =	dma.local [hbm:s3], $0xF7A  }
0x26: {  	[smem:$0x3F73] =	sst s1;
	(tag) =	ssettag s2;
	_ =	strace s9  }
0x27: {  	s1 =	sld [smem:$0x3F83]  }
0x28: {  	s2 =	sld [smem:$0x3F84]  }
0x29: {  	s4 =	sld [smem:$0x3F86]  }
0x2a: {  	p0 =	seq.s32 s5, $0x0;
	s5 =	sld [smem:$0x3F87]  }
0x2b: {  	s6 =	sld [smem:$0x3F88]  }
0x2c: {  	s7 =	sld [smem:$0x3F89]  }
0x2d: {  	s3 =	simm.s32 $0x108;
	s8 =	sld [smem:$0x3F8A]  }
0x2e: {  	s3 =	simm.s32 @!p0 $0x1082;
	s9 =	sld [smem:$0x3F8B]  }
0x2f: {  	lr =	sadd.s32 s0, s3;
	s0 =	sld [smem:$0x3F82]  }
0x30: {  	s3 =	sld [smem:$0x3F85]  }
0x31: {  	[smem:$0x3F8E] =	sst s10  }
0x32: {  	s10 =	sld [smem:$0x3F8C];
	_ =	sdelay $0x3  }
0x33: {  	p0 =	seq.s32 s10, $0x1;
	s10 =	sld [smem:$0x3F8E];
	_ =	sdelay $0x3  }
0x34: {  	[smem:$0x3F8E] =	sst s10  }
0x35: {  	s10 =	sld [smem:$0x3F8D];
	_ =	sdelay $0x3  }
0x36: {  	p1 =	seq.s32 s10, $0x1;
	s10 =	sld [smem:$0x3F8E];
	_ =	sdelay $0x3  }
0x37: {  	[smem:$0x3F8E] =	sst s10  }
0x38: {  	s10 =	sld [smem:$0x3F8F]  }
0x39: {  	_ = 	snop;
	(pc) =	sbr.ind lr, $3  }
0x3a: {  	_ = 	snop  }
0x3b: {  	_ = 	snop  }
0x3c: {  	p2 =	seq.s32 s10, $0x1;
	s10 =	sld [smem:$0x3F8E]  }
0x3d: {  	_ =	shalt  }
0x3e: {  	_ =	shalt  }
0x3f: {  	_ =	shalt  }
0x40: {  	_ =	shalt  }
0x41: {  	_ =	shalt  }
0x42: {  	_ =	shalt  }
0x43: {  	_ =	shalt  }
0x44: {  	_ =	shalt  }
0x45: {  	_ =	shalt  }
0x46: {  	_ =	shalt  }
0x47: {  	_ =	shalt  }
0x48: {  	_ =	shalt  }
0x49: {  	_ =	shalt  }
0x4a: {  	_ =	shalt  }
0x4b: {  	_ =	shalt  }
0x4c: {  	_ =	shalt  }
0x4d: {  	_ =	shalt  }
0x4e: {  	_ =	shalt  }
0x4f: {  	_ =	shalt  }
0x50: {  	_ =	shalt  }
0x51: {  	_ =	shalt  }
0x52: {  	_ =	shalt  }
0x53: {  	_ =	shalt  }
0x54: {  	_ =	shalt  }
0x55: {  	_ =	shalt  }
0x56: {  	_ =	shalt  }
0x57: {  	_ =	shalt  }
0x58: {  	_ =	shalt  }
0x59: {  	_ =	shalt  }
0x5a: {  	_ =	shalt  }
0x5b: {  	_ =	shalt  }
0x5c: {  	_ =	shalt  }
0x5d: {  	_ =	shalt  }
0x5e: {  	_ =	shalt  }
0x5f: {  	_ =	shalt  }
0x60: {  	_ =	shalt  }
0x61: {  	_ =	shalt  }
0x62: {  	_ =	shalt  }
0x63: {  	_ =	shalt  }
0x64: {  	_ =	shalt  }
0x65: {  	_ =	shalt  }
0x66: {  	_ =	shalt  }
0x67: {  	_ =	shalt  }
0x68: {  	_ =	shalt  }
0x69: {  	_ =	shalt  }
0x6a: {  	_ =	shalt  }
0x6b: {  	_ =	shalt  }
0x6c: {  	_ =	shalt  }
0x6d: {  	_ =	shalt  }
0x6e: {  	_ =	shalt  }
0x6f: {  	_ =	shalt  }
0x70: {  	_ =	shalt  }
0x71: {  	_ =	shalt  }
0x72: {  	_ =	shalt  }
0x73: {  	_ =	shalt  }
0x74: {  	_ =	shalt  }
0x75: {  	_ =	shalt  }
0x76: {  	_ =	shalt  }
0x77: {  	_ =	shalt  }
0x78: {  	_ =	shalt  }
0x79: {  	_ =	shalt  }
0x7a: {  	_ =	shalt  }
0x7b: {  	_ =	shalt  }
0x7c: {  	_ =	shalt  }
0x7d: {  	_ =	shalt  }
0x7e: {  	_ =	shalt  }
0x7f: {  	_ =	shalt  }
0x80: {  	_ =	shalt  }
0x81: {  	_ =	shalt  }
0x82: {  	_ =	shalt  }
0x83: {  	_ =	shalt  }
0x84: {  	_ =	shalt  }
0x85: {  	_ =	shalt  }
0x86: {  	_ =	shalt  }
0x87: {  	_ =	shalt  }
.Lfunc_end0:
.L_simem_size_0:
called_computation.1_lowered:
.L_overlay_start_0:
0x88: {  	s2 =	sld [smem:$0x3FD9]  }
0x89: {  	s3 =	sld [smem:$0x3FFE];
	_ =	sdelay $0x1  }
0x8a: {  	s1 =	srdreg.scid  }
0x8b: {  	s0 =	sand.u32 $0x1, s1  }
0x8c: {  	s16 =	sshll.u32 s0, $0xA;
	s2 =	sadd.s32 s3, s2  }
0x8d: {  	s2 =	sadd.s32 s2, s16  }
0x8e: {  	[smem:$0x3F9A] =	sst s2  }
0x8f: {  	_ = 	snop  }
0x90: {  	(tm) =	ssettm $0x1  }
0x91: {  	s17 =	sld [smem:$0x3FFB];
	_ =	sdelay $0x3  }
0x92: {  	_ =	strace s17  }
0x93: {  	s2 =	sld [smem:$0x3FFC];
	_ =	sdelay $0x3  }
0x94: {  	_ =	strace s2  }
0x95: {  	s2 =	sld [smem:$0x3FFD];
	_ =	sdelay $0x3  }
0x96: {  	_ =	strace s2  }
0x97: {  	_ =	strace $0x8FFFFFFF  }
0x98: {  	s18 =	sld [smem:$0x3FDB];
	_ =	sdelay $0x1  }
0x99: {  	s19 =	simm.s32 $_scs_section_size  }
0x9a: {  	s4 =	simm.s32 $_size__tile_overlayer_lowered;
	s5 =	simm.s32 $_tile_overlayer_lowered  }
0x9b: {  	s22 =	simm.s32 $0x1BFF;
	s21 =	sshll.u32 s5, $0x1;
	s2 =	sadd.s32 s19, s18  }
0x9c: {  	s6 =	simm.s32 $0x0;
	s20 =	sshll.u32 s4, $0x1;
	s4 =	sadd.s32 s21, s2  }
0x9d: {  	[timem:s6], [sflag:s22] =	dma.local [hbm:s4], s20  }
0x9e: {  	_ =	swait.ge [sflag:s22], s20  }
0x9f: {  	s3 =	ssub.s32 $0x0, s20;
	[sflag:s22] =	ssyncset.done $0x0  }
0xa0: {  	[sflag:s22] =	ssyncadd.s32 s3;
	_ =	sdelay $0x1  }
0xa1: {  	s23 =	simm.s32 $0x1B8B  }
0xa2: {  	_ =	swait.ge [sflag:s23], $0x1  }
0xa3: {  	[sflag:s23] =	ssyncset.done $0x0  }
0xa4: {  	s25 =	simm.s32 $0x1B8E;
	s24 =	sld [smem:$0x3FFE];
	[sflag:s23] =	ssyncadd.s32 $0xFFFFFFFF  }
0xa5: {  	s26 =	simm.s32 $execute0_lowered;
	[smem:$0x3FD2] =	sst s25  }
0xa6: {  	s4 =	sshll.u32 s26, $0x1;
	_ =	strace $0x80000049;
	[dreg:$0x1] =	wrdreg $0xFFFFFFFF  }
0xa7: {  	s28 =	simm.s32 $_size_execute0_lowered;
	s2 =	sadd.s32 s2, s4;
	[dreg:$0x0] =	wrdreg $0x0  }
0xa8: {  	s4 =	sshll.u32 s28, $0x1;
	[dreg:$0x2] =	wrdreg s2  }
0xa9: {  	[dreg:$0x3] =	wrdreg s4  }
0xaa: {  	[dreg:$0x4] =	wrdreg $0xC0  }
0xab: {  	_ =	task [dreg:s6], $0x5FFFF  }
0xac: {  	[dreg:$0x1] =	wrdreg $0xFFFFFFFF  }
0xad: {  	[dreg:$0x0] =	wrdreg $0x60  }
0xae: {  	[dreg:$0x2] =	wrdreg s24  }
0xaf: {  	[dreg:$0x3] =	wrdreg $0x90000  }
0xb0: {  	[dreg:$0x4] =	wrdreg $0x9  }
0xb1: {  	_ =	task.clear_ibuf [dreg:s6], $0x5FFFF;
	_ =	strace $0x90000049  }
0xb2: {  	s29 =	simm.s32 $0x9;
	_ =	strace $0x8000004B  }
0xb3: {  	_ =	swait.ge [sflag:s29], $0x1  }
0xb4: {  	[sflag:s29] =	ssyncadd.s32 $0xFFFFFFFF  }
0xb5: {  	_ =	strace $0x9000004B  }
0xb6: {  	_ =	sfence  }
0xb7: {  	s30 =	sld [smem:$0x0];
	_ =	sdelay $0x2  }
0xb8: {  	s31 =	sshll.u32 s1, $0xD;
	s1 =	sshrl.u32 s1, $0x2  }
0xb9: {  	s3 =	sand.u32 $0x4000, s31;
	s1 =	sadd.s32 s1, s30  }
0xba: {  	s0 =	sor.u32 s3, s0;
	s1 =	sshll.u32 s1, $0x11  }
0xbb: {  	s0 =	sor.u32 s1, s0  }
0xbc: {  	s0 =	sadd.s32 $0x8F2B, s0  }
0xbd: {  	[sflag:s0] =	ssyncadd.remote.s32 $0x1  }
0xbe: {  	_ =	sfence.sel $0xFFFF  }
0xbf: {  	[dreg:$0x0] =	wrdreg $0xFFFFFFFF;
	(pc) =	sbr.abs _section_cstart, $3  }
0xc0: {  	[dreg:$0x1] =	wrdreg $0xFFFFFFFF  }
0xc1: {  	_ =	task.clear_ibuf [dreg:s6], $0x2FFFF;
	_ =	strace $0x9FFFFFFF  }
0xc2: {  	(tm) =	ssettm $0x7FFFFFFF  }
0xc3: {  	_ =	shalt  }
tec
execute0_lowered:
.L_overlay_start_1:
0x0: {  	(tag) =	ssettag $0x1  }
0x1: {  	s0 =	rddreg [dreg:$0x0]  }
0x2: {  	s1 =	rddreg [dreg:$0x1];
	s11 =	stileid.u32  }
0x3: {  	s2 =	srdreg.scid;
	s3 =	simm.s32 $0x0;
	s6 =	smul.u32 $0x13C00, s11  }
0x4: {  	s28 =	simm.s32 $0x5000;
	s29 =	simm.s32 $0x3;
	s8 =	smul.u32 $0x4F000, s11  }
0x5: {  	s31 =	simm.s32 $0x4;
	s2 =	sand.u32 $0x1, s2;
	s19 =	smul.u32 $0xA, s11  }
0x6: {  	[smem:$0x7FF] =	sst s3;
	s4 =	sadd.s32 $0x1D800, s0;
	s22 =	smul.u32 $0x500, s11  }
0x7: {  	s7 =	sadd.s32 $0x13800, s0;
	s9 =	sadd.s32 $0x9800, s0;
	s5 =	smul.u32 $0x13C000, s2  }
0x8: {  	_ =	strace $0x8000004A;
	s12 =	sshll.u32 s2, $0x4;
	s16 =	smul.u32 $0x5000, s2  }
0x9: {  	s10 =	ssub.s32 $0x2, s2;
	s2 =	smul.u32 $0xA0, s2;
	s8 =	sshrl.u32 s8, $0x2  }
0xa: {  	s13 =	sshrl.u32 s10, $0x1;
	s5 =	sadd.s32 s6, s5;
	s6 =	sor.u32 s11, s12  }
0xb: {  	s12 =	sadd.s32 s8, s1;
	s24 =	sadd.s32 s16, s7;
	s26 =	sadd.s32 s16, s9  }
0xc: {  	s11 =	simm.s32 $0x700;
	s5 =	sshrl.u32 s5, $0x3;
	s6 =	smul.u32 $0x500, s6  }
0xd: {  	s8 =	sadd.s32 $0x10000, s12;
	s20 =	sadd.s32 $0x4000, s12;
	s21 =	sadd.s32 $0x8000, s12  }
0xe: {  	[dreg:$0x3] =	wrdreg s12;
	s23 =	sadd.s32 $0xC000, s12;
	s25 =	sadd.s32 s22, s24  }
0xf: {  	s30 =	sadd.s32 s22, s26;
	s24 =	simm.s32 $0xC00;
	[dreg:$0x4] =	wrdreg s8  }
0x10: {  	s26 =	simm.s32 $0x80;
	s12 =	simm.s32 $0xE80;
	[dreg:$0xb] =	wrdreg s20  }
0x11: {  	s0 =	sadd.s32 s5, s0;
	s5 =	ssub.s32 s10, s13;
	[dreg:$0xc] =	wrdreg s21  }
0x12: {  	[dreg:$0xd] =	wrdreg s23;
	s16 =	sadd.s32 $0x180, s25;
	s20 =	simm.s32 $0x1000  }
0x13: {  	s21 =	simm.s32 $0x5;
	s23 =	simm.s32 $0x400;
	s25 =	simm.s32 $0x1  }
0x14: {  	s8 =	simm.s32 $0xD80;
	s10 =	simm.s32 $0xE00;
	s14 =	sadd.s32 s9, s6  }
0x15: {  	s13 =	simm.s32 $0x780;
	s15 =	sadd.s32 s7, s6;
	[dreg:$0x5] =	wrdreg s14  }
0x16: {  	s6 =	sor.u32 $0x80, s6;
	s0 =	sadd.s32 $0x6CE00, s0;
	[dreg:$0x6] =	wrdreg s15  }
0x17: {  	s18 =	smax.u32 s5, $0x1;
	s5 =	simm.s32 $0x2;
	[dreg:$0x9] =	wrdreg s0  }
0x18: {  	s17 =	sadd.s32 s9, s6;
	s6 =	sadd.s32 s7, s6;
	[dreg:$0xa] =	wrdreg s18  }
.Ltmp0:
0x19: {  	s0 =	sadd.s32 s19, s2;
	s14 =	simm.s32 $0xF00;
	(pc) =	sbr.rel .LBB2_1-.Ltmp0, $4  }
0x1a: {  	s15 =	simm.s32 $0xF80;
	[dreg:$0x7] =	wrdreg s17;
	s0 =	sshll.u32 s0, $0x7  }
0x1b: {  	s2 =	simm.s32 $0x0;
	[dreg:$0x8] =	wrdreg s6;
	s0 =	sadd.s32 $0x100, s0  }
0x1c: {  	s17 =	sadd.s32 $0x180, s30;
	s6 =	simm.s32 $0xD00;
	s18 =	sadd.s32 s0, s9  }
0x1d: {  	v0 =	vimm.f32 $0.0e+00;
	s19 =	sadd.s32 s0, s7;
	s7 =	simm.s32 $0x600;
	s9 =	simm.s32 $0x680  }
.LBB2_6:
0x1e: {  	s0 =	stileid.u32;
	[bflag:$0x0] =	sbarrier.arrive $0xFFFF  }
0x1f: {  	s0 =	sshll.u32 s0, $0x6;
	s2 =	rddreg [dreg:$0x3]  }
0x20: {  	s22 =	rddreg [dreg:$0x9];
	s0 =	sor.u32 $0x1C05, s0;
	s2 =	sshrl.u32 s2, $0x3  }
0x21: {  	[hbm:s22], [sflag:s0] =	dma.local [spmem:s2], $0x2780  }
0x22: {  	_ =	swait.ge [sflag:s21], $0x2780  }
0x23: {  	s22 =	rddreg [dreg:$0xe]  }
0x24: {  	s30 =	rddreg [dreg:$0xa];
	s2 =	sadd.s32 $0x1, s22  }
0x25: {  	p0 =	sne.s32 s2, s30  }
.Ltmp1:
0x26: {  	_ = 	snop;
	(pc) =	sbr.rel @!p0 .LBB2_7-.Ltmp1, $3  }
0x27: {  	_ =	sdelay $0x1  }
0x28: {  	[sflag:s21] =	ssyncset.done $0x0  }
0x29: {  	[sflag:s21] =	ssyncadd.s32 $0xFFFFD880  }
.LBB2_1:
0x2a: {  	[dreg:$0xe] =	wrdreg s2;
	s30 =	simm.s32 $0x0;
	s22 =	simm.s32 $0x200  }
.LBB2_2:
0x2b: {  	p0 =	sne.s32 s22, $0xFE00;
	[tilespmem:s30+$0x1070] =	vst v0  }
0x2c: {  	[tilespmem:s30+$0x1000] =	vst v0  }
0x2d: {  	[tilespmem:s30+$0x1010] =	vst v0  }
.Ltmp2:
0x2e: {  	[tilespmem:s30+$0x1020] =	vst v0;
	(pc) =	sbr.rel @p0 .LBB2_2-.Ltmp2, $4  }
0x2f: {  	[tilespmem:s30+$0x1030] =	vst v0  }
0x30: {  	[tilespmem:s30+$0x1040] =	vst v0  }
0x31: {  	[tilespmem:s30+$0x1050] =	vst v0  }
0x32: {  	[tilespmem:s30+$0x1060] =	vst v0;
	s30 =	sshra.s32 s22, $0x2;
	s22 =	sadd.s32 $0x200, s22  }
0x33: {  	[tilespmem:s30+$0x1070] =	vst v0  }
0x34: {  	[tilespmem:s30+$0x1000] =	vst v0  }
0x35: {  	[tilespmem:s30+$0x1010] =	vst v0  }
0x36: {  	[tilespmem:s30+$0x1020] =	vst v0  }
0x37: {  	[tilespmem:s30+$0x1030] =	vst v0  }
0x38: {  	[tilespmem:s30+$0x1040] =	vst v0  }
0x39: {  	[tilespmem:s30+$0x1050] =	vst v0  }
0x3a: {  	[tilespmem:s30+$0x1060] =	vst v0;
	s0 =	rddreg [dreg:$0x3]  }
0x3b: {  	[spmem:s0] =	stream.linear.scatter [tilespmem:s20], [sflag:$0x5], $0x4000, $0x38;
	[tilespmem:$0x1CC00] =	vst v63  }
0x3c: {  	_ =	swait.ge [sflag:s21], $0x4000  }
0x3d: {  	[sflag:s21] =	ssyncset.done $0x0  }
0x3e: {  	s2 =	rddreg [dreg:$0xb];
	[sflag:s21] =	ssyncadd.s32 $0xFFFFC000  }
0x3f: {  	[spmem:s2] =	stream.linear.scatter [tilespmem:s20], [sflag:$0x5], $0x4000, $0x38;
	[tilespmem:$0x1CC00] =	vst v63  }
0x40: {  	_ =	swait.ge [sflag:s21], $0x4000  }
0x41: {  	[sflag:s21] =	ssyncset.done $0x0  }
0x42: {  	s22 =	rddreg [dreg:$0xc];
	[sflag:s21] =	ssyncadd.s32 $0xFFFFC000  }
0x43: {  	[spmem:s22] =	stream.linear.scatter [tilespmem:s20], [sflag:$0x5], $0x4000, $0x38;
	[tilespmem:$0x1CC00] =	vst v63  }
0x44: {  	_ =	swait.ge [sflag:s21], $0x4000  }
0x45: {  	[sflag:s21] =	ssyncset.done $0x0  }
0x46: {  	s2 =	rddreg [dreg:$0xd];
	[sflag:s21] =	ssyncadd.s32 $0xFFFFC000  }
0x47: {  	[spmem:s2] =	stream.linear.scatter [tilespmem:s20], [sflag:$0x5], $0x4000, $0x38;
	[tilespmem:$0x1CC00] =	vst v63  }
0x48: {  	_ =	swait.ge [sflag:s21], $0x4000  }
0x49: {  	[sflag:s21] =	ssyncset.done $0x0  }
0x4a: {  	s22 =	rddreg [dreg:$0x4];
	[sflag:s21] =	ssyncadd.s32 $0xFFFFC000  }
0x4b: {  	[spmem:s22] =	stream.linear.scatter [tilespmem:s20], [sflag:$0x5], $0x3C00, $0x38;
	[tilespmem:$0x1CC00] =	vst v63  }
0x4c: {  	_ =	swait.ge [sflag:s21], $0x3C00  }
0x4d: {  	[sflag:s21] =	ssyncset.done $0x0  }
0x4e: {  	[sflag:s21] =	ssyncadd.s32 $0xFFFFC400  }
0x4f: {  	[bflag:$0x0] =	sbarrier.arrive $0xFFFF  }
0x50: {  	s30 =	simm.s32 $0x0;
	s2 =	rddreg [dreg:$0x5]  }
0x51: {  	[tilespmem:s30], [sflag:$0x1] =	stream.linear.gather [hbm4b:s2+s30], $0x400, $0x38;
	[tilespmem:$0x1CC00] =	vst v63  }
0x52: {  	s22 =	rddreg [dreg:$0x6];
	s2 =	simm.s32 $0x800  }
0x53: {  	[tilespmem:s2], [sflag:$0x1] =	stream.linear.gather [hbm4b:s22+s30], $0x400, $0x38;
	[tilespmem:$0x1CC00] =	vst v63  }
0x54: {  	s2 =	rddreg [dreg:$0x7]  }
0x55: {  	[tilespmem:s23], [sflag:$0x2] =	stream.linear.gather [hbm4b:s2+s30], $0x400, $0x38;
	[tilespmem:$0x1CC00] =	vst v63  }
0x56: {  	s22 =	rddreg [dreg:$0x8]  }
0x57: {  	[tilespmem:s24], [sflag:$0x2] =	stream.linear.gather [hbm4b:s22+s30], $0x400, $0x38;
	[tilespmem:$0x1CC00] =	vst v63  }
.LBB2_4:
0x58: {  	_ =	swait.ge [sflag:s25], $0x400  }
0x59: {  	[sflag:s25] =	ssyncset.done $0x0  }
0x5a: {  	[sflag:s25] =	ssyncadd.s32 $0xFFFFFC00  }
0x5b: {  	_ =	swait.ge [sflag:s25], $0x400  }
0x5c: {  	[sflag:s25] =	ssyncset.done $0x0  }
0x5d: {  	[sflag:s25] =	ssyncadd.s32 $0xFFFFFC00  }
0x5e: {  	[tilespmem:s20], [sflag:$0x3] =	stream.indirect.gather [hbm4b:s4+s26], $0x80, s3, s26, $0xb8;
	[tilespmem:$0x1CC00] =	vst v63  }
0x5f: {  	_ = 	snop  }
0x60: {  	[tilespmem:s28], [sflag:$0x4] =	stream.indirect.gather [hbm4b:s4+s26], $0x80, s26, s26, $0xb8;
	[tilespmem:$0x1CC00] =	vst v63  }
0x61: {  	_ =	swait.ge [sflag:s29], $0x4000  }
0x62: {  	[sflag:s29] =	ssyncset.done $0x0  }
0x63: {  	s0 =	simm.s32 $0x800;
	[sflag:s29] =	ssyncadd.s32 $0xFFFFC000  }
0x64: {  	[spmem:s1] =	stream.indirect.scatter.add.f32 [tilespmem:s20], [sflag:$0x5], $0x80, s0, s26, $0xb8;
	[tilespmem:$0x1CC00] =	vst v63  }
0x65: {  	_ =	swait.ge [sflag:s21], $0x4000  }
0x66: {  	[sflag:s21] =	ssyncset.done $0x0  }
0x67: {  	s22 =	simm.s32 $0x100;
	[sflag:s21] =	ssyncadd.s32 $0xFFFFC000  }
0x68: {  	[tilespmem:s20], [sflag:$0x3] =	stream.indirect.gather [hbm4b:s4+s26], $0x80, s22, s26, $0xb8;
	[tilespmem:$0x1CC00] =	vst v63  }
0x69: {  	_ =	swait.ge [sflag:s31], $0x4000  }
0x6a: {  	[sflag:s31] =	ssyncset.done $0x0  }
0x6b: {  	s2 =	simm.s32 $0x880;
	[sflag:s31] =	ssyncadd.s32 $0xFFFFC000  }
0x6c: {  	[spmem:s1] =	stream.indirect.scatter.add.f32 [tilespmem:s28], [sflag:$0x5], $0x80, s2, s26, $0xb8;
	[tilespmem:$0x1CC00] =	vst v63  }
0x6d: {  	_ =	swait.ge [sflag:s21], $0x4000  }
0x6e: {  	[sflag:s21] =	ssyncset.done $0x0  }
0x6f: {  	s22 =	simm.s32 $0x180;
	[sflag:s21] =	ssyncadd.s32 $0xFFFFC000  }
0x70: {  	[tilespmem:s28], [sflag:$0x4] =	stream.indirect.gather [hbm4b:s4+s26], $0x80, s22, s26, $0xb8;
	[tilespmem:$0x1CC00] =	vst v63  }
0x71: {  	_ =	swait.ge [sflag:s29], $0x4000  }
0x72: {  	[sflag:s29] =	ssyncset.done $0x0  }
0x73: {  	s2 =	simm.s32 $0x900;
	[sflag:s29] =	ssyncadd.s32 $0xFFFFC000  }
0x74: {  	[spmem:s1] =	stream.indirect.scatter.add.f32 [tilespmem:s20], [sflag:$0x5], $0x80, s2, s26, $0xb8;
	[tilespmem:$0x1CC00] =	vst v63  }
0x75: {  	_ =	swait.ge [sflag:s21], $0x4000  }
0x76: {  	[sflag:s21] =	ssyncset.done $0x0  }
0x77: {  	s22 =	simm.s32 $0x200;
	[sflag:s21] =	ssyncadd.s32 $0xFFFFC000  }
0x78: {  	[tilespmem:s20], [sflag:$0x3] =	stream.indirect.gather [hbm4b:s4+s26], $0x80, s22, s26, $0xb8;
	[tilespmem:$0x1CC00] =	vst v63  }
0x79: {  	_ =	swait.ge [sflag:s31], $0x4000  }
0x7a: {  	[sflag:s31] =	ssyncset.done $0x0  }
0x7b: {  	s2 =	simm.s32 $0x980;
	[sflag:s31] =	ssyncadd.s32 $0xFFFFC000  }
0x7c: {  	[spmem:s1] =	stream.indirect.scatter.add.f32 [tilespmem:s28], [sflag:$0x5], $0x80, s2, s26, $0xb8;
	[tilespmem:$0x1CC00] =	vst v63  }
0x7d: {  	_ =	swait.ge [sflag:s21], $0x4000  }
0x7e: {  	[sflag:s21] =	ssyncset.done $0x0  }
0x7f: {  	s22 =	simm.s32 $0x280;
	[sflag:s21] =	ssyncadd.s32 $0xFFFFC000  }
0x80: {  	[tilespmem:s28], [sflag:$0x4] =	stream.indirect.gather [hbm4b:s4+s26], $0x80, s22, s26, $0xb8;
	[tilespmem:$0x1CC00] =	vst v63  }
0x81: {  	_ =	swait.ge [sflag:s29], $0x4000  }
0x82: {  	[sflag:s29] =	ssyncset.done $0x0  }
0x83: {  	s2 =	simm.s32 $0xA00;
	[sflag:s29] =	ssyncadd.s32 $0xFFFFC000  }
0x84: {  	[spmem:s1] =	stream.indirect.scatter.add.f32 [tilespmem:s20], [sflag:$0x5], $0x80, s2, s26, $0xb8;
	[tilespmem:$0x1CC00] =	vst v63  }
0x85: {  	_ =	swait.ge [sflag:s21], $0x4000  }
0x86: {  	[sflag:s21] =	ssyncset.done $0x0  }
0x87: {  	s22 =	simm.s32 $0x300;
	[sflag:s21] =	ssyncadd.s32 $0xFFFFC000  }
0x88: {  	[tilespmem:s20], [sflag:$0x3] =	stream.indirect.gather [hbm4b:s4+s26], $0x80, s22, s26, $0xb8;
	[tilespmem:$0x1CC00] =	vst v63  }
0x89: {  	_ =	swait.ge [sflag:s31], $0x4000  }
0x8a: {  	[sflag:s31] =	ssyncset.done $0x0  }
0x8b: {  	s2 =	simm.s32 $0xA80;
	[sflag:s31] =	ssyncadd.s32 $0xFFFFC000  }
0x8c: {  	[spmem:s1] =	stream.indirect.scatter.add.f32 [tilespmem:s28], [sflag:$0x5], $0x80, s2, s26, $0xb8;
	[tilespmem:$0x1CC00] =	vst v63  }
0x8d: {  	_ =	swait.ge [sflag:s21], $0x4000  }
0x8e: {  	[sflag:s21] =	ssyncset.done $0x0  }
0x8f: {  	s22 =	simm.s32 $0x380;
	[sflag:s21] =	ssyncadd.s32 $0xFFFFC000  }
0x90: {  	[tilespmem:s28], [sflag:$0x4] =	stream.indirect.gather [hbm4b:s4+s26], $0x80, s22, s26, $0xb8;
	[tilespmem:$0x1CC00] =	vst v63  }
0x91: {  	_ =	swait.ge [sflag:s29], $0x4000  }
0x92: {  	[sflag:s29] =	ssyncset.done $0x0  }
0x93: {  	s2 =	simm.s32 $0xB00;
	[sflag:s29] =	ssyncadd.s32 $0xFFFFC000  }
0x94: {  	[spmem:s1] =	stream.indirect.scatter.add.f32 [tilespmem:s20], [sflag:$0x5], $0x80, s2, s26, $0xb8;
	[tilespmem:$0x1CC00] =	vst v63  }
0x95: {  	_ =	swait.ge [sflag:s21], $0x4000  }
0x96: {  	[sflag:s21] =	ssyncset.done $0x0  }
0x97: {  	[sflag:s21] =	ssyncadd.s32 $0xFFFFC000  }
0x98: {  	_ =	swait.ge [sflag:s31], $0x4000  }
0x99: {  	[sflag:s31] =	ssyncset.done $0x0  }
0x9a: {  	s22 =	simm.s32 $0xB80;
	[sflag:s31] =	ssyncadd.s32 $0xFFFFC000  }
0x9b: {  	[spmem:s1] =	stream.indirect.scatter.add.f32 [tilespmem:s28], [sflag:$0x5], $0x80, s22, s26, $0xb8;
	[tilespmem:$0x1CC00] =	vst v63  }
0x9c: {  	_ =	swait.ge [sflag:s21], $0x4000  }
0x9d: {  	p0 =	seq.s32 s30, $0x400;
	[sflag:s21] =	ssyncset.done $0x0  }
0x9e: {  	s0 =	simm.s32 @!p0 $0x0;
	s22 =	sadd.s32 @!p0 s30, s18;
	[sflag:s21] =	ssyncadd.s32 $0xFFFFC000  }
0x9f: {  	[tilespmem:s0], [sflag:$0x1] =	stream.linear.gather @!p0 [hbm4b:s22+s0], $0x400, $0x38;
	[tilespmem:$0x1CC00] =	vst v63  }
0xa0: {  	s2 =	simm.s32 @!p0 $0x800;
	s22 =	sadd.s32 @!p0 s30, s19  }
0xa1: {  	[tilespmem:s2], [sflag:$0x1] =	stream.linear.gather @!p0 [hbm4b:s22+s0], $0x400, $0x38;
	[tilespmem:$0x1CC00] =	vst v63  }
0xa2: {  	_ =	swait.ge [sflag:s5], $0x400  }
0xa3: {  	[sflag:s5] =	ssyncset.done $0x0  }
0xa4: {  	[sflag:s5] =	ssyncadd.s32 $0xFFFFFC00  }
0xa5: {  	_ =	swait.ge [sflag:s5], $0x400  }
0xa6: {  	[sflag:s5] =	ssyncset.done $0x0  }
0xa7: {  	[sflag:s5] =	ssyncadd.s32 $0xFFFFFC00  }
0xa8: {  	[tilespmem:s20], [sflag:$0x3] =	stream.indirect.gather [hbm4b:s4+s26], $0x80, s23, s26, $0xb8;
	[tilespmem:$0x1CC00] =	vst v63  }
0xa9: {  	s2 =	simm.s32 $0x480  }
0xaa: {  	[tilespmem:s28], [sflag:$0x4] =	stream.indirect.gather [hbm4b:s4+s26], $0x80, s2, s26, $0xb8;
	[tilespmem:$0x1CC00] =	vst v63  }
0xab: {  	_ =	swait.ge [sflag:s29], $0x4000  }
0xac: {  	[sflag:s29] =	ssyncset.done $0x0  }
0xad: {  	[sflag:s29] =	ssyncadd.s32 $0xFFFFC000  }
0xae: {  	[spmem:s1] =	stream.indirect.scatter.add.f32 [tilespmem:s20], [sflag:$0x5], $0x80, s24, s26, $0xb8;
	[tilespmem:$0x1CC00] =	vst v63  }
0xaf: {  	_ =	swait.ge [sflag:s21], $0x4000  }
0xb0: {  	[sflag:s21] =	ssyncset.done $0x0  }
0xb1: {  	s22 =	simm.s32 $0x500;
	[sflag:s21] =	ssyncadd.s32 $0xFFFFC000  }
0xb2: {  	[tilespmem:s20], [sflag:$0x3] =	stream.indirect.gather [hbm4b:s4+s26], $0x80, s22, s26, $0xb8;
	[tilespmem:$0x1CC00] =	vst v63  }
0xb3: {  	_ =	swait.ge [sflag:s31], $0x4000  }
0xb4: {  	[sflag:s31] =	ssyncset.done $0x0  }
0xb5: {  	s2 =	simm.s32 $0xC80;
	[sflag:s31] =	ssyncadd.s32 $0xFFFFC000  }
0xb6: {  	[spmem:s1] =	stream.indirect.scatter.add.f32 [tilespmem:s28], [sflag:$0x5], $0x80, s2, s26, $0xb8;
	[tilespmem:$0x1CC00] =	vst v63  }
0xb7: {  	_ =	swait.ge [sflag:s21], $0x4000  }
0xb8: {  	[sflag:s21] =	ssyncset.done $0x0  }
0xb9: {  	s22 =	simm.s32 $0x580;
	[sflag:s21] =	ssyncadd.s32 $0xFFFFC000  }
0xba: {  	[tilespmem:s28], [sflag:$0x4] =	stream.indirect.gather [hbm4b:s4+s26], $0x80, s22, s26, $0xb8;
	[tilespmem:$0x1CC00] =	vst v63  }
0xbb: {  	_ =	swait.ge [sflag:s29], $0x4000  }
0xbc: {  	[sflag:s29] =	ssyncset.done $0x0  }
0xbd: {  	[sflag:s29] =	ssyncadd.s32 $0xFFFFC000  }
0xbe: {  	[spmem:s1] =	stream.indirect.scatter.add.f32 [tilespmem:s20], [sflag:$0x5], $0x80, s6, s26, $0xb8;
	[tilespmem:$0x1CC00] =	vst v63  }
0xbf: {  	_ =	swait.ge [sflag:s21], $0x4000  }
0xc0: {  	[sflag:s21] =	ssyncset.done $0x0  }
0xc1: {  	[sflag:s21] =	ssyncadd.s32 $0xFFFFC000  }
0xc2: {  	[tilespmem:s20], [sflag:$0x3] =	stream.indirect.gather [hbm4b:s4+s26], $0x80, s7, s26, $0xb8;
	[tilespmem:$0x1CC00] =	vst v63  }
0xc3: {  	_ =	swait.ge [sflag:s31], $0x4000  }
0xc4: {  	[sflag:s31] =	ssyncset.done $0x0  }
0xc5: {  	[sflag:s31] =	ssyncadd.s32 $0xFFFFC000  }
0xc6: {  	[spmem:s1] =	stream.indirect.scatter.add.f32 [tilespmem:s28], [sflag:$0x5], $0x80, s8, s26, $0xb8;
	[tilespmem:$0x1CC00] =	vst v63  }
0xc7: {  	_ =	swait.ge [sflag:s21], $0x4000  }
0xc8: {  	[sflag:s21] =	ssyncset.done $0x0  }
0xc9: {  	[sflag:s21] =	ssyncadd.s32 $0xFFFFC000  }
0xca: {  	[tilespmem:s28], [sflag:$0x4] =	stream.indirect.gather [hbm4b:s4+s26], $0x80, s9, s26, $0xb8;
	[tilespmem:$0x1CC00] =	vst v63  }
0xcb: {  	_ =	swait.ge [sflag:s29], $0x4000  }
0xcc: {  	[sflag:s29] =	ssyncset.done $0x0  }
0xcd: {  	[sflag:s29] =	ssyncadd.s32 $0xFFFFC000  }
0xce: {  	[spmem:s1] =	stream.indirect.scatter.add.f32 [tilespmem:s20], [sflag:$0x5], $0x80, s10, s26, $0xb8;
	[tilespmem:$0x1CC00] =	vst v63  }
0xcf: {  	_ =	swait.ge [sflag:s21], $0x4000  }
0xd0: {  	[sflag:s21] =	ssyncset.done $0x0  }
0xd1: {  	[sflag:s21] =	ssyncadd.s32 $0xFFFFC000  }
0xd2: {  	[tilespmem:s20], [sflag:$0x3] =	stream.indirect.gather [hbm4b:s4+s26], $0x80, s11, s26, $0xb8;
	[tilespmem:$0x1CC00] =	vst v63  }
0xd3: {  	_ =	swait.ge [sflag:s31], $0x4000  }
0xd4: {  	[sflag:s31] =	ssyncset.done $0x0  }
0xd5: {  	[sflag:s31] =	ssyncadd.s32 $0xFFFFC000  }
0xd6: {  	[spmem:s1] =	stream.indirect.scatter.add.f32 [tilespmem:s28], [sflag:$0x5], $0x80, s12, s26, $0xb8;
	[tilespmem:$0x1CC00] =	vst v63  }
0xd7: {  	_ =	swait.ge [sflag:s21], $0x4000  }
0xd8: {  	[sflag:s21] =	ssyncset.done $0x0  }
0xd9: {  	[sflag:s21] =	ssyncadd.s32 $0xFFFFC000  }
0xda: {  	[tilespmem:s28], [sflag:$0x4] =	stream.indirect.gather [hbm4b:s4+s26], $0x80, s13, s26, $0xb8;
	[tilespmem:$0x1CC00] =	vst v63  }
0xdb: {  	_ =	swait.ge [sflag:s29], $0x4000  }
0xdc: {  	[sflag:s29] =	ssyncset.done $0x0  }
0xdd: {  	[sflag:s29] =	ssyncadd.s32 $0xFFFFC000  }
0xde: {  	[spmem:s1] =	stream.indirect.scatter.add.f32 [tilespmem:s20], [sflag:$0x5], $0x80, s14, s26, $0xb8;
	[tilespmem:$0x1CC00] =	vst v63  }
0xdf: {  	_ =	swait.ge [sflag:s21], $0x4000  }
0xe0: {  	[sflag:s21] =	ssyncset.done $0x0  }
0xe1: {  	[sflag:s21] =	ssyncadd.s32 $0xFFFFC000  }
0xe2: {  	_ =	swait.ge [sflag:s31], $0x4000  }
0xe3: {  	[sflag:s31] =	ssyncset.done $0x0  }
.Ltmp3:
0xe4: {  	[sflag:s31] =	ssyncadd.s32 $0xFFFFC000;
	(pc) =	sbr.rel @p0 .LBB2_6-.Ltmp3, $4  }
0xe5: {  	[spmem:s1] =	stream.indirect.scatter.add.f32 [tilespmem:s28], [sflag:$0x5], $0x80, s15, s26, $0xb8;
	[tilespmem:$0x1CC00] =	vst v63  }
0xe6: {  	_ =	swait.ge [sflag:s21], $0x4000  }
0xe7: {  	[sflag:s21] =	ssyncset.done $0x0  }
0xe8: {  	[sflag:s21] =	ssyncadd.s32 $0xFFFFC000  }
.Ltmp4:
0xe9: {  	(pc) =	sbr.rel .LBB2_4-.Ltmp4, $4  }
0xea: {  	s0 =	sadd.s32 s30, s17  }
0xeb: {  	[tilespmem:s23], [sflag:$0x2] =	stream.linear.gather [hbm4b:s0+s3], $0x400, $0x38;
	[tilespmem:$0x1CC00] =	vst v63  }
0xec: {  	s22 =	sadd.s32 s30, s16;
	s30 =	sadd.s32 $0x100, s30  }
0xed: {  	[tilespmem:s24], [sflag:$0x2] =	stream.linear.gather [hbm4b:s22+s3], $0x400, $0x38;
	[tilespmem:$0x1CC00] =	vst v63  }
.LBB2_7:
0xee: {  	_ =	sfence.sel $0x180000  }
0xef: {  	[bflag:$0x0] =	sbarrier.arrive $0xFFFF  }
0xf0: {  	_ =	strace $0x9000004A  }
0xf1: {  	s0 =	stileid.u32;
	[bflag:$0x2] =	sbarrier.arrive $0xFFFF  }
0xf2: {  	p0 =	sne.s32 s0, $0x0;
	s0 =	rddreg [dreg:$0x2]  }
0xf3: {  	s0 =	sadd.s32 @!p0 $0x100000, s0  }
0xf4: {  	[sflag:s0] =	ssyncadd.tile.s32 @!p0 $0x1;
	_ =	shalt  }
.Lfunc_end2:
_tile_overlayer_lowered:
.L_overlay_start_2:
0xf5: {  	(tag) =	ssettag $0x2  }
0xf6: {  	s0 =	rddreg [dreg:$0x0];
	s2 =	stileid.u32  }
0xf7: {  	s1 =	rddreg [dreg:$0x1];
	p0 =	sne.s32 s2, $0x0  }
0xf8: {  	s3 =	rddreg [dreg:$0x2];
	[bflag:$0x3] =	sbarrier.arrive $0xFFFF;
	s2 =	simm.s32 @!p0 $0x1C05  }
0xf9: {  	[timem:s3], [sflag:s2] =	dma.local @!p0 [hbm:s0], s1  }
0xfa: {  	s0 =	simm.s32 @!p0 $0x5  }
0xfb: {  	_ =	swait.ge @!p0 [sflag:s0], s1  }
0xfc: {  	s1 =	ssub.s32 @!p0 $0x0, s1;
	[sflag:s0] =	ssyncset.done @!p0 $0x0  }
0xfd: {  	[sflag:s0] =	ssyncadd.s32 @!p0 s1  }
0xfe: {  	[bflag:$0x3] =	sbarrier.arrive $0xFFFF  }
0xff: {  	_ =	shalt  }

// kernel: kernel.17.cloned.1.call-start
scs
__scs_entry_jumppad:
0x0: {  	(pc) =	sbr.rel $0x88, $3  }
0x1: {  	(tag) =	ssettag $0x0;
	lr =	simm.s32 $0x1  }
0x2: {  	[smem:$0x3F73] =	sst lr;
	_ =	strace $0xD0000000  }
0x3: {  	_ = 	snop  }
0x4: {  	_ = 	snop  }
0x5: {  	_ = 	snop  }
0x6: {  	_ = 	snop  }
0x7: {  	_ = 	snop  }
__scs_overlays_trampoline_lowered:
0x8: {  	[smem:$0x3F82] =	sst s0  }
0x9: {  	[smem:$0x3F83] =	sst s1  }
0xa: {  	[smem:$0x3F84] =	sst s2  }
0xb: {  	[smem:$0x3F85] =	sst s3  }
0xc: {  	[smem:$0x3F86] =	sst s4  }
0xd: {  	[smem:$0x3F87] =	sst s5  }
0xe: {  	[smem:$0x3F88] =	sst s6  }
0xf: {  	[smem:$0x3F89] =	sst s7  }
0x10: {  	[smem:$0x3F8A] =	sst s8  }
0x11: {  	[smem:$0x3F8B] =	sst s9;
	s0 =	simm.s32 @!p0 $0x0  }
0x12: {  	s1 =	sld [smem:$0x3F71];
	s0 =	simm.s32 @p0 $0x1  }
0x13: {  	[smem:$0x3F8C] =	sst s0;
	s0 =	simm.s32 @!p1 $0x0  }
0x14: {  	s2 =	sld [smem:$0x3F70];
	s0 =	simm.s32 @p1 $0x1  }
0x15: {  	[smem:$0x3F8D] =	sst s0;
	s0 =	simm.s32 @!p2 $0x0  }
0x16: {  	s3 =	sld [smem:$0x3FDB];
	s0 =	simm.s32 @p2 $0x1  }
0x17: {  	s4 =	simm.s32 $0x1BF5;
	[smem:$0x3F8F] =	sst s0  }
0x18: {  	s0 =	sld [smem:$0x3F72];
	_ =	swait.ge [sflag:s4], $0x0  }
0x19: {  	s7 =	sld [smem:$0x3F73]  }
0x1a: {  	s8 =	sadd.s32 $0xFFFFE003, lr  }
0x1b: {  	s9 =	sadd.s32 $0xFFFFFEF7, lr;
	s5 =	simm.s32 $0xFFFFFFFF;
	p2 =	slt.u32 s8, $0xFFFFF086  }
0x1c: {  	p1 =	slt.u32 s9, $0xF7A;
	s5 =	simm.s32 @!p2 $0x0  }
0x1d: {  	s5 =	simm.s32 @p1 $0x1;
	p0 =	seq.s32 s7, s2  }
0x1e: {  	s7 =	smul.u32 @!p0 $0xF7A, s2;
	p2 =	seq.s32 @!p0 s5, $0x0  }
0x1f: {  	s9 =	smul.u32 $0xF7A, s1;
	s8 =	simm.s32 @!p0 $0x1BF5;
	p2 =	por !p2, p0  }
0x20: {  	[sflag:s8] =	ssyncset.s32 @!p0 $0xFFFFF086;
	s6 =	sadd.s32 @!p0 s3, s7;
	s7 =	simm.s32 @!p0 $0x108  }
0x21: {  	s3 =	sadd.s32 s3, s9;
	s6 =	sadd.s32 @!p0 $0x88, s6;
	s7 =	simm.s32 @p2 $0x1082  }
0x22: {  	[simem:s7], [sflag:s8] =	dma.local @!p0 [hbm:s6], $0xF7A  }
0x23: {  	s9 =	sor.u32 $0xD0000000, s2;
	s6 =	simm.s32 $0x108;
	_ =	swait.ge @!p0 [sflag:s8], $0x0  }
0x24: {  	s3 =	sadd.s32 $0x88, s3;
	s6 =	simm.s32 @!p1 $0x1082;
	[sflag:s4] =	ssyncset.s32 $0xFFFFF086  }
0x25: {  	[simem:s6], [sflag:s4] =	dma.local [hbm:s3], $0xF7A  }
0x26: {  	[smem:$0x3F73] =	sst s1;
	(tag) =	ssettag s2;
	_ =	strace s9  }
0x27: {  	s1 =	sld [smem:$0x3F83]  }
0x28: {  	s2 =	sld [smem:$0x3F84]  }
0x29: {  	s4 =	sld [smem:$0x3F86]  }
0x2a: {  	p0 =	seq.s32 s5, $0x0;
	s5 =	sld [smem:$0x3F87]  }
0x2b: {  	s6 =	sld [smem:$0x3F88]  }
0x2c: {  	s7 =	sld [smem:$0x3F89]  }
0x2d: {  	s3 =	simm.s32 $0x108;
	s8 =	sld [smem:$0x3F8A]  }
0x2e: {  	s3 =	simm.s32 @!p0 $0x1082;
	s9 =	sld [smem:$0x3F8B]  }
0x2f: {  	lr =	sadd.s32 s0, s3;
	s0 =	sld [smem:$0x3F82]  }
0x30: {  	s3 =	sld [smem:$0x3F85]  }
0x31: {  	[smem:$0x3F8E] =	sst s10  }
0x32: {  	s10 =	sld [smem:$0x3F8C];
	_ =	sdelay $0x3  }
0x33: {  	p0 =	seq.s32 s10, $0x1;
	s10 =	sld [smem:$0x3F8E];
	_ =	sdelay $0x3  }
0x34: {  	[smem:$0x3F8E] =	sst s10  }
0x35: {  	s10 =	sld [smem:$0x3F8D];
	_ =	sdelay $0x3  }
0x36: {  	p1 =	seq.s32 s10, $0x1;
	s10 =	sld [smem:$0x3F8E];
	_ =	sdelay $0x3  }
0x37: {  	[smem:$0x3F8E] =	sst s10  }
0x38: {  	s10 =	sld [smem:$0x3F8F]  }
0x39: {  	_ = 	snop;
	(pc) =	sbr.ind lr, $3  }
0x3a: {  	_ = 	snop  }
0x3b: {  	_ = 	snop  }
0x3c: {  	p2 =	seq.s32 s10, $0x1;
	s10 =	sld [smem:$0x3F8E]  }
0x3d: {  	_ =	shalt  }
0x3e: {  	_ =	shalt  }
0x3f: {  	_ =	shalt  }
0x40: {  	_ =	shalt  }
0x41: {  	_ =	shalt  }
0x42: {  	_ =	shalt  }
0x43: {  	_ =	shalt  }
0x44: {  	_ =	shalt  }
0x45: {  	_ =	shalt  }
0x46: {  	_ =	shalt  }
0x47: {  	_ =	shalt  }
0x48: {  	_ =	shalt  }
0x49: {  	_ =	shalt  }
0x4a: {  	_ =	shalt  }
0x4b: {  	_ =	shalt  }
0x4c: {  	_ =	shalt  }
0x4d: {  	_ =	shalt  }
0x4e: {  	_ =	shalt  }
0x4f: {  	_ =	shalt  }
0x50: {  	_ =	shalt  }
0x51: {  	_ =	shalt  }
0x52: {  	_ =	shalt  }
0x53: {  	_ =	shalt  }
0x54: {  	_ =	shalt  }
0x55: {  	_ =	shalt  }
0x56: {  	_ =	shalt  }
0x57: {  	_ =	shalt  }
0x58: {  	_ =	shalt  }
0x59: {  	_ =	shalt  }
0x5a: {  	_ =	shalt  }
0x5b: {  	_ =	shalt  }
0x5c: {  	_ =	shalt  }
0x5d: {  	_ =	shalt  }
0x5e: {  	_ =	shalt  }
0x5f: {  	_ =	shalt  }
0x60: {  	_ =	shalt  }
0x61: {  	_ =	shalt  }
0x62: {  	_ =	shalt  }
0x63: {  	_ =	shalt  }
0x64: {  	_ =	shalt  }
0x65: {  	_ =	shalt  }
0x66: {  	_ =	shalt  }
0x67: {  	_ =	shalt  }
0x68: {  	_ =	shalt  }
0x69: {  	_ =	shalt  }
0x6a: {  	_ =	shalt  }
0x6b: {  	_ =	shalt  }
0x6c: {  	_ =	shalt  }
0x6d: {  	_ =	shalt  }
0x6e: {  	_ =	shalt  }
0x6f: {  	_ =	shalt  }
0x70: {  	_ =	shalt  }
0x71: {  	_ =	shalt  }
0x72: {  	_ =	shalt  }
0x73: {  	_ =	shalt  }
0x74: {  	_ =	shalt  }
0x75: {  	_ =	shalt  }
0x76: {  	_ =	shalt  }
0x77: {  	_ =	shalt  }
0x78: {  	_ =	shalt  }
0x79: {  	_ =	shalt  }
0x7a: {  	_ =	shalt  }
0x7b: {  	_ =	shalt  }
0x7c: {  	_ =	shalt  }
0x7d: {  	_ =	shalt  }
0x7e: {  	_ =	shalt  }
0x7f: {  	_ =	shalt  }
0x80: {  	_ =	shalt  }
0x81: {  	_ =	shalt  }
0x82: {  	_ =	shalt  }
0x83: {  	_ =	shalt  }
0x84: {  	_ =	shalt  }
0x85: {  	_ =	shalt  }
0x86: {  	_ =	shalt  }
0x87: {  	_ =	shalt  }
.Lfunc_end0:
.L_simem_size_0:
called_computation.2_lowered:
.L_overlay_start_0:
0x88: {  	s2 =	sld [smem:$0x3FD9]  }
0x89: {  	s3 =	sld [smem:$0x3FFE];
	_ =	sdelay $0x1  }
0x8a: {  	s1 =	srdreg.scid  }
0x8b: {  	s0 =	sand.u32 $0x1, s1  }
0x8c: {  	s16 =	sshll.u32 s0, $0xA;
	s2 =	sadd.s32 s3, s2  }
0x8d: {  	s2 =	sadd.s32 s2, s16  }
0x8e: {  	[smem:$0x3F9A] =	sst s2  }
0x8f: {  	_ = 	snop  }
0x90: {  	(tm) =	ssettm $0x1  }
0x91: {  	s17 =	sld [smem:$0x3FFB];
	_ =	sdelay $0x3  }
0x92: {  	_ =	strace s17  }
0x93: {  	s2 =	sld [smem:$0x3FFC];
	_ =	sdelay $0x3  }
0x94: {  	_ =	strace s2  }
0x95: {  	s2 =	sld [smem:$0x3FFD];
	_ =	sdelay $0x3  }
0x96: {  	_ =	strace s2  }
0x97: {  	_ =	strace $0x8FFFFFFF  }
0x98: {  	s18 =	sld [smem:$0x3FDB];
	_ =	sdelay $0x1  }
0x99: {  	s19 =	simm.s32 $_scs_section_size  }
0x9a: {  	s4 =	simm.s32 $_size__tile_overlayer_lowered;
	s5 =	simm.s32 $_tile_overlayer_lowered  }
0x9b: {  	s22 =	simm.s32 $0x1BFF;
	s21 =	sshll.u32 s5, $0x1;
	s2 =	sadd.s32 s19, s18  }
0x9c: {  	s6 =	simm.s32 $0x0;
	s20 =	sshll.u32 s4, $0x1;
	s4 =	sadd.s32 s21, s2  }
0x9d: {  	[timem:s6], [sflag:s22] =	dma.local [hbm:s4], s20  }
0x9e: {  	_ =	swait.ge [sflag:s22], s20  }
0x9f: {  	s3 =	ssub.s32 $0x0, s20;
	[sflag:s22] =	ssyncset.done $0x0  }
0xa0: {  	[sflag:s22] =	ssyncadd.s32 s3;
	_ =	sdelay $0x1  }
0xa1: {  	s23 =	simm.s32 $0x1B8B  }
0xa2: {  	_ =	swait.ge [sflag:s23], $0x1  }
0xa3: {  	[sflag:s23] =	ssyncset.done $0x0  }
0xa4: {  	s25 =	simm.s32 $0x1B8E;
	s24 =	sld [smem:$0x3FFE];
	[sflag:s23] =	ssyncadd.s32 $0xFFFFFFFF  }
0xa5: {  	s26 =	simm.s32 $execute0_lowered;
	[smem:$0x3FD2] =	sst s25  }
0xa6: {  	s4 =	sshll.u32 s26, $0x1;
	_ =	strace $0x8000004C;
	[dreg:$0x1] =	wrdreg $0xFFFFFFFF  }
0xa7: {  	s28 =	simm.s32 $_size_execute0_lowered;
	s2 =	sadd.s32 s2, s4;
	[dreg:$0x0] =	wrdreg $0x0  }
0xa8: {  	s4 =	sshll.u32 s28, $0x1;
	[dreg:$0x2] =	wrdreg s2  }
0xa9: {  	[dreg:$0x3] =	wrdreg s4  }
0xaa: {  	[dreg:$0x4] =	wrdreg $0xC0  }
0xab: {  	_ =	task [dreg:s6], $0x5FFFF  }
0xac: {  	[dreg:$0x1] =	wrdreg $0xFFFFFFFF  }
0xad: {  	[dreg:$0x0] =	wrdreg $0x60  }
0xae: {  	[dreg:$0x2] =	wrdreg s24  }
0xaf: {  	[dreg:$0x3] =	wrdreg $0x90000  }
0xb0: {  	[dreg:$0x4] =	wrdreg $0x9  }
0xb1: {  	_ =	task.clear_ibuf [dreg:s6], $0x5FFFF;
	_ =	strace $0x9000004C  }
0xb2: {  	s29 =	simm.s32 $0x9;
	_ =	strace $0x8000004E  }
0xb3: {  	_ =	swait.ge [sflag:s29], $0x1  }
0xb4: {  	[sflag:s29] =	ssyncadd.s32 $0xFFFFFFFF  }
0xb5: {  	_ =	strace $0x9000004E  }
0xb6: {  	_ =	sfence  }
0xb7: {  	s30 =	sld [smem:$0x0];
	_ =	sdelay $0x2  }
0xb8: {  	s31 =	sshll.u32 s1, $0xD;
	s1 =	sshrl.u32 s1, $0x2  }
0xb9: {  	s3 =	sand.u32 $0x4000, s31;
	s1 =	sadd.s32 s1, s30  }
0xba: {  	s0 =	sor.u32 s3, s0;
	s1 =	sshll.u32 s1, $0x11  }
0xbb: {  	s0 =	sor.u32 s1, s0  }
0xbc: {  	s0 =	sadd.s32 $0x8F2B, s0  }
0xbd: {  	[sflag:s0] =	ssyncadd.remote.s32 $0x1  }
0xbe: {  	_ =	sfence.sel $0xFFFF  }
0xbf: {  	[dreg:$0x0] =	wrdreg $0xFFFFFFFF;
	(pc) =	sbr.abs _section_cstart, $3  }
0xc0: {  	[dreg:$0x1] =	wrdreg $0xFFFFFFFF  }
0xc1: {  	_ =	task.clear_ibuf [dreg:s6], $0x2FFFF;
	_ =	strace $0x9FFFFFFF  }
0xc2: {  	(tm) =	ssettm $0x7FFFFFFF  }
0xc3: {  	_ =	shalt  }
tec
execute0_lowered:
.L_overlay_start_1:
0x0: {  	(tag) =	ssettag $0x1  }
0x1: {  	s0 =	rddreg [dreg:$0x0]  }
0x2: {  	s1 =	rddreg [dreg:$0x1];
	s11 =	stileid.u32  }
0x3: {  	s2 =	srdreg.scid;
	s3 =	simm.s32 $0x0;
	s6 =	smul.u32 $0x13C00, s11  }
0x4: {  	s28 =	simm.s32 $0x5000;
	s29 =	simm.s32 $0x3;
	s8 =	smul.u32 $0x4F000, s11  }
0x5: {  	s31 =	simm.s32 $0x4;
	s2 =	sand.u32 $0x1, s2;
	s19 =	smul.u32 $0xA, s11  }
0x6: {  	[smem:$0x7FF] =	sst s3;
	s4 =	sadd.s32 $0x1D800, s0;
	s22 =	smul.u32 $0x500, s11  }
0x7: {  	s7 =	sadd.s32 $0x13800, s0;
	s9 =	sadd.s32 $0x9800, s0;
	s5 =	smul.u32 $0x13C000, s2  }
0x8: {  	_ =	strace $0x8000004D;
	s12 =	sshll.u32 s2, $0x4;
	s16 =	smul.u32 $0x5000, s2  }
0x9: {  	s10 =	ssub.s32 $0x2, s2;
	s2 =	smul.u32 $0xA0, s2;
	s8 =	sshrl.u32 s8, $0x2  }
0xa: {  	s13 =	sshrl.u32 s10, $0x1;
	s5 =	sadd.s32 s6, s5;
	s6 =	sor.u32 s11, s12  }
0xb: {  	s12 =	sadd.s32 s8, s1;
	s24 =	sadd.s32 s16, s7;
	s26 =	sadd.s32 s16, s9  }
0xc: {  	s11 =	simm.s32 $0x700;
	s5 =	sshrl.u32 s5, $0x3;
	s6 =	smul.u32 $0x500, s6  }
0xd: {  	s8 =	sadd.s32 $0x10000, s12;
	s20 =	sadd.s32 $0x4000, s12;
	s21 =	sadd.s32 $0x8000, s12  }
0xe: {  	[dreg:$0x3] =	wrdreg s12;
	s23 =	sadd.s32 $0xC000, s12;
	s25 =	sadd.s32 s22, s24  }
0xf: {  	s30 =	sadd.s32 s22, s26;
	s24 =	simm.s32 $0xC00;
	[dreg:$0x4] =	wrdreg s8  }
0x10: {  	s26 =	simm.s32 $0x80;
	s12 =	simm.s32 $0xE80;
	[dreg:$0xb] =	wrdreg s20  }
0x11: {  	s0 =	sadd.s32 s5, s0;
	s5 =	ssub.s32 s10, s13;
	[dreg:$0xc] =	wrdreg s21  }
0x12: {  	[dreg:$0xd] =	wrdreg s23;
	s16 =	sadd.s32 $0x180, s25;
	s20 =	simm.s32 $0x1000  }
0x13: {  	s21 =	simm.s32 $0x5;
	s23 =	simm.s32 $0x400;
	s25 =	simm.s32 $0x1  }
0x14: {  	s8 =	simm.s32 $0xD80;
	s10 =	simm.s32 $0xE00;
	s14 =	sadd.s32 s9, s6  }
0x15: {  	s13 =	simm.s32 $0x780;
	s15 =	sadd.s32 s7, s6;
	[dreg:$0x5] =	wrdreg s14  }
0x16: {  	s6 =	sor.u32 $0x80, s6;
	s0 =	sadd.s32 $0x6CE00, s0;
	[dreg:$0x6] =	wrdreg s15  }
0x17: {  	s18 =	smax.u32 s5, $0x1;
	s5 =	simm.s32 $0x2;
	[dreg:$0x9] =	wrdreg s0  }
0x18: {  	s17 =	sadd.s32 s9, s6;
	s6 =	sadd.s32 s7, s6;
	[dreg:$0xa] =	wrdreg s18  }
.Ltmp0:
0x19: {  	s0 =	sadd.s32 s19, s2;
	s14 =	simm.s32 $0xF00;
	(pc) =	sbr.rel .LBB2_1-.Ltmp0, $4  }
0x1a: {  	s15 =	simm.s32 $0xF80;
	[dreg:$0x7] =	wrdreg s17;
	s0 =	sshll.u32 s0, $0x7  }
0x1b: {  	s2 =	simm.s32 $0x0;
	[dreg:$0x8] =	wrdreg s6;
	s0 =	sadd.s32 $0x100, s0  }
0x1c: {  	s17 =	sadd.s32 $0x180, s30;
	s6 =	simm.s32 $0xD00;
	s18 =	sadd.s32 s0, s9  }
0x1d: {  	v0 =	vimm.f32 $0.0e+00;
	s19 =	sadd.s32 s0, s7;
	s7 =	simm.s32 $0x600;
	s9 =	simm.s32 $0x680  }
.LBB2_6:
0x1e: {  	s0 =	stileid.u32;
	[bflag:$0x0] =	sbarrier.arrive $0xFFFF  }
0x1f: {  	s0 =	sshll.u32 s0, $0x6;
	s2 =	rddreg [dreg:$0x3]  }
0x20: {  	s22 =	rddreg [dreg:$0x9];
	s0 =	sor.u32 $0x1C05, s0;
	s2 =	sshrl.u32 s2, $0x3  }
0x21: {  	[hbm:s22], [sflag:s0] =	dma.local [spmem:s2], $0x2780  }
0x22: {  	_ =	swait.ge [sflag:s21], $0x2780  }
0x23: {  	s22 =	rddreg [dreg:$0xe]  }
0x24: {  	s30 =	rddreg [dreg:$0xa];
	s2 =	sadd.s32 $0x1, s22  }
0x25: {  	p0 =	sne.s32 s2, s30  }
.Ltmp1:
0x26: {  	_ = 	snop;
	(pc) =	sbr.rel @!p0 .LBB2_7-.Ltmp1, $3  }
0x27: {  	_ =	sdelay $0x1  }
0x28: {  	[sflag:s21] =	ssyncset.done $0x0  }
0x29: {  	[sflag:s21] =	ssyncadd.s32 $0xFFFFD880  }
.LBB2_1:
0x2a: {  	[dreg:$0xe] =	wrdreg s2;
	s30 =	simm.s32 $0x0;
	s22 =	simm.s32 $0x200  }
.LBB2_2:
0x2b: {  	p0 =	sne.s32 s22, $0xFE00;
	[tilespmem:s30+$0x1070] =	vst v0  }
0x2c: {  	[tilespmem:s30+$0x1000] =	vst v0  }
0x2d: {  	[tilespmem:s30+$0x1010] =	vst v0  }
.Ltmp2:
0x2e: {  	[tilespmem:s30+$0x1020] =	vst v0;
	(pc) =	sbr.rel @p0 .LBB2_2-.Ltmp2, $4  }
0x2f: {  	[tilespmem:s30+$0x1030] =	vst v0  }
0x30: {  	[tilespmem:s30+$0x1040] =	vst v0  }
0x31: {  	[tilespmem:s30+$0x1050] =	vst v0  }
0x32: {  	[tilespmem:s30+$0x1060] =	vst v0;
	s30 =	sshra.s32 s22, $0x2;
	s22 =	sadd.s32 $0x200, s22  }
0x33: {  	[tilespmem:s30+$0x1070] =	vst v0  }
0x34: {  	[tilespmem:s30+$0x1000] =	vst v0  }
0x35: {  	[tilespmem:s30+$0x1010] =	vst v0  }
0x36: {  	[tilespmem:s30+$0x1020] =	vst v0  }
0x37: {  	[tilespmem:s30+$0x1030] =	vst v0  }
0x38: {  	[tilespmem:s30+$0x1040] =	vst v0  }
0x39: {  	[tilespmem:s30+$0x1050] =	vst v0  }
0x3a: {  	[tilespmem:s30+$0x1060] =	vst v0;
	s0 =	rddreg [dreg:$0x3]  }
0x3b: {  	[spmem:s0] =	stream.linear.scatter [tilespmem:s20], [sflag:$0x5], $0x4000, $0x38;
	[tilespmem:$0x1CC00] =	vst v63  }
0x3c: {  	_ =	swait.ge [sflag:s21], $0x4000  }
0x3d: {  	[sflag:s21] =	ssyncset.done $0x0  }
0x3e: {  	s2 =	rddreg [dreg:$0xb];
	[sflag:s21] =	ssyncadd.s32 $0xFFFFC000  }
0x3f: {  	[spmem:s2] =	stream.linear.scatter [tilespmem:s20], [sflag:$0x5], $0x4000, $0x38;
	[tilespmem:$0x1CC00] =	vst v63  }
0x40: {  	_ =	swait.ge [sflag:s21], $0x4000  }
0x41: {  	[sflag:s21] =	ssyncset.done $0x0  }
0x42: {  	s22 =	rddreg [dreg:$0xc];
	[sflag:s21] =	ssyncadd.s32 $0xFFFFC000  }
0x43: {  	[spmem:s22] =	stream.linear.scatter [tilespmem:s20], [sflag:$0x5], $0x4000, $0x38;
	[tilespmem:$0x1CC00] =	vst v63  }
0x44: {  	_ =	swait.ge [sflag:s21], $0x4000  }
0x45: {  	[sflag:s21] =	ssyncset.done $0x0  }
0x46: {  	s2 =	rddreg [dreg:$0xd];
	[sflag:s21] =	ssyncadd.s32 $0xFFFFC000  }
0x47: {  	[spmem:s2] =	stream.linear.scatter [tilespmem:s20], [sflag:$0x5], $0x4000, $0x38;
	[tilespmem:$0x1CC00] =	vst v63  }
0x48: {  	_ =	swait.ge [sflag:s21], $0x4000  }
0x49: {  	[sflag:s21] =	ssyncset.done $0x0  }
0x4a: {  	s22 =	rddreg [dreg:$0x4];
	[sflag:s21] =	ssyncadd.s32 $0xFFFFC000  }
0x4b: {  	[spmem:s22] =	stream.linear.scatter [tilespmem:s20], [sflag:$0x5], $0x3C00, $0x38;
	[tilespmem:$0x1CC00] =	vst v63  }
0x4c: {  	_ =	swait.ge [sflag:s21], $0x3C00  }
0x4d: {  	[sflag:s21] =	ssyncset.done $0x0  }
0x4e: {  	[sflag:s21] =	ssyncadd.s32 $0xFFFFC400  }
0x4f: {  	[bflag:$0x0] =	sbarrier.arrive $0xFFFF  }
0x50: {  	s30 =	simm.s32 $0x0;
	s2 =	rddreg [dreg:$0x5]  }
0x51: {  	[tilespmem:s30], [sflag:$0x1] =	stream.linear.gather [hbm4b:s2+s30], $0x400, $0x38;
	[tilespmem:$0x1CC00] =	vst v63  }
0x52: {  	s22 =	rddreg [dreg:$0x6];
	s2 =	simm.s32 $0x800  }
0x53: {  	[tilespmem:s2], [sflag:$0x1] =	stream.linear.gather [hbm4b:s22+s30], $0x400, $0x38;
	[tilespmem:$0x1CC00] =	vst v63  }
0x54: {  	s2 =	rddreg [dreg:$0x7]  }
0x55: {  	[tilespmem:s23], [sflag:$0x2] =	stream.linear.gather [hbm4b:s2+s30], $0x400, $0x38;
	[tilespmem:$0x1CC00] =	vst v63  }
0x56: {  	s22 =	rddreg [dreg:$0x8]  }
0x57: {  	[tilespmem:s24], [sflag:$0x2] =	stream.linear.gather [hbm4b:s22+s30], $0x400, $0x38;
	[tilespmem:$0x1CC00] =	vst v63  }
.LBB2_4:
0x58: {  	_ =	swait.ge [sflag:s25], $0x400  }
0x59: {  	[sflag:s25] =	ssyncset.done $0x0  }
0x5a: {  	[sflag:s25] =	ssyncadd.s32 $0xFFFFFC00  }
0x5b: {  	_ =	swait.ge [sflag:s25], $0x400  }
0x5c: {  	[sflag:s25] =	ssyncset.done $0x0  }
0x5d: {  	[sflag:s25] =	ssyncadd.s32 $0xFFFFFC00  }
0x5e: {  	[tilespmem:s20], [sflag:$0x3] =	stream.indirect.gather [hbm4b:s4+s26], $0x80, s3, s26, $0xb8;
	[tilespmem:$0x1CC00] =	vst v63  }
0x5f: {  	_ = 	snop  }
0x60: {  	[tilespmem:s28], [sflag:$0x4] =	stream.indirect.gather [hbm4b:s4+s26], $0x80, s26, s26, $0xb8;
	[tilespmem:$0x1CC00] =	vst v63  }
0x61: {  	_ =	swait.ge [sflag:s29], $0x4000  }
0x62: {  	[sflag:s29] =	ssyncset.done $0x0  }
0x63: {  	s0 =	simm.s32 $0x800;
	[sflag:s29] =	ssyncadd.s32 $0xFFFFC000  }
0x64: {  	[spmem:s1] =	stream.indirect.scatter.add.f32 [tilespmem:s20], [sflag:$0x5], $0x80, s0, s26, $0xb8;
	[tilespmem:$0x1CC00] =	vst v63  }
0x65: {  	_ =	swait.ge [sflag:s21], $0x4000  }
0x66: {  	[sflag:s21] =	ssyncset.done $0x0  }
0x67: {  	s22 =	simm.s32 $0x100;
	[sflag:s21] =	ssyncadd.s32 $0xFFFFC000  }
0x68: {  	[tilespmem:s20], [sflag:$0x3] =	stream.indirect.gather [hbm4b:s4+s26], $0x80, s22, s26, $0xb8;
	[tilespmem:$0x1CC00] =	vst v63  }
0x69: {  	_ =	swait.ge [sflag:s31], $0x4000  }
0x6a: {  	[sflag:s31] =	ssyncset.done $0x0  }
0x6b: {  	s2 =	simm.s32 $0x880;
	[sflag:s31] =	ssyncadd.s32 $0xFFFFC000  }
0x6c: {  	[spmem:s1] =	stream.indirect.scatter.add.f32 [tilespmem:s28], [sflag:$0x5], $0x80, s2, s26, $0xb8;
	[tilespmem:$0x1CC00] =	vst v63  }
0x6d: {  	_ =	swait.ge [sflag:s21], $0x4000  }
0x6e: {  	[sflag:s21] =	ssyncset.done $0x0  }
0x6f: {  	s22 =	simm.s32 $0x180;
	[sflag:s21] =	ssyncadd.s32 $0xFFFFC000  }
0x70: {  	[tilespmem:s28], [sflag:$0x4] =	stream.indirect.gather [hbm4b:s4+s26], $0x80, s22, s26, $0xb8;
	[tilespmem:$0x1CC00] =	vst v63  }
0x71: {  	_ =	swait.ge [sflag:s29], $0x4000  }
0x72: {  	[sflag:s29] =	ssyncset.done $0x0  }
0x73: {  	s2 =	simm.s32 $0x900;
	[sflag:s29] =	ssyncadd.s32 $0xFFFFC000  }
0x74: {  	[spmem:s1] =	stream.indirect.scatter.add.f32 [tilespmem:s20], [sflag:$0x5], $0x80, s2, s26, $0xb8;
	[tilespmem:$0x1CC00] =	vst v63  }
0x75: {  	_ =	swait.ge [sflag:s21], $0x4000  }
0x76: {  	[sflag:s21] =	ssyncset.done $0x0  }
0x77: {  	s22 =	simm.s32 $0x200;
	[sflag:s21] =	ssyncadd.s32 $0xFFFFC000  }
0x78: {  	[tilespmem:s20], [sflag:$0x3] =	stream.indirect.gather [hbm4b:s4+s26], $0x80, s22, s26, $0xb8;
	[tilespmem:$0x1CC00] =	vst v63  }
0x79: {  	_ =	swait.ge [sflag:s31], $0x4000  }
0x7a: {  	[sflag:s31] =	ssyncset.done $0x0  }
0x7b: {  	s2 =	simm.s32 $0x980;
	[sflag:s31] =	ssyncadd.s32 $0xFFFFC000  }
0x7c: {  	[spmem:s1] =	stream.indirect.scatter.add.f32 [tilespmem:s28], [sflag:$0x5], $0x80, s2, s26, $0xb8;
	[tilespmem:$0x1CC00] =	vst v63  }
0x7d: {  	_ =	swait.ge [sflag:s21], $0x4000  }
0x7e: {  	[sflag:s21] =	ssyncset.done $0x0  }
0x7f: {  	s22 =	simm.s32 $0x280;
	[sflag:s21] =	ssyncadd.s32 $0xFFFFC000  }
0x80: {  	[tilespmem:s28], [sflag:$0x4] =	stream.indirect.gather [hbm4b:s4+s26], $0x80, s22, s26, $0xb8;
	[tilespmem:$0x1CC00] =	vst v63  }
0x81: {  	_ =	swait.ge [sflag:s29], $0x4000  }
0x82: {  	[sflag:s29] =	ssyncset.done $0x0  }
0x83: {  	s2 =	simm.s32 $0xA00;
	[sflag:s29] =	ssyncadd.s32 $0xFFFFC000  }
0x84: {  	[spmem:s1] =	stream.indirect.scatter.add.f32 [tilespmem:s20], [sflag:$0x5], $0x80, s2, s26, $0xb8;
	[tilespmem:$0x1CC00] =	vst v63  }
0x85: {  	_ =	swait.ge [sflag:s21], $0x4000  }
0x86: {  	[sflag:s21] =	ssyncset.done $0x0  }
0x87: {  	s22 =	simm.s32 $0x300;
	[sflag:s21] =	ssyncadd.s32 $0xFFFFC000  }
0x88: {  	[tilespmem:s20], [sflag:$0x3] =	stream.indirect.gather [hbm4b:s4+s26], $0x80, s22, s26, $0xb8;
	[tilespmem:$0x1CC00] =	vst v63  }
0x89: {  	_ =	swait.ge [sflag:s31], $0x4000  }
0x8a: {  	[sflag:s31] =	ssyncset.done $0x0  }
0x8b: {  	s2 =	simm.s32 $0xA80;
	[sflag:s31] =	ssyncadd.s32 $0xFFFFC000  }
0x8c: {  	[spmem:s1] =	stream.indirect.scatter.add.f32 [tilespmem:s28], [sflag:$0x5], $0x80, s2, s26, $0xb8;
	[tilespmem:$0x1CC00] =	vst v63  }
0x8d: {  	_ =	swait.ge [sflag:s21], $0x4000  }
0x8e: {  	[sflag:s21] =	ssyncset.done $0x0  }
0x8f: {  	s22 =	simm.s32 $0x380;
	[sflag:s21] =	ssyncadd.s32 $0xFFFFC000  }
0x90: {  	[tilespmem:s28], [sflag:$0x4] =	stream.indirect.gather [hbm4b:s4+s26], $0x80, s22, s26, $0xb8;
	[tilespmem:$0x1CC00] =	vst v63  }
0x91: {  	_ =	swait.ge [sflag:s29], $0x4000  }
0x92: {  	[sflag:s29] =	ssyncset.done $0x0  }
0x93: {  	s2 =	simm.s32 $0xB00;
	[sflag:s29] =	ssyncadd.s32 $0xFFFFC000  }
0x94: {  	[spmem:s1] =	stream.indirect.scatter.add.f32 [tilespmem:s20], [sflag:$0x5], $0x80, s2, s26, $0xb8;
	[tilespmem:$0x1CC00] =	vst v63  }
0x95: {  	_ =	swait.ge [sflag:s21], $0x4000  }
0x96: {  	[sflag:s21] =	ssyncset.done $0x0  }
0x97: {  	[sflag:s21] =	ssyncadd.s32 $0xFFFFC000  }
0x98: {  	_ =	swait.ge [sflag:s31], $0x4000  }
0x99: {  	[sflag:s31] =	ssyncset.done $0x0  }
0x9a: {  	s22 =	simm.s32 $0xB80;
	[sflag:s31] =	ssyncadd.s32 $0xFFFFC000  }
0x9b: {  	[spmem:s1] =	stream.indirect.scatter.add.f32 [tilespmem:s28], [sflag:$0x5], $0x80, s22, s26, $0xb8;
	[tilespmem:$0x1CC00] =	vst v63  }
0x9c: {  	_ =	swait.ge [sflag:s21], $0x4000  }
0x9d: {  	p0 =	seq.s32 s30, $0x400;
	[sflag:s21] =	ssyncset.done $0x0  }
0x9e: {  	s0 =	simm.s32 @!p0 $0x0;
	s22 =	sadd.s32 @!p0 s30, s18;
	[sflag:s21] =	ssyncadd.s32 $0xFFFFC000  }
0x9f: {  	[tilespmem:s0], [sflag:$0x1] =	stream.linear.gather @!p0 [hbm4b:s22+s0], $0x400, $0x38;
	[tilespmem:$0x1CC00] =	vst v63  }
0xa0: {  	s2 =	simm.s32 @!p0 $0x800;
	s22 =	sadd.s32 @!p0 s30, s19  }
0xa1: {  	[tilespmem:s2], [sflag:$0x1] =	stream.linear.gather @!p0 [hbm4b:s22+s0], $0x400, $0x38;
	[tilespmem:$0x1CC00] =	vst v63  }
0xa2: {  	_ =	swait.ge [sflag:s5], $0x400  }
0xa3: {  	[sflag:s5] =	ssyncset.done $0x0  }
0xa4: {  	[sflag:s5] =	ssyncadd.s32 $0xFFFFFC00  }
0xa5: {  	_ =	swait.ge [sflag:s5], $0x400  }
0xa6: {  	[sflag:s5] =	ssyncset.done $0x0  }
0xa7: {  	[sflag:s5] =	ssyncadd.s32 $0xFFFFFC00  }
0xa8: {  	[tilespmem:s20], [sflag:$0x3] =	stream.indirect.gather [hbm4b:s4+s26], $0x80, s23, s26, $0xb8;
	[tilespmem:$0x1CC00] =	vst v63  }
0xa9: {  	s2 =	simm.s32 $0x480  }
0xaa: {  	[tilespmem:s28], [sflag:$0x4] =	stream.indirect.gather [hbm4b:s4+s26], $0x80, s2, s26, $0xb8;
	[tilespmem:$0x1CC00] =	vst v63  }
0xab: {  	_ =	swait.ge [sflag:s29], $0x4000  }
0xac: {  	[sflag:s29] =	ssyncset.done $0x0  }
0xad: {  	[sflag:s29] =	ssyncadd.s32 $0xFFFFC000  }
0xae: {  	[spmem:s1] =	stream.indirect.scatter.add.f32 [tilespmem:s20], [sflag:$0x5], $0x80, s24, s26, $0xb8;
	[tilespmem:$0x1CC00] =	vst v63  }
0xaf: {  	_ =	swait.ge [sflag:s21], $0x4000  }
0xb0: {  	[sflag:s21] =	ssyncset.done $0x0  }
0xb1: {  	s22 =	simm.s32 $0x500;
	[sflag:s21] =	ssyncadd.s32 $0xFFFFC000  }
0xb2: {  	[tilespmem:s20], [sflag:$0x3] =	stream.indirect.gather [hbm4b:s4+s26], $0x80, s22, s26, $0xb8;
	[tilespmem:$0x1CC00] =	vst v63  }
0xb3: {  	_ =	swait.ge [sflag:s31], $0x4000  }
0xb4: {  	[sflag:s31] =	ssyncset.done $0x0  }
0xb5: {  	s2 =	simm.s32 $0xC80;
	[sflag:s31] =	ssyncadd.s32 $0xFFFFC000  }
0xb6: {  	[spmem:s1] =	stream.indirect.scatter.add.f32 [tilespmem:s28], [sflag:$0x5], $0x80, s2, s26, $0xb8;
	[tilespmem:$0x1CC00] =	vst v63  }
0xb7: {  	_ =	swait.ge [sflag:s21], $0x4000  }
0xb8: {  	[sflag:s21] =	ssyncset.done $0x0  }
0xb9: {  	s22 =	simm.s32 $0x580;
	[sflag:s21] =	ssyncadd.s32 $0xFFFFC000  }
0xba: {  	[tilespmem:s28], [sflag:$0x4] =	stream.indirect.gather [hbm4b:s4+s26], $0x80, s22, s26, $0xb8;
	[tilespmem:$0x1CC00] =	vst v63  }
0xbb: {  	_ =	swait.ge [sflag:s29], $0x4000  }
0xbc: {  	[sflag:s29] =	ssyncset.done $0x0  }
0xbd: {  	[sflag:s29] =	ssyncadd.s32 $0xFFFFC000  }
0xbe: {  	[spmem:s1] =	stream.indirect.scatter.add.f32 [tilespmem:s20], [sflag:$0x5], $0x80, s6, s26, $0xb8;
	[tilespmem:$0x1CC00] =	vst v63  }
0xbf: {  	_ =	swait.ge [sflag:s21], $0x4000  }
0xc0: {  	[sflag:s21] =	ssyncset.done $0x0  }
0xc1: {  	[sflag:s21] =	ssyncadd.s32 $0xFFFFC000  }
0xc2: {  	[tilespmem:s20], [sflag:$0x3] =	stream.indirect.gather [hbm4b:s4+s26], $0x80, s7, s26, $0xb8;
	[tilespmem:$0x1CC00] =	vst v63  }
0xc3: {  	_ =	swait.ge [sflag:s31], $0x4000  }
0xc4: {  	[sflag:s31] =	ssyncset.done $0x0  }
0xc5: {  	[sflag:s31] =	ssyncadd.s32 $0xFFFFC000  }
0xc6: {  	[spmem:s1] =	stream.indirect.scatter.add.f32 [tilespmem:s28], [sflag:$0x5], $0x80, s8, s26, $0xb8;
	[tilespmem:$0x1CC00] =	vst v63  }
0xc7: {  	_ =	swait.ge [sflag:s21], $0x4000  }
0xc8: {  	[sflag:s21] =	ssyncset.done $0x0  }
0xc9: {  	[sflag:s21] =	ssyncadd.s32 $0xFFFFC000  }
0xca: {  	[tilespmem:s28], [sflag:$0x4] =	stream.indirect.gather [hbm4b:s4+s26], $0x80, s9, s26, $0xb8;
	[tilespmem:$0x1CC00] =	vst v63  }
0xcb: {  	_ =	swait.ge [sflag:s29], $0x4000  }
0xcc: {  	[sflag:s29] =	ssyncset.done $0x0  }
0xcd: {  	[sflag:s29] =	ssyncadd.s32 $0xFFFFC000  }
0xce: {  	[spmem:s1] =	stream.indirect.scatter.add.f32 [tilespmem:s20], [sflag:$0x5], $0x80, s10, s26, $0xb8;
	[tilespmem:$0x1CC00] =	vst v63  }
0xcf: {  	_ =	swait.ge [sflag:s21], $0x4000  }
0xd0: {  	[sflag:s21] =	ssyncset.done $0x0  }
0xd1: {  	[sflag:s21] =	ssyncadd.s32 $0xFFFFC000  }
0xd2: {  	[tilespmem:s20], [sflag:$0x3] =	stream.indirect.gather [hbm4b:s4+s26], $0x80, s11, s26, $0xb8;
	[tilespmem:$0x1CC00] =	vst v63  }
0xd3: {  	_ =	swait.ge [sflag:s31], $0x4000  }
0xd4: {  	[sflag:s31] =	ssyncset.done $0x0  }
0xd5: {  	[sflag:s31] =	ssyncadd.s32 $0xFFFFC000  }
0xd6: {  	[spmem:s1] =	stream.indirect.scatter.add.f32 [tilespmem:s28], [sflag:$0x5], $0x80, s12, s26, $0xb8;
	[tilespmem:$0x1CC00] =	vst v63  }
0xd7: {  	_ =	swait.ge [sflag:s21], $0x4000  }
0xd8: {  	[sflag:s21] =	ssyncset.done $0x0  }
0xd9: {  	[sflag:s21] =	ssyncadd.s32 $0xFFFFC000  }
0xda: {  	[tilespmem:s28], [sflag:$0x4] =	stream.indirect.gather [hbm4b:s4+s26], $0x80, s13, s26, $0xb8;
	[tilespmem:$0x1CC00] =	vst v63  }
0xdb: {  	_ =	swait.ge [sflag:s29], $0x4000  }
0xdc: {  	[sflag:s29] =	ssyncset.done $0x0  }
0xdd: {  	[sflag:s29] =	ssyncadd.s32 $0xFFFFC000  }
0xde: {  	[spmem:s1] =	stream.indirect.scatter.add.f32 [tilespmem:s20], [sflag:$0x5], $0x80, s14, s26, $0xb8;
	[tilespmem:$0x1CC00] =	vst v63  }
0xdf: {  	_ =	swait.ge [sflag:s21], $0x4000  }
0xe0: {  	[sflag:s21] =	ssyncset.done $0x0  }
0xe1: {  	[sflag:s21] =	ssyncadd.s32 $0xFFFFC000  }
0xe2: {  	_ =	swait.ge [sflag:s31], $0x4000  }
0xe3: {  	[sflag:s31] =	ssyncset.done $0x0  }
.Ltmp3:
0xe4: {  	[sflag:s31] =	ssyncadd.s32 $0xFFFFC000;
	(pc) =	sbr.rel @p0 .LBB2_6-.Ltmp3, $4  }
0xe5: {  	[spmem:s1] =	stream.indirect.scatter.add.f32 [tilespmem:s28], [sflag:$0x5], $0x80, s15, s26, $0xb8;
	[tilespmem:$0x1CC00] =	vst v63  }
0xe6: {  	_ =	swait.ge [sflag:s21], $0x4000  }
0xe7: {  	[sflag:s21] =	ssyncset.done $0x0  }
0xe8: {  	[sflag:s21] =	ssyncadd.s32 $0xFFFFC000  }
.Ltmp4:
0xe9: {  	(pc) =	sbr.rel .LBB2_4-.Ltmp4, $4  }
0xea: {  	s0 =	sadd.s32 s30, s17  }
0xeb: {  	[tilespmem:s23], [sflag:$0x2] =	stream.linear.gather [hbm4b:s0+s3], $0x400, $0x38;
	[tilespmem:$0x1CC00] =	vst v63  }
0xec: {  	s22 =	sadd.s32 s30, s16;
	s30 =	sadd.s32 $0x100, s30  }
0xed: {  	[tilespmem:s24], [sflag:$0x2] =	stream.linear.gather [hbm4b:s22+s3], $0x400, $0x38;
	[tilespmem:$0x1CC00] =	vst v63  }
.LBB2_7:
0xee: {  	_ =	sfence.sel $0x180000  }
0xef: {  	[bflag:$0x0] =	sbarrier.arrive $0xFFFF  }
0xf0: {  	_ =	strace $0x9000004D  }
0xf1: {  	s0 =	stileid.u32;
	[bflag:$0x2] =	sbarrier.arrive $0xFFFF  }
0xf2: {  	p0 =	sne.s32 s0, $0x0;
	s0 =	rddreg [dreg:$0x2]  }
0xf3: {  	s0 =	sadd.s32 @!p0 $0x100000, s0  }
0xf4: {  	[sflag:s0] =	ssyncadd.tile.s32 @!p0 $0x1;
	_ =	shalt  }
.Lfunc_end2:
_tile_overlayer_lowered:
.L_overlay_start_2:
0xf5: {  	(tag) =	ssettag $0x2  }
0xf6: {  	s0 =	rddreg [dreg:$0x0];
	s2 =	stileid.u32  }
0xf7: {  	s1 =	rddreg [dreg:$0x1];
	p0 =	sne.s32 s2, $0x0  }
0xf8: {  	s3 =	rddreg [dreg:$0x2];
	[bflag:$0x3] =	sbarrier.arrive $0xFFFF;
	s2 =	simm.s32 @!p0 $0x1C05  }
0xf9: {  	[timem:s3], [sflag:s2] =	dma.local @!p0 [hbm:s0], s1  }
0xfa: {  	s0 =	simm.s32 @!p0 $0x5  }
0xfb: {  	_ =	swait.ge @!p0 [sflag:s0], s1  }
0xfc: {  	s1 =	ssub.s32 @!p0 $0x0, s1;
	[sflag:s0] =	ssyncset.done @!p0 $0x0  }
0xfd: {  	[sflag:s0] =	ssyncadd.s32 @!p0 s1  }
0xfe: {  	[bflag:$0x3] =	sbarrier.arrive $0xFFFF  }
0xff: {  	_ =	shalt  }

// kernel: kernel.20.cloned.1.call-start
scs
__scs_entry_jumppad:
0x0: {  	(pc) =	sbr.rel $0x88, $3  }
0x1: {  	(tag) =	ssettag $0x0;
	lr =	simm.s32 $0x1  }
0x2: {  	[smem:$0x3F73] =	sst lr;
	_ =	strace $0xD0000000  }
0x3: {  	_ = 	snop  }
0x4: {  	_ = 	snop  }
0x5: {  	_ = 	snop  }
0x6: {  	_ = 	snop  }
0x7: {  	_ = 	snop  }
__scs_overlays_trampoline_lowered:
0x8: {  	[smem:$0x3F82] =	sst s0  }
0x9: {  	[smem:$0x3F83] =	sst s1  }
0xa: {  	[smem:$0x3F84] =	sst s2  }
0xb: {  	[smem:$0x3F85] =	sst s3  }
0xc: {  	[smem:$0x3F86] =	sst s4  }
0xd: {  	[smem:$0x3F87] =	sst s5  }
0xe: {  	[smem:$0x3F88] =	sst s6  }
0xf: {  	[smem:$0x3F89] =	sst s7  }
0x10: {  	[smem:$0x3F8A] =	sst s8  }
0x11: {  	[smem:$0x3F8B] =	sst s9;
	s0 =	simm.s32 @!p0 $0x0  }
0x12: {  	s1 =	sld [smem:$0x3F71];
	s0 =	simm.s32 @p0 $0x1  }
0x13: {  	[smem:$0x3F8C] =	sst s0;
	s0 =	simm.s32 @!p1 $0x0  }
0x14: {  	s2 =	sld [smem:$0x3F70];
	s0 =	simm.s32 @p1 $0x1  }
0x15: {  	[smem:$0x3F8D] =	sst s0;
	s0 =	simm.s32 @!p2 $0x0  }
0x16: {  	s3 =	sld [smem:$0x3FDB];
	s0 =	simm.s32 @p2 $0x1  }
0x17: {  	s4 =	simm.s32 $0x1BF5;
	[smem:$0x3F8F] =	sst s0  }
0x18: {  	s0 =	sld [smem:$0x3F72];
	_ =	swait.ge [sflag:s4], $0x0  }
0x19: {  	s7 =	sld [smem:$0x3F73]  }
0x1a: {  	s8 =	sadd.s32 $0xFFFFE003, lr  }
0x1b: {  	s9 =	sadd.s32 $0xFFFFFEF7, lr;
	s5 =	simm.s32 $0xFFFFFFFF;
	p2 =	slt.u32 s8, $0xFFFFF086  }
0x1c: {  	p1 =	slt.u32 s9, $0xF7A;
	s5 =	simm.s32 @!p2 $0x0  }
0x1d: {  	s5 =	simm.s32 @p1 $0x1;
	p0 =	seq.s32 s7, s2  }
0x1e: {  	s7 =	smul.u32 @!p0 $0xF7A, s2;
	p2 =	seq.s32 @!p0 s5, $0x0  }
0x1f: {  	s9 =	smul.u32 $0xF7A, s1;
	s8 =	simm.s32 @!p0 $0x1BF5;
	p2 =	por !p2, p0  }
0x20: {  	[sflag:s8] =	ssyncset.s32 @!p0 $0xFFFFF086;
	s6 =	sadd.s32 @!p0 s3, s7;
	s7 =	simm.s32 @!p0 $0x108  }
0x21: {  	s3 =	sadd.s32 s3, s9;
	s6 =	sadd.s32 @!p0 $0x88, s6;
	s7 =	simm.s32 @p2 $0x1082  }
0x22: {  	[simem:s7], [sflag:s8] =	dma.local @!p0 [hbm:s6], $0xF7A  }
0x23: {  	s9 =	sor.u32 $0xD0000000, s2;
	s6 =	simm.s32 $0x108;
	_ =	swait.ge @!p0 [sflag:s8], $0x0  }
0x24: {  	s3 =	sadd.s32 $0x88, s3;
	s6 =	simm.s32 @!p1 $0x1082;
	[sflag:s4] =	ssyncset.s32 $0xFFFFF086  }
0x25: {  	[simem:s6], [sflag:s4] =	dma.local [hbm:s3], $0xF7A  }
0x26: {  	[smem:$0x3F73] =	sst s1;
	(tag) =	ssettag s2;
	_ =	strace s9  }
0x27: {  	s1 =	sld [smem:$0x3F83]  }
0x28: {  	s2 =	sld [smem:$0x3F84]  }
0x29: {  	s4 =	sld [smem:$0x3F86]  }
0x2a: {  	p0 =	seq.s32 s5, $0x0;
	s5 =	sld [smem:$0x3F87]  }
0x2b: {  	s6 =	sld [smem:$0x3F88]  }
0x2c: {  	s7 =	sld [smem:$0x3F89]  }
0x2d: {  	s3 =	simm.s32 $0x108;
	s8 =	sld [smem:$0x3F8A]  }
0x2e: {  	s3 =	simm.s32 @!p0 $0x1082;
	s9 =	sld [smem:$0x3F8B]  }
0x2f: {  	lr =	sadd.s32 s0, s3;
	s0 =	sld [smem:$0x3F82]  }
0x30: {  	s3 =	sld [smem:$0x3F85]  }
0x31: {  	[smem:$0x3F8E] =	sst s10  }
0x32: {  	s10 =	sld [smem:$0x3F8C];
	_ =	sdelay $0x3  }
0x33: {  	p0 =	seq.s32 s10, $0x1;
	s10 =	sld [smem:$0x3F8E];
	_ =	sdelay $0x3  }
0x34: {  	[smem:$0x3F8E] =	sst s10  }
0x35: {  	s10 =	sld [smem:$0x3F8D];
	_ =	sdelay $0x3  }
0x36: {  	p1 =	seq.s32 s10, $0x1;
	s10 =	sld [smem:$0x3F8E];
	_ =	sdelay $0x3  }
0x37: {  	[smem:$0x3F8E] =	sst s10  }
0x38: {  	s10 =	sld [smem:$0x3F8F]  }
0x39: {  	_ = 	snop;
	(pc) =	sbr.ind lr, $3  }
0x3a: {  	_ = 	snop  }
0x3b: {  	_ = 	snop  }
0x3c: {  	p2 =	seq.s32 s10, $0x1;
	s10 =	sld [smem:$0x3F8E]  }
0x3d: {  	_ =	shalt  }
0x3e: {  	_ =	shalt  }
0x3f: {  	_ =	shalt  }
0x40: {  	_ =	shalt  }
0x41: {  	_ =	shalt  }
0x42: {  	_ =	shalt  }
0x43: {  	_ =	shalt  }
0x44: {  	_ =	shalt  }
0x45: {  	_ =	shalt  }
0x46: {  	_ =	shalt  }
0x47: {  	_ =	shalt  }
0x48: {  	_ =	shalt  }
0x49: {  	_ =	shalt  }
0x4a: {  	_ =	shalt  }
0x4b: {  	_ =	shalt  }
0x4c: {  	_ =	shalt  }
0x4d: {  	_ =	shalt  }
0x4e: {  	_ =	shalt  }
0x4f: {  	_ =	shalt  }
0x50: {  	_ =	shalt  }
0x51: {  	_ =	shalt  }
0x52: {  	_ =	shalt  }
0x53: {  	_ =	shalt  }
0x54: {  	_ =	shalt  }
0x55: {  	_ =	shalt  }
0x56: {  	_ =	shalt  }
0x57: {  	_ =	shalt  }
0x58: {  	_ =	shalt  }
0x59: {  	_ =	shalt  }
0x5a: {  	_ =	shalt  }
0x5b: {  	_ =	shalt  }
0x5c: {  	_ =	shalt  }
0x5d: {  	_ =	shalt  }
0x5e: {  	_ =	shalt  }
0x5f: {  	_ =	shalt  }
0x60: {  	_ =	shalt  }
0x61: {  	_ =	shalt  }
0x62: {  	_ =	shalt  }
0x63: {  	_ =	shalt  }
0x64: {  	_ =	shalt  }
0x65: {  	_ =	shalt  }
0x66: {  	_ =	shalt  }
0x67: {  	_ =	shalt  }
0x68: {  	_ =	shalt  }
0x69: {  	_ =	shalt  }
0x6a: {  	_ =	shalt  }
0x6b: {  	_ =	shalt  }
0x6c: {  	_ =	shalt  }
0x6d: {  	_ =	shalt  }
0x6e: {  	_ =	shalt  }
0x6f: {  	_ =	shalt  }
0x70: {  	_ =	shalt  }
0x71: {  	_ =	shalt  }
0x72: {  	_ =	shalt  }
0x73: {  	_ =	shalt  }
0x74: {  	_ =	shalt  }
0x75: {  	_ =	shalt  }
0x76: {  	_ =	shalt  }
0x77: {  	_ =	shalt  }
0x78: {  	_ =	shalt  }
0x79: {  	_ =	shalt  }
0x7a: {  	_ =	shalt  }
0x7b: {  	_ =	shalt  }
0x7c: {  	_ =	shalt  }
0x7d: {  	_ =	shalt  }
0x7e: {  	_ =	shalt  }
0x7f: {  	_ =	shalt  }
0x80: {  	_ =	shalt  }
0x81: {  	_ =	shalt  }
0x82: {  	_ =	shalt  }
0x83: {  	_ =	shalt  }
0x84: {  	_ =	shalt  }
0x85: {  	_ =	shalt  }
0x86: {  	_ =	shalt  }
0x87: {  	_ =	shalt  }
.Lfunc_end0:
.L_simem_size_0:
called_computation.3_lowered:
.L_overlay_start_0:
0x88: {  	s2 =	sld [smem:$0x3FD9]  }
0x89: {  	s3 =	sld [smem:$0x3FFE];
	_ =	sdelay $0x1  }
0x8a: {  	s1 =	srdreg.scid  }
0x8b: {  	s0 =	sand.u32 $0x1, s1  }
0x8c: {  	s16 =	sshll.u32 s0, $0xA;
	s2 =	sadd.s32 s3, s2  }
0x8d: {  	s2 =	sadd.s32 s2, s16  }
0x8e: {  	[smem:$0x3F9A] =	sst s2  }
0x8f: {  	_ = 	snop  }
0x90: {  	(tm) =	ssettm $0x1  }
0x91: {  	s17 =	sld [smem:$0x3FFB];
	_ =	sdelay $0x3  }
0x92: {  	_ =	strace s17  }
0x93: {  	s2 =	sld [smem:$0x3FFC];
	_ =	sdelay $0x3  }
0x94: {  	_ =	strace s2  }
0x95: {  	s2 =	sld [smem:$0x3FFD];
	_ =	sdelay $0x3  }
0x96: {  	_ =	strace s2  }
0x97: {  	_ =	strace $0x8FFFFFFF  }
0x98: {  	s18 =	sld [smem:$0x3FDB];
	_ =	sdelay $0x1  }
0x99: {  	s19 =	simm.s32 $_scs_section_size  }
0x9a: {  	s4 =	simm.s32 $_size__tile_overlayer_lowered;
	s5 =	simm.s32 $_tile_overlayer_lowered  }
0x9b: {  	s22 =	simm.s32 $0x1BFF;
	s21 =	sshll.u32 s5, $0x1;
	s2 =	sadd.s32 s19, s18  }
0x9c: {  	s6 =	simm.s32 $0x0;
	s20 =	sshll.u32 s4, $0x1;
	s4 =	sadd.s32 s21, s2  }
0x9d: {  	[timem:s6], [sflag:s22] =	dma.local [hbm:s4], s20  }
0x9e: {  	_ =	swait.ge [sflag:s22], s20  }
0x9f: {  	s3 =	ssub.s32 $0x0, s20;
	[sflag:s22] =	ssyncset.done $0x0  }
0xa0: {  	[sflag:s22] =	ssyncadd.s32 s3;
	_ =	sdelay $0x1  }
0xa1: {  	s23 =	simm.s32 $0x1B8B  }
0xa2: {  	_ =	swait.ge [sflag:s23], $0x1  }
0xa3: {  	[sflag:s23] =	ssyncset.done $0x0  }
0xa4: {  	s25 =	simm.s32 $0x1B8E;
	s24 =	sld [smem:$0x3FFE];
	[sflag:s23] =	ssyncadd.s32 $0xFFFFFFFF  }
0xa5: {  	s26 =	simm.s32 $execute0_lowered;
	[smem:$0x3FD2] =	sst s25  }
0xa6: {  	s4 =	sshll.u32 s26, $0x1;
	_ =	strace $0x8000004F;
	[dreg:$0x1] =	wrdreg $0xFFFFFFFF  }
0xa7: {  	s28 =	simm.s32 $_size_execute0_lowered;
	s2 =	sadd.s32 s2, s4;
	[dreg:$0x0] =	wrdreg $0x0  }
0xa8: {  	s4 =	sshll.u32 s28, $0x1;
	[dreg:$0x2] =	wrdreg s2  }
0xa9: {  	[dreg:$0x3] =	wrdreg s4  }
0xaa: {  	[dreg:$0x4] =	wrdreg $0xC0  }
0xab: {  	_ =	task [dreg:s6], $0x5FFFF  }
0xac: {  	[dreg:$0x1] =	wrdreg $0xFFFFFFFF  }
0xad: {  	[dreg:$0x0] =	wrdreg $0x60  }
0xae: {  	[dreg:$0x2] =	wrdreg s24  }
0xaf: {  	[dreg:$0x3] =	wrdreg $0x90000  }
0xb0: {  	[dreg:$0x4] =	wrdreg $0x9  }
0xb1: {  	_ =	task.clear_ibuf [dreg:s6], $0x5FFFF;
	_ =	strace $0x9000004F  }
0xb2: {  	s29 =	simm.s32 $0x9;
	_ =	strace $0x80000051  }
0xb3: {  	_ =	swait.ge [sflag:s29], $0x1  }
0xb4: {  	[sflag:s29] =	ssyncadd.s32 $0xFFFFFFFF  }
0xb5: {  	_ =	strace $0x90000051  }
0xb6: {  	_ =	sfence  }
0xb7: {  	s30 =	sld [smem:$0x0];
	_ =	sdelay $0x2  }
0xb8: {  	s31 =	sshll.u32 s1, $0xD;
	s1 =	sshrl.u32 s1, $0x2  }
0xb9: {  	s3 =	sand.u32 $0x4000, s31;
	s1 =	sadd.s32 s1, s30  }
0xba: {  	s0 =	sor.u32 s3, s0;
	s1 =	sshll.u32 s1, $0x11  }
0xbb: {  	s0 =	sor.u32 s1, s0  }
0xbc: {  	s0 =	sadd.s32 $0x8F2B, s0  }
0xbd: {  	[sflag:s0] =	ssyncadd.remote.s32 $0x1  }
0xbe: {  	_ =	sfence.sel $0xFFFF  }
0xbf: {  	[dreg:$0x0] =	wrdreg $0xFFFFFFFF;
	(pc) =	sbr.abs _section_cstart, $3  }
0xc0: {  	[dreg:$0x1] =	wrdreg $0xFFFFFFFF  }
0xc1: {  	_ =	task.clear_ibuf [dreg:s6], $0x2FFFF;
	_ =	strace $0x9FFFFFFF  }
0xc2: {  	(tm) =	ssettm $0x7FFFFFFF  }
0xc3: {  	_ =	shalt  }
tec
execute0_lowered:
.L_overlay_start_1:
0x0: {  	(tag) =	ssettag $0x1  }
0x1: {  	s0 =	rddreg [dreg:$0x0]  }
0x2: {  	s1 =	rddreg [dreg:$0x1];
	s11 =	stileid.u32  }
0x3: {  	s2 =	srdreg.scid;
	s3 =	simm.s32 $0x0;
	s6 =	smul.u32 $0x13C00, s11  }
0x4: {  	s28 =	simm.s32 $0x5000;
	s29 =	simm.s32 $0x3;
	s8 =	smul.u32 $0x4F000, s11  }
0x5: {  	s31 =	simm.s32 $0x4;
	s2 =	sand.u32 $0x1, s2;
	s19 =	smul.u32 $0xA, s11  }
0x6: {  	[smem:$0x7FF] =	sst s3;
	s4 =	sadd.s32 $0x1D800, s0;
	s22 =	smul.u32 $0x500, s11  }
0x7: {  	s7 =	sadd.s32 $0x13800, s0;
	s9 =	sadd.s32 $0x9800, s0;
	s5 =	smul.u32 $0x13C000, s2  }
0x8: {  	_ =	strace $0x80000050;
	s12 =	sshll.u32 s2, $0x4;
	s16 =	smul.u32 $0x5000, s2  }
0x9: {  	s10 =	ssub.s32 $0x2, s2;
	s2 =	smul.u32 $0xA0, s2;
	s8 =	sshrl.u32 s8, $0x2  }
0xa: {  	s13 =	sshrl.u32 s10, $0x1;
	s5 =	sadd.s32 s6, s5;
	s6 =	sor.u32 s11, s12  }
0xb: {  	s12 =	sadd.s32 s8, s1;
	s24 =	sadd.s32 s16, s7;
	s26 =	sadd.s32 s16, s9  }
0xc: {  	s11 =	simm.s32 $0x700;
	s5 =	sshrl.u32 s5, $0x3;
	s6 =	smul.u32 $0x500, s6  }
0xd: {  	s8 =	sadd.s32 $0x10000, s12;
	s20 =	sadd.s32 $0x4000, s12;
	s21 =	sadd.s32 $0x8000, s12  }
0xe: {  	[dreg:$0x3] =	wrdreg s12;
	s23 =	sadd.s32 $0xC000, s12;
	s25 =	sadd.s32 s22, s24  }
0xf: {  	s30 =	sadd.s32 s22, s26;
	s24 =	simm.s32 $0xC00;
	[dreg:$0x4] =	wrdreg s8  }
0x10: {  	s26 =	simm.s32 $0x80;
	s12 =	simm.s32 $0xE80;
	[dreg:$0xb] =	wrdreg s20  }
0x11: {  	s0 =	sadd.s32 s5, s0;
	s5 =	ssub.s32 s10, s13;
	[dreg:$0xc] =	wrdreg s21  }
0x12: {  	[dreg:$0xd] =	wrdreg s23;
	s16 =	sadd.s32 $0x180, s25;
	s20 =	simm.s32 $0x1000  }
0x13: {  	s21 =	simm.s32 $0x5;
	s23 =	simm.s32 $0x400;
	s25 =	simm.s32 $0x1  }
0x14: {  	s8 =	simm.s32 $0xD80;
	s10 =	simm.s32 $0xE00;
	s14 =	sadd.s32 s9, s6  }
0x15: {  	s13 =	simm.s32 $0x780;
	s15 =	sadd.s32 s7, s6;
	[dreg:$0x5] =	wrdreg s14  }
0x16: {  	s6 =	sor.u32 $0x80, s6;
	s0 =	sadd.s32 $0x44A00, s0;
	[dreg:$0x6] =	wrdreg s15  }
0x17: {  	s18 =	smax.u32 s5, $0x1;
	s5 =	simm.s32 $0x2;
	[dreg:$0x9] =	wrdreg s0  }
0x18: {  	s17 =	sadd.s32 s9, s6;
	s6 =	sadd.s32 s7, s6;
	[dreg:$0xa] =	wrdreg s18  }
.Ltmp0:
0x19: {  	s0 =	sadd.s32 s19, s2;
	s14 =	simm.s32 $0xF00;
	(pc) =	sbr.rel .LBB2_1-.Ltmp0, $4  }
0x1a: {  	s15 =	simm.s32 $0xF80;
	[dreg:$0x7] =	wrdreg s17;
	s0 =	sshll.u32 s0, $0x7  }
0x1b: {  	s2 =	simm.s32 $0x0;
	[dreg:$0x8] =	wrdreg s6;
	s0 =	sadd.s32 $0x100, s0  }
0x1c: {  	s17 =	sadd.s32 $0x180, s30;
	s6 =	simm.s32 $0xD00;
	s18 =	sadd.s32 s0, s9  }
0x1d: {  	v0 =	vimm.f32 $0.0e+00;
	s19 =	sadd.s32 s0, s7;
	s7 =	simm.s32 $0x600;
	s9 =	simm.s32 $0x680  }
.LBB2_6:
0x1e: {  	s0 =	stileid.u32;
	[bflag:$0x0] =	sbarrier.arrive $0xFFFF  }
0x1f: {  	s0 =	sshll.u32 s0, $0x6;
	s2 =	rddreg [dreg:$0x3]  }
0x20: {  	s22 =	rddreg [dreg:$0x9];
	s0 =	sor.u32 $0x1C05, s0;
	s2 =	sshrl.u32 s2, $0x3  }
0x21: {  	[hbm:s22], [sflag:s0] =	dma.local [spmem:s2], $0x2780  }
0x22: {  	_ =	swait.ge [sflag:s21], $0x2780  }
0x23: {  	s22 =	rddreg [dreg:$0xe]  }
0x24: {  	s30 =	rddreg [dreg:$0xa];
	s2 =	sadd.s32 $0x1, s22  }
0x25: {  	p0 =	sne.s32 s2, s30  }
.Ltmp1:
0x26: {  	_ = 	snop;
	(pc) =	sbr.rel @!p0 .LBB2_7-.Ltmp1, $3  }
0x27: {  	_ =	sdelay $0x1  }
0x28: {  	[sflag:s21] =	ssyncset.done $0x0  }
0x29: {  	[sflag:s21] =	ssyncadd.s32 $0xFFFFD880  }
.LBB2_1:
0x2a: {  	[dreg:$0xe] =	wrdreg s2;
	s30 =	simm.s32 $0x0;
	s22 =	simm.s32 $0x200  }
.LBB2_2:
0x2b: {  	p0 =	sne.s32 s22, $0xFE00;
	[tilespmem:s30+$0x1070] =	vst v0  }
0x2c: {  	[tilespmem:s30+$0x1000] =	vst v0  }
0x2d: {  	[tilespmem:s30+$0x1010] =	vst v0  }
.Ltmp2:
0x2e: {  	[tilespmem:s30+$0x1020] =	vst v0;
	(pc) =	sbr.rel @p0 .LBB2_2-.Ltmp2, $4  }
0x2f: {  	[tilespmem:s30+$0x1030] =	vst v0  }
0x30: {  	[tilespmem:s30+$0x1040] =	vst v0  }
0x31: {  	[tilespmem:s30+$0x1050] =	vst v0  }
0x32: {  	[tilespmem:s30+$0x1060] =	vst v0;
	s30 =	sshra.s32 s22, $0x2;
	s22 =	sadd.s32 $0x200, s22  }
0x33: {  	[tilespmem:s30+$0x1070] =	vst v0  }
0x34: {  	[tilespmem:s30+$0x1000] =	vst v0  }
0x35: {  	[tilespmem:s30+$0x1010] =	vst v0  }
0x36: {  	[tilespmem:s30+$0x1020] =	vst v0  }
0x37: {  	[tilespmem:s30+$0x1030] =	vst v0  }
0x38: {  	[tilespmem:s30+$0x1040] =	vst v0  }
0x39: {  	[tilespmem:s30+$0x1050] =	vst v0  }
0x3a: {  	[tilespmem:s30+$0x1060] =	vst v0;
	s0 =	rddreg [dreg:$0x3]  }
0x3b: {  	[spmem:s0] =	stream.linear.scatter [tilespmem:s20], [sflag:$0x5], $0x4000, $0x38;
	[tilespmem:$0x1CC00] =	vst v63  }
0x3c: {  	_ =	swait.ge [sflag:s21], $0x4000  }
0x3d: {  	[sflag:s21] =	ssyncset.done $0x0  }
0x3e: {  	s2 =	rddreg [dreg:$0xb];
	[sflag:s21] =	ssyncadd.s32 $0xFFFFC000  }
0x3f: {  	[spmem:s2] =	stream.linear.scatter [tilespmem:s20], [sflag:$0x5], $0x4000, $0x38;
	[tilespmem:$0x1CC00] =	vst v63  }
0x40: {  	_ =	swait.ge [sflag:s21], $0x4000  }
0x41: {  	[sflag:s21] =	ssyncset.done $0x0  }
0x42: {  	s22 =	rddreg [dreg:$0xc];
	[sflag:s21] =	ssyncadd.s32 $0xFFFFC000  }
0x43: {  	[spmem:s22] =	stream.linear.scatter [tilespmem:s20], [sflag:$0x5], $0x4000, $0x38;
	[tilespmem:$0x1CC00] =	vst v63  }
0x44: {  	_ =	swait.ge [sflag:s21], $0x4000  }
0x45: {  	[sflag:s21] =	ssyncset.done $0x0  }
0x46: {  	s2 =	rddreg [dreg:$0xd];
	[sflag:s21] =	ssyncadd.s32 $0xFFFFC000  }
0x47: {  	[spmem:s2] =	stream.linear.scatter [tilespmem:s20], [sflag:$0x5], $0x4000, $0x38;
	[tilespmem:$0x1CC00] =	vst v63  }
0x48: {  	_ =	swait.ge [sflag:s21], $0x4000  }
0x49: {  	[sflag:s21] =	ssyncset.done $0x0  }
0x4a: {  	s22 =	rddreg [dreg:$0x4];
	[sflag:s21] =	ssyncadd.s32 $0xFFFFC000  }
0x4b: {  	[spmem:s22] =	stream.linear.scatter [tilespmem:s20], [sflag:$0x5], $0x3C00, $0x38;
	[tilespmem:$0x1CC00] =	vst v63  }
0x4c: {  	_ =	swait.ge [sflag:s21], $0x3C00  }
0x4d: {  	[sflag:s21] =	ssyncset.done $0x0  }
0x4e: {  	[sflag:s21] =	ssyncadd.s32 $0xFFFFC400  }
0x4f: {  	[bflag:$0x0] =	sbarrier.arrive $0xFFFF  }
0x50: {  	s30 =	simm.s32 $0x0;
	s2 =	rddreg [dreg:$0x5]  }
0x51: {  	[tilespmem:s30], [sflag:$0x1] =	stream.linear.gather [hbm4b:s2+s30], $0x400, $0x38;
	[tilespmem:$0x1CC00] =	vst v63  }
0x52: {  	s22 =	rddreg [dreg:$0x6];
	s2 =	simm.s32 $0x800  }
0x53: {  	[tilespmem:s2], [sflag:$0x1] =	stream.linear.gather [hbm4b:s22+s30], $0x400, $0x38;
	[tilespmem:$0x1CC00] =	vst v63  }
0x54: {  	s2 =	rddreg [dreg:$0x7]  }
0x55: {  	[tilespmem:s23], [sflag:$0x2] =	stream.linear.gather [hbm4b:s2+s30], $0x400, $0x38;
	[tilespmem:$0x1CC00] =	vst v63  }
0x56: {  	s22 =	rddreg [dreg:$0x8]  }
0x57: {  	[tilespmem:s24], [sflag:$0x2] =	stream.linear.gather [hbm4b:s22+s30], $0x400, $0x38;
	[tilespmem:$0x1CC00] =	vst v63  }
.LBB2_4:
0x58: {  	_ =	swait.ge [sflag:s25], $0x400  }
0x59: {  	[sflag:s25] =	ssyncset.done $0x0  }
0x5a: {  	[sflag:s25] =	ssyncadd.s32 $0xFFFFFC00  }
0x5b: {  	_ =	swait.ge [sflag:s25], $0x400  }
0x5c: {  	[sflag:s25] =	ssyncset.done $0x0  }
0x5d: {  	[sflag:s25] =	ssyncadd.s32 $0xFFFFFC00  }
0x5e: {  	[tilespmem:s20], [sflag:$0x3] =	stream.indirect.gather [hbm4b:s4+s26], $0x80, s3, s26, $0xb8;
	[tilespmem:$0x1CC00] =	vst v63  }
0x5f: {  	_ = 	snop  }
0x60: {  	[tilespmem:s28], [sflag:$0x4] =	stream.indirect.gather [hbm4b:s4+s26], $0x80, s26, s26, $0xb8;
	[tilespmem:$0x1CC00] =	vst v63  }
0x61: {  	_ =	swait.ge [sflag:s29], $0x4000  }
0x62: {  	[sflag:s29] =	ssyncset.done $0x0  }
0x63: {  	s0 =	simm.s32 $0x800;
	[sflag:s29] =	ssyncadd.s32 $0xFFFFC000  }
0x64: {  	[spmem:s1] =	stream.indirect.scatter.add.f32 [tilespmem:s20], [sflag:$0x5], $0x80, s0, s26, $0xb8;
	[tilespmem:$0x1CC00] =	vst v63  }
0x65: {  	_ =	swait.ge [sflag:s21], $0x4000  }
0x66: {  	[sflag:s21] =	ssyncset.done $0x0  }
0x67: {  	s22 =	simm.s32 $0x100;
	[sflag:s21] =	ssyncadd.s32 $0xFFFFC000  }
0x68: {  	[tilespmem:s20], [sflag:$0x3] =	stream.indirect.gather [hbm4b:s4+s26], $0x80, s22, s26, $0xb8;
	[tilespmem:$0x1CC00] =	vst v63  }
0x69: {  	_ =	swait.ge [sflag:s31], $0x4000  }
0x6a: {  	[sflag:s31] =	ssyncset.done $0x0  }
0x6b: {  	s2 =	simm.s32 $0x880;
	[sflag:s31] =	ssyncadd.s32 $0xFFFFC000  }
0x6c: {  	[spmem:s1] =	stream.indirect.scatter.add.f32 [tilespmem:s28], [sflag:$0x5], $0x80, s2, s26, $0xb8;
	[tilespmem:$0x1CC00] =	vst v63  }
0x6d: {  	_ =	swait.ge [sflag:s21], $0x4000  }
0x6e: {  	[sflag:s21] =	ssyncset.done $0x0  }
0x6f: {  	s22 =	simm.s32 $0x180;
	[sflag:s21] =	ssyncadd.s32 $0xFFFFC000  }
0x70: {  	[tilespmem:s28], [sflag:$0x4] =	stream.indirect.gather [hbm4b:s4+s26], $0x80, s22, s26, $0xb8;
	[tilespmem:$0x1CC00] =	vst v63  }
0x71: {  	_ =	swait.ge [sflag:s29], $0x4000  }
0x72: {  	[sflag:s29] =	ssyncset.done $0x0  }
0x73: {  	s2 =	simm.s32 $0x900;
	[sflag:s29] =	ssyncadd.s32 $0xFFFFC000  }
0x74: {  	[spmem:s1] =	stream.indirect.scatter.add.f32 [tilespmem:s20], [sflag:$0x5], $0x80, s2, s26, $0xb8;
	[tilespmem:$0x1CC00] =	vst v63  }
0x75: {  	_ =	swait.ge [sflag:s21], $0x4000  }
0x76: {  	[sflag:s21] =	ssyncset.done $0x0  }
0x77: {  	s22 =	simm.s32 $0x200;
	[sflag:s21] =	ssyncadd.s32 $0xFFFFC000  }
0x78: {  	[tilespmem:s20], [sflag:$0x3] =	stream.indirect.gather [hbm4b:s4+s26], $0x80, s22, s26, $0xb8;
	[tilespmem:$0x1CC00] =	vst v63  }
0x79: {  	_ =	swait.ge [sflag:s31], $0x4000  }
0x7a: {  	[sflag:s31] =	ssyncset.done $0x0  }
0x7b: {  	s2 =	simm.s32 $0x980;
	[sflag:s31] =	ssyncadd.s32 $0xFFFFC000  }
0x7c: {  	[spmem:s1] =	stream.indirect.scatter.add.f32 [tilespmem:s28], [sflag:$0x5], $0x80, s2, s26, $0xb8;
	[tilespmem:$0x1CC00] =	vst v63  }
0x7d: {  	_ =	swait.ge [sflag:s21], $0x4000  }
0x7e: {  	[sflag:s21] =	ssyncset.done $0x0  }
0x7f: {  	s22 =	simm.s32 $0x280;
	[sflag:s21] =	ssyncadd.s32 $0xFFFFC000  }
0x80: {  	[tilespmem:s28], [sflag:$0x4] =	stream.indirect.gather [hbm4b:s4+s26], $0x80, s22, s26, $0xb8;
	[tilespmem:$0x1CC00] =	vst v63  }
0x81: {  	_ =	swait.ge [sflag:s29], $0x4000  }
0x82: {  	[sflag:s29] =	ssyncset.done $0x0  }
0x83: {  	s2 =	simm.s32 $0xA00;
	[sflag:s29] =	ssyncadd.s32 $0xFFFFC000  }
0x84: {  	[spmem:s1] =	stream.indirect.scatter.add.f32 [tilespmem:s20], [sflag:$0x5], $0x80, s2, s26, $0xb8;
	[tilespmem:$0x1CC00] =	vst v63  }
0x85: {  	_ =	swait.ge [sflag:s21], $0x4000  }
0x86: {  	[sflag:s21] =	ssyncset.done $0x0  }
0x87: {  	s22 =	simm.s32 $0x300;
	[sflag:s21] =	ssyncadd.s32 $0xFFFFC000  }
0x88: {  	[tilespmem:s20], [sflag:$0x3] =	stream.indirect.gather [hbm4b:s4+s26], $0x80, s22, s26, $0xb8;
	[tilespmem:$0x1CC00] =	vst v63  }
0x89: {  	_ =	swait.ge [sflag:s31], $0x4000  }
0x8a: {  	[sflag:s31] =	ssyncset.done $0x0  }
0x8b: {  	s2 =	simm.s32 $0xA80;
	[sflag:s31] =	ssyncadd.s32 $0xFFFFC000  }
0x8c: {  	[spmem:s1] =	stream.indirect.scatter.add.f32 [tilespmem:s28], [sflag:$0x5], $0x80, s2, s26, $0xb8;
	[tilespmem:$0x1CC00] =	vst v63  }
0x8d: {  	_ =	swait.ge [sflag:s21], $0x4000  }
0x8e: {  	[sflag:s21] =	ssyncset.done $0x0  }
0x8f: {  	s22 =	simm.s32 $0x380;
	[sflag:s21] =	ssyncadd.s32 $0xFFFFC000  }
0x90: {  	[tilespmem:s28], [sflag:$0x4] =	stream.indirect.gather [hbm4b:s4+s26], $0x80, s22, s26, $0xb8;
	[tilespmem:$0x1CC00] =	vst v63  }
0x91: {  	_ =	swait.ge [sflag:s29], $0x4000  }
0x92: {  	[sflag:s29] =	ssyncset.done $0x0  }
0x93: {  	s2 =	simm.s32 $0xB00;
	[sflag:s29] =	ssyncadd.s32 $0xFFFFC000  }
0x94: {  	[spmem:s1] =	stream.indirect.scatter.add.f32 [tilespmem:s20], [sflag:$0x5], $0x80, s2, s26, $0xb8;
	[tilespmem:$0x1CC00] =	vst v63  }
0x95: {  	_ =	swait.ge [sflag:s21], $0x4000  }
0x96: {  	[sflag:s21] =	ssyncset.done $0x0  }
0x97: {  	[sflag:s21] =	ssyncadd.s32 $0xFFFFC000  }
0x98: {  	_ =	swait.ge [sflag:s31], $0x4000  }
0x99: {  	[sflag:s31] =	ssyncset.done $0x0  }
0x9a: {  	s22 =	simm.s32 $0xB80;
	[sflag:s31] =	ssyncadd.s32 $0xFFFFC000  }
0x9b: {  	[spmem:s1] =	stream.indirect.scatter.add.f32 [tilespmem:s28], [sflag:$0x5], $0x80, s22, s26, $0xb8;
	[tilespmem:$0x1CC00] =	vst v63  }
0x9c: {  	_ =	swait.ge [sflag:s21], $0x4000  }
0x9d: {  	p0 =	seq.s32 s30, $0x400;
	[sflag:s21] =	ssyncset.done $0x0  }
0x9e: {  	s0 =	simm.s32 @!p0 $0x0;
	s22 =	sadd.s32 @!p0 s30, s18;
	[sflag:s21] =	ssyncadd.s32 $0xFFFFC000  }
0x9f: {  	[tilespmem:s0], [sflag:$0x1] =	stream.linear.gather @!p0 [hbm4b:s22+s0], $0x400, $0x38;
	[tilespmem:$0x1CC00] =	vst v63  }
0xa0: {  	s2 =	simm.s32 @!p0 $0x800;
	s22 =	sadd.s32 @!p0 s30, s19  }
0xa1: {  	[tilespmem:s2], [sflag:$0x1] =	stream.linear.gather @!p0 [hbm4b:s22+s0], $0x400, $0x38;
	[tilespmem:$0x1CC00] =	vst v63  }
0xa2: {  	_ =	swait.ge [sflag:s5], $0x400  }
0xa3: {  	[sflag:s5] =	ssyncset.done $0x0  }
0xa4: {  	[sflag:s5] =	ssyncadd.s32 $0xFFFFFC00  }
0xa5: {  	_ =	swait.ge [sflag:s5], $0x400  }
0xa6: {  	[sflag:s5] =	ssyncset.done $0x0  }
0xa7: {  	[sflag:s5] =	ssyncadd.s32 $0xFFFFFC00  }
0xa8: {  	[tilespmem:s20], [sflag:$0x3] =	stream.indirect.gather [hbm4b:s4+s26], $0x80, s23, s26, $0xb8;
	[tilespmem:$0x1CC00] =	vst v63  }
0xa9: {  	s2 =	simm.s32 $0x480  }
0xaa: {  	[tilespmem:s28], [sflag:$0x4] =	stream.indirect.gather [hbm4b:s4+s26], $0x80, s2, s26, $0xb8;
	[tilespmem:$0x1CC00] =	vst v63  }
0xab: {  	_ =	swait.ge [sflag:s29], $0x4000  }
0xac: {  	[sflag:s29] =	ssyncset.done $0x0  }
0xad: {  	[sflag:s29] =	ssyncadd.s32 $0xFFFFC000  }
0xae: {  	[spmem:s1] =	stream.indirect.scatter.add.f32 [tilespmem:s20], [sflag:$0x5], $0x80, s24, s26, $0xb8;
	[tilespmem:$0x1CC00] =	vst v63  }
0xaf: {  	_ =	swait.ge [sflag:s21], $0x4000  }
0xb0: {  	[sflag:s21] =	ssyncset.done $0x0  }
0xb1: {  	s22 =	simm.s32 $0x500;
	[sflag:s21] =	ssyncadd.s32 $0xFFFFC000  }
0xb2: {  	[tilespmem:s20], [sflag:$0x3] =	stream.indirect.gather [hbm4b:s4+s26], $0x80, s22, s26, $0xb8;
	[tilespmem:$0x1CC00] =	vst v63  }
0xb3: {  	_ =	swait.ge [sflag:s31], $0x4000  }
0xb4: {  	[sflag:s31] =	ssyncset.done $0x0  }
0xb5: {  	s2 =	simm.s32 $0xC80;
	[sflag:s31] =	ssyncadd.s32 $0xFFFFC000  }
0xb6: {  	[spmem:s1] =	stream.indirect.scatter.add.f32 [tilespmem:s28], [sflag:$0x5], $0x80, s2, s26, $0xb8;
	[tilespmem:$0x1CC00] =	vst v63  }
0xb7: {  	_ =	swait.ge [sflag:s21], $0x4000  }
0xb8: {  	[sflag:s21] =	ssyncset.done $0x0  }
0xb9: {  	s22 =	simm.s32 $0x580;
	[sflag:s21] =	ssyncadd.s32 $0xFFFFC000  }
0xba: {  	[tilespmem:s28], [sflag:$0x4] =	stream.indirect.gather [hbm4b:s4+s26], $0x80, s22, s26, $0xb8;
	[tilespmem:$0x1CC00] =	vst v63  }
0xbb: {  	_ =	swait.ge [sflag:s29], $0x4000  }
0xbc: {  	[sflag:s29] =	ssyncset.done $0x0  }
0xbd: {  	[sflag:s29] =	ssyncadd.s32 $0xFFFFC000  }
0xbe: {  	[spmem:s1] =	stream.indirect.scatter.add.f32 [tilespmem:s20], [sflag:$0x5], $0x80, s6, s26, $0xb8;
	[tilespmem:$0x1CC00] =	vst v63  }
0xbf: {  	_ =	swait.ge [sflag:s21], $0x4000  }
0xc0: {  	[sflag:s21] =	ssyncset.done $0x0  }
0xc1: {  	[sflag:s21] =	ssyncadd.s32 $0xFFFFC000  }
0xc2: {  	[tilespmem:s20], [sflag:$0x3] =	stream.indirect.gather [hbm4b:s4+s26], $0x80, s7, s26, $0xb8;
	[tilespmem:$0x1CC00] =	vst v63  }
0xc3: {  	_ =	swait.ge [sflag:s31], $0x4000  }
0xc4: {  	[sflag:s31] =	ssyncset.done $0x0  }
0xc5: {  	[sflag:s31] =	ssyncadd.s32 $0xFFFFC000  }
0xc6: {  	[spmem:s1] =	stream.indirect.scatter.add.f32 [tilespmem:s28], [sflag:$0x5], $0x80, s8, s26, $0xb8;
	[tilespmem:$0x1CC00] =	vst v63  }
0xc7: {  	_ =	swait.ge [sflag:s21], $0x4000  }
0xc8: {  	[sflag:s21] =	ssyncset.done $0x0  }
0xc9: {  	[sflag:s21] =	ssyncadd.s32 $0xFFFFC000  }
0xca: {  	[tilespmem:s28], [sflag:$0x4] =	stream.indirect.gather [hbm4b:s4+s26], $0x80, s9, s26, $0xb8;
	[tilespmem:$0x1CC00] =	vst v63  }
0xcb: {  	_ =	swait.ge [sflag:s29], $0x4000  }
0xcc: {  	[sflag:s29] =	ssyncset.done $0x0  }
0xcd: {  	[sflag:s29] =	ssyncadd.s32 $0xFFFFC000  }
0xce: {  	[spmem:s1] =	stream.indirect.scatter.add.f32 [tilespmem:s20], [sflag:$0x5], $0x80, s10, s26, $0xb8;
	[tilespmem:$0x1CC00] =	vst v63  }
0xcf: {  	_ =	swait.ge [sflag:s21], $0x4000  }
0xd0: {  	[sflag:s21] =	ssyncset.done $0x0  }
0xd1: {  	[sflag:s21] =	ssyncadd.s32 $0xFFFFC000  }
0xd2: {  	[tilespmem:s20], [sflag:$0x3] =	stream.indirect.gather [hbm4b:s4+s26], $0x80, s11, s26, $0xb8;
	[tilespmem:$0x1CC00] =	vst v63  }
0xd3: {  	_ =	swait.ge [sflag:s31], $0x4000  }
0xd4: {  	[sflag:s31] =	ssyncset.done $0x0  }
0xd5: {  	[sflag:s31] =	ssyncadd.s32 $0xFFFFC000  }
0xd6: {  	[spmem:s1] =	stream.indirect.scatter.add.f32 [tilespmem:s28], [sflag:$0x5], $0x80, s12, s26, $0xb8;
	[tilespmem:$0x1CC00] =	vst v63  }
0xd7: {  	_ =	swait.ge [sflag:s21], $0x4000  }
0xd8: {  	[sflag:s21] =	ssyncset.done $0x0  }
0xd9: {  	[sflag:s21] =	ssyncadd.s32 $0xFFFFC000  }
0xda: {  	[tilespmem:s28], [sflag:$0x4] =	stream.indirect.gather [hbm4b:s4+s26], $0x80, s13, s26, $0xb8;
	[tilespmem:$0x1CC00] =	vst v63  }
0xdb: {  	_ =	swait.ge [sflag:s29], $0x4000  }
0xdc: {  	[sflag:s29] =	ssyncset.done $0x0  }
0xdd: {  	[sflag:s29] =	ssyncadd.s32 $0xFFFFC000  }
0xde: {  	[spmem:s1] =	stream.indirect.scatter.add.f32 [tilespmem:s20], [sflag:$0x5], $0x80, s14, s26, $0xb8;
	[tilespmem:$0x1CC00] =	vst v63  }
0xdf: {  	_ =	swait.ge [sflag:s21], $0x4000  }
0xe0: {  	[sflag:s21] =	ssyncset.done $0x0  }
0xe1: {  	[sflag:s21] =	ssyncadd.s32 $0xFFFFC000  }
0xe2: {  	_ =	swait.ge [sflag:s31], $0x4000  }
0xe3: {  	[sflag:s31] =	ssyncset.done $0x0  }
.Ltmp3:
0xe4: {  	[sflag:s31] =	ssyncadd.s32 $0xFFFFC000;
	(pc) =	sbr.rel @p0 .LBB2_6-.Ltmp3, $4  }
0xe5: {  	[spmem:s1] =	stream.indirect.scatter.add.f32 [tilespmem:s28], [sflag:$0x5], $0x80, s15, s26, $0xb8;
	[tilespmem:$0x1CC00] =	vst v63  }
0xe6: {  	_ =	swait.ge [sflag:s21], $0x4000  }
0xe7: {  	[sflag:s21] =	ssyncset.done $0x0  }
0xe8: {  	[sflag:s21] =	ssyncadd.s32 $0xFFFFC000  }
.Ltmp4:
0xe9: {  	(pc) =	sbr.rel .LBB2_4-.Ltmp4, $4  }
0xea: {  	s0 =	sadd.s32 s30, s17  }
0xeb: {  	[tilespmem:s23], [sflag:$0x2] =	stream.linear.gather [hbm4b:s0+s3], $0x400, $0x38;
	[tilespmem:$0x1CC00] =	vst v63  }
0xec: {  	s22 =	sadd.s32 s30, s16;
	s30 =	sadd.s32 $0x100, s30  }
0xed: {  	[tilespmem:s24], [sflag:$0x2] =	stream.linear.gather [hbm4b:s22+s3], $0x400, $0x38;
	[tilespmem:$0x1CC00] =	vst v63  }
.LBB2_7:
0xee: {  	_ =	sfence.sel $0x180000  }
0xef: {  	[bflag:$0x0] =	sbarrier.arrive $0xFFFF  }
0xf0: {  	_ =	strace $0x90000050  }
0xf1: {  	s0 =	stileid.u32;
	[bflag:$0x2] =	sbarrier.arrive $0xFFFF  }
0xf2: {  	p0 =	sne.s32 s0, $0x0;
	s0 =	rddreg [dreg:$0x2]  }
0xf3: {  	s0 =	sadd.s32 @!p0 $0x100000, s0  }
0xf4: {  	[sflag:s0] =	ssyncadd.tile.s32 @!p0 $0x1;
	_ =	shalt  }
.Lfunc_end2:
_tile_overlayer_lowered:
.L_overlay_start_2:
0xf5: {  	(tag) =	ssettag $0x2  }
0xf6: {  	s0 =	rddreg [dreg:$0x0];
	s2 =	stileid.u32  }
0xf7: {  	s1 =	rddreg [dreg:$0x1];
	p0 =	sne.s32 s2, $0x0  }
0xf8: {  	s3 =	rddreg [dreg:$0x2];
	[bflag:$0x3] =	sbarrier.arrive $0xFFFF;
	s2 =	simm.s32 @!p0 $0x1C05  }
0xf9: {  	[timem:s3], [sflag:s2] =	dma.local @!p0 [hbm:s0], s1  }
0xfa: {  	s0 =	simm.s32 @!p0 $0x5  }
0xfb: {  	_ =	swait.ge @!p0 [sflag:s0], s1  }
0xfc: {  	s1 =	ssub.s32 @!p0 $0x0, s1;
	[sflag:s0] =	ssyncset.done @!p0 $0x0  }
0xfd: {  	[sflag:s0] =	ssyncadd.s32 @!p0 s1  }
0xfe: {  	[bflag:$0x3] =	sbarrier.arrive $0xFFFF  }
0xff: {  	_ =	shalt  }

</sc_bundles>
